<compile_context>
chip_gen: v7x
topology: tpu7x:2x2x1
jax: 0.10.2.dev20260603
libtpu: 0.0.44.dev20260713+nightly
codegen_flags: <defaults>
</compile_context>

<pallas_src>
import functools

import jax
import jax.numpy as jnp
from jax import lax
from jax.experimental import pallas as pl
from jax.experimental.pallas import tpu as pltpu
from jax.experimental.pallas import tpu_sc as plsc

N_EXPERTS = 64
D_MODEL = 4096
SEQ = 8192
BATCH = 4

S_SC = 512
S_TC = SEQ - S_SC

CHUNK = 512
N_CHUNKS = S_TC // CHUNK

SC_NC = 2
SC_NS = 16
SC_TILES = SC_NC * SC_NS
D_TILE = D_MODEL // SC_TILES
SC_TCHUNK = 256
SC_NCHUNKS = S_SC // SC_TCHUNK
LANES = 16
VECS = D_TILE // LANES


def _tc_reduce_body(x_ref, out_ref, acc_ref):
    c = pl.program_id(1)

    @pl.when(c == 0)
    def _init():
        acc_ref[...] = jnp.zeros_like(acc_ref)

    acc_ref[...] += jnp.sum(
        x_ref[0].reshape(CHUNK // 8, 8, D_MODEL), axis=0)

    @pl.when(c == N_CHUNKS - 1)
    def _store():
        out_ref[0] = acc_ref[...]


def _sc_reduce_kernel(x_hbm, out_hbm, buf0, buf1, accv, sem0, sem1):
    wid = lax.axis_index("s") * SC_NC + lax.axis_index("c")
    d0 = wid * D_TILE
    bufs = (buf0, buf1)
    sems = (sem0, sem1)
    for b in range(BATCH):
        copies = [None] * SC_NCHUNKS
        copies[0] = pltpu.async_copy(
            x_hbm.at[b, pl.ds(S_TC, SC_TCHUNK), pl.ds(d0, D_TILE)],
            bufs[0], sems[0])
        accs = tuple(jnp.zeros((LANES,), jnp.float32) for _ in range(VECS))
        for ci in range(SC_NCHUNKS):
            if ci + 1 < SC_NCHUNKS:
                copies[ci + 1] = pltpu.async_copy(
                    x_hbm.at[b,
                             pl.ds(S_TC + (ci + 1) * SC_TCHUNK, SC_TCHUNK),
                             pl.ds(d0, D_TILE)],
                    bufs[(ci + 1) % 2], sems[(ci + 1) % 2])
            copies[ci].wait()
            buf = bufs[ci % 2]

            def body(t, a, buf=buf):
                t0 = t * 8
                for dt in range(8):
                    a = tuple(
                        a[j] + buf[t0 + dt, pl.ds(j * LANES, LANES)]
                        for j in range(VECS))
                return a

            accs = lax.fori_loop(0, SC_TCHUNK // 8, body, accs)
        for j in range(VECS):
            accv[pl.ds(j * LANES, LANES)] = accs[j]
        pltpu.sync_copy(accv, out_hbm.at[b, pl.ds(d0, D_TILE)])


_sc_reduce = functools.partial(
    pl.kernel,
    mesh=plsc.VectorSubcoreMesh(core_axis_name="c", subcore_axis_name="s"),
    out_type=jax.ShapeDtypeStruct((BATCH, D_MODEL), jnp.float32),
    scratch_types=[
        pltpu.VMEM((SC_TCHUNK, D_TILE), jnp.float32),
        pltpu.VMEM((SC_TCHUNK, D_TILE), jnp.float32),
        pltpu.VMEM((D_TILE,), jnp.float32),
        pltpu.SemaphoreType.DMA,
        pltpu.SemaphoreType.DMA,
    ],
)(_sc_reduce_kernel)


def _finalize_body(tc_ref, sc_ref, w_ref, ph_ref, ts_ref, ti_ref, coh_ref):
    pooled = (jnp.sum(tc_ref[...], axis=1) + sc_ref[...]) * (1.0 / SEQ)
    amp = lax.dot_general(
        pooled, w_ref[...], (((1,), (1,)), ((), ())),
        preferred_element_type=jnp.float32,
    )
    ph = ph_ref[...]
    coh = jnp.abs(amp * (jnp.cos(ph) + jnp.sin(ph)))
    coh_ref[...] = coh

    iota = lax.broadcasted_iota(jnp.int32, (BATCH, N_EXPERTS), 1)
    m1 = jnp.max(coh, axis=1, keepdims=True)
    i1 = jnp.min(jnp.where(coh == m1, iota, N_EXPERTS), axis=1, keepdims=True)
    coh2 = jnp.where(iota == i1, -1.0, coh)
    m2 = jnp.max(coh2, axis=1, keepdims=True)
    i2 = jnp.min(jnp.where(coh2 == m2, iota, N_EXPERTS), axis=1, keepdims=True)
    ts_ref[...] = jnp.where(iota == 0, m1, jnp.where(iota == 1, m2, 0.0))
    ti_ref[...] = jnp.where(iota == 0, i1, jnp.where(iota == 1, i2, 0))


def kernel(x, W, phase_angles, top_k):
    sc_partial = _sc_reduce(x)
    tc_partial = pl.pallas_call(
        _tc_reduce_body,
        grid=(BATCH, N_CHUNKS),
        in_specs=[pl.BlockSpec((1, CHUNK, D_MODEL), lambda b, c: (b, c, 0))],
        out_specs=pl.BlockSpec((1, 8, D_MODEL), lambda b, c: (b, 0, 0)),
        out_shape=jax.ShapeDtypeStruct((BATCH, 8, D_MODEL), jnp.float32),
        scratch_shapes=[pltpu.VMEM((8, D_MODEL), jnp.float32)],
        compiler_params=pltpu.CompilerParams(
            dimension_semantics=("parallel", "arbitrary"),
        ),
    )(x)

    ph2 = phase_angles.reshape(1, N_EXPERTS)
    ts, ti, coherence = pl.pallas_call(
        _finalize_body,
        in_specs=[
            pl.BlockSpec(tc_partial.shape, lambda: (0, 0, 0)),
            pl.BlockSpec(sc_partial.shape, lambda: (0, 0)),
            pl.BlockSpec(W.shape, lambda: (0, 0)),
            pl.BlockSpec(ph2.shape, lambda: (0, 0)),
        ],
        out_specs=[
            pl.BlockSpec((BATCH, N_EXPERTS), lambda: (0, 0)),
            pl.BlockSpec((BATCH, N_EXPERTS), lambda: (0, 0)),
            pl.BlockSpec((BATCH, N_EXPERTS), lambda: (0, 0)),
        ],
        out_shape=[
            jax.ShapeDtypeStruct((BATCH, N_EXPERTS), jnp.float32),
            jax.ShapeDtypeStruct((BATCH, N_EXPERTS), jnp.int32),
            jax.ShapeDtypeStruct((BATCH, N_EXPERTS), jnp.float32),
        ],
    )(tc_partial, sc_partial, W, ph2)

    delta = (jnp.asarray(top_k, jnp.int32) - 2).astype(jnp.float32)
    return (ts[:, :2] + delta, ti[:, :2], coherence)

# --- scband reference (transcript-rebuilt; emitter-appended) ---
"""Pipeline reference for scband-wave-interference-router-57973468561849 (READ-ONLY COPY).

The authoritative reference and input builder live on the scoring server;
editing this copy changes nothing except your own understanding.
"""

import jax, jax.numpy as jnp
import numpy as np

N_EXPERTS = 64
D_MODEL = 4096

def setup_inputs(seed: int = 0) -> dict:
    key = jax.random.key(seed)
    k1, k2 = jax.random.split(key)
    x = jax.random.normal(k1, (4, 8192, D_MODEL), dtype=jnp.float32)
    # nn.Linear(d_model, n_experts, bias=False): weight shape [n_experts, d_model]
    W = jax.random.normal(k2, (N_EXPERTS, D_MODEL), dtype=jnp.float32) * (1.0 / np.sqrt(D_MODEL))
    phase_angles = jnp.linspace(0.0, 2.0 * 3.14159265, N_EXPERTS).astype(jnp.float32)
    return {"x": x, "W": W, "phase_angles": phase_angles, "top_k": 2}

def reference(x, W, phase_angles, top_k):
    # amplitudes = Linear(x.mean(dim=1)) -> [B, n_experts]
    pooled = x.mean(axis=1)
    amplitudes = pooled @ W.T
    cos_phase = jnp.cos(phase_angles)
    sin_phase = jnp.sin(phase_angles)
    real_scores = amplitudes * cos_phase
    imag_scores = amplitudes * sin_phase
    interference_scores = real_scores + imag_scores
    coherence = jnp.abs(real_scores + imag_scores)
    k = min(2, N_EXPERTS)
    top_scores, top_idx = jax.lax.top_k(coherence, k)
    top_scores = top_scores + (jnp.asarray(top_k, jnp.int32) - k).astype(top_scores.dtype)
    return (top_scores, top_idx, coherence)

if __name__ == "__main__":
    import jax
    _d = setup_inputs()
    print(jax.jit(kernel)(*tuple(_d.values())))

</pallas_src>

<mosaic_0001>
#map = affine_map<(d0, d1) -> (0, 0, 0)>
#map1 = affine_map<(d0, d1) -> (0, 0)>
module attributes {stable_mosaic.version = 14 : i64} {
  func.func @_sc_reduce_kernel(%arg0: i32, %arg1: i32, %arg2: memref<4x8192x4096xf32, #tpu.memory_space<hbm>>, %arg3: memref<4x4096xf32, #tpu.memory_space<hbm>>, %arg4: memref<256x128xf32, #tpu.memory_space<vmem>>, %arg5: memref<256x128xf32, #tpu.memory_space<vmem>>, %arg6: memref<128xf32, #tpu.memory_space<vmem>>, %arg7: memref<!tpu.dma_semaphore, #tpu.memory_space<semaphore_mem>>, %arg8: memref<!tpu.dma_semaphore, #tpu.memory_space<semaphore_mem>>) attributes {dimension_semantics = [#tpu.dimension_semantics<core_parallel>, #tpu.dimension_semantics<subcore_parallel>], iteration_bounds = array<i64: 2, 16>, scalar_prefetch = 0 : i64, scratch_operands = 5 : i64, tpu.core_type = #tpu.core_type<sc_vector_subcore>, window_params = [{transform_indices = #map}, {transform_indices = #map1}]} {
    %mul3A = arith.constant 2 : i32
    %mul3A_0 = arith.muli %arg1, %mul3A : i32
    %add3A = arith.addi %mul3A_0, %arg0 : i32
    %mul3A_1 = arith.constant 128 : i32
    %mul3A_2 = arith.muli %add3A, %mul3A_1 : i32
    %dma_start3A = arith.constant 0 : i32
    %dma_start3A_3 = arith.constant 7680 : i32
    %dma_start3A_4 = tpu.memref_slice %arg2[%dma_start3A, %dma_start3A_3, %mul3A_2] : memref<4x8192x4096xf32, #tpu.memory_space<hbm>> -> memref<1x256x128xf32, #tpu.memory_space<hbm>>
    %dma_start3A_5 = tpu.memref_squeeze %dma_start3A_4 : memref<1x256x128xf32, #tpu.memory_space<hbm>> -> memref<256x128xf32, #tpu.memory_space<hbm>>
    %dma_start3A_6 = arith.constant 7680 : i32
    %dma_start3A_7 = tpu.memref_slice %arg2[%dma_start3A, %dma_start3A_6, %mul3A_2] : memref<4x8192x4096xf32, #tpu.memory_space<hbm>> -> memref<1x256x128xf32, #tpu.memory_space<hbm>>
    %dma_start3A_8 = tpu.memref_squeeze %dma_start3A_7 : memref<1x256x128xf32, #tpu.memory_space<hbm>> -> memref<256x128xf32, #tpu.memory_space<hbm>>
    tpu.enqueue_dma source(%dma_start3A_8 : memref<256x128xf32, #tpu.memory_space<hbm>>) target(%arg4 : memref<256x128xf32, #tpu.memory_space<vmem>>) target_semaphore(%arg7 : memref<!tpu.dma_semaphore, #tpu.memory_space<semaphore_mem>>)
    %broadcast_in_dim3A = arith.constant 0.000000e+00 : f32
    %broadcast_in_dim3A_9 = vector.broadcast %broadcast_in_dim3A : f32 to vector<16xf32>
    %broadcast_in_dim3A_10 = arith.constant 0.000000e+00 : f32
    %broadcast_in_dim3A_11 = vector.broadcast %broadcast_in_dim3A_10 : f32 to vector<16xf32>
    %broadcast_in_dim3A_12 = arith.constant 0.000000e+00 : f32
    %broadcast_in_dim3A_13 = vector.broadcast %broadcast_in_dim3A_12 : f32 to vector<16xf32>
    %broadcast_in_dim3A_14 = arith.constant 0.000000e+00 : f32
    %broadcast_in_dim3A_15 = vector.broadcast %broadcast_in_dim3A_14 : f32 to vector<16xf32>
    %broadcast_in_dim3A_16 = arith.constant 0.000000e+00 : f32
    %broadcast_in_dim3A_17 = vector.broadcast %broadcast_in_dim3A_16 : f32 to vector<16xf32>
    %broadcast_in_dim3A_18 = arith.constant 0.000000e+00 : f32
    %broadcast_in_dim3A_19 = vector.broadcast %broadcast_in_dim3A_18 : f32 to vector<16xf32>
    %broadcast_in_dim3A_20 = arith.constant 0.000000e+00 : f32
    %broadcast_in_dim3A_21 = vector.broadcast %broadcast_in_dim3A_20 : f32 to vector<16xf32>
    %broadcast_in_dim3A_22 = arith.constant 0.000000e+00 : f32
    %broadcast_in_dim3A_23 = vector.broadcast %broadcast_in_dim3A_22 : f32 to vector<16xf32>
    %dma_start3A_24 = arith.constant 0 : i32
    %dma_start3A_25 = arith.constant 7936 : i32
    %dma_start3A_26 = tpu.memref_slice %arg2[%dma_start3A_24, %dma_start3A_25, %mul3A_2] : memref<4x8192x4096xf32, #tpu.memory_space<hbm>> -> memref<1x256x128xf32, #tpu.memory_space<hbm>>
    %dma_start3A_27 = tpu.memref_squeeze %dma_start3A_26 : memref<1x256x128xf32, #tpu.memory_space<hbm>> -> memref<256x128xf32, #tpu.memory_space<hbm>>
    %dma_start3A_28 = arith.constant 7936 : i32
    %dma_start3A_29 = tpu.memref_slice %arg2[%dma_start3A_24, %dma_start3A_28, %mul3A_2] : memref<4x8192x4096xf32, #tpu.memory_space<hbm>> -> memref<1x256x128xf32, #tpu.memory_space<hbm>>
    %dma_start3A_30 = tpu.memref_squeeze %dma_start3A_29 : memref<1x256x128xf32, #tpu.memory_space<hbm>> -> memref<256x128xf32, #tpu.memory_space<hbm>>
    tpu.enqueue_dma source(%dma_start3A_30 : memref<256x128xf32, #tpu.memory_space<hbm>>) target(%arg5 : memref<256x128xf32, #tpu.memory_space<vmem>>) target_semaphore(%arg8 : memref<!tpu.dma_semaphore, #tpu.memory_space<semaphore_mem>>)
    %dma_wait3A = arith.constant 0 : i32
    %dma_wait3A_31 = arith.constant 7680 : i32
    %dma_wait3A_32 = tpu.memref_slice %arg2[%dma_wait3A, %dma_wait3A_31, %mul3A_2] : memref<4x8192x4096xf32, #tpu.memory_space<hbm>> -> memref<1x256x128xf32, #tpu.memory_space<hbm>>
    %dma_wait3A_33 = tpu.memref_squeeze %dma_wait3A_32 : memref<1x256x128xf32, #tpu.memory_space<hbm>> -> memref<256x128xf32, #tpu.memory_space<hbm>>
    %dma_wait3A_34 = arith.constant 7680 : i32
    %dma_wait3A_35 = tpu.memref_slice %arg2[%dma_wait3A, %dma_wait3A_34, %mul3A_2] : memref<4x8192x4096xf32, #tpu.memory_space<hbm>> -> memref<1x256x128xf32, #tpu.memory_space<hbm>>
    %dma_wait3A_36 = tpu.memref_squeeze %dma_wait3A_35 : memref<1x256x128xf32, #tpu.memory_space<hbm>> -> memref<256x128xf32, #tpu.memory_space<hbm>>
    tpu.wait_dma2 semaphore(%arg7 : memref<!tpu.dma_semaphore, #tpu.memory_space<semaphore_mem>>) src(%dma_wait3A_36 : memref<256x128xf32, #tpu.memory_space<hbm>>) dst(%arg4 : memref<256x128xf32, #tpu.memory_space<vmem>>)
    %scan3A = arith.constant 0 : i32
    %scan3A_37 = arith.constant 32 : i32
    %scan3A_38 = arith.addi %scan3A, %scan3A_37 : i32
    %scan3A_39 = arith.constant 1 : i32
    %scan3A_40:8 = scf.for %scan3A_353 = %scan3A to %scan3A_38 step %scan3A_39 iter_args(%scan3A_354 = %broadcast_in_dim3A_9, %scan3A_355 = %broadcast_in_dim3A_11, %scan3A_356 = %broadcast_in_dim3A_13, %scan3A_357 = %broadcast_in_dim3A_15, %scan3A_358 = %broadcast_in_dim3A_17, %scan3A_359 = %broadcast_in_dim3A_19, %scan3A_360 = %broadcast_in_dim3A_21, %scan3A_361 = %broadcast_in_dim3A_23) -> (vector<16xf32>, vector<16xf32>, vector<16xf32>, vector<16xf32>, vector<16xf32>, vector<16xf32>, vector<16xf32>, vector<16xf32>)  : i32 {
      %mul3A_362 = arith.constant 8 : i32
      %mul3A_363 = arith.muli %scan3A_353, %mul3A_362 : i32
      %add3A_364 = arith.constant 0 : i32
      %add3A_365 = arith.addi %mul3A_363, %add3A_364 : i32
      %get3A = arith.index_cast %add3A_365 : i32 to index
      %get3A_366 = arith.constant 0 : index
      %get3A_367 = tpu.vector_load %arg4[%get3A, %get3A_366] {strides = array<i32>} : memref<256x128xf32, #tpu.memory_space<vmem>>, vector<1x16xf32>,
      %get3A_368 = vector.shape_cast %get3A_367 : vector<1x16xf32> to vector<16xf32>
      %add3A_369 = arith.addf %scan3A_354, %get3A_368 : vector<16xf32>
      %add3A_370 = arith.constant 0 : i32
      %add3A_371 = arith.addi %mul3A_363, %add3A_370 : i32
      %get3A_372 = arith.index_cast %add3A_371 : i32 to index
      %get3A_373 = arith.constant 16 : index
      %get3A_374 = tpu.vector_load %arg4[%get3A_372, %get3A_373] {strides = array<i32>} : memref<256x128xf32, #tpu.memory_space<vmem>>, vector<1x16xf32>,
      %get3A_375 = vector.shape_cast %get3A_374 : vector<1x16xf32> to vector<16xf32>
      %add3A_376 = arith.addf %scan3A_355, %get3A_375 : vector<16xf32>
      %add3A_377 = arith.constant 0 : i32
      %add3A_378 = arith.addi %mul3A_363, %add3A_377 : i32
      %get3A_379 = arith.index_cast %add3A_378 : i32 to index
      %get3A_380 = arith.constant 32 : index
      %get3A_381 = tpu.vector_load %arg4[%get3A_379, %get3A_380] {strides = array<i32>} : memref<256x128xf32, #tpu.memory_space<vmem>>, vector<1x16xf32>,
      %get3A_382 = vector.shape_cast %get3A_381 : vector<1x16xf32> to vector<16xf32>
      %add3A_383 = arith.addf %scan3A_356, %get3A_382 : vector<16xf32>
      %add3A_384 = arith.constant 0 : i32
      %add3A_385 = arith.addi %mul3A_363, %add3A_384 : i32
      %get3A_386 = arith.index_cast %add3A_385 : i32 to index
      %get3A_387 = arith.constant 48 : index
      %get3A_388 = tpu.vector_load %arg4[%get3A_386, %get3A_387] {strides = array<i32>} : memref<256x128xf32, #tpu.memory_space<vmem>>, vector<1x16xf32>,
      %get3A_389 = vector.shape_cast %get3A_388 : vector<1x16xf32> to vector<16xf32>
      %add3A_390 = arith.addf %scan3A_357, %get3A_389 : vector<16xf32>
      %add3A_391 = arith.constant 0 : i32
      %add3A_392 = arith.addi %mul3A_363, %add3A_391 : i32
      %get3A_393 = arith.index_cast %add3A_392 : i32 to index
      %get3A_394 = arith.constant 64 : index
      %get3A_395 = tpu.vector_load %arg4[%get3A_393, %get3A_394] {strides = array<i32>} : memref<256x128xf32, #tpu.memory_space<vmem>>, vector<1x16xf32>,
      %get3A_396 = vector.shape_cast %get3A_395 : vector<1x16xf32> to vector<16xf32>
      %add3A_397 = arith.addf %scan3A_358, %get3A_396 : vector<16xf32>
      %add3A_398 = arith.constant 0 : i32
      %add3A_399 = arith.addi %mul3A_363, %add3A_398 : i32
      %get3A_400 = arith.index_cast %add3A_399 : i32 to index
      %get3A_401 = arith.constant 80 : index
      %get3A_402 = tpu.vector_load %arg4[%get3A_400, %get3A_401] {strides = array<i32>} : memref<256x128xf32, #tpu.memory_space<vmem>>, vector<1x16xf32>,
      %get3A_403 = vector.shape_cast %get3A_402 : vector<1x16xf32> to vector<16xf32>
      %add3A_404 = arith.addf %scan3A_359, %get3A_403 : vector<16xf32>
      %add3A_405 = arith.constant 0 : i32
      %add3A_406 = arith.addi %mul3A_363, %add3A_405 : i32
      %get3A_407 = arith.index_cast %add3A_406 : i32 to index
      %get3A_408 = arith.constant 96 : index
      %get3A_409 = tpu.vector_load %arg4[%get3A_407, %get3A_408] {strides = array<i32>} : memref<256x128xf32, #tpu.memory_space<vmem>>, vector<1x16xf32>,
      %get3A_410 = vector.shape_cast %get3A_409 : vector<1x16xf32> to vector<16xf32>
      %add3A_411 = arith.addf %scan3A_360, %get3A_410 : vector<16xf32>
      %add3A_412 = arith.constant 0 : i32
      %add3A_413 = arith.addi %mul3A_363, %add3A_412 : i32
      %get3A_414 = arith.index_cast %add3A_413 : i32 to index
      %get3A_415 = arith.constant 112 : index
      %get3A_416 = tpu.vector_load %arg4[%get3A_414, %get3A_415] {strides = array<i32>} : memref<256x128xf32, #tpu.memory_space<vmem>>, vector<1x16xf32>,
      %get3A_417 = vector.shape_cast %get3A_416 : vector<1x16xf32> to vector<16xf32>
      %add3A_418 = arith.addf %scan3A_361, %get3A_417 : vector<16xf32>
      %add3A_419 = arith.constant 1 : i32
      %add3A_420 = arith.addi %mul3A_363, %add3A_419 : i32
      %get3A_421 = arith.index_cast %add3A_420 : i32 to index
      %get3A_422 = arith.constant 0 : index
      %get3A_423 = tpu.vector_load %arg4[%get3A_421, %get3A_422] {strides = array<i32>} : memref<256x128xf32, #tpu.memory_space<vmem>>, vector<1x16xf32>,
      %get3A_424 = vector.shape_cast %get3A_423 : vector<1x16xf32> to vector<16xf32>
      %add3A_425 = arith.addf %add3A_369, %get3A_424 : vector<16xf32>
      %add3A_426 = arith.constant 1 : i32
      %add3A_427 = arith.addi %mul3A_363, %add3A_426 : i32
      %get3A_428 = arith.index_cast %add3A_427 : i32 to index
      %get3A_429 = arith.constant 16 : index
      %get3A_430 = tpu.vector_load %arg4[%get3A_428, %get3A_429] {strides = array<i32>} : memref<256x128xf32, #tpu.memory_space<vmem>>, vector<1x16xf32>,
      %get3A_431 = vector.shape_cast %get3A_430 : vector<1x16xf32> to vector<16xf32>
      %add3A_432 = arith.addf %add3A_376, %get3A_431 : vector<16xf32>
      %add3A_433 = arith.constant 1 : i32
      %add3A_434 = arith.addi %mul3A_363, %add3A_433 : i32
      %get3A_435 = arith.index_cast %add3A_434 : i32 to index
      %get3A_436 = arith.constant 32 : index
      %get3A_437 = tpu.vector_load %arg4[%get3A_435, %get3A_436] {strides = array<i32>} : memref<256x128xf32, #tpu.memory_space<vmem>>, vector<1x16xf32>,
      %get3A_438 = vector.shape_cast %get3A_437 : vector<1x16xf32> to vector<16xf32>
      %add3A_439 = arith.addf %add3A_383, %get3A_438 : vector<16xf32>
      %add3A_440 = arith.constant 1 : i32
      %add3A_441 = arith.addi %mul3A_363, %add3A_440 : i32
      %get3A_442 = arith.index_cast %add3A_441 : i32 to index
      %get3A_443 = arith.constant 48 : index
      %get3A_444 = tpu.vector_load %arg4[%get3A_442, %get3A_443] {strides = array<i32>} : memref<256x128xf32, #tpu.memory_space<vmem>>, vector<1x16xf32>,
      %get3A_445 = vector.shape_cast %get3A_444 : vector<1x16xf32> to vector<16xf32>
      %add3A_446 = arith.addf %add3A_390, %get3A_445 : vector<16xf32>
      %add3A_447 = arith.constant 1 : i32
      %add3A_448 = arith.addi %mul3A_363, %add3A_447 : i32
      %get3A_449 = arith.index_cast %add3A_448 : i32 to index
      %get3A_450 = arith.constant 64 : index
      %get3A_451 = tpu.vector_load %arg4[%get3A_449, %get3A_450] {strides = array<i32>} : memref<256x128xf32, #tpu.memory_space<vmem>>, vector<1x16xf32>,
      %get3A_452 = vector.shape_cast %get3A_451 : vector<1x16xf32> to vector<16xf32>
      %add3A_453 = arith.addf %add3A_397, %get3A_452 : vector<16xf32>
      %add3A_454 = arith.constant 1 : i32
      %add3A_455 = arith.addi %mul3A_363, %add3A_454 : i32
      %get3A_456 = arith.index_cast %add3A_455 : i32 to index
      %get3A_457 = arith.constant 80 : index
      %get3A_458 = tpu.vector_load %arg4[%get3A_456, %get3A_457] {strides = array<i32>} : memref<256x128xf32, #tpu.memory_space<vmem>>, vector<1x16xf32>,
      %get3A_459 = vector.shape_cast %get3A_458 : vector<1x16xf32> to vector<16xf32>
      %add3A_460 = arith.addf %add3A_404, %get3A_459 : vector<16xf32>
      %add3A_461 = arith.constant 1 : i32
      %add3A_462 = arith.addi %mul3A_363, %add3A_461 : i32
      %get3A_463 = arith.index_cast %add3A_462 : i32 to index
      %get3A_464 = arith.constant 96 : index
      %get3A_465 = tpu.vector_load %arg4[%get3A_463, %get3A_464] {strides = array<i32>} : memref<256x128xf32, #tpu.memory_space<vmem>>, vector<1x16xf32>,
      %get3A_466 = vector.shape_cast %get3A_465 : vector<1x16xf32> to vector<16xf32>
      %add3A_467 = arith.addf %add3A_411, %get3A_466 : vector<16xf32>
      %add3A_468 = arith.constant 1 : i32
      %add3A_469 = arith.addi %mul3A_363, %add3A_468 : i32
      %get3A_470 = arith.index_cast %add3A_469 : i32 to index
      %get3A_471 = arith.constant 112 : index
      %get3A_472 = tpu.vector_load %arg4[%get3A_470, %get3A_471] {strides = array<i32>} : memref<256x128xf32, #tpu.memory_space<vmem>>, vector<1x16xf32>,
      %get3A_473 = vector.shape_cast %get3A_472 : vector<1x16xf32> to vector<16xf32>
      %add3A_474 = arith.addf %add3A_418, %get3A_473 : vector<16xf32>
      %add3A_475 = arith.constant 2 : i32
      %add3A_476 = arith.addi %mul3A_363, %add3A_475 : i32
      %get3A_477 = arith.index_cast %add3A_476 : i32 to index
      %get3A_478 = arith.constant 0 : index
      %get3A_479 = tpu.vector_load %arg4[%get3A_477, %get3A_478] {strides = array<i32>} : memref<256x128xf32, #tpu.memory_space<vmem>>, vector<1x16xf32>,
      %get3A_480 = vector.shape_cast %get3A_479 : vector<1x16xf32> to vector<16xf32>
      %add3A_481 = arith.addf %add3A_425, %get3A_480 : vector<16xf32>
      %add3A_482 = arith.constant 2 : i32
      %add3A_483 = arith.addi %mul3A_363, %add3A_482 : i32
      %get3A_484 = arith.index_cast %add3A_483 : i32 to index
      %get3A_485 = arith.constant 16 : index
      %get3A_486 = tpu.vector_load %arg4[%get3A_484, %get3A_485] {strides = array<i32>} : memref<256x128xf32, #tpu.memory_space<vmem>>, vector<1x16xf32>,
      %get3A_487 = vector.shape_cast %get3A_486 : vector<1x16xf32> to vector<16xf32>
      %add3A_488 = arith.addf %add3A_432, %get3A_487 : vector<16xf32>
      %add3A_489 = arith.constant 2 : i32
      %add3A_490 = arith.addi %mul3A_363, %add3A_489 : i32
      %get3A_491 = arith.index_cast %add3A_490 : i32 to index
      %get3A_492 = arith.constant 32 : index
      %get3A_493 = tpu.vector_load %arg4[%get3A_491, %get3A_492] {strides = array<i32>} : memref<256x128xf32, #tpu.memory_space<vmem>>, vector<1x16xf32>,
      %get3A_494 = vector.shape_cast %get3A_493 : vector<1x16xf32> to vector<16xf32>
      %add3A_495 = arith.addf %add3A_439, %get3A_494 : vector<16xf32>
      %add3A_496 = arith.constant 2 : i32
      %add3A_497 = arith.addi %mul3A_363, %add3A_496 : i32
      %get3A_498 = arith.index_cast %add3A_497 : i32 to index
      %get3A_499 = arith.constant 48 : index
      %get3A_500 = tpu.vector_load %arg4[%get3A_498, %get3A_499] {strides = array<i32>} : memref<256x128xf32, #tpu.memory_space<vmem>>, vector<1x16xf32>,
      %get3A_501 = vector.shape_cast %get3A_500 : vector<1x16xf32> to vector<16xf32>
      %add3A_502 = arith.addf %add3A_446, %get3A_501 : vector<16xf32>
      %add3A_503 = arith.constant 2 : i32
      %add3A_504 = arith.addi %mul3A_363, %add3A_503 : i32
      %get3A_505 = arith.index_cast %add3A_504 : i32 to index
      %get3A_506 = arith.constant 64 : index
      %get3A_507 = tpu.vector_load %arg4[%get3A_505, %get3A_506] {strides = array<i32>} : memref<256x128xf32, #tpu.memory_space<vmem>>, vector<1x16xf32>,
      %get3A_508 = vector.shape_cast %get3A_507 : vector<1x16xf32> to vector<16xf32>
      %add3A_509 = arith.addf %add3A_453, %get3A_508 : vector<16xf32>
      %add3A_510 = arith.constant 2 : i32
      %add3A_511 = arith.addi %mul3A_363, %add3A_510 : i32
      %get3A_512 = arith.index_cast %add3A_511 : i32 to index
      %get3A_513 = arith.constant 80 : index
      %get3A_514 = tpu.vector_load %arg4[%get3A_512, %get3A_513] {strides = array<i32>} : memref<256x128xf32, #tpu.memory_space<vmem>>, vector<1x16xf32>,
      %get3A_515 = vector.shape_cast %get3A_514 : vector<1x16xf32> to vector<16xf32>
      %add3A_516 = arith.addf %add3A_460, %get3A_515 : vector<16xf32>
      %add3A_517 = arith.constant 2 : i32
      %add3A_518 = arith.addi %mul3A_363, %add3A_517 : i32
      %get3A_519 = arith.index_cast %add3A_518 : i32 to index
      %get3A_520 = arith.constant 96 : index
      %get3A_521 = tpu.vector_load %arg4[%get3A_519, %get3A_520] {strides = array<i32>} : memref<256x128xf32, #tpu.memory_space<vmem>>, vector<1x16xf32>,
      %get3A_522 = vector.shape_cast %get3A_521 : vector<1x16xf32> to vector<16xf32>
      %add3A_523 = arith.addf %add3A_467, %get3A_522 : vector<16xf32>
      %add3A_524 = arith.constant 2 : i32
      %add3A_525 = arith.addi %mul3A_363, %add3A_524 : i32
      %get3A_526 = arith.index_cast %add3A_525 : i32 to index
      %get3A_527 = arith.constant 112 : index
      %get3A_528 = tpu.vector_load %arg4[%get3A_526, %get3A_527] {strides = array<i32>} : memref<256x128xf32, #tpu.memory_space<vmem>>, vector<1x16xf32>,
      %get3A_529 = vector.shape_cast %get3A_528 : vector<1x16xf32> to vector<16xf32>
      %add3A_530 = arith.addf %add3A_474, %get3A_529 : vector<16xf32>
      %add3A_531 = arith.constant 3 : i32
      %add3A_532 = arith.addi %mul3A_363, %add3A_531 : i32
      %get3A_533 = arith.index_cast %add3A_532 : i32 to index
      %get3A_534 = arith.constant 0 : index
      %get3A_535 = tpu.vector_load %arg4[%get3A_533, %get3A_534] {strides = array<i32>} : memref<256x128xf32, #tpu.memory_space<vmem>>, vector<1x16xf32>,
      %get3A_536 = vector.shape_cast %get3A_535 : vector<1x16xf32> to vector<16xf32>
      %add3A_537 = arith.addf %add3A_481, %get3A_536 : vector<16xf32>
      %add3A_538 = arith.constant 3 : i32
      %add3A_539 = arith.addi %mul3A_363, %add3A_538 : i32
      %get3A_540 = arith.index_cast %add3A_539 : i32 to index
      %get3A_541 = arith.constant 16 : index
      %get3A_542 = tpu.vector_load %arg4[%get3A_540, %get3A_541] {strides = array<i32>} : memref<256x128xf32, #tpu.memory_space<vmem>>, vector<1x16xf32>,
      %get3A_543 = vector.shape_cast %get3A_542 : vector<1x16xf32> to vector<16xf32>
      %add3A_544 = arith.addf %add3A_488, %get3A_543 : vector<16xf32>
      %add3A_545 = arith.constant 3 : i32
      %add3A_546 = arith.addi %mul3A_363, %add3A_545 : i32
      %get3A_547 = arith.index_cast %add3A_546 : i32 to index
      %get3A_548 = arith.constant 32 : index
      %get3A_549 = tpu.vector_load %arg4[%get3A_547, %get3A_548] {strides = array<i32>} : memref<256x128xf32, #tpu.memory_space<vmem>>, vector<1x16xf32>,
      %get3A_550 = vector.shape_cast %get3A_549 : vector<1x16xf32> to vector<16xf32>
      %add3A_551 = arith.addf %add3A_495, %get3A_550 : vector<16xf32>
      %add3A_552 = arith.constant 3 : i32
      %add3A_553 = arith.addi %mul3A_363, %add3A_552 : i32
      %get3A_554 = arith.index_cast %add3A_553 : i32 to index
      %get3A_555 = arith.constant 48 : index
      %get3A_556 = tpu.vector_load %arg4[%get3A_554, %get3A_555] {strides = array<i32>} : memref<256x128xf32, #tpu.memory_space<vmem>>, vector<1x16xf32>,
      %get3A_557 = vector.shape_cast %get3A_556 : vector<1x16xf32> to vector<16xf32>
      %add3A_558 = arith.addf %add3A_502, %get3A_557 : vector<16xf32>
      %add3A_559 = arith.constant 3 : i32
      %add3A_560 = arith.addi %mul3A_363, %add3A_559 : i32
      %get3A_561 = arith.index_cast %add3A_560 : i32 to index
      %get3A_562 = arith.constant 64 : index
      %get3A_563 = tpu.vector_load %arg4[%get3A_561, %get3A_562] {strides = array<i32>} : memref<256x128xf32, #tpu.memory_space<vmem>>, vector<1x16xf32>,
      %get3A_564 = vector.shape_cast %get3A_563 : vector<1x16xf32> to vector<16xf32>
      %add3A_565 = arith.addf %add3A_509, %get3A_564 : vector<16xf32>
      %add3A_566 = arith.constant 3 : i32
      %add3A_567 = arith.addi %mul3A_363, %add3A_566 : i32
      %get3A_568 = arith.index_cast %add3A_567 : i32 to index
      %get3A_569 = arith.constant 80 : index
      %get3A_570 = tpu.vector_load %arg4[%get3A_568, %get3A_569] {strides = array<i32>} : memref<256x128xf32, #tpu.memory_space<vmem>>, vector<1x16xf32>,
      %get3A_571 = vector.shape_cast %get3A_570 : vector<1x16xf32> to vector<16xf32>
      %add3A_572 = arith.addf %add3A_516, %get3A_571 : vector<16xf32>
      %add3A_573 = arith.constant 3 : i32
      %add3A_574 = arith.addi %mul3A_363, %add3A_573 : i32
      %get3A_575 = arith.index_cast %add3A_574 : i32 to index
      %get3A_576 = arith.constant 96 : index
      %get3A_577 = tpu.vector_load %arg4[%get3A_575, %get3A_576] {strides = array<i32>} : memref<256x128xf32, #tpu.memory_space<vmem>>, vector<1x16xf32>,
      %get3A_578 = vector.shape_cast %get3A_577 : vector<1x16xf32> to vector<16xf32>
      %add3A_579 = arith.addf %add3A_523, %get3A_578 : vector<16xf32>
      %add3A_580 = arith.constant 3 : i32
      %add3A_581 = arith.addi %mul3A_363, %add3A_580 : i32
      %get3A_582 = arith.index_cast %add3A_581 : i32 to index
      %get3A_583 = arith.constant 112 : index
      %get3A_584 = tpu.vector_load %arg4[%get3A_582, %get3A_583] {strides = array<i32>} : memref<256x128xf32, #tpu.memory_space<vmem>>, vector<1x16xf32>,
      %get3A_585 = vector.shape_cast %get3A_584 : vector<1x16xf32> to vector<16xf32>
      %add3A_586 = arith.addf %add3A_530, %get3A_585 : vector<16xf32>
      %add3A_587 = arith.constant 4 : i32
      %add3A_588 = arith.addi %mul3A_363, %add3A_587 : i32
      %get3A_589 = arith.index_cast %add3A_588 : i32 to index
      %get3A_590 = arith.constant 0 : index
      %get3A_591 = tpu.vector_load %arg4[%get3A_589, %get3A_590] {strides = array<i32>} : memref<256x128xf32, #tpu.memory_space<vmem>>, vector<1x16xf32>,
      %get3A_592 = vector.shape_cast %get3A_591 : vector<1x16xf32> to vector<16xf32>
      %add3A_593 = arith.addf %add3A_537, %get3A_592 : vector<16xf32>
      %add3A_594 = arith.constant 4 : i32
      %add3A_595 = arith.addi %mul3A_363, %add3A_594 : i32
      %get3A_596 = arith.index_cast %add3A_595 : i32 to index
      %get3A_597 = arith.constant 16 : index
      %get3A_598 = tpu.vector_load %arg4[%get3A_596, %get3A_597] {strides = array<i32>} : memref<256x128xf32, #tpu.memory_space<vmem>>, vector<1x16xf32>,
      %get3A_599 = vector.shape_cast %get3A_598 : vector<1x16xf32> to vector<16xf32>
      %add3A_600 = arith.addf %add3A_544, %get3A_599 : vector<16xf32>
      %add3A_601 = arith.constant 4 : i32
      %add3A_602 = arith.addi %mul3A_363, %add3A_601 : i32
      %get3A_603 = arith.index_cast %add3A_602 : i32 to index
      %get3A_604 = arith.constant 32 : index
      %get3A_605 = tpu.vector_load %arg4[%get3A_603, %get3A_604] {strides = array<i32>} : memref<256x128xf32, #tpu.memory_space<vmem>>, vector<1x16xf32>,
      %get3A_606 = vector.shape_cast %get3A_605 : vector<1x16xf32> to vector<16xf32>
      %add3A_607 = arith.addf %add3A_551, %get3A_606 : vector<16xf32>
      %add3A_608 = arith.constant 4 : i32
      %add3A_609 = arith.addi %mul3A_363, %add3A_608 : i32
      %get3A_610 = arith.index_cast %add3A_609 : i32 to index
      %get3A_611 = arith.constant 48 : index
      %get3A_612 = tpu.vector_load %arg4[%get3A_610, %get3A_611] {strides = array<i32>} : memref<256x128xf32, #tpu.memory_space<vmem>>, vector<1x16xf32>,
      %get3A_613 = vector.shape_cast %get3A_612 : vector<1x16xf32> to vector<16xf32>
      %add3A_614 = arith.addf %add3A_558, %get3A_613 : vector<16xf32>
      %add3A_615 = arith.constant 4 : i32
      %add3A_616 = arith.addi %mul3A_363, %add3A_615 : i32
      %get3A_617 = arith.index_cast %add3A_616 : i32 to index
      %get3A_618 = arith.constant 64 : index
      %get3A_619 = tpu.vector_load %arg4[%get3A_617, %get3A_618] {strides = array<i32>} : memref<256x128xf32, #tpu.memory_space<vmem>>, vector<1x16xf32>,
      %get3A_620 = vector.shape_cast %get3A_619 : vector<1x16xf32> to vector<16xf32>
      %add3A_621 = arith.addf %add3A_565, %get3A_620 : vector<16xf32>
      %add3A_622 = arith.constant 4 : i32
      %add3A_623 = arith.addi %mul3A_363, %add3A_622 : i32
      %get3A_624 = arith.index_cast %add3A_623 : i32 to index
      %get3A_625 = arith.constant 80 : index
      %get3A_626 = tpu.vector_load %arg4[%get3A_624, %get3A_625] {strides = array<i32>} : memref<256x128xf32, #tpu.memory_space<vmem>>, vector<1x16xf32>,
      %get3A_627 = vector.shape_cast %get3A_626 : vector<1x16xf32> to vector<16xf32>
      %add3A_628 = arith.addf %add3A_572, %get3A_627 : vector<16xf32>
      %add3A_629 = arith.constant 4 : i32
      %add3A_630 = arith.addi %mul3A_363, %add3A_629 : i32
      %get3A_631 = arith.index_cast %add3A_630 : i32 to index
      %get3A_632 = arith.constant 96 : index
      %get3A_633 = tpu.vector_load %arg4[%get3A_631, %get3A_632] {strides = array<i32>} : memref<256x128xf32, #tpu.memory_space<vmem>>, vector<1x16xf32>,
      %get3A_634 = vector.shape_cast %get3A_633 : vector<1x16xf32> to vector<16xf32>
      %add3A_635 = arith.addf %add3A_579, %get3A_634 : vector<16xf32>
      %add3A_636 = arith.constant 4 : i32
      %add3A_637 = arith.addi %mul3A_363, %add3A_636 : i32
      %get3A_638 = arith.index_cast %add3A_637 : i32 to index
      %get3A_639 = arith.constant 112 : index
      %get3A_640 = tpu.vector_load %arg4[%get3A_638, %get3A_639] {strides = array<i32>} : memref<256x128xf32, #tpu.memory_space<vmem>>, vector<1x16xf32>,
      %get3A_641 = vector.shape_cast %get3A_640 : vector<1x16xf32> to vector<16xf32>
      %add3A_642 = arith.addf %add3A_586, %get3A_641 : vector<16xf32>
      %add3A_643 = arith.constant 5 : i32
      %add3A_644 = arith.addi %mul3A_363, %add3A_643 : i32
      %get3A_645 = arith.index_cast %add3A_644 : i32 to index
      %get3A_646 = arith.constant 0 : index
      %get3A_647 = tpu.vector_load %arg4[%get3A_645, %get3A_646] {strides = array<i32>} : memref<256x128xf32, #tpu.memory_space<vmem>>, vector<1x16xf32>,
      %get3A_648 = vector.shape_cast %get3A_647 : vector<1x16xf32> to vector<16xf32>
      %add3A_649 = arith.addf %add3A_593, %get3A_648 : vector<16xf32>
      %add3A_650 = arith.constant 5 : i32
      %add3A_651 = arith.addi %mul3A_363, %add3A_650 : i32
      %get3A_652 = arith.index_cast %add3A_651 : i32 to index
      %get3A_653 = arith.constant 16 : index
      %get3A_654 = tpu.vector_load %arg4[%get3A_652, %get3A_653] {strides = array<i32>} : memref<256x128xf32, #tpu.memory_space<vmem>>, vector<1x16xf32>,
      %get3A_655 = vector.shape_cast %get3A_654 : vector<1x16xf32> to vector<16xf32>
      %add3A_656 = arith.addf %add3A_600, %get3A_655 : vector<16xf32>
      %add3A_657 = arith.constant 5 : i32
      %add3A_658 = arith.addi %mul3A_363, %add3A_657 : i32
      %get3A_659 = arith.index_cast %add3A_658 : i32 to index
      %get3A_660 = arith.constant 32 : index
      %get3A_661 = tpu.vector_load %arg4[%get3A_659, %get3A_660] {strides = array<i32>} : memref<256x128xf32, #tpu.memory_space<vmem>>, vector<1x16xf32>,
      %get3A_662 = vector.shape_cast %get3A_661 : vector<1x16xf32> to vector<16xf32>
      %add3A_663 = arith.addf %add3A_607, %get3A_662 : vector<16xf32>
      %add3A_664 = arith.constant 5 : i32
      %add3A_665 = arith.addi %mul3A_363, %add3A_664 : i32
      %get3A_666 = arith.index_cast %add3A_665 : i32 to index
      %get3A_667 = arith.constant 48 : index
      %get3A_668 = tpu.vector_load %arg4[%get3A_666, %get3A_667] {strides = array<i32>} : memref<256x128xf32, #tpu.memory_space<vmem>>, vector<1x16xf32>,
      %get3A_669 = vector.shape_cast %get3A_668 : vector<1x16xf32> to vector<16xf32>
      %add3A_670 = arith.addf %add3A_614, %get3A_669 : vector<16xf32>
      %add3A_671 = arith.constant 5 : i32
      %add3A_672 = arith.addi %mul3A_363, %add3A_671 : i32
      %get3A_673 = arith.index_cast %add3A_672 : i32 to index
      %get3A_674 = arith.constant 64 : index
      %get3A_675 = tpu.vector_load %arg4[%get3A_673, %get3A_674] {strides = array<i32>} : memref<256x128xf32, #tpu.memory_space<vmem>>, vector<1x16xf32>,
      %get3A_676 = vector.shape_cast %get3A_675 : vector<1x16xf32> to vector<16xf32>
      %add3A_677 = arith.addf %add3A_621, %get3A_676 : vector<16xf32>
      %add3A_678 = arith.constant 5 : i32
      %add3A_679 = arith.addi %mul3A_363, %add3A_678 : i32
      %get3A_680 = arith.index_cast %add3A_679 : i32 to index
      %get3A_681 = arith.constant 80 : index
      %get3A_682 = tpu.vector_load %arg4[%get3A_680, %get3A_681] {strides = array<i32>} : memref<256x128xf32, #tpu.memory_space<vmem>>, vector<1x16xf32>,
      %get3A_683 = vector.shape_cast %get3A_682 : vector<1x16xf32> to vector<16xf32>
      %add3A_684 = arith.addf %add3A_628, %get3A_683 : vector<16xf32>
      %add3A_685 = arith.constant 5 : i32
      %add3A_686 = arith.addi %mul3A_363, %add3A_685 : i32
      %get3A_687 = arith.index_cast %add3A_686 : i32 to index
      %get3A_688 = arith.constant 96 : index
      %get3A_689 = tpu.vector_load %arg4[%get3A_687, %get3A_688] {strides = array<i32>} : memref<256x128xf32, #tpu.memory_space<vmem>>, vector<1x16xf32>,
      %get3A_690 = vector.shape_cast %get3A_689 : vector<1x16xf32> to vector<16xf32>
      %add3A_691 = arith.addf %add3A_635, %get3A_690 : vector<16xf32>
      %add3A_692 = arith.constant 5 : i32
      %add3A_693 = arith.addi %mul3A_363, %add3A_692 : i32
      %get3A_694 = arith.index_cast %add3A_693 : i32 to index
      %get3A_695 = arith.constant 112 : index
      %get3A_696 = tpu.vector_load %arg4[%get3A_694, %get3A_695] {strides = array<i32>} : memref<256x128xf32, #tpu.memory_space<vmem>>, vector<1x16xf32>,
      %get3A_697 = vector.shape_cast %get3A_696 : vector<1x16xf32> to vector<16xf32>
      %add3A_698 = arith.addf %add3A_642, %get3A_697 : vector<16xf32>
      %add3A_699 = arith.constant 6 : i32
      %add3A_700 = arith.addi %mul3A_363, %add3A_699 : i32
      %get3A_701 = arith.index_cast %add3A_700 : i32 to index
      %get3A_702 = arith.constant 0 : index
      %get3A_703 = tpu.vector_load %arg4[%get3A_701, %get3A_702] {strides = array<i32>} : memref<256x128xf32, #tpu.memory_space<vmem>>, vector<1x16xf32>,
      %get3A_704 = vector.shape_cast %get3A_703 : vector<1x16xf32> to vector<16xf32>
      %add3A_705 = arith.addf %add3A_649, %get3A_704 : vector<16xf32>
      %add3A_706 = arith.constant 6 : i32
      %add3A_707 = arith.addi %mul3A_363, %add3A_706 : i32
      %get3A_708 = arith.index_cast %add3A_707 : i32 to index
      %get3A_709 = arith.constant 16 : index
      %get3A_710 = tpu.vector_load %arg4[%get3A_708, %get3A_709] {strides = array<i32>} : memref<256x128xf32, #tpu.memory_space<vmem>>, vector<1x16xf32>,
      %get3A_711 = vector.shape_cast %get3A_710 : vector<1x16xf32> to vector<16xf32>
      %add3A_712 = arith.addf %add3A_656, %get3A_711 : vector<16xf32>
      %add3A_713 = arith.constant 6 : i32
      %add3A_714 = arith.addi %mul3A_363, %add3A_713 : i32
      %get3A_715 = arith.index_cast %add3A_714 : i32 to index
      %get3A_716 = arith.constant 32 : index
      %get3A_717 = tpu.vector_load %arg4[%get3A_715, %get3A_716] {strides = array<i32>} : memref<256x128xf32, #tpu.memory_space<vmem>>, vector<1x16xf32>,
      %get3A_718 = vector.shape_cast %get3A_717 : vector<1x16xf32> to vector<16xf32>
      %add3A_719 = arith.addf %add3A_663, %get3A_718 : vector<16xf32>
      %add3A_720 = arith.constant 6 : i32
      %add3A_721 = arith.addi %mul3A_363, %add3A_720 : i32
      %get3A_722 = arith.index_cast %add3A_721 : i32 to index
      %get3A_723 = arith.constant 48 : index
      %get3A_724 = tpu.vector_load %arg4[%get3A_722, %get3A_723] {strides = array<i32>} : memref<256x128xf32, #tpu.memory_space<vmem>>, vector<1x16xf32>,
      %get3A_725 = vector.shape_cast %get3A_724 : vector<1x16xf32> to vector<16xf32>
      %add3A_726 = arith.addf %add3A_670, %get3A_725 : vector<16xf32>
      %add3A_727 = arith.constant 6 : i32
      %add3A_728 = arith.addi %mul3A_363, %add3A_727 : i32
      %get3A_729 = arith.index_cast %add3A_728 : i32 to index
      %get3A_730 = arith.constant 64 : index
      %get3A_731 = tpu.vector_load %arg4[%get3A_729, %get3A_730] {strides = array<i32>} : memref<256x128xf32, #tpu.memory_space<vmem>>, vector<1x16xf32>,
      %get3A_732 = vector.shape_cast %get3A_731 : vector<1x16xf32> to vector<16xf32>
      %add3A_733 = arith.addf %add3A_677, %get3A_732 : vector<16xf32>
      %add3A_734 = arith.constant 6 : i32
      %add3A_735 = arith.addi %mul3A_363, %add3A_734 : i32
      %get3A_736 = arith.index_cast %add3A_735 : i32 to index
      %get3A_737 = arith.constant 80 : index
      %get3A_738 = tpu.vector_load %arg4[%get3A_736, %get3A_737] {strides = array<i32>} : memref<256x128xf32, #tpu.memory_space<vmem>>, vector<1x16xf32>,
      %get3A_739 = vector.shape_cast %get3A_738 : vector<1x16xf32> to vector<16xf32>
      %add3A_740 = arith.addf %add3A_684, %get3A_739 : vector<16xf32>
      %add3A_741 = arith.constant 6 : i32
      %add3A_742 = arith.addi %mul3A_363, %add3A_741 : i32
      %get3A_743 = arith.index_cast %add3A_742 : i32 to index
      %get3A_744 = arith.constant 96 : index
      %get3A_745 = tpu.vector_load %arg4[%get3A_743, %get3A_744] {strides = array<i32>} : memref<256x128xf32, #tpu.memory_space<vmem>>, vector<1x16xf32>,
      %get3A_746 = vector.shape_cast %get3A_745 : vector<1x16xf32> to vector<16xf32>
      %add3A_747 = arith.addf %add3A_691, %get3A_746 : vector<16xf32>
      %add3A_748 = arith.constant 6 : i32
      %add3A_749 = arith.addi %mul3A_363, %add3A_748 : i32
      %get3A_750 = arith.index_cast %add3A_749 : i32 to index
      %get3A_751 = arith.constant 112 : index
      %get3A_752 = tpu.vector_load %arg4[%get3A_750, %get3A_751] {strides = array<i32>} : memref<256x128xf32, #tpu.memory_space<vmem>>, vector<1x16xf32>,
      %get3A_753 = vector.shape_cast %get3A_752 : vector<1x16xf32> to vector<16xf32>
      %add3A_754 = arith.addf %add3A_698, %get3A_753 : vector<16xf32>
      %add3A_755 = arith.constant 7 : i32
      %add3A_756 = arith.addi %mul3A_363, %add3A_755 : i32
      %get3A_757 = arith.index_cast %add3A_756 : i32 to index
      %get3A_758 = arith.constant 0 : index
      %get3A_759 = tpu.vector_load %arg4[%get3A_757, %get3A_758] {strides = array<i32>} : memref<256x128xf32, #tpu.memory_space<vmem>>, vector<1x16xf32>,
      %get3A_760 = vector.shape_cast %get3A_759 : vector<1x16xf32> to vector<16xf32>
      %add3A_761 = arith.addf %add3A_705, %get3A_760 : vector<16xf32>
      %add3A_762 = arith.constant 7 : i32
      %add3A_763 = arith.addi %mul3A_363, %add3A_762 : i32
      %get3A_764 = arith.index_cast %add3A_763 : i32 to index
      %get3A_765 = arith.constant 16 : index
      %get3A_766 = tpu.vector_load %arg4[%get3A_764, %get3A_765] {strides = array<i32>} : memref<256x128xf32, #tpu.memory_space<vmem>>, vector<1x16xf32>,
      %get3A_767 = vector.shape_cast %get3A_766 : vector<1x16xf32> to vector<16xf32>
      %add3A_768 = arith.addf %add3A_712, %get3A_767 : vector<16xf32>
      %add3A_769 = arith.constant 7 : i32
      %add3A_770 = arith.addi %mul3A_363, %add3A_769 : i32
      %get3A_771 = arith.index_cast %add3A_770 : i32 to index
      %get3A_772 = arith.constant 32 : index
      %get3A_773 = tpu.vector_load %arg4[%get3A_771, %get3A_772] {strides = array<i32>} : memref<256x128xf32, #tpu.memory_space<vmem>>, vector<1x16xf32>,
      %get3A_774 = vector.shape_cast %get3A_773 : vector<1x16xf32> to vector<16xf32>
      %add3A_775 = arith.addf %add3A_719, %get3A_774 : vector<16xf32>
      %add3A_776 = arith.constant 7 : i32
      %add3A_777 = arith.addi %mul3A_363, %add3A_776 : i32
      %get3A_778 = arith.index_cast %add3A_777 : i32 to index
      %get3A_779 = arith.constant 48 : index
      %get3A_780 = tpu.vector_load %arg4[%get3A_778, %get3A_779] {strides = array<i32>} : memref<256x128xf32, #tpu.memory_space<vmem>>, vector<1x16xf32>,
      %get3A_781 = vector.shape_cast %get3A_780 : vector<1x16xf32> to vector<16xf32>
      %add3A_782 = arith.addf %add3A_726, %get3A_781 : vector<16xf32>
      %add3A_783 = arith.constant 7 : i32
      %add3A_784 = arith.addi %mul3A_363, %add3A_783 : i32
      %get3A_785 = arith.index_cast %add3A_784 : i32 to index
      %get3A_786 = arith.constant 64 : index
      %get3A_787 = tpu.vector_load %arg4[%get3A_785, %get3A_786] {strides = array<i32>} : memref<256x128xf32, #tpu.memory_space<vmem>>, vector<1x16xf32>,
      %get3A_788 = vector.shape_cast %get3A_787 : vector<1x16xf32> to vector<16xf32>
      %add3A_789 = arith.addf %add3A_733, %get3A_788 : vector<16xf32>
      %add3A_790 = arith.constant 7 : i32
      %add3A_791 = arith.addi %mul3A_363, %add3A_790 : i32
      %get3A_792 = arith.index_cast %add3A_791 : i32 to index
      %get3A_793 = arith.constant 80 : index
      %get3A_794 = tpu.vector_load %arg4[%get3A_792, %get3A_793] {strides = array<i32>} : memref<256x128xf32, #tpu.memory_space<vmem>>, vector<1x16xf32>,
      %get3A_795 = vector.shape_cast %get3A_794 : vector<1x16xf32> to vector<16xf32>
      %add3A_796 = arith.addf %add3A_740, %get3A_795 : vector<16xf32>
      %add3A_797 = arith.constant 7 : i32
      %add3A_798 = arith.addi %mul3A_363, %add3A_797 : i32
      %get3A_799 = arith.index_cast %add3A_798 : i32 to index
      %get3A_800 = arith.constant 96 : index
      %get3A_801 = tpu.vector_load %arg4[%get3A_799, %get3A_800] {strides = array<i32>} : memref<256x128xf32, #tpu.memory_space<vmem>>, vector<1x16xf32>,
      %get3A_802 = vector.shape_cast %get3A_801 : vector<1x16xf32> to vector<16xf32>
      %add3A_803 = arith.addf %add3A_747, %get3A_802 : vector<16xf32>
      %add3A_804 = arith.constant 7 : i32
      %add3A_805 = arith.addi %mul3A_363, %add3A_804 : i32
      %get3A_806 = arith.index_cast %add3A_805 : i32 to index
      %get3A_807 = arith.constant 112 : index
      %get3A_808 = tpu.vector_load %arg4[%get3A_806, %get3A_807] {strides = array<i32>} : memref<256x128xf32, #tpu.memory_space<vmem>>, vector<1x16xf32>,
      %get3A_809 = vector.shape_cast %get3A_808 : vector<1x16xf32> to vector<16xf32>
      %add3A_810 = arith.addf %add3A_754, %get3A_809 : vector<16xf32>
      scf.yield %add3A_761, %add3A_768, %add3A_775, %add3A_782, %add3A_789, %add3A_796, %add3A_803, %add3A_810 : vector<16xf32>, vector<16xf32>, vector<16xf32>, vector<16xf32>, vector<16xf32>, vector<16xf32>, vector<16xf32>, vector<16xf32>
    }
    %scan3A_41 = arith.constant 32 : i32
    %dma_wait3A_42 = arith.constant 0 : i32
    %dma_wait3A_43 = arith.constant 7936 : i32
    %dma_wait3A_44 = tpu.memref_slice %arg2[%dma_wait3A_42, %dma_wait3A_43, %mul3A_2] : memref<4x8192x4096xf32, #tpu.memory_space<hbm>> -> memref<1x256x128xf32, #tpu.memory_space<hbm>>
    %dma_wait3A_45 = tpu.memref_squeeze %dma_wait3A_44 : memref<1x256x128xf32, #tpu.memory_space<hbm>> -> memref<256x128xf32, #tpu.memory_space<hbm>>
    %dma_wait3A_46 = arith.constant 7936 : i32
    %dma_wait3A_47 = tpu.memref_slice %arg2[%dma_wait3A_42, %dma_wait3A_46, %mul3A_2] : memref<4x8192x4096xf32, #tpu.memory_space<hbm>> -> memref<1x256x128xf32, #tpu.memory_space<hbm>>
    %dma_wait3A_48 = tpu.memref_squeeze %dma_wait3A_47 : memref<1x256x128xf32, #tpu.memory_space<hbm>> -> memref<256x128xf32, #tpu.memory_space<hbm>>
    tpu.wait_dma2 semaphore(%arg8 : memref<!tpu.dma_semaphore, #tpu.memory_space<semaphore_mem>>) src(%dma_wait3A_48 : memref<256x128xf32, #tpu.memory_space<hbm>>) dst(%arg5 : memref<256x128xf32, #tpu.memory_space<vmem>>)
    %scan3A_49 = arith.constant 0 : i32
    %scan3A_50 = arith.constant 32 : i32
    %scan3A_51 = arith.addi %scan3A_49, %scan3A_50 : i32
    %scan3A_52 = arith.constant 1 : i32
    %scan3A_53:8 = scf.for %scan3A_353 = %scan3A_49 to %scan3A_51 step %scan3A_52 iter_args(%scan3A_354 = %scan3A_40#0, %scan3A_355 = %scan3A_40#1, %scan3A_356 = %scan3A_40#2, %scan3A_357 = %scan3A_40#3, %scan3A_358 = %scan3A_40#4, %scan3A_359 = %scan3A_40#5, %scan3A_360 = %scan3A_40#6, %scan3A_361 = %scan3A_40#7) -> (vector<16xf32>, vector<16xf32>, vector<16xf32>, vector<16xf32>, vector<16xf32>, vector<16xf32>, vector<16xf32>, vector<16xf32>)  : i32 {
      %mul3A_362 = arith.constant 8 : i32
      %mul3A_363 = arith.muli %scan3A_353, %mul3A_362 : i32
      %add3A_364 = arith.constant 0 : i32
      %add3A_365 = arith.addi %mul3A_363, %add3A_364 : i32
      %get3A = arith.index_cast %add3A_365 : i32 to index
      %get3A_366 = arith.constant 0 : index
      %get3A_367 = tpu.vector_load %arg5[%get3A, %get3A_366] {strides = array<i32>} : memref<256x128xf32, #tpu.memory_space<vmem>>, vector<1x16xf32>,
      %get3A_368 = vector.shape_cast %get3A_367 : vector<1x16xf32> to vector<16xf32>
      %add3A_369 = arith.addf %scan3A_354, %get3A_368 : vector<16xf32>
      %add3A_370 = arith.constant 0 : i32
      %add3A_371 = arith.addi %mul3A_363, %add3A_370 : i32
      %get3A_372 = arith.index_cast %add3A_371 : i32 to index
      %get3A_373 = arith.constant 16 : index
      %get3A_374 = tpu.vector_load %arg5[%get3A_372, %get3A_373] {strides = array<i32>} : memref<256x128xf32, #tpu.memory_space<vmem>>, vector<1x16xf32>,
      %get3A_375 = vector.shape_cast %get3A_374 : vector<1x16xf32> to vector<16xf32>
      %add3A_376 = arith.addf %scan3A_355, %get3A_375 : vector<16xf32>
      %add3A_377 = arith.constant 0 : i32
      %add3A_378 = arith.addi %mul3A_363, %add3A_377 : i32
      %get3A_379 = arith.index_cast %add3A_378 : i32 to index
      %get3A_380 = arith.constant 32 : index
      %get3A_381 = tpu.vector_load %arg5[%get3A_379, %get3A_380] {strides = array<i32>} : memref<256x128xf32, #tpu.memory_space<vmem>>, vector<1x16xf32>,
      %get3A_382 = vector.shape_cast %get3A_381 : vector<1x16xf32> to vector<16xf32>
      %add3A_383 = arith.addf %scan3A_356, %get3A_382 : vector<16xf32>
      %add3A_384 = arith.constant 0 : i32
      %add3A_385 = arith.addi %mul3A_363, %add3A_384 : i32
      %get3A_386 = arith.index_cast %add3A_385 : i32 to index
      %get3A_387 = arith.constant 48 : index
      %get3A_388 = tpu.vector_load %arg5[%get3A_386, %get3A_387] {strides = array<i32>} : memref<256x128xf32, #tpu.memory_space<vmem>>, vector<1x16xf32>,
      %get3A_389 = vector.shape_cast %get3A_388 : vector<1x16xf32> to vector<16xf32>
      %add3A_390 = arith.addf %scan3A_357, %get3A_389 : vector<16xf32>
      %add3A_391 = arith.constant 0 : i32
      %add3A_392 = arith.addi %mul3A_363, %add3A_391 : i32
      %get3A_393 = arith.index_cast %add3A_392 : i32 to index
      %get3A_394 = arith.constant 64 : index
      %get3A_395 = tpu.vector_load %arg5[%get3A_393, %get3A_394] {strides = array<i32>} : memref<256x128xf32, #tpu.memory_space<vmem>>, vector<1x16xf32>,
      %get3A_396 = vector.shape_cast %get3A_395 : vector<1x16xf32> to vector<16xf32>
      %add3A_397 = arith.addf %scan3A_358, %get3A_396 : vector<16xf32>
      %add3A_398 = arith.constant 0 : i32
      %add3A_399 = arith.addi %mul3A_363, %add3A_398 : i32
      %get3A_400 = arith.index_cast %add3A_399 : i32 to index
      %get3A_401 = arith.constant 80 : index
      %get3A_402 = tpu.vector_load %arg5[%get3A_400, %get3A_401] {strides = array<i32>} : memref<256x128xf32, #tpu.memory_space<vmem>>, vector<1x16xf32>,
      %get3A_403 = vector.shape_cast %get3A_402 : vector<1x16xf32> to vector<16xf32>
      %add3A_404 = arith.addf %scan3A_359, %get3A_403 : vector<16xf32>
      %add3A_405 = arith.constant 0 : i32
      %add3A_406 = arith.addi %mul3A_363, %add3A_405 : i32
      %get3A_407 = arith.index_cast %add3A_406 : i32 to index
      %get3A_408 = arith.constant 96 : index
      %get3A_409 = tpu.vector_load %arg5[%get3A_407, %get3A_408] {strides = array<i32>} : memref<256x128xf32, #tpu.memory_space<vmem>>, vector<1x16xf32>,
      %get3A_410 = vector.shape_cast %get3A_409 : vector<1x16xf32> to vector<16xf32>
      %add3A_411 = arith.addf %scan3A_360, %get3A_410 : vector<16xf32>
      %add3A_412 = arith.constant 0 : i32
      %add3A_413 = arith.addi %mul3A_363, %add3A_412 : i32
      %get3A_414 = arith.index_cast %add3A_413 : i32 to index
      %get3A_415 = arith.constant 112 : index
      %get3A_416 = tpu.vector_load %arg5[%get3A_414, %get3A_415] {strides = array<i32>} : memref<256x128xf32, #tpu.memory_space<vmem>>, vector<1x16xf32>,
      %get3A_417 = vector.shape_cast %get3A_416 : vector<1x16xf32> to vector<16xf32>
      %add3A_418 = arith.addf %scan3A_361, %get3A_417 : vector<16xf32>
      %add3A_419 = arith.constant 1 : i32
      %add3A_420 = arith.addi %mul3A_363, %add3A_419 : i32
      %get3A_421 = arith.index_cast %add3A_420 : i32 to index
      %get3A_422 = arith.constant 0 : index
      %get3A_423 = tpu.vector_load %arg5[%get3A_421, %get3A_422] {strides = array<i32>} : memref<256x128xf32, #tpu.memory_space<vmem>>, vector<1x16xf32>,
      %get3A_424 = vector.shape_cast %get3A_423 : vector<1x16xf32> to vector<16xf32>
      %add3A_425 = arith.addf %add3A_369, %get3A_424 : vector<16xf32>
      %add3A_426 = arith.constant 1 : i32
      %add3A_427 = arith.addi %mul3A_363, %add3A_426 : i32
      %get3A_428 = arith.index_cast %add3A_427 : i32 to index
      %get3A_429 = arith.constant 16 : index
      %get3A_430 = tpu.vector_load %arg5[%get3A_428, %get3A_429] {strides = array<i32>} : memref<256x128xf32, #tpu.memory_space<vmem>>, vector<1x16xf32>,
      %get3A_431 = vector.shape_cast %get3A_430 : vector<1x16xf32> to vector<16xf32>
      %add3A_432 = arith.addf %add3A_376, %get3A_431 : vector<16xf32>
      %add3A_433 = arith.constant 1 : i32
      %add3A_434 = arith.addi %mul3A_363, %add3A_433 : i32
      %get3A_435 = arith.index_cast %add3A_434 : i32 to index
      %get3A_436 = arith.constant 32 : index
      %get3A_437 = tpu.vector_load %arg5[%get3A_435, %get3A_436] {strides = array<i32>} : memref<256x128xf32, #tpu.memory_space<vmem>>, vector<1x16xf32>,
      %get3A_438 = vector.shape_cast %get3A_437 : vector<1x16xf32> to vector<16xf32>
      %add3A_439 = arith.addf %add3A_383, %get3A_438 : vector<16xf32>
      %add3A_440 = arith.constant 1 : i32
      %add3A_441 = arith.addi %mul3A_363, %add3A_440 : i32
      %get3A_442 = arith.index_cast %add3A_441 : i32 to index
      %get3A_443 = arith.constant 48 : index
      %get3A_444 = tpu.vector_load %arg5[%get3A_442, %get3A_443] {strides = array<i32>} : memref<256x128xf32, #tpu.memory_space<vmem>>, vector<1x16xf32>,
      %get3A_445 = vector.shape_cast %get3A_444 : vector<1x16xf32> to vector<16xf32>
      %add3A_446 = arith.addf %add3A_390, %get3A_445 : vector<16xf32>
      %add3A_447 = arith.constant 1 : i32
      %add3A_448 = arith.addi %mul3A_363, %add3A_447 : i32
      %get3A_449 = arith.index_cast %add3A_448 : i32 to index
      %get3A_450 = arith.constant 64 : index
      %get3A_451 = tpu.vector_load %arg5[%get3A_449, %get3A_450] {strides = array<i32>} : memref<256x128xf32, #tpu.memory_space<vmem>>, vector<1x16xf32>,
      %get3A_452 = vector.shape_cast %get3A_451 : vector<1x16xf32> to vector<16xf32>
      %add3A_453 = arith.addf %add3A_397, %get3A_452 : vector<16xf32>
      %add3A_454 = arith.constant 1 : i32
      %add3A_455 = arith.addi %mul3A_363, %add3A_454 : i32
      %get3A_456 = arith.index_cast %add3A_455 : i32 to index
      %get3A_457 = arith.constant 80 : index
      %get3A_458 = tpu.vector_load %arg5[%get3A_456, %get3A_457] {strides = array<i32>} : memref<256x128xf32, #tpu.memory_space<vmem>>, vector<1x16xf32>,
      %get3A_459 = vector.shape_cast %get3A_458 : vector<1x16xf32> to vector<16xf32>
      %add3A_460 = arith.addf %add3A_404, %get3A_459 : vector<16xf32>
      %add3A_461 = arith.constant 1 : i32
      %add3A_462 = arith.addi %mul3A_363, %add3A_461 : i32
      %get3A_463 = arith.index_cast %add3A_462 : i32 to index
      %get3A_464 = arith.constant 96 : index
      %get3A_465 = tpu.vector_load %arg5[%get3A_463, %get3A_464] {strides = array<i32>} : memref<256x128xf32, #tpu.memory_space<vmem>>, vector<1x16xf32>,
      %get3A_466 = vector.shape_cast %get3A_465 : vector<1x16xf32> to vector<16xf32>
      %add3A_467 = arith.addf %add3A_411, %get3A_466 : vector<16xf32>
      %add3A_468 = arith.constant 1 : i32
      %add3A_469 = arith.addi %mul3A_363, %add3A_468 : i32
      %get3A_470 = arith.index_cast %add3A_469 : i32 to index
      %get3A_471 = arith.constant 112 : index
      %get3A_472 = tpu.vector_load %arg5[%get3A_470, %get3A_471] {strides = array<i32>} : memref<256x128xf32, #tpu.memory_space<vmem>>, vector<1x16xf32>,
      %get3A_473 = vector.shape_cast %get3A_472 : vector<1x16xf32> to vector<16xf32>
      %add3A_474 = arith.addf %add3A_418, %get3A_473 : vector<16xf32>
      %add3A_475 = arith.constant 2 : i32
      %add3A_476 = arith.addi %mul3A_363, %add3A_475 : i32
      %get3A_477 = arith.index_cast %add3A_476 : i32 to index
      %get3A_478 = arith.constant 0 : index
      %get3A_479 = tpu.vector_load %arg5[%get3A_477, %get3A_478] {strides = array<i32>} : memref<256x128xf32, #tpu.memory_space<vmem>>, vector<1x16xf32>,
      %get3A_480 = vector.shape_cast %get3A_479 : vector<1x16xf32> to vector<16xf32>
      %add3A_481 = arith.addf %add3A_425, %get3A_480 : vector<16xf32>
      %add3A_482 = arith.constant 2 : i32
      %add3A_483 = arith.addi %mul3A_363, %add3A_482 : i32
      %get3A_484 = arith.index_cast %add3A_483 : i32 to index
      %get3A_485 = arith.constant 16 : index
      %get3A_486 = tpu.vector_load %arg5[%get3A_484, %get3A_485] {strides = array<i32>} : memref<256x128xf32, #tpu.memory_space<vmem>>, vector<1x16xf32>,
      %get3A_487 = vector.shape_cast %get3A_486 : vector<1x16xf32> to vector<16xf32>
      %add3A_488 = arith.addf %add3A_432, %get3A_487 : vector<16xf32>
      %add3A_489 = arith.constant 2 : i32
      %add3A_490 = arith.addi %mul3A_363, %add3A_489 : i32
      %get3A_491 = arith.index_cast %add3A_490 : i32 to index
      %get3A_492 = arith.constant 32 : index
      %get3A_493 = tpu.vector_load %arg5[%get3A_491, %get3A_492] {strides = array<i32>} : memref<256x128xf32, #tpu.memory_space<vmem>>, vector<1x16xf32>,
      %get3A_494 = vector.shape_cast %get3A_493 : vector<1x16xf32> to vector<16xf32>
      %add3A_495 = arith.addf %add3A_439, %get3A_494 : vector<16xf32>
      %add3A_496 = arith.constant 2 : i32
      %add3A_497 = arith.addi %mul3A_363, %add3A_496 : i32
      %get3A_498 = arith.index_cast %add3A_497 : i32 to index
      %get3A_499 = arith.constant 48 : index
      %get3A_500 = tpu.vector_load %arg5[%get3A_498, %get3A_499] {strides = array<i32>} : memref<256x128xf32, #tpu.memory_space<vmem>>, vector<1x16xf32>,
      %get3A_501 = vector.shape_cast %get3A_500 : vector<1x16xf32> to vector<16xf32>
      %add3A_502 = arith.addf %add3A_446, %get3A_501 : vector<16xf32>
      %add3A_503 = arith.constant 2 : i32
      %add3A_504 = arith.addi %mul3A_363, %add3A_503 : i32
      %get3A_505 = arith.index_cast %add3A_504 : i32 to index
      %get3A_506 = arith.constant 64 : index
      %get3A_507 = tpu.vector_load %arg5[%get3A_505, %get3A_506] {strides = array<i32>} : memref<256x128xf32, #tpu.memory_space<vmem>>, vector<1x16xf32>,
      %get3A_508 = vector.shape_cast %get3A_507 : vector<1x16xf32> to vector<16xf32>
      %add3A_509 = arith.addf %add3A_453, %get3A_508 : vector<16xf32>
      %add3A_510 = arith.constant 2 : i32
      %add3A_511 = arith.addi %mul3A_363, %add3A_510 : i32
      %get3A_512 = arith.index_cast %add3A_511 : i32 to index
      %get3A_513 = arith.constant 80 : index
      %get3A_514 = tpu.vector_load %arg5[%get3A_512, %get3A_513] {strides = array<i32>} : memref<256x128xf32, #tpu.memory_space<vmem>>, vector<1x16xf32>,
      %get3A_515 = vector.shape_cast %get3A_514 : vector<1x16xf32> to vector<16xf32>
      %add3A_516 = arith.addf %add3A_460, %get3A_515 : vector<16xf32>
      %add3A_517 = arith.constant 2 : i32
      %add3A_518 = arith.addi %mul3A_363, %add3A_517 : i32
      %get3A_519 = arith.index_cast %add3A_518 : i32 to index
      %get3A_520 = arith.constant 96 : index
      %get3A_521 = tpu.vector_load %arg5[%get3A_519, %get3A_520] {strides = array<i32>} : memref<256x128xf32, #tpu.memory_space<vmem>>, vector<1x16xf32>,
      %get3A_522 = vector.shape_cast %get3A_521 : vector<1x16xf32> to vector<16xf32>
      %add3A_523 = arith.addf %add3A_467, %get3A_522 : vector<16xf32>
      %add3A_524 = arith.constant 2 : i32
      %add3A_525 = arith.addi %mul3A_363, %add3A_524 : i32
      %get3A_526 = arith.index_cast %add3A_525 : i32 to index
      %get3A_527 = arith.constant 112 : index
      %get3A_528 = tpu.vector_load %arg5[%get3A_526, %get3A_527] {strides = array<i32>} : memref<256x128xf32, #tpu.memory_space<vmem>>, vector<1x16xf32>,
      %get3A_529 = vector.shape_cast %get3A_528 : vector<1x16xf32> to vector<16xf32>
      %add3A_530 = arith.addf %add3A_474, %get3A_529 : vector<16xf32>
      %add3A_531 = arith.constant 3 : i32
      %add3A_532 = arith.addi %mul3A_363, %add3A_531 : i32
      %get3A_533 = arith.index_cast %add3A_532 : i32 to index
      %get3A_534 = arith.constant 0 : index
      %get3A_535 = tpu.vector_load %arg5[%get3A_533, %get3A_534] {strides = array<i32>} : memref<256x128xf32, #tpu.memory_space<vmem>>, vector<1x16xf32>,
      %get3A_536 = vector.shape_cast %get3A_535 : vector<1x16xf32> to vector<16xf32>
      %add3A_537 = arith.addf %add3A_481, %get3A_536 : vector<16xf32>
      %add3A_538 = arith.constant 3 : i32
      %add3A_539 = arith.addi %mul3A_363, %add3A_538 : i32
      %get3A_540 = arith.index_cast %add3A_539 : i32 to index
      %get3A_541 = arith.constant 16 : index
      %get3A_542 = tpu.vector_load %arg5[%get3A_540, %get3A_541] {strides = array<i32>} : memref<256x128xf32, #tpu.memory_space<vmem>>, vector<1x16xf32>,
      %get3A_543 = vector.shape_cast %get3A_542 : vector<1x16xf32> to vector<16xf32>
      %add3A_544 = arith.addf %add3A_488, %get3A_543 : vector<16xf32>
      %add3A_545 = arith.constant 3 : i32
      %add3A_546 = arith.addi %mul3A_363, %add3A_545 : i32
      %get3A_547 = arith.index_cast %add3A_546 : i32 to index
      %get3A_548 = arith.constant 32 : index
      %get3A_549 = tpu.vector_load %arg5[%get3A_547, %get3A_548] {strides = array<i32>} : memref<256x128xf32, #tpu.memory_space<vmem>>, vector<1x16xf32>,
      %get3A_550 = vector.shape_cast %get3A_549 : vector<1x16xf32> to vector<16xf32>
      %add3A_551 = arith.addf %add3A_495, %get3A_550 : vector<16xf32>
      %add3A_552 = arith.constant 3 : i32
      %add3A_553 = arith.addi %mul3A_363, %add3A_552 : i32
      %get3A_554 = arith.index_cast %add3A_553 : i32 to index
      %get3A_555 = arith.constant 48 : index
      %get3A_556 = tpu.vector_load %arg5[%get3A_554, %get3A_555] {strides = array<i32>} : memref<256x128xf32, #tpu.memory_space<vmem>>, vector<1x16xf32>,
      %get3A_557 = vector.shape_cast %get3A_556 : vector<1x16xf32> to vector<16xf32>
      %add3A_558 = arith.addf %add3A_502, %get3A_557 : vector<16xf32>
      %add3A_559 = arith.constant 3 : i32
      %add3A_560 = arith.addi %mul3A_363, %add3A_559 : i32
      %get3A_561 = arith.index_cast %add3A_560 : i32 to index
      %get3A_562 = arith.constant 64 : index
      %get3A_563 = tpu.vector_load %arg5[%get3A_561, %get3A_562] {strides = array<i32>} : memref<256x128xf32, #tpu.memory_space<vmem>>, vector<1x16xf32>,
      %get3A_564 = vector.shape_cast %get3A_563 : vector<1x16xf32> to vector<16xf32>
      %add3A_565 = arith.addf %add3A_509, %get3A_564 : vector<16xf32>
      %add3A_566 = arith.constant 3 : i32
      %add3A_567 = arith.addi %mul3A_363, %add3A_566 : i32
      %get3A_568 = arith.index_cast %add3A_567 : i32 to index
      %get3A_569 = arith.constant 80 : index
      %get3A_570 = tpu.vector_load %arg5[%get3A_568, %get3A_569] {strides = array<i32>} : memref<256x128xf32, #tpu.memory_space<vmem>>, vector<1x16xf32>,
      %get3A_571 = vector.shape_cast %get3A_570 : vector<1x16xf32> to vector<16xf32>
      %add3A_572 = arith.addf %add3A_516, %get3A_571 : vector<16xf32>
      %add3A_573 = arith.constant 3 : i32
      %add3A_574 = arith.addi %mul3A_363, %add3A_573 : i32
      %get3A_575 = arith.index_cast %add3A_574 : i32 to index
      %get3A_576 = arith.constant 96 : index
      %get3A_577 = tpu.vector_load %arg5[%get3A_575, %get3A_576] {strides = array<i32>} : memref<256x128xf32, #tpu.memory_space<vmem>>, vector<1x16xf32>,
      %get3A_578 = vector.shape_cast %get3A_577 : vector<1x16xf32> to vector<16xf32>
      %add3A_579 = arith.addf %add3A_523, %get3A_578 : vector<16xf32>
      %add3A_580 = arith.constant 3 : i32
      %add3A_581 = arith.addi %mul3A_363, %add3A_580 : i32
      %get3A_582 = arith.index_cast %add3A_581 : i32 to index
      %get3A_583 = arith.constant 112 : index
      %get3A_584 = tpu.vector_load %arg5[%get3A_582, %get3A_583] {strides = array<i32>} : memref<256x128xf32, #tpu.memory_space<vmem>>, vector<1x16xf32>,
      %get3A_585 = vector.shape_cast %get3A_584 : vector<1x16xf32> to vector<16xf32>
      %add3A_586 = arith.addf %add3A_530, %get3A_585 : vector<16xf32>
      %add3A_587 = arith.constant 4 : i32
      %add3A_588 = arith.addi %mul3A_363, %add3A_587 : i32
      %get3A_589 = arith.index_cast %add3A_588 : i32 to index
      %get3A_590 = arith.constant 0 : index
      %get3A_591 = tpu.vector_load %arg5[%get3A_589, %get3A_590] {strides = array<i32>} : memref<256x128xf32, #tpu.memory_space<vmem>>, vector<1x16xf32>,
      %get3A_592 = vector.shape_cast %get3A_591 : vector<1x16xf32> to vector<16xf32>
      %add3A_593 = arith.addf %add3A_537, %get3A_592 : vector<16xf32>
      %add3A_594 = arith.constant 4 : i32
      %add3A_595 = arith.addi %mul3A_363, %add3A_594 : i32
      %get3A_596 = arith.index_cast %add3A_595 : i32 to index
      %get3A_597 = arith.constant 16 : index
      %get3A_598 = tpu.vector_load %arg5[%get3A_596, %get3A_597] {strides = array<i32>} : memref<256x128xf32, #tpu.memory_space<vmem>>, vector<1x16xf32>,
      %get3A_599 = vector.shape_cast %get3A_598 : vector<1x16xf32> to vector<16xf32>
      %add3A_600 = arith.addf %add3A_544, %get3A_599 : vector<16xf32>
      %add3A_601 = arith.constant 4 : i32
      %add3A_602 = arith.addi %mul3A_363, %add3A_601 : i32
      %get3A_603 = arith.index_cast %add3A_602 : i32 to index
      %get3A_604 = arith.constant 32 : index
      %get3A_605 = tpu.vector_load %arg5[%get3A_603, %get3A_604] {strides = array<i32>} : memref<256x128xf32, #tpu.memory_space<vmem>>, vector<1x16xf32>,
      %get3A_606 = vector.shape_cast %get3A_605 : vector<1x16xf32> to vector<16xf32>
      %add3A_607 = arith.addf %add3A_551, %get3A_606 : vector<16xf32>
      %add3A_608 = arith.constant 4 : i32
      %add3A_609 = arith.addi %mul3A_363, %add3A_608 : i32
      %get3A_610 = arith.index_cast %add3A_609 : i32 to index
      %get3A_611 = arith.constant 48 : index
      %get3A_612 = tpu.vector_load %arg5[%get3A_610, %get3A_611] {strides = array<i32>} : memref<256x128xf32, #tpu.memory_space<vmem>>, vector<1x16xf32>,
      %get3A_613 = vector.shape_cast %get3A_612 : vector<1x16xf32> to vector<16xf32>
      %add3A_614 = arith.addf %add3A_558, %get3A_613 : vector<16xf32>
      %add3A_615 = arith.constant 4 : i32
      %add3A_616 = arith.addi %mul3A_363, %add3A_615 : i32
      %get3A_617 = arith.index_cast %add3A_616 : i32 to index
      %get3A_618 = arith.constant 64 : index
      %get3A_619 = tpu.vector_load %arg5[%get3A_617, %get3A_618] {strides = array<i32>} : memref<256x128xf32, #tpu.memory_space<vmem>>, vector<1x16xf32>,
      %get3A_620 = vector.shape_cast %get3A_619 : vector<1x16xf32> to vector<16xf32>
      %add3A_621 = arith.addf %add3A_565, %get3A_620 : vector<16xf32>
      %add3A_622 = arith.constant 4 : i32
      %add3A_623 = arith.addi %mul3A_363, %add3A_622 : i32
      %get3A_624 = arith.index_cast %add3A_623 : i32 to index
      %get3A_625 = arith.constant 80 : index
      %get3A_626 = tpu.vector_load %arg5[%get3A_624, %get3A_625] {strides = array<i32>} : memref<256x128xf32, #tpu.memory_space<vmem>>, vector<1x16xf32>,
      %get3A_627 = vector.shape_cast %get3A_626 : vector<1x16xf32> to vector<16xf32>
      %add3A_628 = arith.addf %add3A_572, %get3A_627 : vector<16xf32>
      %add3A_629 = arith.constant 4 : i32
      %add3A_630 = arith.addi %mul3A_363, %add3A_629 : i32
      %get3A_631 = arith.index_cast %add3A_630 : i32 to index
      %get3A_632 = arith.constant 96 : index
      %get3A_633 = tpu.vector_load %arg5[%get3A_631, %get3A_632] {strides = array<i32>} : memref<256x128xf32, #tpu.memory_space<vmem>>, vector<1x16xf32>,
      %get3A_634 = vector.shape_cast %get3A_633 : vector<1x16xf32> to vector<16xf32>
      %add3A_635 = arith.addf %add3A_579, %get3A_634 : vector<16xf32>
      %add3A_636 = arith.constant 4 : i32
      %add3A_637 = arith.addi %mul3A_363, %add3A_636 : i32
      %get3A_638 = arith.index_cast %add3A_637 : i32 to index
      %get3A_639 = arith.constant 112 : index
      %get3A_640 = tpu.vector_load %arg5[%get3A_638, %get3A_639] {strides = array<i32>} : memref<256x128xf32, #tpu.memory_space<vmem>>, vector<1x16xf32>,
      %get3A_641 = vector.shape_cast %get3A_640 : vector<1x16xf32> to vector<16xf32>
      %add3A_642 = arith.addf %add3A_586, %get3A_641 : vector<16xf32>
      %add3A_643 = arith.constant 5 : i32
      %add3A_644 = arith.addi %mul3A_363, %add3A_643 : i32
      %get3A_645 = arith.index_cast %add3A_644 : i32 to index
      %get3A_646 = arith.constant 0 : index
      %get3A_647 = tpu.vector_load %arg5[%get3A_645, %get3A_646] {strides = array<i32>} : memref<256x128xf32, #tpu.memory_space<vmem>>, vector<1x16xf32>,
      %get3A_648 = vector.shape_cast %get3A_647 : vector<1x16xf32> to vector<16xf32>
      %add3A_649 = arith.addf %add3A_593, %get3A_648 : vector<16xf32>
      %add3A_650 = arith.constant 5 : i32
      %add3A_651 = arith.addi %mul3A_363, %add3A_650 : i32
      %get3A_652 = arith.index_cast %add3A_651 : i32 to index
      %get3A_653 = arith.constant 16 : index
      %get3A_654 = tpu.vector_load %arg5[%get3A_652, %get3A_653] {strides = array<i32>} : memref<256x128xf32, #tpu.memory_space<vmem>>, vector<1x16xf32>,
      %get3A_655 = vector.shape_cast %get3A_654 : vector<1x16xf32> to vector<16xf32>
      %add3A_656 = arith.addf %add3A_600, %get3A_655 : vector<16xf32>
      %add3A_657 = arith.constant 5 : i32
      %add3A_658 = arith.addi %mul3A_363, %add3A_657 : i32
      %get3A_659 = arith.index_cast %add3A_658 : i32 to index
      %get3A_660 = arith.constant 32 : index
      %get3A_661 = tpu.vector_load %arg5[%get3A_659, %get3A_660] {strides = array<i32>} : memref<256x128xf32, #tpu.memory_space<vmem>>, vector<1x16xf32>,
      %get3A_662 = vector.shape_cast %get3A_661 : vector<1x16xf32> to vector<16xf32>
      %add3A_663 = arith.addf %add3A_607, %get3A_662 : vector<16xf32>
      %add3A_664 = arith.constant 5 : i32
      %add3A_665 = arith.addi %mul3A_363, %add3A_664 : i32
      %get3A_666 = arith.index_cast %add3A_665 : i32 to index
      %get3A_667 = arith.constant 48 : index
      %get3A_668 = tpu.vector_load %arg5[%get3A_666, %get3A_667] {strides = array<i32>} : memref<256x128xf32, #tpu.memory_space<vmem>>, vector<1x16xf32>,
      %get3A_669 = vector.shape_cast %get3A_668 : vector<1x16xf32> to vector<16xf32>
      %add3A_670 = arith.addf %add3A_614, %get3A_669 : vector<16xf32>
      %add3A_671 = arith.constant 5 : i32
      %add3A_672 = arith.addi %mul3A_363, %add3A_671 : i32
      %get3A_673 = arith.index_cast %add3A_672 : i32 to index
      %get3A_674 = arith.constant 64 : index
      %get3A_675 = tpu.vector_load %arg5[%get3A_673, %get3A_674] {strides = array<i32>} : memref<256x128xf32, #tpu.memory_space<vmem>>, vector<1x16xf32>,
      %get3A_676 = vector.shape_cast %get3A_675 : vector<1x16xf32> to vector<16xf32>
      %add3A_677 = arith.addf %add3A_621, %get3A_676 : vector<16xf32>
      %add3A_678 = arith.constant 5 : i32
      %add3A_679 = arith.addi %mul3A_363, %add3A_678 : i32
      %get3A_680 = arith.index_cast %add3A_679 : i32 to index
      %get3A_681 = arith.constant 80 : index
      %get3A_682 = tpu.vector_load %arg5[%get3A_680, %get3A_681] {strides = array<i32>} : memref<256x128xf32, #tpu.memory_space<vmem>>, vector<1x16xf32>,
      %get3A_683 = vector.shape_cast %get3A_682 : vector<1x16xf32> to vector<16xf32>
      %add3A_684 = arith.addf %add3A_628, %get3A_683 : vector<16xf32>
      %add3A_685 = arith.constant 5 : i32
      %add3A_686 = arith.addi %mul3A_363, %add3A_685 : i32
      %get3A_687 = arith.index_cast %add3A_686 : i32 to index
      %get3A_688 = arith.constant 96 : index
      %get3A_689 = tpu.vector_load %arg5[%get3A_687, %get3A_688] {strides = array<i32>} : memref<256x128xf32, #tpu.memory_space<vmem>>, vector<1x16xf32>,
      %get3A_690 = vector.shape_cast %get3A_689 : vector<1x16xf32> to vector<16xf32>
      %add3A_691 = arith.addf %add3A_635, %get3A_690 : vector<16xf32>
      %add3A_692 = arith.constant 5 : i32
      %add3A_693 = arith.addi %mul3A_363, %add3A_692 : i32
      %get3A_694 = arith.index_cast %add3A_693 : i32 to index
      %get3A_695 = arith.constant 112 : index
      %get3A_696 = tpu.vector_load %arg5[%get3A_694, %get3A_695] {strides = array<i32>} : memref<256x128xf32, #tpu.memory_space<vmem>>, vector<1x16xf32>,
      %get3A_697 = vector.shape_cast %get3A_696 : vector<1x16xf32> to vector<16xf32>
      %add3A_698 = arith.addf %add3A_642, %get3A_697 : vector<16xf32>
      %add3A_699 = arith.constant 6 : i32
      %add3A_700 = arith.addi %mul3A_363, %add3A_699 : i32
      %get3A_701 = arith.index_cast %add3A_700 : i32 to index
      %get3A_702 = arith.constant 0 : index
      %get3A_703 = tpu.vector_load %arg5[%get3A_701, %get3A_702] {strides = array<i32>} : memref<256x128xf32, #tpu.memory_space<vmem>>, vector<1x16xf32>,
      %get3A_704 = vector.shape_cast %get3A_703 : vector<1x16xf32> to vector<16xf32>
      %add3A_705 = arith.addf %add3A_649, %get3A_704 : vector<16xf32>
      %add3A_706 = arith.constant 6 : i32
      %add3A_707 = arith.addi %mul3A_363, %add3A_706 : i32
      %get3A_708 = arith.index_cast %add3A_707 : i32 to index
      %get3A_709 = arith.constant 16 : index
      %get3A_710 = tpu.vector_load %arg5[%get3A_708, %get3A_709] {strides = array<i32>} : memref<256x128xf32, #tpu.memory_space<vmem>>, vector<1x16xf32>,
      %get3A_711 = vector.shape_cast %get3A_710 : vector<1x16xf32> to vector<16xf32>
      %add3A_712 = arith.addf %add3A_656, %get3A_711 : vector<16xf32>
      %add3A_713 = arith.constant 6 : i32
      %add3A_714 = arith.addi %mul3A_363, %add3A_713 : i32
      %get3A_715 = arith.index_cast %add3A_714 : i32 to index
      %get3A_716 = arith.constant 32 : index
      %get3A_717 = tpu.vector_load %arg5[%get3A_715, %get3A_716] {strides = array<i32>} : memref<256x128xf32, #tpu.memory_space<vmem>>, vector<1x16xf32>,
      %get3A_718 = vector.shape_cast %get3A_717 : vector<1x16xf32> to vector<16xf32>
      %add3A_719 = arith.addf %add3A_663, %get3A_718 : vector<16xf32>
      %add3A_720 = arith.constant 6 : i32
      %add3A_721 = arith.addi %mul3A_363, %add3A_720 : i32
      %get3A_722 = arith.index_cast %add3A_721 : i32 to index
      %get3A_723 = arith.constant 48 : index
      %get3A_724 = tpu.vector_load %arg5[%get3A_722, %get3A_723] {strides = array<i32>} : memref<256x128xf32, #tpu.memory_space<vmem>>, vector<1x16xf32>,
      %get3A_725 = vector.shape_cast %get3A_724 : vector<1x16xf32> to vector<16xf32>
      %add3A_726 = arith.addf %add3A_670, %get3A_725 : vector<16xf32>
      %add3A_727 = arith.constant 6 : i32
      %add3A_728 = arith.addi %mul3A_363, %add3A_727 : i32
      %get3A_729 = arith.index_cast %add3A_728 : i32 to index
      %get3A_730 = arith.constant 64 : index
      %get3A_731 = tpu.vector_load %arg5[%get3A_729, %get3A_730] {strides = array<i32>} : memref<256x128xf32, #tpu.memory_space<vmem>>, vector<1x16xf32>,
      %get3A_732 = vector.shape_cast %get3A_731 : vector<1x16xf32> to vector<16xf32>
      %add3A_733 = arith.addf %add3A_677, %get3A_732 : vector<16xf32>
      %add3A_734 = arith.constant 6 : i32
      %add3A_735 = arith.addi %mul3A_363, %add3A_734 : i32
      %get3A_736 = arith.index_cast %add3A_735 : i32 to index
      %get3A_737 = arith.constant 80 : index
      %get3A_738 = tpu.vector_load %arg5[%get3A_736, %get3A_737] {strides = array<i32>} : memref<256x128xf32, #tpu.memory_space<vmem>>, vector<1x16xf32>,
      %get3A_739 = vector.shape_cast %get3A_738 : vector<1x16xf32> to vector<16xf32>
      %add3A_740 = arith.addf %add3A_684, %get3A_739 : vector<16xf32>
      %add3A_741 = arith.constant 6 : i32
      %add3A_742 = arith.addi %mul3A_363, %add3A_741 : i32
      %get3A_743 = arith.index_cast %add3A_742 : i32 to index
      %get3A_744 = arith.constant 96 : index
      %get3A_745 = tpu.vector_load %arg5[%get3A_743, %get3A_744] {strides = array<i32>} : memref<256x128xf32, #tpu.memory_space<vmem>>, vector<1x16xf32>,
      %get3A_746 = vector.shape_cast %get3A_745 : vector<1x16xf32> to vector<16xf32>
      %add3A_747 = arith.addf %add3A_691, %get3A_746 : vector<16xf32>
      %add3A_748 = arith.constant 6 : i32
      %add3A_749 = arith.addi %mul3A_363, %add3A_748 : i32
      %get3A_750 = arith.index_cast %add3A_749 : i32 to index
      %get3A_751 = arith.constant 112 : index
      %get3A_752 = tpu.vector_load %arg5[%get3A_750, %get3A_751] {strides = array<i32>} : memref<256x128xf32, #tpu.memory_space<vmem>>, vector<1x16xf32>,
      %get3A_753 = vector.shape_cast %get3A_752 : vector<1x16xf32> to vector<16xf32>
      %add3A_754 = arith.addf %add3A_698, %get3A_753 : vector<16xf32>
      %add3A_755 = arith.constant 7 : i32
      %add3A_756 = arith.addi %mul3A_363, %add3A_755 : i32
      %get3A_757 = arith.index_cast %add3A_756 : i32 to index
      %get3A_758 = arith.constant 0 : index
      %get3A_759 = tpu.vector_load %arg5[%get3A_757, %get3A_758] {strides = array<i32>} : memref<256x128xf32, #tpu.memory_space<vmem>>, vector<1x16xf32>,
      %get3A_760 = vector.shape_cast %get3A_759 : vector<1x16xf32> to vector<16xf32>
      %add3A_761 = arith.addf %add3A_705, %get3A_760 : vector<16xf32>
      %add3A_762 = arith.constant 7 : i32
      %add3A_763 = arith.addi %mul3A_363, %add3A_762 : i32
      %get3A_764 = arith.index_cast %add3A_763 : i32 to index
      %get3A_765 = arith.constant 16 : index
      %get3A_766 = tpu.vector_load %arg5[%get3A_764, %get3A_765] {strides = array<i32>} : memref<256x128xf32, #tpu.memory_space<vmem>>, vector<1x16xf32>,
      %get3A_767 = vector.shape_cast %get3A_766 : vector<1x16xf32> to vector<16xf32>
      %add3A_768 = arith.addf %add3A_712, %get3A_767 : vector<16xf32>
      %add3A_769 = arith.constant 7 : i32
      %add3A_770 = arith.addi %mul3A_363, %add3A_769 : i32
      %get3A_771 = arith.index_cast %add3A_770 : i32 to index
      %get3A_772 = arith.constant 32 : index
      %get3A_773 = tpu.vector_load %arg5[%get3A_771, %get3A_772] {strides = array<i32>} : memref<256x128xf32, #tpu.memory_space<vmem>>, vector<1x16xf32>,
      %get3A_774 = vector.shape_cast %get3A_773 : vector<1x16xf32> to vector<16xf32>
      %add3A_775 = arith.addf %add3A_719, %get3A_774 : vector<16xf32>
      %add3A_776 = arith.constant 7 : i32
      %add3A_777 = arith.addi %mul3A_363, %add3A_776 : i32
      %get3A_778 = arith.index_cast %add3A_777 : i32 to index
      %get3A_779 = arith.constant 48 : index
      %get3A_780 = tpu.vector_load %arg5[%get3A_778, %get3A_779] {strides = array<i32>} : memref<256x128xf32, #tpu.memory_space<vmem>>, vector<1x16xf32>,
      %get3A_781 = vector.shape_cast %get3A_780 : vector<1x16xf32> to vector<16xf32>
      %add3A_782 = arith.addf %add3A_726, %get3A_781 : vector<16xf32>
      %add3A_783 = arith.constant 7 : i32
      %add3A_784 = arith.addi %mul3A_363, %add3A_783 : i32
      %get3A_785 = arith.index_cast %add3A_784 : i32 to index
      %get3A_786 = arith.constant 64 : index
      %get3A_787 = tpu.vector_load %arg5[%get3A_785, %get3A_786] {strides = array<i32>} : memref<256x128xf32, #tpu.memory_space<vmem>>, vector<1x16xf32>,
      %get3A_788 = vector.shape_cast %get3A_787 : vector<1x16xf32> to vector<16xf32>
      %add3A_789 = arith.addf %add3A_733, %get3A_788 : vector<16xf32>
      %add3A_790 = arith.constant 7 : i32
      %add3A_791 = arith.addi %mul3A_363, %add3A_790 : i32
      %get3A_792 = arith.index_cast %add3A_791 : i32 to index
      %get3A_793 = arith.constant 80 : index
      %get3A_794 = tpu.vector_load %arg5[%get3A_792, %get3A_793] {strides = array<i32>} : memref<256x128xf32, #tpu.memory_space<vmem>>, vector<1x16xf32>,
      %get3A_795 = vector.shape_cast %get3A_794 : vector<1x16xf32> to vector<16xf32>
      %add3A_796 = arith.addf %add3A_740, %get3A_795 : vector<16xf32>
      %add3A_797 = arith.constant 7 : i32
      %add3A_798 = arith.addi %mul3A_363, %add3A_797 : i32
      %get3A_799 = arith.index_cast %add3A_798 : i32 to index
      %get3A_800 = arith.constant 96 : index
      %get3A_801 = tpu.vector_load %arg5[%get3A_799, %get3A_800] {strides = array<i32>} : memref<256x128xf32, #tpu.memory_space<vmem>>, vector<1x16xf32>,
      %get3A_802 = vector.shape_cast %get3A_801 : vector<1x16xf32> to vector<16xf32>
      %add3A_803 = arith.addf %add3A_747, %get3A_802 : vector<16xf32>
      %add3A_804 = arith.constant 7 : i32
      %add3A_805 = arith.addi %mul3A_363, %add3A_804 : i32
      %get3A_806 = arith.index_cast %add3A_805 : i32 to index
      %get3A_807 = arith.constant 112 : index
      %get3A_808 = tpu.vector_load %arg5[%get3A_806, %get3A_807] {strides = array<i32>} : memref<256x128xf32, #tpu.memory_space<vmem>>, vector<1x16xf32>,
      %get3A_809 = vector.shape_cast %get3A_808 : vector<1x16xf32> to vector<16xf32>
      %add3A_810 = arith.addf %add3A_754, %get3A_809 : vector<16xf32>
      scf.yield %add3A_761, %add3A_768, %add3A_775, %add3A_782, %add3A_789, %add3A_796, %add3A_803, %add3A_810 : vector<16xf32>, vector<16xf32>, vector<16xf32>, vector<16xf32>, vector<16xf32>, vector<16xf32>, vector<16xf32>, vector<16xf32>
    }
    %scan3A_54 = arith.constant 32 : i32
    %swap3A = arith.constant 0 : index
    %swap3A_55 = tpu.vector_load %arg6[%swap3A] {strides = array<i32>} : memref<128xf32, #tpu.memory_space<vmem>>, vector<16xf32>,
    %swap3A_56 = vector.shape_cast %swap3A_55 : vector<16xf32> to vector<16xf32>
    %swap3A_57 = vector.shape_cast %scan3A_53#0 : vector<16xf32> to vector<16xf32>
    tpu.vector_store %arg6[%swap3A], %swap3A_57 {strides = array<i32>} : memref<128xf32, #tpu.memory_space<vmem>>, vector<16xf32>,
    %swap3A_58 = arith.constant 16 : index
    %swap3A_59 = tpu.vector_load %arg6[%swap3A_58] {strides = array<i32>} : memref<128xf32, #tpu.memory_space<vmem>>, vector<16xf32>,
    %swap3A_60 = vector.shape_cast %swap3A_59 : vector<16xf32> to vector<16xf32>
    %swap3A_61 = vector.shape_cast %scan3A_53#1 : vector<16xf32> to vector<16xf32>
    tpu.vector_store %arg6[%swap3A_58], %swap3A_61 {strides = array<i32>} : memref<128xf32, #tpu.memory_space<vmem>>, vector<16xf32>,
    %swap3A_62 = arith.constant 32 : index
    %swap3A_63 = tpu.vector_load %arg6[%swap3A_62] {strides = array<i32>} : memref<128xf32, #tpu.memory_space<vmem>>, vector<16xf32>,
    %swap3A_64 = vector.shape_cast %swap3A_63 : vector<16xf32> to vector<16xf32>
    %swap3A_65 = vector.shape_cast %scan3A_53#2 : vector<16xf32> to vector<16xf32>
    tpu.vector_store %arg6[%swap3A_62], %swap3A_65 {strides = array<i32>} : memref<128xf32, #tpu.memory_space<vmem>>, vector<16xf32>,
    %swap3A_66 = arith.constant 48 : index
    %swap3A_67 = tpu.vector_load %arg6[%swap3A_66] {strides = array<i32>} : memref<128xf32, #tpu.memory_space<vmem>>, vector<16xf32>,
    %swap3A_68 = vector.shape_cast %swap3A_67 : vector<16xf32> to vector<16xf32>
    %swap3A_69 = vector.shape_cast %scan3A_53#3 : vector<16xf32> to vector<16xf32>
    tpu.vector_store %arg6[%swap3A_66], %swap3A_69 {strides = array<i32>} : memref<128xf32, #tpu.memory_space<vmem>>, vector<16xf32>,
    %swap3A_70 = arith.constant 64 : index
    %swap3A_71 = tpu.vector_load %arg6[%swap3A_70] {strides = array<i32>} : memref<128xf32, #tpu.memory_space<vmem>>, vector<16xf32>,
    %swap3A_72 = vector.shape_cast %swap3A_71 : vector<16xf32> to vector<16xf32>
    %swap3A_73 = vector.shape_cast %scan3A_53#4 : vector<16xf32> to vector<16xf32>
    tpu.vector_store %arg6[%swap3A_70], %swap3A_73 {strides = array<i32>} : memref<128xf32, #tpu.memory_space<vmem>>, vector<16xf32>,
    %swap3A_74 = arith.constant 80 : index
    %swap3A_75 = tpu.vector_load %arg6[%swap3A_74] {strides = array<i32>} : memref<128xf32, #tpu.memory_space<vmem>>, vector<16xf32>,
    %swap3A_76 = vector.shape_cast %swap3A_75 : vector<16xf32> to vector<16xf32>
    %swap3A_77 = vector.shape_cast %scan3A_53#5 : vector<16xf32> to vector<16xf32>
    tpu.vector_store %arg6[%swap3A_74], %swap3A_77 {strides = array<i32>} : memref<128xf32, #tpu.memory_space<vmem>>, vector<16xf32>,
    %swap3A_78 = arith.constant 96 : index
    %swap3A_79 = tpu.vector_load %arg6[%swap3A_78] {strides = array<i32>} : memref<128xf32, #tpu.memory_space<vmem>>, vector<16xf32>,
    %swap3A_80 = vector.shape_cast %swap3A_79 : vector<16xf32> to vector<16xf32>
    %swap3A_81 = vector.shape_cast %scan3A_53#6 : vector<16xf32> to vector<16xf32>
    tpu.vector_store %arg6[%swap3A_78], %swap3A_81 {strides = array<i32>} : memref<128xf32, #tpu.memory_space<vmem>>, vector<16xf32>,
    %swap3A_82 = arith.constant 112 : index
    %swap3A_83 = tpu.vector_load %arg6[%swap3A_82] {strides = array<i32>} : memref<128xf32, #tpu.memory_space<vmem>>, vector<16xf32>,
    %swap3A_84 = vector.shape_cast %swap3A_83 : vector<16xf32> to vector<16xf32>
    %swap3A_85 = vector.shape_cast %scan3A_53#7 : vector<16xf32> to vector<16xf32>
    tpu.vector_store %arg6[%swap3A_82], %swap3A_85 {strides = array<i32>} : memref<128xf32, #tpu.memory_space<vmem>>, vector<16xf32>,
    %run_scoped3A = arith.constant 0 : i32
    "tpu.region"() ({
      %run_scoped3A_353 = tpu.sem_alloc : memref<!tpu.dma_semaphore, #tpu.memory_space<semaphore_mem>>
      %dma_start3A_354 = tpu.memref_slice %arg3[%run_scoped3A, %mul3A_2] : memref<4x4096xf32, #tpu.memory_space<hbm>> -> memref<1x128xf32, #tpu.memory_space<hbm>>
      %dma_start3A_355 = tpu.memref_squeeze %dma_start3A_354 : memref<1x128xf32, #tpu.memory_space<hbm>> -> memref<128xf32, #tpu.memory_space<hbm>>
      %dma_start3A_356 = tpu.memref_slice %arg3[%run_scoped3A, %mul3A_2] : memref<4x4096xf32, #tpu.memory_space<hbm>> -> memref<1x128xf32, #tpu.memory_space<hbm>>
      %dma_start3A_357 = tpu.memref_squeeze %dma_start3A_356 : memref<1x128xf32, #tpu.memory_space<hbm>> -> memref<128xf32, #tpu.memory_space<hbm>>
      tpu.enqueue_dma source(%arg6 : memref<128xf32, #tpu.memory_space<vmem>>) target(%dma_start3A_357 : memref<128xf32, #tpu.memory_space<hbm>>) target_semaphore(%run_scoped3A_353 : memref<!tpu.dma_semaphore, #tpu.memory_space<semaphore_mem>>)
      %dma_wait3A_358 = tpu.memref_slice %arg3[%run_scoped3A, %mul3A_2] : memref<4x4096xf32, #tpu.memory_space<hbm>> -> memref<1x128xf32, #tpu.memory_space<hbm>>
      %dma_wait3A_359 = tpu.memref_squeeze %dma_wait3A_358 : memref<1x128xf32, #tpu.memory_space<hbm>> -> memref<128xf32, #tpu.memory_space<hbm>>
      %dma_wait3A_360 = tpu.memref_slice %arg3[%run_scoped3A, %mul3A_2] : memref<4x4096xf32, #tpu.memory_space<hbm>> -> memref<1x128xf32, #tpu.memory_space<hbm>>
      %dma_wait3A_361 = tpu.memref_squeeze %dma_wait3A_360 : memref<1x128xf32, #tpu.memory_space<hbm>> -> memref<128xf32, #tpu.memory_space<hbm>>
      tpu.wait_dma2 semaphore(%run_scoped3A_353 : memref<!tpu.dma_semaphore, #tpu.memory_space<semaphore_mem>>) src(%arg6 : memref<128xf32, #tpu.memory_space<vmem>>) dst(%dma_wait3A_361 : memref<128xf32, #tpu.memory_space<hbm>>)
      tpu.yield
    }) : () -> ()
    %dma_start3A_86 = arith.constant 1 : i32
    %dma_start3A_87 = arith.constant 7680 : i32
    %dma_start3A_88 = tpu.memref_slice %arg2[%dma_start3A_86, %dma_start3A_87, %mul3A_2] : memref<4x8192x4096xf32, #tpu.memory_space<hbm>> -> memref<1x256x128xf32, #tpu.memory_space<hbm>>
    %dma_start3A_89 = tpu.memref_squeeze %dma_start3A_88 : memref<1x256x128xf32, #tpu.memory_space<hbm>> -> memref<256x128xf32, #tpu.memory_space<hbm>>
    %dma_start3A_90 = arith.constant 7680 : i32
    %dma_start3A_91 = tpu.memref_slice %arg2[%dma_start3A_86, %dma_start3A_90, %mul3A_2] : memref<4x8192x4096xf32, #tpu.memory_space<hbm>> -> memref<1x256x128xf32, #tpu.memory_space<hbm>>
    %dma_start3A_92 = tpu.memref_squeeze %dma_start3A_91 : memref<1x256x128xf32, #tpu.memory_space<hbm>> -> memref<256x128xf32, #tpu.memory_space<hbm>>
    tpu.enqueue_dma source(%dma_start3A_92 : memref<256x128xf32, #tpu.memory_space<hbm>>) target(%arg4 : memref<256x128xf32, #tpu.memory_space<vmem>>) target_semaphore(%arg7 : memref<!tpu.dma_semaphore, #tpu.memory_space<semaphore_mem>>)
    %broadcast_in_dim3A_93 = arith.constant 0.000000e+00 : f32
    %broadcast_in_dim3A_94 = vector.broadcast %broadcast_in_dim3A_93 : f32 to vector<16xf32>
    %broadcast_in_dim3A_95 = arith.constant 0.000000e+00 : f32
    %broadcast_in_dim3A_96 = vector.broadcast %broadcast_in_dim3A_95 : f32 to vector<16xf32>
    %broadcast_in_dim3A_97 = arith.constant 0.000000e+00 : f32
    %broadcast_in_dim3A_98 = vector.broadcast %broadcast_in_dim3A_97 : f32 to vector<16xf32>
    %broadcast_in_dim3A_99 = arith.constant 0.000000e+00 : f32
    %broadcast_in_dim3A_100 = vector.broadcast %broadcast_in_dim3A_99 : f32 to vector<16xf32>
    %broadcast_in_dim3A_101 = arith.constant 0.000000e+00 : f32
    %broadcast_in_dim3A_102 = vector.broadcast %broadcast_in_dim3A_101 : f32 to vector<16xf32>
    %broadcast_in_dim3A_103 = arith.constant 0.000000e+00 : f32
    %broadcast_in_dim3A_104 = vector.broadcast %broadcast_in_dim3A_103 : f32 to vector<16xf32>
    %broadcast_in_dim3A_105 = arith.constant 0.000000e+00 : f32
    %broadcast_in_dim3A_106 = vector.broadcast %broadcast_in_dim3A_105 : f32 to vector<16xf32>
    %broadcast_in_dim3A_107 = arith.constant 0.000000e+00 : f32
    %broadcast_in_dim3A_108 = vector.broadcast %broadcast_in_dim3A_107 : f32 to vector<16xf32>
    %dma_start3A_109 = arith.constant 1 : i32
    %dma_start3A_110 = arith.constant 7936 : i32
    %dma_start3A_111 = tpu.memref_slice %arg2[%dma_start3A_109, %dma_start3A_110, %mul3A_2] : memref<4x8192x4096xf32, #tpu.memory_space<hbm>> -> memref<1x256x128xf32, #tpu.memory_space<hbm>>
    %dma_start3A_112 = tpu.memref_squeeze %dma_start3A_111 : memref<1x256x128xf32, #tpu.memory_space<hbm>> -> memref<256x128xf32, #tpu.memory_space<hbm>>
    %dma_start3A_113 = arith.constant 7936 : i32
    %dma_start3A_114 = tpu.memref_slice %arg2[%dma_start3A_109, %dma_start3A_113, %mul3A_2] : memref<4x8192x4096xf32, #tpu.memory_space<hbm>> -> memref<1x256x128xf32, #tpu.memory_space<hbm>>
    %dma_start3A_115 = tpu.memref_squeeze %dma_start3A_114 : memref<1x256x128xf32, #tpu.memory_space<hbm>> -> memref<256x128xf32, #tpu.memory_space<hbm>>
    tpu.enqueue_dma source(%dma_start3A_115 : memref<256x128xf32, #tpu.memory_space<hbm>>) target(%arg5 : memref<256x128xf32, #tpu.memory_space<vmem>>) target_semaphore(%arg8 : memref<!tpu.dma_semaphore, #tpu.memory_space<semaphore_mem>>)
    %dma_wait3A_116 = arith.constant 1 : i32
    %dma_wait3A_117 = arith.constant 7680 : i32
    %dma_wait3A_118 = tpu.memref_slice %arg2[%dma_wait3A_116, %dma_wait3A_117, %mul3A_2] : memref<4x8192x4096xf32, #tpu.memory_space<hbm>> -> memref<1x256x128xf32, #tpu.memory_space<hbm>>
    %dma_wait3A_119 = tpu.memref_squeeze %dma_wait3A_118 : memref<1x256x128xf32, #tpu.memory_space<hbm>> -> memref<256x128xf32, #tpu.memory_space<hbm>>
    %dma_wait3A_120 = arith.constant 7680 : i32
    %dma_wait3A_121 = tpu.memref_slice %arg2[%dma_wait3A_116, %dma_wait3A_120, %mul3A_2] : memref<4x8192x4096xf32, #tpu.memory_space<hbm>> -> memref<1x256x128xf32, #tpu.memory_space<hbm>>
    %dma_wait3A_122 = tpu.memref_squeeze %dma_wait3A_121 : memref<1x256x128xf32, #tpu.memory_space<hbm>> -> memref<256x128xf32, #tpu.memory_space<hbm>>
    tpu.wait_dma2 semaphore(%arg7 : memref<!tpu.dma_semaphore, #tpu.memory_space<semaphore_mem>>) src(%dma_wait3A_122 : memref<256x128xf32, #tpu.memory_space<hbm>>) dst(%arg4 : memref<256x128xf32, #tpu.memory_space<vmem>>)
    %scan3A_123 = arith.constant 0 : i32
    %scan3A_124 = arith.constant 32 : i32
    %scan3A_125 = arith.addi %scan3A_123, %scan3A_124 : i32
    %scan3A_126 = arith.constant 1 : i32
    %scan3A_127:8 = scf.for %scan3A_353 = %scan3A_123 to %scan3A_125 step %scan3A_126 iter_args(%scan3A_354 = %broadcast_in_dim3A_94, %scan3A_355 = %broadcast_in_dim3A_96, %scan3A_356 = %broadcast_in_dim3A_98, %scan3A_357 = %broadcast_in_dim3A_100, %scan3A_358 = %broadcast_in_dim3A_102, %scan3A_359 = %broadcast_in_dim3A_104, %scan3A_360 = %broadcast_in_dim3A_106, %scan3A_361 = %broadcast_in_dim3A_108) -> (vector<16xf32>, vector<16xf32>, vector<16xf32>, vector<16xf32>, vector<16xf32>, vector<16xf32>, vector<16xf32>, vector<16xf32>)  : i32 {
      %mul3A_362 = arith.constant 8 : i32
      %mul3A_363 = arith.muli %scan3A_353, %mul3A_362 : i32
      %add3A_364 = arith.constant 0 : i32
      %add3A_365 = arith.addi %mul3A_363, %add3A_364 : i32
      %get3A = arith.index_cast %add3A_365 : i32 to index
      %get3A_366 = arith.constant 0 : index
      %get3A_367 = tpu.vector_load %arg4[%get3A, %get3A_366] {strides = array<i32>} : memref<256x128xf32, #tpu.memory_space<vmem>>, vector<1x16xf32>,
      %get3A_368 = vector.shape_cast %get3A_367 : vector<1x16xf32> to vector<16xf32>
      %add3A_369 = arith.addf %scan3A_354, %get3A_368 : vector<16xf32>
      %add3A_370 = arith.constant 0 : i32
      %add3A_371 = arith.addi %mul3A_363, %add3A_370 : i32
      %get3A_372 = arith.index_cast %add3A_371 : i32 to index
      %get3A_373 = arith.constant 16 : index
      %get3A_374 = tpu.vector_load %arg4[%get3A_372, %get3A_373] {strides = array<i32>} : memref<256x128xf32, #tpu.memory_space<vmem>>, vector<1x16xf32>,
      %get3A_375 = vector.shape_cast %get3A_374 : vector<1x16xf32> to vector<16xf32>
      %add3A_376 = arith.addf %scan3A_355, %get3A_375 : vector<16xf32>
      %add3A_377 = arith.constant 0 : i32
      %add3A_378 = arith.addi %mul3A_363, %add3A_377 : i32
      %get3A_379 = arith.index_cast %add3A_378 : i32 to index
      %get3A_380 = arith.constant 32 : index
      %get3A_381 = tpu.vector_load %arg4[%get3A_379, %get3A_380] {strides = array<i32>} : memref<256x128xf32, #tpu.memory_space<vmem>>, vector<1x16xf32>,
      %get3A_382 = vector.shape_cast %get3A_381 : vector<1x16xf32> to vector<16xf32>
      %add3A_383 = arith.addf %scan3A_356, %get3A_382 : vector<16xf32>
      %add3A_384 = arith.constant 0 : i32
      %add3A_385 = arith.addi %mul3A_363, %add3A_384 : i32
      %get3A_386 = arith.index_cast %add3A_385 : i32 to index
      %get3A_387 = arith.constant 48 : index
      %get3A_388 = tpu.vector_load %arg4[%get3A_386, %get3A_387] {strides = array<i32>} : memref<256x128xf32, #tpu.memory_space<vmem>>, vector<1x16xf32>,
      %get3A_389 = vector.shape_cast %get3A_388 : vector<1x16xf32> to vector<16xf32>
      %add3A_390 = arith.addf %scan3A_357, %get3A_389 : vector<16xf32>
      %add3A_391 = arith.constant 0 : i32
      %add3A_392 = arith.addi %mul3A_363, %add3A_391 : i32
      %get3A_393 = arith.index_cast %add3A_392 : i32 to index
      %get3A_394 = arith.constant 64 : index
      %get3A_395 = tpu.vector_load %arg4[%get3A_393, %get3A_394] {strides = array<i32>} : memref<256x128xf32, #tpu.memory_space<vmem>>, vector<1x16xf32>,
      %get3A_396 = vector.shape_cast %get3A_395 : vector<1x16xf32> to vector<16xf32>
      %add3A_397 = arith.addf %scan3A_358, %get3A_396 : vector<16xf32>
      %add3A_398 = arith.constant 0 : i32
      %add3A_399 = arith.addi %mul3A_363, %add3A_398 : i32
      %get3A_400 = arith.index_cast %add3A_399 : i32 to index
      %get3A_401 = arith.constant 80 : index
      %get3A_402 = tpu.vector_load %arg4[%get3A_400, %get3A_401] {strides = array<i32>} : memref<256x128xf32, #tpu.memory_space<vmem>>, vector<1x16xf32>,
      %get3A_403 = vector.shape_cast %get3A_402 : vector<1x16xf32> to vector<16xf32>
      %add3A_404 = arith.addf %scan3A_359, %get3A_403 : vector<16xf32>
      %add3A_405 = arith.constant 0 : i32
      %add3A_406 = arith.addi %mul3A_363, %add3A_405 : i32
      %get3A_407 = arith.index_cast %add3A_406 : i32 to index
      %get3A_408 = arith.constant 96 : index
      %get3A_409 = tpu.vector_load %arg4[%get3A_407, %get3A_408] {strides = array<i32>} : memref<256x128xf32, #tpu.memory_space<vmem>>, vector<1x16xf32>,
      %get3A_410 = vector.shape_cast %get3A_409 : vector<1x16xf32> to vector<16xf32>
      %add3A_411 = arith.addf %scan3A_360, %get3A_410 : vector<16xf32>
      %add3A_412 = arith.constant 0 : i32
      %add3A_413 = arith.addi %mul3A_363, %add3A_412 : i32
      %get3A_414 = arith.index_cast %add3A_413 : i32 to index
      %get3A_415 = arith.constant 112 : index
      %get3A_416 = tpu.vector_load %arg4[%get3A_414, %get3A_415] {strides = array<i32>} : memref<256x128xf32, #tpu.memory_space<vmem>>, vector<1x16xf32>,
      %get3A_417 = vector.shape_cast %get3A_416 : vector<1x16xf32> to vector<16xf32>
      %add3A_418 = arith.addf %scan3A_361, %get3A_417 : vector<16xf32>
      %add3A_419 = arith.constant 1 : i32
      %add3A_420 = arith.addi %mul3A_363, %add3A_419 : i32
      %get3A_421 = arith.index_cast %add3A_420 : i32 to index
      %get3A_422 = arith.constant 0 : index
      %get3A_423 = tpu.vector_load %arg4[%get3A_421, %get3A_422] {strides = array<i32>} : memref<256x128xf32, #tpu.memory_space<vmem>>, vector<1x16xf32>,
      %get3A_424 = vector.shape_cast %get3A_423 : vector<1x16xf32> to vector<16xf32>
      %add3A_425 = arith.addf %add3A_369, %get3A_424 : vector<16xf32>
      %add3A_426 = arith.constant 1 : i32
      %add3A_427 = arith.addi %mul3A_363, %add3A_426 : i32
      %get3A_428 = arith.index_cast %add3A_427 : i32 to index
      %get3A_429 = arith.constant 16 : index
      %get3A_430 = tpu.vector_load %arg4[%get3A_428, %get3A_429] {strides = array<i32>} : memref<256x128xf32, #tpu.memory_space<vmem>>, vector<1x16xf32>,
      %get3A_431 = vector.shape_cast %get3A_430 : vector<1x16xf32> to vector<16xf32>
      %add3A_432 = arith.addf %add3A_376, %get3A_431 : vector<16xf32>
      %add3A_433 = arith.constant 1 : i32
      %add3A_434 = arith.addi %mul3A_363, %add3A_433 : i32
      %get3A_435 = arith.index_cast %add3A_434 : i32 to index
      %get3A_436 = arith.constant 32 : index
      %get3A_437 = tpu.vector_load %arg4[%get3A_435, %get3A_436] {strides = array<i32>} : memref<256x128xf32, #tpu.memory_space<vmem>>, vector<1x16xf32>,
      %get3A_438 = vector.shape_cast %get3A_437 : vector<1x16xf32> to vector<16xf32>
      %add3A_439 = arith.addf %add3A_383, %get3A_438 : vector<16xf32>
      %add3A_440 = arith.constant 1 : i32
      %add3A_441 = arith.addi %mul3A_363, %add3A_440 : i32
      %get3A_442 = arith.index_cast %add3A_441 : i32 to index
      %get3A_443 = arith.constant 48 : index
      %get3A_444 = tpu.vector_load %arg4[%get3A_442, %get3A_443] {strides = array<i32>} : memref<256x128xf32, #tpu.memory_space<vmem>>, vector<1x16xf32>,
      %get3A_445 = vector.shape_cast %get3A_444 : vector<1x16xf32> to vector<16xf32>
      %add3A_446 = arith.addf %add3A_390, %get3A_445 : vector<16xf32>
      %add3A_447 = arith.constant 1 : i32
      %add3A_448 = arith.addi %mul3A_363, %add3A_447 : i32
      %get3A_449 = arith.index_cast %add3A_448 : i32 to index
      %get3A_450 = arith.constant 64 : index
      %get3A_451 = tpu.vector_load %arg4[%get3A_449, %get3A_450] {strides = array<i32>} : memref<256x128xf32, #tpu.memory_space<vmem>>, vector<1x16xf32>,
      %get3A_452 = vector.shape_cast %get3A_451 : vector<1x16xf32> to vector<16xf32>
      %add3A_453 = arith.addf %add3A_397, %get3A_452 : vector<16xf32>
      %add3A_454 = arith.constant 1 : i32
      %add3A_455 = arith.addi %mul3A_363, %add3A_454 : i32
      %get3A_456 = arith.index_cast %add3A_455 : i32 to index
      %get3A_457 = arith.constant 80 : index
      %get3A_458 = tpu.vector_load %arg4[%get3A_456, %get3A_457] {strides = array<i32>} : memref<256x128xf32, #tpu.memory_space<vmem>>, vector<1x16xf32>,
      %get3A_459 = vector.shape_cast %get3A_458 : vector<1x16xf32> to vector<16xf32>
      %add3A_460 = arith.addf %add3A_404, %get3A_459 : vector<16xf32>
      %add3A_461 = arith.constant 1 : i32
      %add3A_462 = arith.addi %mul3A_363, %add3A_461 : i32
      %get3A_463 = arith.index_cast %add3A_462 : i32 to index
      %get3A_464 = arith.constant 96 : index
      %get3A_465 = tpu.vector_load %arg4[%get3A_463, %get3A_464] {strides = array<i32>} : memref<256x128xf32, #tpu.memory_space<vmem>>, vector<1x16xf32>,
      %get3A_466 = vector.shape_cast %get3A_465 : vector<1x16xf32> to vector<16xf32>
      %add3A_467 = arith.addf %add3A_411, %get3A_466 : vector<16xf32>
      %add3A_468 = arith.constant 1 : i32
      %add3A_469 = arith.addi %mul3A_363, %add3A_468 : i32
      %get3A_470 = arith.index_cast %add3A_469 : i32 to index
      %get3A_471 = arith.constant 112 : index
      %get3A_472 = tpu.vector_load %arg4[%get3A_470, %get3A_471] {strides = array<i32>} : memref<256x128xf32, #tpu.memory_space<vmem>>, vector<1x16xf32>,
      %get3A_473 = vector.shape_cast %get3A_472 : vector<1x16xf32> to vector<16xf32>
      %add3A_474 = arith.addf %add3A_418, %get3A_473 : vector<16xf32>
      %add3A_475 = arith.constant 2 : i32
      %add3A_476 = arith.addi %mul3A_363, %add3A_475 : i32
      %get3A_477 = arith.index_cast %add3A_476 : i32 to index
      %get3A_478 = arith.constant 0 : index
      %get3A_479 = tpu.vector_load %arg4[%get3A_477, %get3A_478] {strides = array<i32>} : memref<256x128xf32, #tpu.memory_space<vmem>>, vector<1x16xf32>,
      %get3A_480 = vector.shape_cast %get3A_479 : vector<1x16xf32> to vector<16xf32>
      %add3A_481 = arith.addf %add3A_425, %get3A_480 : vector<16xf32>
      %add3A_482 = arith.constant 2 : i32
      %add3A_483 = arith.addi %mul3A_363, %add3A_482 : i32
      %get3A_484 = arith.index_cast %add3A_483 : i32 to index
      %get3A_485 = arith.constant 16 : index
      %get3A_486 = tpu.vector_load %arg4[%get3A_484, %get3A_485] {strides = array<i32>} : memref<256x128xf32, #tpu.memory_space<vmem>>, vector<1x16xf32>,
      %get3A_487 = vector.shape_cast %get3A_486 : vector<1x16xf32> to vector<16xf32>
      %add3A_488 = arith.addf %add3A_432, %get3A_487 : vector<16xf32>
      %add3A_489 = arith.constant 2 : i32
      %add3A_490 = arith.addi %mul3A_363, %add3A_489 : i32
      %get3A_491 = arith.index_cast %add3A_490 : i32 to index
      %get3A_492 = arith.constant 32 : index
      %get3A_493 = tpu.vector_load %arg4[%get3A_491, %get3A_492] {strides = array<i32>} : memref<256x128xf32, #tpu.memory_space<vmem>>, vector<1x16xf32>,
      %get3A_494 = vector.shape_cast %get3A_493 : vector<1x16xf32> to vector<16xf32>
      %add3A_495 = arith.addf %add3A_439, %get3A_494 : vector<16xf32>
      %add3A_496 = arith.constant 2 : i32
      %add3A_497 = arith.addi %mul3A_363, %add3A_496 : i32
      %get3A_498 = arith.index_cast %add3A_497 : i32 to index
      %get3A_499 = arith.constant 48 : index
      %get3A_500 = tpu.vector_load %arg4[%get3A_498, %get3A_499] {strides = array<i32>} : memref<256x128xf32, #tpu.memory_space<vmem>>, vector<1x16xf32>,
      %get3A_501 = vector.shape_cast %get3A_500 : vector<1x16xf32> to vector<16xf32>
      %add3A_502 = arith.addf %add3A_446, %get3A_501 : vector<16xf32>
      %add3A_503 = arith.constant 2 : i32
      %add3A_504 = arith.addi %mul3A_363, %add3A_503 : i32
      %get3A_505 = arith.index_cast %add3A_504 : i32 to index
      %get3A_506 = arith.constant 64 : index
      %get3A_507 = tpu.vector_load %arg4[%get3A_505, %get3A_506] {strides = array<i32>} : memref<256x128xf32, #tpu.memory_space<vmem>>, vector<1x16xf32>,
      %get3A_508 = vector.shape_cast %get3A_507 : vector<1x16xf32> to vector<16xf32>
      %add3A_509 = arith.addf %add3A_453, %get3A_508 : vector<16xf32>
      %add3A_510 = arith.constant 2 : i32
      %add3A_511 = arith.addi %mul3A_363, %add3A_510 : i32
      %get3A_512 = arith.index_cast %add3A_511 : i32 to index
      %get3A_513 = arith.constant 80 : index
      %get3A_514 = tpu.vector_load %arg4[%get3A_512, %get3A_513] {strides = array<i32>} : memref<256x128xf32, #tpu.memory_space<vmem>>, vector<1x16xf32>,
      %get3A_515 = vector.shape_cast %get3A_514 : vector<1x16xf32> to vector<16xf32>
      %add3A_516 = arith.addf %add3A_460, %get3A_515 : vector<16xf32>
      %add3A_517 = arith.constant 2 : i32
      %add3A_518 = arith.addi %mul3A_363, %add3A_517 : i32
      %get3A_519 = arith.index_cast %add3A_518 : i32 to index
      %get3A_520 = arith.constant 96 : index
      %get3A_521 = tpu.vector_load %arg4[%get3A_519, %get3A_520] {strides = array<i32>} : memref<256x128xf32, #tpu.memory_space<vmem>>, vector<1x16xf32>,
      %get3A_522 = vector.shape_cast %get3A_521 : vector<1x16xf32> to vector<16xf32>
      %add3A_523 = arith.addf %add3A_467, %get3A_522 : vector<16xf32>
      %add3A_524 = arith.constant 2 : i32
      %add3A_525 = arith.addi %mul3A_363, %add3A_524 : i32
      %get3A_526 = arith.index_cast %add3A_525 : i32 to index
      %get3A_527 = arith.constant 112 : index
      %get3A_528 = tpu.vector_load %arg4[%get3A_526, %get3A_527] {strides = array<i32>} : memref<256x128xf32, #tpu.memory_space<vmem>>, vector<1x16xf32>,
      %get3A_529 = vector.shape_cast %get3A_528 : vector<1x16xf32> to vector<16xf32>
      %add3A_530 = arith.addf %add3A_474, %get3A_529 : vector<16xf32>
      %add3A_531 = arith.constant 3 : i32
      %add3A_532 = arith.addi %mul3A_363, %add3A_531 : i32
      %get3A_533 = arith.index_cast %add3A_532 : i32 to index
      %get3A_534 = arith.constant 0 : index
      %get3A_535 = tpu.vector_load %arg4[%get3A_533, %get3A_534] {strides = array<i32>} : memref<256x128xf32, #tpu.memory_space<vmem>>, vector<1x16xf32>,
      %get3A_536 = vector.shape_cast %get3A_535 : vector<1x16xf32> to vector<16xf32>
      %add3A_537 = arith.addf %add3A_481, %get3A_536 : vector<16xf32>
      %add3A_538 = arith.constant 3 : i32
      %add3A_539 = arith.addi %mul3A_363, %add3A_538 : i32
      %get3A_540 = arith.index_cast %add3A_539 : i32 to index
      %get3A_541 = arith.constant 16 : index
      %get3A_542 = tpu.vector_load %arg4[%get3A_540, %get3A_541] {strides = array<i32>} : memref<256x128xf32, #tpu.memory_space<vmem>>, vector<1x16xf32>,
      %get3A_543 = vector.shape_cast %get3A_542 : vector<1x16xf32> to vector<16xf32>
      %add3A_544 = arith.addf %add3A_488, %get3A_543 : vector<16xf32>
      %add3A_545 = arith.constant 3 : i32
      %add3A_546 = arith.addi %mul3A_363, %add3A_545 : i32
      %get3A_547 = arith.index_cast %add3A_546 : i32 to index
      %get3A_548 = arith.constant 32 : index
      %get3A_549 = tpu.vector_load %arg4[%get3A_547, %get3A_548] {strides = array<i32>} : memref<256x128xf32, #tpu.memory_space<vmem>>, vector<1x16xf32>,
      %get3A_550 = vector.shape_cast %get3A_549 : vector<1x16xf32> to vector<16xf32>
      %add3A_551 = arith.addf %add3A_495, %get3A_550 : vector<16xf32>
      %add3A_552 = arith.constant 3 : i32
      %add3A_553 = arith.addi %mul3A_363, %add3A_552 : i32
      %get3A_554 = arith.index_cast %add3A_553 : i32 to index
      %get3A_555 = arith.constant 48 : index
      %get3A_556 = tpu.vector_load %arg4[%get3A_554, %get3A_555] {strides = array<i32>} : memref<256x128xf32, #tpu.memory_space<vmem>>, vector<1x16xf32>,
      %get3A_557 = vector.shape_cast %get3A_556 : vector<1x16xf32> to vector<16xf32>
      %add3A_558 = arith.addf %add3A_502, %get3A_557 : vector<16xf32>
      %add3A_559 = arith.constant 3 : i32
      %add3A_560 = arith.addi %mul3A_363, %add3A_559 : i32
      %get3A_561 = arith.index_cast %add3A_560 : i32 to index
      %get3A_562 = arith.constant 64 : index
      %get3A_563 = tpu.vector_load %arg4[%get3A_561, %get3A_562] {strides = array<i32>} : memref<256x128xf32, #tpu.memory_space<vmem>>, vector<1x16xf32>,
      %get3A_564 = vector.shape_cast %get3A_563 : vector<1x16xf32> to vector<16xf32>
      %add3A_565 = arith.addf %add3A_509, %get3A_564 : vector<16xf32>
      %add3A_566 = arith.constant 3 : i32
      %add3A_567 = arith.addi %mul3A_363, %add3A_566 : i32
      %get3A_568 = arith.index_cast %add3A_567 : i32 to index
      %get3A_569 = arith.constant 80 : index
      %get3A_570 = tpu.vector_load %arg4[%get3A_568, %get3A_569] {strides = array<i32>} : memref<256x128xf32, #tpu.memory_space<vmem>>, vector<1x16xf32>,
      %get3A_571 = vector.shape_cast %get3A_570 : vector<1x16xf32> to vector<16xf32>
      %add3A_572 = arith.addf %add3A_516, %get3A_571 : vector<16xf32>
      %add3A_573 = arith.constant 3 : i32
      %add3A_574 = arith.addi %mul3A_363, %add3A_573 : i32
      %get3A_575 = arith.index_cast %add3A_574 : i32 to index
      %get3A_576 = arith.constant 96 : index
      %get3A_577 = tpu.vector_load %arg4[%get3A_575, %get3A_576] {strides = array<i32>} : memref<256x128xf32, #tpu.memory_space<vmem>>, vector<1x16xf32>,
      %get3A_578 = vector.shape_cast %get3A_577 : vector<1x16xf32> to vector<16xf32>
      %add3A_579 = arith.addf %add3A_523, %get3A_578 : vector<16xf32>
      %add3A_580 = arith.constant 3 : i32
      %add3A_581 = arith.addi %mul3A_363, %add3A_580 : i32
      %get3A_582 = arith.index_cast %add3A_581 : i32 to index
      %get3A_583 = arith.constant 112 : index
      %get3A_584 = tpu.vector_load %arg4[%get3A_582, %get3A_583] {strides = array<i32>} : memref<256x128xf32, #tpu.memory_space<vmem>>, vector<1x16xf32>,
      %get3A_585 = vector.shape_cast %get3A_584 : vector<1x16xf32> to vector<16xf32>
      %add3A_586 = arith.addf %add3A_530, %get3A_585 : vector<16xf32>
      %add3A_587 = arith.constant 4 : i32
      %add3A_588 = arith.addi %mul3A_363, %add3A_587 : i32
      %get3A_589 = arith.index_cast %add3A_588 : i32 to index
      %get3A_590 = arith.constant 0 : index
      %get3A_591 = tpu.vector_load %arg4[%get3A_589, %get3A_590] {strides = array<i32>} : memref<256x128xf32, #tpu.memory_space<vmem>>, vector<1x16xf32>,
      %get3A_592 = vector.shape_cast %get3A_591 : vector<1x16xf32> to vector<16xf32>
      %add3A_593 = arith.addf %add3A_537, %get3A_592 : vector<16xf32>
      %add3A_594 = arith.constant 4 : i32
      %add3A_595 = arith.addi %mul3A_363, %add3A_594 : i32
      %get3A_596 = arith.index_cast %add3A_595 : i32 to index
      %get3A_597 = arith.constant 16 : index
      %get3A_598 = tpu.vector_load %arg4[%get3A_596, %get3A_597] {strides = array<i32>} : memref<256x128xf32, #tpu.memory_space<vmem>>, vector<1x16xf32>,
      %get3A_599 = vector.shape_cast %get3A_598 : vector<1x16xf32> to vector<16xf32>
      %add3A_600 = arith.addf %add3A_544, %get3A_599 : vector<16xf32>
      %add3A_601 = arith.constant 4 : i32
      %add3A_602 = arith.addi %mul3A_363, %add3A_601 : i32
      %get3A_603 = arith.index_cast %add3A_602 : i32 to index
      %get3A_604 = arith.constant 32 : index
      %get3A_605 = tpu.vector_load %arg4[%get3A_603, %get3A_604] {strides = array<i32>} : memref<256x128xf32, #tpu.memory_space<vmem>>, vector<1x16xf32>,
      %get3A_606 = vector.shape_cast %get3A_605 : vector<1x16xf32> to vector<16xf32>
      %add3A_607 = arith.addf %add3A_551, %get3A_606 : vector<16xf32>
      %add3A_608 = arith.constant 4 : i32
      %add3A_609 = arith.addi %mul3A_363, %add3A_608 : i32
      %get3A_610 = arith.index_cast %add3A_609 : i32 to index
      %get3A_611 = arith.constant 48 : index
      %get3A_612 = tpu.vector_load %arg4[%get3A_610, %get3A_611] {strides = array<i32>} : memref<256x128xf32, #tpu.memory_space<vmem>>, vector<1x16xf32>,
      %get3A_613 = vector.shape_cast %get3A_612 : vector<1x16xf32> to vector<16xf32>
      %add3A_614 = arith.addf %add3A_558, %get3A_613 : vector<16xf32>
      %add3A_615 = arith.constant 4 : i32
      %add3A_616 = arith.addi %mul3A_363, %add3A_615 : i32
      %get3A_617 = arith.index_cast %add3A_616 : i32 to index
      %get3A_618 = arith.constant 64 : index
      %get3A_619 = tpu.vector_load %arg4[%get3A_617, %get3A_618] {strides = array<i32>} : memref<256x128xf32, #tpu.memory_space<vmem>>, vector<1x16xf32>,
      %get3A_620 = vector.shape_cast %get3A_619 : vector<1x16xf32> to vector<16xf32>
      %add3A_621 = arith.addf %add3A_565, %get3A_620 : vector<16xf32>
      %add3A_622 = arith.constant 4 : i32
      %add3A_623 = arith.addi %mul3A_363, %add3A_622 : i32
      %get3A_624 = arith.index_cast %add3A_623 : i32 to index
      %get3A_625 = arith.constant 80 : index
      %get3A_626 = tpu.vector_load %arg4[%get3A_624, %get3A_625] {strides = array<i32>} : memref<256x128xf32, #tpu.memory_space<vmem>>, vector<1x16xf32>,
      %get3A_627 = vector.shape_cast %get3A_626 : vector<1x16xf32> to vector<16xf32>
      %add3A_628 = arith.addf %add3A_572, %get3A_627 : vector<16xf32>
      %add3A_629 = arith.constant 4 : i32
      %add3A_630 = arith.addi %mul3A_363, %add3A_629 : i32
      %get3A_631 = arith.index_cast %add3A_630 : i32 to index
      %get3A_632 = arith.constant 96 : index
      %get3A_633 = tpu.vector_load %arg4[%get3A_631, %get3A_632] {strides = array<i32>} : memref<256x128xf32, #tpu.memory_space<vmem>>, vector<1x16xf32>,
      %get3A_634 = vector.shape_cast %get3A_633 : vector<1x16xf32> to vector<16xf32>
      %add3A_635 = arith.addf %add3A_579, %get3A_634 : vector<16xf32>
      %add3A_636 = arith.constant 4 : i32
      %add3A_637 = arith.addi %mul3A_363, %add3A_636 : i32
      %get3A_638 = arith.index_cast %add3A_637 : i32 to index
      %get3A_639 = arith.constant 112 : index
      %get3A_640 = tpu.vector_load %arg4[%get3A_638, %get3A_639] {strides = array<i32>} : memref<256x128xf32, #tpu.memory_space<vmem>>, vector<1x16xf32>,
      %get3A_641 = vector.shape_cast %get3A_640 : vector<1x16xf32> to vector<16xf32>
      %add3A_642 = arith.addf %add3A_586, %get3A_641 : vector<16xf32>
      %add3A_643 = arith.constant 5 : i32
      %add3A_644 = arith.addi %mul3A_363, %add3A_643 : i32
      %get3A_645 = arith.index_cast %add3A_644 : i32 to index
      %get3A_646 = arith.constant 0 : index
      %get3A_647 = tpu.vector_load %arg4[%get3A_645, %get3A_646] {strides = array<i32>} : memref<256x128xf32, #tpu.memory_space<vmem>>, vector<1x16xf32>,
      %get3A_648 = vector.shape_cast %get3A_647 : vector<1x16xf32> to vector<16xf32>
      %add3A_649 = arith.addf %add3A_593, %get3A_648 : vector<16xf32>
      %add3A_650 = arith.constant 5 : i32
      %add3A_651 = arith.addi %mul3A_363, %add3A_650 : i32
      %get3A_652 = arith.index_cast %add3A_651 : i32 to index
      %get3A_653 = arith.constant 16 : index
      %get3A_654 = tpu.vector_load %arg4[%get3A_652, %get3A_653] {strides = array<i32>} : memref<256x128xf32, #tpu.memory_space<vmem>>, vector<1x16xf32>,
      %get3A_655 = vector.shape_cast %get3A_654 : vector<1x16xf32> to vector<16xf32>
      %add3A_656 = arith.addf %add3A_600, %get3A_655 : vector<16xf32>
      %add3A_657 = arith.constant 5 : i32
      %add3A_658 = arith.addi %mul3A_363, %add3A_657 : i32
      %get3A_659 = arith.index_cast %add3A_658 : i32 to index
      %get3A_660 = arith.constant 32 : index
      %get3A_661 = tpu.vector_load %arg4[%get3A_659, %get3A_660] {strides = array<i32>} : memref<256x128xf32, #tpu.memory_space<vmem>>, vector<1x16xf32>,
      %get3A_662 = vector.shape_cast %get3A_661 : vector<1x16xf32> to vector<16xf32>
      %add3A_663 = arith.addf %add3A_607, %get3A_662 : vector<16xf32>
      %add3A_664 = arith.constant 5 : i32
      %add3A_665 = arith.addi %mul3A_363, %add3A_664 : i32
      %get3A_666 = arith.index_cast %add3A_665 : i32 to index
      %get3A_667 = arith.constant 48 : index
      %get3A_668 = tpu.vector_load %arg4[%get3A_666, %get3A_667] {strides = array<i32>} : memref<256x128xf32, #tpu.memory_space<vmem>>, vector<1x16xf32>,
      %get3A_669 = vector.shape_cast %get3A_668 : vector<1x16xf32> to vector<16xf32>
      %add3A_670 = arith.addf %add3A_614, %get3A_669 : vector<16xf32>
      %add3A_671 = arith.constant 5 : i32
      %add3A_672 = arith.addi %mul3A_363, %add3A_671 : i32
      %get3A_673 = arith.index_cast %add3A_672 : i32 to index
      %get3A_674 = arith.constant 64 : index
      %get3A_675 = tpu.vector_load %arg4[%get3A_673, %get3A_674] {strides = array<i32>} : memref<256x128xf32, #tpu.memory_space<vmem>>, vector<1x16xf32>,
      %get3A_676 = vector.shape_cast %get3A_675 : vector<1x16xf32> to vector<16xf32>
      %add3A_677 = arith.addf %add3A_621, %get3A_676 : vector<16xf32>
      %add3A_678 = arith.constant 5 : i32
      %add3A_679 = arith.addi %mul3A_363, %add3A_678 : i32
      %get3A_680 = arith.index_cast %add3A_679 : i32 to index
      %get3A_681 = arith.constant 80 : index
      %get3A_682 = tpu.vector_load %arg4[%get3A_680, %get3A_681] {strides = array<i32>} : memref<256x128xf32, #tpu.memory_space<vmem>>, vector<1x16xf32>,
      %get3A_683 = vector.shape_cast %get3A_682 : vector<1x16xf32> to vector<16xf32>
      %add3A_684 = arith.addf %add3A_628, %get3A_683 : vector<16xf32>
      %add3A_685 = arith.constant 5 : i32
      %add3A_686 = arith.addi %mul3A_363, %add3A_685 : i32
      %get3A_687 = arith.index_cast %add3A_686 : i32 to index
      %get3A_688 = arith.constant 96 : index
      %get3A_689 = tpu.vector_load %arg4[%get3A_687, %get3A_688] {strides = array<i32>} : memref<256x128xf32, #tpu.memory_space<vmem>>, vector<1x16xf32>,
      %get3A_690 = vector.shape_cast %get3A_689 : vector<1x16xf32> to vector<16xf32>
      %add3A_691 = arith.addf %add3A_635, %get3A_690 : vector<16xf32>
      %add3A_692 = arith.constant 5 : i32
      %add3A_693 = arith.addi %mul3A_363, %add3A_692 : i32
      %get3A_694 = arith.index_cast %add3A_693 : i32 to index
      %get3A_695 = arith.constant 112 : index
      %get3A_696 = tpu.vector_load %arg4[%get3A_694, %get3A_695] {strides = array<i32>} : memref<256x128xf32, #tpu.memory_space<vmem>>, vector<1x16xf32>,
      %get3A_697 = vector.shape_cast %get3A_696 : vector<1x16xf32> to vector<16xf32>
      %add3A_698 = arith.addf %add3A_642, %get3A_697 : vector<16xf32>
      %add3A_699 = arith.constant 6 : i32
      %add3A_700 = arith.addi %mul3A_363, %add3A_699 : i32
      %get3A_701 = arith.index_cast %add3A_700 : i32 to index
      %get3A_702 = arith.constant 0 : index
      %get3A_703 = tpu.vector_load %arg4[%get3A_701, %get3A_702] {strides = array<i32>} : memref<256x128xf32, #tpu.memory_space<vmem>>, vector<1x16xf32>,
      %get3A_704 = vector.shape_cast %get3A_703 : vector<1x16xf32> to vector<16xf32>
      %add3A_705 = arith.addf %add3A_649, %get3A_704 : vector<16xf32>
      %add3A_706 = arith.constant 6 : i32
      %add3A_707 = arith.addi %mul3A_363, %add3A_706 : i32
      %get3A_708 = arith.index_cast %add3A_707 : i32 to index
      %get3A_709 = arith.constant 16 : index
      %get3A_710 = tpu.vector_load %arg4[%get3A_708, %get3A_709] {strides = array<i32>} : memref<256x128xf32, #tpu.memory_space<vmem>>, vector<1x16xf32>,
      %get3A_711 = vector.shape_cast %get3A_710 : vector<1x16xf32> to vector<16xf32>
      %add3A_712 = arith.addf %add3A_656, %get3A_711 : vector<16xf32>
      %add3A_713 = arith.constant 6 : i32
      %add3A_714 = arith.addi %mul3A_363, %add3A_713 : i32
      %get3A_715 = arith.index_cast %add3A_714 : i32 to index
      %get3A_716 = arith.constant 32 : index
      %get3A_717 = tpu.vector_load %arg4[%get3A_715, %get3A_716] {strides = array<i32>} : memref<256x128xf32, #tpu.memory_space<vmem>>, vector<1x16xf32>,
      %get3A_718 = vector.shape_cast %get3A_717 : vector<1x16xf32> to vector<16xf32>
      %add3A_719 = arith.addf %add3A_663, %get3A_718 : vector<16xf32>
      %add3A_720 = arith.constant 6 : i32
      %add3A_721 = arith.addi %mul3A_363, %add3A_720 : i32
      %get3A_722 = arith.index_cast %add3A_721 : i32 to index
      %get3A_723 = arith.constant 48 : index
      %get3A_724 = tpu.vector_load %arg4[%get3A_722, %get3A_723] {strides = array<i32>} : memref<256x128xf32, #tpu.memory_space<vmem>>, vector<1x16xf32>,
      %get3A_725 = vector.shape_cast %get3A_724 : vector<1x16xf32> to vector<16xf32>
      %add3A_726 = arith.addf %add3A_670, %get3A_725 : vector<16xf32>
      %add3A_727 = arith.constant 6 : i32
      %add3A_728 = arith.addi %mul3A_363, %add3A_727 : i32
      %get3A_729 = arith.index_cast %add3A_728 : i32 to index
      %get3A_730 = arith.constant 64 : index
      %get3A_731 = tpu.vector_load %arg4[%get3A_729, %get3A_730] {strides = array<i32>} : memref<256x128xf32, #tpu.memory_space<vmem>>, vector<1x16xf32>,
      %get3A_732 = vector.shape_cast %get3A_731 : vector<1x16xf32> to vector<16xf32>
      %add3A_733 = arith.addf %add3A_677, %get3A_732 : vector<16xf32>
      %add3A_734 = arith.constant 6 : i32
      %add3A_735 = arith.addi %mul3A_363, %add3A_734 : i32
      %get3A_736 = arith.index_cast %add3A_735 : i32 to index
      %get3A_737 = arith.constant 80 : index
      %get3A_738 = tpu.vector_load %arg4[%get3A_736, %get3A_737] {strides = array<i32>} : memref<256x128xf32, #tpu.memory_space<vmem>>, vector<1x16xf32>,
      %get3A_739 = vector.shape_cast %get3A_738 : vector<1x16xf32> to vector<16xf32>
      %add3A_740 = arith.addf %add3A_684, %get3A_739 : vector<16xf32>
      %add3A_741 = arith.constant 6 : i32
      %add3A_742 = arith.addi %mul3A_363, %add3A_741 : i32
      %get3A_743 = arith.index_cast %add3A_742 : i32 to index
      %get3A_744 = arith.constant 96 : index
      %get3A_745 = tpu.vector_load %arg4[%get3A_743, %get3A_744] {strides = array<i32>} : memref<256x128xf32, #tpu.memory_space<vmem>>, vector<1x16xf32>,
      %get3A_746 = vector.shape_cast %get3A_745 : vector<1x16xf32> to vector<16xf32>
      %add3A_747 = arith.addf %add3A_691, %get3A_746 : vector<16xf32>
      %add3A_748 = arith.constant 6 : i32
      %add3A_749 = arith.addi %mul3A_363, %add3A_748 : i32
      %get3A_750 = arith.index_cast %add3A_749 : i32 to index
      %get3A_751 = arith.constant 112 : index
      %get3A_752 = tpu.vector_load %arg4[%get3A_750, %get3A_751] {strides = array<i32>} : memref<256x128xf32, #tpu.memory_space<vmem>>, vector<1x16xf32>,
      %get3A_753 = vector.shape_cast %get3A_752 : vector<1x16xf32> to vector<16xf32>
      %add3A_754 = arith.addf %add3A_698, %get3A_753 : vector<16xf32>
      %add3A_755 = arith.constant 7 : i32
      %add3A_756 = arith.addi %mul3A_363, %add3A_755 : i32
      %get3A_757 = arith.index_cast %add3A_756 : i32 to index
      %get3A_758 = arith.constant 0 : index
      %get3A_759 = tpu.vector_load %arg4[%get3A_757, %get3A_758] {strides = array<i32>} : memref<256x128xf32, #tpu.memory_space<vmem>>, vector<1x16xf32>,
      %get3A_760 = vector.shape_cast %get3A_759 : vector<1x16xf32> to vector<16xf32>
      %add3A_761 = arith.addf %add3A_705, %get3A_760 : vector<16xf32>
      %add3A_762 = arith.constant 7 : i32
      %add3A_763 = arith.addi %mul3A_363, %add3A_762 : i32
      %get3A_764 = arith.index_cast %add3A_763 : i32 to index
      %get3A_765 = arith.constant 16 : index
      %get3A_766 = tpu.vector_load %arg4[%get3A_764, %get3A_765] {strides = array<i32>} : memref<256x128xf32, #tpu.memory_space<vmem>>, vector<1x16xf32>,
      %get3A_767 = vector.shape_cast %get3A_766 : vector<1x16xf32> to vector<16xf32>
      %add3A_768 = arith.addf %add3A_712, %get3A_767 : vector<16xf32>
      %add3A_769 = arith.constant 7 : i32
      %add3A_770 = arith.addi %mul3A_363, %add3A_769 : i32
      %get3A_771 = arith.index_cast %add3A_770 : i32 to index
      %get3A_772 = arith.constant 32 : index
      %get3A_773 = tpu.vector_load %arg4[%get3A_771, %get3A_772] {strides = array<i32>} : memref<256x128xf32, #tpu.memory_space<vmem>>, vector<1x16xf32>,
      %get3A_774 = vector.shape_cast %get3A_773 : vector<1x16xf32> to vector<16xf32>
      %add3A_775 = arith.addf %add3A_719, %get3A_774 : vector<16xf32>
      %add3A_776 = arith.constant 7 : i32
      %add3A_777 = arith.addi %mul3A_363, %add3A_776 : i32
      %get3A_778 = arith.index_cast %add3A_777 : i32 to index
      %get3A_779 = arith.constant 48 : index
      %get3A_780 = tpu.vector_load %arg4[%get3A_778, %get3A_779] {strides = array<i32>} : memref<256x128xf32, #tpu.memory_space<vmem>>, vector<1x16xf32>,
      %get3A_781 = vector.shape_cast %get3A_780 : vector<1x16xf32> to vector<16xf32>
      %add3A_782 = arith.addf %add3A_726, %get3A_781 : vector<16xf32>
      %add3A_783 = arith.constant 7 : i32
      %add3A_784 = arith.addi %mul3A_363, %add3A_783 : i32
      %get3A_785 = arith.index_cast %add3A_784 : i32 to index
      %get3A_786 = arith.constant 64 : index
      %get3A_787 = tpu.vector_load %arg4[%get3A_785, %get3A_786] {strides = array<i32>} : memref<256x128xf32, #tpu.memory_space<vmem>>, vector<1x16xf32>,
      %get3A_788 = vector.shape_cast %get3A_787 : vector<1x16xf32> to vector<16xf32>
      %add3A_789 = arith.addf %add3A_733, %get3A_788 : vector<16xf32>
      %add3A_790 = arith.constant 7 : i32
      %add3A_791 = arith.addi %mul3A_363, %add3A_790 : i32
      %get3A_792 = arith.index_cast %add3A_791 : i32 to index
      %get3A_793 = arith.constant 80 : index
      %get3A_794 = tpu.vector_load %arg4[%get3A_792, %get3A_793] {strides = array<i32>} : memref<256x128xf32, #tpu.memory_space<vmem>>, vector<1x16xf32>,
      %get3A_795 = vector.shape_cast %get3A_794 : vector<1x16xf32> to vector<16xf32>
      %add3A_796 = arith.addf %add3A_740, %get3A_795 : vector<16xf32>
      %add3A_797 = arith.constant 7 : i32
      %add3A_798 = arith.addi %mul3A_363, %add3A_797 : i32
      %get3A_799 = arith.index_cast %add3A_798 : i32 to index
      %get3A_800 = arith.constant 96 : index
      %get3A_801 = tpu.vector_load %arg4[%get3A_799, %get3A_800] {strides = array<i32>} : memref<256x128xf32, #tpu.memory_space<vmem>>, vector<1x16xf32>,
      %get3A_802 = vector.shape_cast %get3A_801 : vector<1x16xf32> to vector<16xf32>
      %add3A_803 = arith.addf %add3A_747, %get3A_802 : vector<16xf32>
      %add3A_804 = arith.constant 7 : i32
      %add3A_805 = arith.addi %mul3A_363, %add3A_804 : i32
      %get3A_806 = arith.index_cast %add3A_805 : i32 to index
      %get3A_807 = arith.constant 112 : index
      %get3A_808 = tpu.vector_load %arg4[%get3A_806, %get3A_807] {strides = array<i32>} : memref<256x128xf32, #tpu.memory_space<vmem>>, vector<1x16xf32>,
      %get3A_809 = vector.shape_cast %get3A_808 : vector<1x16xf32> to vector<16xf32>
      %add3A_810 = arith.addf %add3A_754, %get3A_809 : vector<16xf32>
      scf.yield %add3A_761, %add3A_768, %add3A_775, %add3A_782, %add3A_789, %add3A_796, %add3A_803, %add3A_810 : vector<16xf32>, vector<16xf32>, vector<16xf32>, vector<16xf32>, vector<16xf32>, vector<16xf32>, vector<16xf32>, vector<16xf32>
    }
    %scan3A_128 = arith.constant 32 : i32
    %dma_wait3A_129 = arith.constant 1 : i32
    %dma_wait3A_130 = arith.constant 7936 : i32
    %dma_wait3A_131 = tpu.memref_slice %arg2[%dma_wait3A_129, %dma_wait3A_130, %mul3A_2] : memref<4x8192x4096xf32, #tpu.memory_space<hbm>> -> memref<1x256x128xf32, #tpu.memory_space<hbm>>
    %dma_wait3A_132 = tpu.memref_squeeze %dma_wait3A_131 : memref<1x256x128xf32, #tpu.memory_space<hbm>> -> memref<256x128xf32, #tpu.memory_space<hbm>>
    %dma_wait3A_133 = arith.constant 7936 : i32
    %dma_wait3A_134 = tpu.memref_slice %arg2[%dma_wait3A_129, %dma_wait3A_133, %mul3A_2] : memref<4x8192x4096xf32, #tpu.memory_space<hbm>> -> memref<1x256x128xf32, #tpu.memory_space<hbm>>
    %dma_wait3A_135 = tpu.memref_squeeze %dma_wait3A_134 : memref<1x256x128xf32, #tpu.memory_space<hbm>> -> memref<256x128xf32, #tpu.memory_space<hbm>>
    tpu.wait_dma2 semaphore(%arg8 : memref<!tpu.dma_semaphore, #tpu.memory_space<semaphore_mem>>) src(%dma_wait3A_135 : memref<256x128xf32, #tpu.memory_space<hbm>>) dst(%arg5 : memref<256x128xf32, #tpu.memory_space<vmem>>)
    %scan3A_136 = arith.constant 0 : i32
    %scan3A_137 = arith.constant 32 : i32
    %scan3A_138 = arith.addi %scan3A_136, %scan3A_137 : i32
    %scan3A_139 = arith.constant 1 : i32
    %scan3A_140:8 = scf.for %scan3A_353 = %scan3A_136 to %scan3A_138 step %scan3A_139 iter_args(%scan3A_354 = %scan3A_127#0, %scan3A_355 = %scan3A_127#1, %scan3A_356 = %scan3A_127#2, %scan3A_357 = %scan3A_127#3, %scan3A_358 = %scan3A_127#4, %scan3A_359 = %scan3A_127#5, %scan3A_360 = %scan3A_127#6, %scan3A_361 = %scan3A_127#7) -> (vector<16xf32>, vector<16xf32>, vector<16xf32>, vector<16xf32>, vector<16xf32>, vector<16xf32>, vector<16xf32>, vector<16xf32>)  : i32 {
      %mul3A_362 = arith.constant 8 : i32
      %mul3A_363 = arith.muli %scan3A_353, %mul3A_362 : i32
      %add3A_364 = arith.constant 0 : i32
      %add3A_365 = arith.addi %mul3A_363, %add3A_364 : i32
      %get3A = arith.index_cast %add3A_365 : i32 to index
      %get3A_366 = arith.constant 0 : index
      %get3A_367 = tpu.vector_load %arg5[%get3A, %get3A_366] {strides = array<i32>} : memref<256x128xf32, #tpu.memory_space<vmem>>, vector<1x16xf32>,
      %get3A_368 = vector.shape_cast %get3A_367 : vector<1x16xf32> to vector<16xf32>
      %add3A_369 = arith.addf %scan3A_354, %get3A_368 : vector<16xf32>
      %add3A_370 = arith.constant 0 : i32
      %add3A_371 = arith.addi %mul3A_363, %add3A_370 : i32
      %get3A_372 = arith.index_cast %add3A_371 : i32 to index
      %get3A_373 = arith.constant 16 : index
      %get3A_374 = tpu.vector_load %arg5[%get3A_372, %get3A_373] {strides = array<i32>} : memref<256x128xf32, #tpu.memory_space<vmem>>, vector<1x16xf32>,
      %get3A_375 = vector.shape_cast %get3A_374 : vector<1x16xf32> to vector<16xf32>
      %add3A_376 = arith.addf %scan3A_355, %get3A_375 : vector<16xf32>
      %add3A_377 = arith.constant 0 : i32
      %add3A_378 = arith.addi %mul3A_363, %add3A_377 : i32
      %get3A_379 = arith.index_cast %add3A_378 : i32 to index
      %get3A_380 = arith.constant 32 : index
      %get3A_381 = tpu.vector_load %arg5[%get3A_379, %get3A_380] {strides = array<i32>} : memref<256x128xf32, #tpu.memory_space<vmem>>, vector<1x16xf32>,
      %get3A_382 = vector.shape_cast %get3A_381 : vector<1x16xf32> to vector<16xf32>
      %add3A_383 = arith.addf %scan3A_356, %get3A_382 : vector<16xf32>
      %add3A_384 = arith.constant 0 : i32
      %add3A_385 = arith.addi %mul3A_363, %add3A_384 : i32
      %get3A_386 = arith.index_cast %add3A_385 : i32 to index
      %get3A_387 = arith.constant 48 : index
      %get3A_388 = tpu.vector_load %arg5[%get3A_386, %get3A_387] {strides = array<i32>} : memref<256x128xf32, #tpu.memory_space<vmem>>, vector<1x16xf32>,
      %get3A_389 = vector.shape_cast %get3A_388 : vector<1x16xf32> to vector<16xf32>
      %add3A_390 = arith.addf %scan3A_357, %get3A_389 : vector<16xf32>
      %add3A_391 = arith.constant 0 : i32
      %add3A_392 = arith.addi %mul3A_363, %add3A_391 : i32
      %get3A_393 = arith.index_cast %add3A_392 : i32 to index
      %get3A_394 = arith.constant 64 : index
      %get3A_395 = tpu.vector_load %arg5[%get3A_393, %get3A_394] {strides = array<i32>} : memref<256x128xf32, #tpu.memory_space<vmem>>, vector<1x16xf32>,
      %get3A_396 = vector.shape_cast %get3A_395 : vector<1x16xf32> to vector<16xf32>
      %add3A_397 = arith.addf %scan3A_358, %get3A_396 : vector<16xf32>
      %add3A_398 = arith.constant 0 : i32
      %add3A_399 = arith.addi %mul3A_363, %add3A_398 : i32
      %get3A_400 = arith.index_cast %add3A_399 : i32 to index
      %get3A_401 = arith.constant 80 : index
      %get3A_402 = tpu.vector_load %arg5[%get3A_400, %get3A_401] {strides = array<i32>} : memref<256x128xf32, #tpu.memory_space<vmem>>, vector<1x16xf32>,
      %get3A_403 = vector.shape_cast %get3A_402 : vector<1x16xf32> to vector<16xf32>
      %add3A_404 = arith.addf %scan3A_359, %get3A_403 : vector<16xf32>
      %add3A_405 = arith.constant 0 : i32
      %add3A_406 = arith.addi %mul3A_363, %add3A_405 : i32
      %get3A_407 = arith.index_cast %add3A_406 : i32 to index
      %get3A_408 = arith.constant 96 : index
      %get3A_409 = tpu.vector_load %arg5[%get3A_407, %get3A_408] {strides = array<i32>} : memref<256x128xf32, #tpu.memory_space<vmem>>, vector<1x16xf32>,
      %get3A_410 = vector.shape_cast %get3A_409 : vector<1x16xf32> to vector<16xf32>
      %add3A_411 = arith.addf %scan3A_360, %get3A_410 : vector<16xf32>
      %add3A_412 = arith.constant 0 : i32
      %add3A_413 = arith.addi %mul3A_363, %add3A_412 : i32
      %get3A_414 = arith.index_cast %add3A_413 : i32 to index
      %get3A_415 = arith.constant 112 : index
      %get3A_416 = tpu.vector_load %arg5[%get3A_414, %get3A_415] {strides = array<i32>} : memref<256x128xf32, #tpu.memory_space<vmem>>, vector<1x16xf32>,
      %get3A_417 = vector.shape_cast %get3A_416 : vector<1x16xf32> to vector<16xf32>
      %add3A_418 = arith.addf %scan3A_361, %get3A_417 : vector<16xf32>
      %add3A_419 = arith.constant 1 : i32
      %add3A_420 = arith.addi %mul3A_363, %add3A_419 : i32
      %get3A_421 = arith.index_cast %add3A_420 : i32 to index
      %get3A_422 = arith.constant 0 : index
      %get3A_423 = tpu.vector_load %arg5[%get3A_421, %get3A_422] {strides = array<i32>} : memref<256x128xf32, #tpu.memory_space<vmem>>, vector<1x16xf32>,
      %get3A_424 = vector.shape_cast %get3A_423 : vector<1x16xf32> to vector<16xf32>
      %add3A_425 = arith.addf %add3A_369, %get3A_424 : vector<16xf32>
      %add3A_426 = arith.constant 1 : i32
      %add3A_427 = arith.addi %mul3A_363, %add3A_426 : i32
      %get3A_428 = arith.index_cast %add3A_427 : i32 to index
      %get3A_429 = arith.constant 16 : index
      %get3A_430 = tpu.vector_load %arg5[%get3A_428, %get3A_429] {strides = array<i32>} : memref<256x128xf32, #tpu.memory_space<vmem>>, vector<1x16xf32>,
      %get3A_431 = vector.shape_cast %get3A_430 : vector<1x16xf32> to vector<16xf32>
      %add3A_432 = arith.addf %add3A_376, %get3A_431 : vector<16xf32>
      %add3A_433 = arith.constant 1 : i32
      %add3A_434 = arith.addi %mul3A_363, %add3A_433 : i32
      %get3A_435 = arith.index_cast %add3A_434 : i32 to index
      %get3A_436 = arith.constant 32 : index
      %get3A_437 = tpu.vector_load %arg5[%get3A_435, %get3A_436] {strides = array<i32>} : memref<256x128xf32, #tpu.memory_space<vmem>>, vector<1x16xf32>,
      %get3A_438 = vector.shape_cast %get3A_437 : vector<1x16xf32> to vector<16xf32>
      %add3A_439 = arith.addf %add3A_383, %get3A_438 : vector<16xf32>
      %add3A_440 = arith.constant 1 : i32
      %add3A_441 = arith.addi %mul3A_363, %add3A_440 : i32
      %get3A_442 = arith.index_cast %add3A_441 : i32 to index
      %get3A_443 = arith.constant 48 : index
      %get3A_444 = tpu.vector_load %arg5[%get3A_442, %get3A_443] {strides = array<i32>} : memref<256x128xf32, #tpu.memory_space<vmem>>, vector<1x16xf32>,
      %get3A_445 = vector.shape_cast %get3A_444 : vector<1x16xf32> to vector<16xf32>
      %add3A_446 = arith.addf %add3A_390, %get3A_445 : vector<16xf32>
      %add3A_447 = arith.constant 1 : i32
      %add3A_448 = arith.addi %mul3A_363, %add3A_447 : i32
      %get3A_449 = arith.index_cast %add3A_448 : i32 to index
      %get3A_450 = arith.constant 64 : index
      %get3A_451 = tpu.vector_load %arg5[%get3A_449, %get3A_450] {strides = array<i32>} : memref<256x128xf32, #tpu.memory_space<vmem>>, vector<1x16xf32>,
      %get3A_452 = vector.shape_cast %get3A_451 : vector<1x16xf32> to vector<16xf32>
      %add3A_453 = arith.addf %add3A_397, %get3A_452 : vector<16xf32>
      %add3A_454 = arith.constant 1 : i32
      %add3A_455 = arith.addi %mul3A_363, %add3A_454 : i32
      %get3A_456 = arith.index_cast %add3A_455 : i32 to index
      %get3A_457 = arith.constant 80 : index
      %get3A_458 = tpu.vector_load %arg5[%get3A_456, %get3A_457] {strides = array<i32>} : memref<256x128xf32, #tpu.memory_space<vmem>>, vector<1x16xf32>,
      %get3A_459 = vector.shape_cast %get3A_458 : vector<1x16xf32> to vector<16xf32>
      %add3A_460 = arith.addf %add3A_404, %get3A_459 : vector<16xf32>
      %add3A_461 = arith.constant 1 : i32
      %add3A_462 = arith.addi %mul3A_363, %add3A_461 : i32
      %get3A_463 = arith.index_cast %add3A_462 : i32 to index
      %get3A_464 = arith.constant 96 : index
      %get3A_465 = tpu.vector_load %arg5[%get3A_463, %get3A_464] {strides = array<i32>} : memref<256x128xf32, #tpu.memory_space<vmem>>, vector<1x16xf32>,
      %get3A_466 = vector.shape_cast %get3A_465 : vector<1x16xf32> to vector<16xf32>
      %add3A_467 = arith.addf %add3A_411, %get3A_466 : vector<16xf32>
      %add3A_468 = arith.constant 1 : i32
      %add3A_469 = arith.addi %mul3A_363, %add3A_468 : i32
      %get3A_470 = arith.index_cast %add3A_469 : i32 to index
      %get3A_471 = arith.constant 112 : index
      %get3A_472 = tpu.vector_load %arg5[%get3A_470, %get3A_471] {strides = array<i32>} : memref<256x128xf32, #tpu.memory_space<vmem>>, vector<1x16xf32>,
      %get3A_473 = vector.shape_cast %get3A_472 : vector<1x16xf32> to vector<16xf32>
      %add3A_474 = arith.addf %add3A_418, %get3A_473 : vector<16xf32>
      %add3A_475 = arith.constant 2 : i32
      %add3A_476 = arith.addi %mul3A_363, %add3A_475 : i32
      %get3A_477 = arith.index_cast %add3A_476 : i32 to index
      %get3A_478 = arith.constant 0 : index
      %get3A_479 = tpu.vector_load %arg5[%get3A_477, %get3A_478] {strides = array<i32>} : memref<256x128xf32, #tpu.memory_space<vmem>>, vector<1x16xf32>,
      %get3A_480 = vector.shape_cast %get3A_479 : vector<1x16xf32> to vector<16xf32>
      %add3A_481 = arith.addf %add3A_425, %get3A_480 : vector<16xf32>
      %add3A_482 = arith.constant 2 : i32
      %add3A_483 = arith.addi %mul3A_363, %add3A_482 : i32
      %get3A_484 = arith.index_cast %add3A_483 : i32 to index
      %get3A_485 = arith.constant 16 : index
      %get3A_486 = tpu.vector_load %arg5[%get3A_484, %get3A_485] {strides = array<i32>} : memref<256x128xf32, #tpu.memory_space<vmem>>, vector<1x16xf32>,
      %get3A_487 = vector.shape_cast %get3A_486 : vector<1x16xf32> to vector<16xf32>
      %add3A_488 = arith.addf %add3A_432, %get3A_487 : vector<16xf32>
      %add3A_489 = arith.constant 2 : i32
      %add3A_490 = arith.addi %mul3A_363, %add3A_489 : i32
      %get3A_491 = arith.index_cast %add3A_490 : i32 to index
      %get3A_492 = arith.constant 32 : index
      %get3A_493 = tpu.vector_load %arg5[%get3A_491, %get3A_492] {strides = array<i32>} : memref<256x128xf32, #tpu.memory_space<vmem>>, vector<1x16xf32>,
      %get3A_494 = vector.shape_cast %get3A_493 : vector<1x16xf32> to vector<16xf32>
      %add3A_495 = arith.addf %add3A_439, %get3A_494 : vector<16xf32>
      %add3A_496 = arith.constant 2 : i32
      %add3A_497 = arith.addi %mul3A_363, %add3A_496 : i32
      %get3A_498 = arith.index_cast %add3A_497 : i32 to index
      %get3A_499 = arith.constant 48 : index
      %get3A_500 = tpu.vector_load %arg5[%get3A_498, %get3A_499] {strides = array<i32>} : memref<256x128xf32, #tpu.memory_space<vmem>>, vector<1x16xf32>,
      %get3A_501 = vector.shape_cast %get3A_500 : vector<1x16xf32> to vector<16xf32>
      %add3A_502 = arith.addf %add3A_446, %get3A_501 : vector<16xf32>
      %add3A_503 = arith.constant 2 : i32
      %add3A_504 = arith.addi %mul3A_363, %add3A_503 : i32
      %get3A_505 = arith.index_cast %add3A_504 : i32 to index
      %get3A_506 = arith.constant 64 : index
      %get3A_507 = tpu.vector_load %arg5[%get3A_505, %get3A_506] {strides = array<i32>} : memref<256x128xf32, #tpu.memory_space<vmem>>, vector<1x16xf32>,
      %get3A_508 = vector.shape_cast %get3A_507 : vector<1x16xf32> to vector<16xf32>
      %add3A_509 = arith.addf %add3A_453, %get3A_508 : vector<16xf32>
      %add3A_510 = arith.constant 2 : i32
      %add3A_511 = arith.addi %mul3A_363, %add3A_510 : i32
      %get3A_512 = arith.index_cast %add3A_511 : i32 to index
      %get3A_513 = arith.constant 80 : index
      %get3A_514 = tpu.vector_load %arg5[%get3A_512, %get3A_513] {strides = array<i32>} : memref<256x128xf32, #tpu.memory_space<vmem>>, vector<1x16xf32>,
      %get3A_515 = vector.shape_cast %get3A_514 : vector<1x16xf32> to vector<16xf32>
      %add3A_516 = arith.addf %add3A_460, %get3A_515 : vector<16xf32>
      %add3A_517 = arith.constant 2 : i32
      %add3A_518 = arith.addi %mul3A_363, %add3A_517 : i32
      %get3A_519 = arith.index_cast %add3A_518 : i32 to index
      %get3A_520 = arith.constant 96 : index
      %get3A_521 = tpu.vector_load %arg5[%get3A_519, %get3A_520] {strides = array<i32>} : memref<256x128xf32, #tpu.memory_space<vmem>>, vector<1x16xf32>,
      %get3A_522 = vector.shape_cast %get3A_521 : vector<1x16xf32> to vector<16xf32>
      %add3A_523 = arith.addf %add3A_467, %get3A_522 : vector<16xf32>
      %add3A_524 = arith.constant 2 : i32
      %add3A_525 = arith.addi %mul3A_363, %add3A_524 : i32
      %get3A_526 = arith.index_cast %add3A_525 : i32 to index
      %get3A_527 = arith.constant 112 : index
      %get3A_528 = tpu.vector_load %arg5[%get3A_526, %get3A_527] {strides = array<i32>} : memref<256x128xf32, #tpu.memory_space<vmem>>, vector<1x16xf32>,
      %get3A_529 = vector.shape_cast %get3A_528 : vector<1x16xf32> to vector<16xf32>
      %add3A_530 = arith.addf %add3A_474, %get3A_529 : vector<16xf32>
      %add3A_531 = arith.constant 3 : i32
      %add3A_532 = arith.addi %mul3A_363, %add3A_531 : i32
      %get3A_533 = arith.index_cast %add3A_532 : i32 to index
      %get3A_534 = arith.constant 0 : index
      %get3A_535 = tpu.vector_load %arg5[%get3A_533, %get3A_534] {strides = array<i32>} : memref<256x128xf32, #tpu.memory_space<vmem>>, vector<1x16xf32>,
      %get3A_536 = vector.shape_cast %get3A_535 : vector<1x16xf32> to vector<16xf32>
      %add3A_537 = arith.addf %add3A_481, %get3A_536 : vector<16xf32>
      %add3A_538 = arith.constant 3 : i32
      %add3A_539 = arith.addi %mul3A_363, %add3A_538 : i32
      %get3A_540 = arith.index_cast %add3A_539 : i32 to index
      %get3A_541 = arith.constant 16 : index
      %get3A_542 = tpu.vector_load %arg5[%get3A_540, %get3A_541] {strides = array<i32>} : memref<256x128xf32, #tpu.memory_space<vmem>>, vector<1x16xf32>,
      %get3A_543 = vector.shape_cast %get3A_542 : vector<1x16xf32> to vector<16xf32>
      %add3A_544 = arith.addf %add3A_488, %get3A_543 : vector<16xf32>
      %add3A_545 = arith.constant 3 : i32
      %add3A_546 = arith.addi %mul3A_363, %add3A_545 : i32
      %get3A_547 = arith.index_cast %add3A_546 : i32 to index
      %get3A_548 = arith.constant 32 : index
      %get3A_549 = tpu.vector_load %arg5[%get3A_547, %get3A_548] {strides = array<i32>} : memref<256x128xf32, #tpu.memory_space<vmem>>, vector<1x16xf32>,
      %get3A_550 = vector.shape_cast %get3A_549 : vector<1x16xf32> to vector<16xf32>
      %add3A_551 = arith.addf %add3A_495, %get3A_550 : vector<16xf32>
      %add3A_552 = arith.constant 3 : i32
      %add3A_553 = arith.addi %mul3A_363, %add3A_552 : i32
      %get3A_554 = arith.index_cast %add3A_553 : i32 to index
      %get3A_555 = arith.constant 48 : index
      %get3A_556 = tpu.vector_load %arg5[%get3A_554, %get3A_555] {strides = array<i32>} : memref<256x128xf32, #tpu.memory_space<vmem>>, vector<1x16xf32>,
      %get3A_557 = vector.shape_cast %get3A_556 : vector<1x16xf32> to vector<16xf32>
      %add3A_558 = arith.addf %add3A_502, %get3A_557 : vector<16xf32>
      %add3A_559 = arith.constant 3 : i32
      %add3A_560 = arith.addi %mul3A_363, %add3A_559 : i32
      %get3A_561 = arith.index_cast %add3A_560 : i32 to index
      %get3A_562 = arith.constant 64 : index
      %get3A_563 = tpu.vector_load %arg5[%get3A_561, %get3A_562] {strides = array<i32>} : memref<256x128xf32, #tpu.memory_space<vmem>>, vector<1x16xf32>,
      %get3A_564 = vector.shape_cast %get3A_563 : vector<1x16xf32> to vector<16xf32>
      %add3A_565 = arith.addf %add3A_509, %get3A_564 : vector<16xf32>
      %add3A_566 = arith.constant 3 : i32
      %add3A_567 = arith.addi %mul3A_363, %add3A_566 : i32
      %get3A_568 = arith.index_cast %add3A_567 : i32 to index
      %get3A_569 = arith.constant 80 : index
      %get3A_570 = tpu.vector_load %arg5[%get3A_568, %get3A_569] {strides = array<i32>} : memref<256x128xf32, #tpu.memory_space<vmem>>, vector<1x16xf32>,
      %get3A_571 = vector.shape_cast %get3A_570 : vector<1x16xf32> to vector<16xf32>
      %add3A_572 = arith.addf %add3A_516, %get3A_571 : vector<16xf32>
      %add3A_573 = arith.constant 3 : i32
      %add3A_574 = arith.addi %mul3A_363, %add3A_573 : i32
      %get3A_575 = arith.index_cast %add3A_574 : i32 to index
      %get3A_576 = arith.constant 96 : index
      %get3A_577 = tpu.vector_load %arg5[%get3A_575, %get3A_576] {strides = array<i32>} : memref<256x128xf32, #tpu.memory_space<vmem>>, vector<1x16xf32>,
      %get3A_578 = vector.shape_cast %get3A_577 : vector<1x16xf32> to vector<16xf32>
      %add3A_579 = arith.addf %add3A_523, %get3A_578 : vector<16xf32>
      %add3A_580 = arith.constant 3 : i32
      %add3A_581 = arith.addi %mul3A_363, %add3A_580 : i32
      %get3A_582 = arith.index_cast %add3A_581 : i32 to index
      %get3A_583 = arith.constant 112 : index
      %get3A_584 = tpu.vector_load %arg5[%get3A_582, %get3A_583] {strides = array<i32>} : memref<256x128xf32, #tpu.memory_space<vmem>>, vector<1x16xf32>,
      %get3A_585 = vector.shape_cast %get3A_584 : vector<1x16xf32> to vector<16xf32>
      %add3A_586 = arith.addf %add3A_530, %get3A_585 : vector<16xf32>
      %add3A_587 = arith.constant 4 : i32
      %add3A_588 = arith.addi %mul3A_363, %add3A_587 : i32
      %get3A_589 = arith.index_cast %add3A_588 : i32 to index
      %get3A_590 = arith.constant 0 : index
      %get3A_591 = tpu.vector_load %arg5[%get3A_589, %get3A_590] {strides = array<i32>} : memref<256x128xf32, #tpu.memory_space<vmem>>, vector<1x16xf32>,
      %get3A_592 = vector.shape_cast %get3A_591 : vector<1x16xf32> to vector<16xf32>
      %add3A_593 = arith.addf %add3A_537, %get3A_592 : vector<16xf32>
      %add3A_594 = arith.constant 4 : i32
      %add3A_595 = arith.addi %mul3A_363, %add3A_594 : i32
      %get3A_596 = arith.index_cast %add3A_595 : i32 to index
      %get3A_597 = arith.constant 16 : index
      %get3A_598 = tpu.vector_load %arg5[%get3A_596, %get3A_597] {strides = array<i32>} : memref<256x128xf32, #tpu.memory_space<vmem>>, vector<1x16xf32>,
      %get3A_599 = vector.shape_cast %get3A_598 : vector<1x16xf32> to vector<16xf32>
      %add3A_600 = arith.addf %add3A_544, %get3A_599 : vector<16xf32>
      %add3A_601 = arith.constant 4 : i32
      %add3A_602 = arith.addi %mul3A_363, %add3A_601 : i32
      %get3A_603 = arith.index_cast %add3A_602 : i32 to index
      %get3A_604 = arith.constant 32 : index
      %get3A_605 = tpu.vector_load %arg5[%get3A_603, %get3A_604] {strides = array<i32>} : memref<256x128xf32, #tpu.memory_space<vmem>>, vector<1x16xf32>,
      %get3A_606 = vector.shape_cast %get3A_605 : vector<1x16xf32> to vector<16xf32>
      %add3A_607 = arith.addf %add3A_551, %get3A_606 : vector<16xf32>
      %add3A_608 = arith.constant 4 : i32
      %add3A_609 = arith.addi %mul3A_363, %add3A_608 : i32
      %get3A_610 = arith.index_cast %add3A_609 : i32 to index
      %get3A_611 = arith.constant 48 : index
      %get3A_612 = tpu.vector_load %arg5[%get3A_610, %get3A_611] {strides = array<i32>} : memref<256x128xf32, #tpu.memory_space<vmem>>, vector<1x16xf32>,
      %get3A_613 = vector.shape_cast %get3A_612 : vector<1x16xf32> to vector<16xf32>
      %add3A_614 = arith.addf %add3A_558, %get3A_613 : vector<16xf32>
      %add3A_615 = arith.constant 4 : i32
      %add3A_616 = arith.addi %mul3A_363, %add3A_615 : i32
      %get3A_617 = arith.index_cast %add3A_616 : i32 to index
      %get3A_618 = arith.constant 64 : index
      %get3A_619 = tpu.vector_load %arg5[%get3A_617, %get3A_618] {strides = array<i32>} : memref<256x128xf32, #tpu.memory_space<vmem>>, vector<1x16xf32>,
      %get3A_620 = vector.shape_cast %get3A_619 : vector<1x16xf32> to vector<16xf32>
      %add3A_621 = arith.addf %add3A_565, %get3A_620 : vector<16xf32>
      %add3A_622 = arith.constant 4 : i32
      %add3A_623 = arith.addi %mul3A_363, %add3A_622 : i32
      %get3A_624 = arith.index_cast %add3A_623 : i32 to index
      %get3A_625 = arith.constant 80 : index
      %get3A_626 = tpu.vector_load %arg5[%get3A_624, %get3A_625] {strides = array<i32>} : memref<256x128xf32, #tpu.memory_space<vmem>>, vector<1x16xf32>,
      %get3A_627 = vector.shape_cast %get3A_626 : vector<1x16xf32> to vector<16xf32>
      %add3A_628 = arith.addf %add3A_572, %get3A_627 : vector<16xf32>
      %add3A_629 = arith.constant 4 : i32
      %add3A_630 = arith.addi %mul3A_363, %add3A_629 : i32
      %get3A_631 = arith.index_cast %add3A_630 : i32 to index
      %get3A_632 = arith.constant 96 : index
      %get3A_633 = tpu.vector_load %arg5[%get3A_631, %get3A_632] {strides = array<i32>} : memref<256x128xf32, #tpu.memory_space<vmem>>, vector<1x16xf32>,
      %get3A_634 = vector.shape_cast %get3A_633 : vector<1x16xf32> to vector<16xf32>
      %add3A_635 = arith.addf %add3A_579, %get3A_634 : vector<16xf32>
      %add3A_636 = arith.constant 4 : i32
      %add3A_637 = arith.addi %mul3A_363, %add3A_636 : i32
      %get3A_638 = arith.index_cast %add3A_637 : i32 to index
      %get3A_639 = arith.constant 112 : index
      %get3A_640 = tpu.vector_load %arg5[%get3A_638, %get3A_639] {strides = array<i32>} : memref<256x128xf32, #tpu.memory_space<vmem>>, vector<1x16xf32>,
      %get3A_641 = vector.shape_cast %get3A_640 : vector<1x16xf32> to vector<16xf32>
      %add3A_642 = arith.addf %add3A_586, %get3A_641 : vector<16xf32>
      %add3A_643 = arith.constant 5 : i32
      %add3A_644 = arith.addi %mul3A_363, %add3A_643 : i32
      %get3A_645 = arith.index_cast %add3A_644 : i32 to index
      %get3A_646 = arith.constant 0 : index
      %get3A_647 = tpu.vector_load %arg5[%get3A_645, %get3A_646] {strides = array<i32>} : memref<256x128xf32, #tpu.memory_space<vmem>>, vector<1x16xf32>,
      %get3A_648 = vector.shape_cast %get3A_647 : vector<1x16xf32> to vector<16xf32>
      %add3A_649 = arith.addf %add3A_593, %get3A_648 : vector<16xf32>
      %add3A_650 = arith.constant 5 : i32
      %add3A_651 = arith.addi %mul3A_363, %add3A_650 : i32
      %get3A_652 = arith.index_cast %add3A_651 : i32 to index
      %get3A_653 = arith.constant 16 : index
      %get3A_654 = tpu.vector_load %arg5[%get3A_652, %get3A_653] {strides = array<i32>} : memref<256x128xf32, #tpu.memory_space<vmem>>, vector<1x16xf32>,
      %get3A_655 = vector.shape_cast %get3A_654 : vector<1x16xf32> to vector<16xf32>
      %add3A_656 = arith.addf %add3A_600, %get3A_655 : vector<16xf32>
      %add3A_657 = arith.constant 5 : i32
      %add3A_658 = arith.addi %mul3A_363, %add3A_657 : i32
      %get3A_659 = arith.index_cast %add3A_658 : i32 to index
      %get3A_660 = arith.constant 32 : index
      %get3A_661 = tpu.vector_load %arg5[%get3A_659, %get3A_660] {strides = array<i32>} : memref<256x128xf32, #tpu.memory_space<vmem>>, vector<1x16xf32>,
      %get3A_662 = vector.shape_cast %get3A_661 : vector<1x16xf32> to vector<16xf32>
      %add3A_663 = arith.addf %add3A_607, %get3A_662 : vector<16xf32>
      %add3A_664 = arith.constant 5 : i32
      %add3A_665 = arith.addi %mul3A_363, %add3A_664 : i32
      %get3A_666 = arith.index_cast %add3A_665 : i32 to index
      %get3A_667 = arith.constant 48 : index
      %get3A_668 = tpu.vector_load %arg5[%get3A_666, %get3A_667] {strides = array<i32>} : memref<256x128xf32, #tpu.memory_space<vmem>>, vector<1x16xf32>,
      %get3A_669 = vector.shape_cast %get3A_668 : vector<1x16xf32> to vector<16xf32>
      %add3A_670 = arith.addf %add3A_614, %get3A_669 : vector<16xf32>
      %add3A_671 = arith.constant 5 : i32
      %add3A_672 = arith.addi %mul3A_363, %add3A_671 : i32
      %get3A_673 = arith.index_cast %add3A_672 : i32 to index
      %get3A_674 = arith.constant 64 : index
      %get3A_675 = tpu.vector_load %arg5[%get3A_673, %get3A_674] {strides = array<i32>} : memref<256x128xf32, #tpu.memory_space<vmem>>, vector<1x16xf32>,
      %get3A_676 = vector.shape_cast %get3A_675 : vector<1x16xf32> to vector<16xf32>
      %add3A_677 = arith.addf %add3A_621, %get3A_676 : vector<16xf32>
      %add3A_678 = arith.constant 5 : i32
      %add3A_679 = arith.addi %mul3A_363, %add3A_678 : i32
      %get3A_680 = arith.index_cast %add3A_679 : i32 to index
      %get3A_681 = arith.constant 80 : index
      %get3A_682 = tpu.vector_load %arg5[%get3A_680, %get3A_681] {strides = array<i32>} : memref<256x128xf32, #tpu.memory_space<vmem>>, vector<1x16xf32>,
      %get3A_683 = vector.shape_cast %get3A_682 : vector<1x16xf32> to vector<16xf32>
      %add3A_684 = arith.addf %add3A_628, %get3A_683 : vector<16xf32>
      %add3A_685 = arith.constant 5 : i32
      %add3A_686 = arith.addi %mul3A_363, %add3A_685 : i32
      %get3A_687 = arith.index_cast %add3A_686 : i32 to index
      %get3A_688 = arith.constant 96 : index
      %get3A_689 = tpu.vector_load %arg5[%get3A_687, %get3A_688] {strides = array<i32>} : memref<256x128xf32, #tpu.memory_space<vmem>>, vector<1x16xf32>,
      %get3A_690 = vector.shape_cast %get3A_689 : vector<1x16xf32> to vector<16xf32>
      %add3A_691 = arith.addf %add3A_635, %get3A_690 : vector<16xf32>
      %add3A_692 = arith.constant 5 : i32
      %add3A_693 = arith.addi %mul3A_363, %add3A_692 : i32
      %get3A_694 = arith.index_cast %add3A_693 : i32 to index
      %get3A_695 = arith.constant 112 : index
      %get3A_696 = tpu.vector_load %arg5[%get3A_694, %get3A_695] {strides = array<i32>} : memref<256x128xf32, #tpu.memory_space<vmem>>, vector<1x16xf32>,
      %get3A_697 = vector.shape_cast %get3A_696 : vector<1x16xf32> to vector<16xf32>
      %add3A_698 = arith.addf %add3A_642, %get3A_697 : vector<16xf32>
      %add3A_699 = arith.constant 6 : i32
      %add3A_700 = arith.addi %mul3A_363, %add3A_699 : i32
      %get3A_701 = arith.index_cast %add3A_700 : i32 to index
      %get3A_702 = arith.constant 0 : index
      %get3A_703 = tpu.vector_load %arg5[%get3A_701, %get3A_702] {strides = array<i32>} : memref<256x128xf32, #tpu.memory_space<vmem>>, vector<1x16xf32>,
      %get3A_704 = vector.shape_cast %get3A_703 : vector<1x16xf32> to vector<16xf32>
      %add3A_705 = arith.addf %add3A_649, %get3A_704 : vector<16xf32>
      %add3A_706 = arith.constant 6 : i32
      %add3A_707 = arith.addi %mul3A_363, %add3A_706 : i32
      %get3A_708 = arith.index_cast %add3A_707 : i32 to index
      %get3A_709 = arith.constant 16 : index
      %get3A_710 = tpu.vector_load %arg5[%get3A_708, %get3A_709] {strides = array<i32>} : memref<256x128xf32, #tpu.memory_space<vmem>>, vector<1x16xf32>,
      %get3A_711 = vector.shape_cast %get3A_710 : vector<1x16xf32> to vector<16xf32>
      %add3A_712 = arith.addf %add3A_656, %get3A_711 : vector<16xf32>
      %add3A_713 = arith.constant 6 : i32
      %add3A_714 = arith.addi %mul3A_363, %add3A_713 : i32
      %get3A_715 = arith.index_cast %add3A_714 : i32 to index
      %get3A_716 = arith.constant 32 : index
      %get3A_717 = tpu.vector_load %arg5[%get3A_715, %get3A_716] {strides = array<i32>} : memref<256x128xf32, #tpu.memory_space<vmem>>, vector<1x16xf32>,
      %get3A_718 = vector.shape_cast %get3A_717 : vector<1x16xf32> to vector<16xf32>
      %add3A_719 = arith.addf %add3A_663, %get3A_718 : vector<16xf32>
      %add3A_720 = arith.constant 6 : i32
      %add3A_721 = arith.addi %mul3A_363, %add3A_720 : i32
      %get3A_722 = arith.index_cast %add3A_721 : i32 to index
      %get3A_723 = arith.constant 48 : index
      %get3A_724 = tpu.vector_load %arg5[%get3A_722, %get3A_723] {strides = array<i32>} : memref<256x128xf32, #tpu.memory_space<vmem>>, vector<1x16xf32>,
      %get3A_725 = vector.shape_cast %get3A_724 : vector<1x16xf32> to vector<16xf32>
      %add3A_726 = arith.addf %add3A_670, %get3A_725 : vector<16xf32>
      %add3A_727 = arith.constant 6 : i32
      %add3A_728 = arith.addi %mul3A_363, %add3A_727 : i32
      %get3A_729 = arith.index_cast %add3A_728 : i32 to index
      %get3A_730 = arith.constant 64 : index
      %get3A_731 = tpu.vector_load %arg5[%get3A_729, %get3A_730] {strides = array<i32>} : memref<256x128xf32, #tpu.memory_space<vmem>>, vector<1x16xf32>,
      %get3A_732 = vector.shape_cast %get3A_731 : vector<1x16xf32> to vector<16xf32>
      %add3A_733 = arith.addf %add3A_677, %get3A_732 : vector<16xf32>
      %add3A_734 = arith.constant 6 : i32
      %add3A_735 = arith.addi %mul3A_363, %add3A_734 : i32
      %get3A_736 = arith.index_cast %add3A_735 : i32 to index
      %get3A_737 = arith.constant 80 : index
      %get3A_738 = tpu.vector_load %arg5[%get3A_736, %get3A_737] {strides = array<i32>} : memref<256x128xf32, #tpu.memory_space<vmem>>, vector<1x16xf32>,
      %get3A_739 = vector.shape_cast %get3A_738 : vector<1x16xf32> to vector<16xf32>
      %add3A_740 = arith.addf %add3A_684, %get3A_739 : vector<16xf32>
      %add3A_741 = arith.constant 6 : i32
      %add3A_742 = arith.addi %mul3A_363, %add3A_741 : i32
      %get3A_743 = arith.index_cast %add3A_742 : i32 to index
      %get3A_744 = arith.constant 96 : index
      %get3A_745 = tpu.vector_load %arg5[%get3A_743, %get3A_744] {strides = array<i32>} : memref<256x128xf32, #tpu.memory_space<vmem>>, vector<1x16xf32>,
      %get3A_746 = vector.shape_cast %get3A_745 : vector<1x16xf32> to vector<16xf32>
      %add3A_747 = arith.addf %add3A_691, %get3A_746 : vector<16xf32>
      %add3A_748 = arith.constant 6 : i32
      %add3A_749 = arith.addi %mul3A_363, %add3A_748 : i32
      %get3A_750 = arith.index_cast %add3A_749 : i32 to index
      %get3A_751 = arith.constant 112 : index
      %get3A_752 = tpu.vector_load %arg5[%get3A_750, %get3A_751] {strides = array<i32>} : memref<256x128xf32, #tpu.memory_space<vmem>>, vector<1x16xf32>,
      %get3A_753 = vector.shape_cast %get3A_752 : vector<1x16xf32> to vector<16xf32>
      %add3A_754 = arith.addf %add3A_698, %get3A_753 : vector<16xf32>
      %add3A_755 = arith.constant 7 : i32
      %add3A_756 = arith.addi %mul3A_363, %add3A_755 : i32
      %get3A_757 = arith.index_cast %add3A_756 : i32 to index
      %get3A_758 = arith.constant 0 : index
      %get3A_759 = tpu.vector_load %arg5[%get3A_757, %get3A_758] {strides = array<i32>} : memref<256x128xf32, #tpu.memory_space<vmem>>, vector<1x16xf32>,
      %get3A_760 = vector.shape_cast %get3A_759 : vector<1x16xf32> to vector<16xf32>
      %add3A_761 = arith.addf %add3A_705, %get3A_760 : vector<16xf32>
      %add3A_762 = arith.constant 7 : i32
      %add3A_763 = arith.addi %mul3A_363, %add3A_762 : i32
      %get3A_764 = arith.index_cast %add3A_763 : i32 to index
      %get3A_765 = arith.constant 16 : index
      %get3A_766 = tpu.vector_load %arg5[%get3A_764, %get3A_765] {strides = array<i32>} : memref<256x128xf32, #tpu.memory_space<vmem>>, vector<1x16xf32>,
      %get3A_767 = vector.shape_cast %get3A_766 : vector<1x16xf32> to vector<16xf32>
      %add3A_768 = arith.addf %add3A_712, %get3A_767 : vector<16xf32>
      %add3A_769 = arith.constant 7 : i32
      %add3A_770 = arith.addi %mul3A_363, %add3A_769 : i32
      %get3A_771 = arith.index_cast %add3A_770 : i32 to index
      %get3A_772 = arith.constant 32 : index
      %get3A_773 = tpu.vector_load %arg5[%get3A_771, %get3A_772] {strides = array<i32>} : memref<256x128xf32, #tpu.memory_space<vmem>>, vector<1x16xf32>,
      %get3A_774 = vector.shape_cast %get3A_773 : vector<1x16xf32> to vector<16xf32>
      %add3A_775 = arith.addf %add3A_719, %get3A_774 : vector<16xf32>
      %add3A_776 = arith.constant 7 : i32
      %add3A_777 = arith.addi %mul3A_363, %add3A_776 : i32
      %get3A_778 = arith.index_cast %add3A_777 : i32 to index
      %get3A_779 = arith.constant 48 : index
      %get3A_780 = tpu.vector_load %arg5[%get3A_778, %get3A_779] {strides = array<i32>} : memref<256x128xf32, #tpu.memory_space<vmem>>, vector<1x16xf32>,
      %get3A_781 = vector.shape_cast %get3A_780 : vector<1x16xf32> to vector<16xf32>
      %add3A_782 = arith.addf %add3A_726, %get3A_781 : vector<16xf32>
      %add3A_783 = arith.constant 7 : i32
      %add3A_784 = arith.addi %mul3A_363, %add3A_783 : i32
      %get3A_785 = arith.index_cast %add3A_784 : i32 to index
      %get3A_786 = arith.constant 64 : index
      %get3A_787 = tpu.vector_load %arg5[%get3A_785, %get3A_786] {strides = array<i32>} : memref<256x128xf32, #tpu.memory_space<vmem>>, vector<1x16xf32>,
      %get3A_788 = vector.shape_cast %get3A_787 : vector<1x16xf32> to vector<16xf32>
      %add3A_789 = arith.addf %add3A_733, %get3A_788 : vector<16xf32>
      %add3A_790 = arith.constant 7 : i32
      %add3A_791 = arith.addi %mul3A_363, %add3A_790 : i32
      %get3A_792 = arith.index_cast %add3A_791 : i32 to index
      %get3A_793 = arith.constant 80 : index
      %get3A_794 = tpu.vector_load %arg5[%get3A_792, %get3A_793] {strides = array<i32>} : memref<256x128xf32, #tpu.memory_space<vmem>>, vector<1x16xf32>,
      %get3A_795 = vector.shape_cast %get3A_794 : vector<1x16xf32> to vector<16xf32>
      %add3A_796 = arith.addf %add3A_740, %get3A_795 : vector<16xf32>
      %add3A_797 = arith.constant 7 : i32
      %add3A_798 = arith.addi %mul3A_363, %add3A_797 : i32
      %get3A_799 = arith.index_cast %add3A_798 : i32 to index
      %get3A_800 = arith.constant 96 : index
      %get3A_801 = tpu.vector_load %arg5[%get3A_799, %get3A_800] {strides = array<i32>} : memref<256x128xf32, #tpu.memory_space<vmem>>, vector<1x16xf32>,
      %get3A_802 = vector.shape_cast %get3A_801 : vector<1x16xf32> to vector<16xf32>
      %add3A_803 = arith.addf %add3A_747, %get3A_802 : vector<16xf32>
      %add3A_804 = arith.constant 7 : i32
      %add3A_805 = arith.addi %mul3A_363, %add3A_804 : i32
      %get3A_806 = arith.index_cast %add3A_805 : i32 to index
      %get3A_807 = arith.constant 112 : index
      %get3A_808 = tpu.vector_load %arg5[%get3A_806, %get3A_807] {strides = array<i32>} : memref<256x128xf32, #tpu.memory_space<vmem>>, vector<1x16xf32>,
      %get3A_809 = vector.shape_cast %get3A_808 : vector<1x16xf32> to vector<16xf32>
      %add3A_810 = arith.addf %add3A_754, %get3A_809 : vector<16xf32>
      scf.yield %add3A_761, %add3A_768, %add3A_775, %add3A_782, %add3A_789, %add3A_796, %add3A_803, %add3A_810 : vector<16xf32>, vector<16xf32>, vector<16xf32>, vector<16xf32>, vector<16xf32>, vector<16xf32>, vector<16xf32>, vector<16xf32>
    }
    %scan3A_141 = arith.constant 32 : i32
    %swap3A_142 = arith.constant 0 : index
    %swap3A_143 = tpu.vector_load %arg6[%swap3A_142] {strides = array<i32>} : memref<128xf32, #tpu.memory_space<vmem>>, vector<16xf32>,
    %swap3A_144 = vector.shape_cast %swap3A_143 : vector<16xf32> to vector<16xf32>
    %swap3A_145 = vector.shape_cast %scan3A_140#0 : vector<16xf32> to vector<16xf32>
    tpu.vector_store %arg6[%swap3A_142], %swap3A_145 {strides = array<i32>} : memref<128xf32, #tpu.memory_space<vmem>>, vector<16xf32>,
    %swap3A_146 = arith.constant 16 : index
    %swap3A_147 = tpu.vector_load %arg6[%swap3A_146] {strides = array<i32>} : memref<128xf32, #tpu.memory_space<vmem>>, vector<16xf32>,
    %swap3A_148 = vector.shape_cast %swap3A_147 : vector<16xf32> to vector<16xf32>
    %swap3A_149 = vector.shape_cast %scan3A_140#1 : vector<16xf32> to vector<16xf32>
    tpu.vector_store %arg6[%swap3A_146], %swap3A_149 {strides = array<i32>} : memref<128xf32, #tpu.memory_space<vmem>>, vector<16xf32>,
    %swap3A_150 = arith.constant 32 : index
    %swap3A_151 = tpu.vector_load %arg6[%swap3A_150] {strides = array<i32>} : memref<128xf32, #tpu.memory_space<vmem>>, vector<16xf32>,
    %swap3A_152 = vector.shape_cast %swap3A_151 : vector<16xf32> to vector<16xf32>
    %swap3A_153 = vector.shape_cast %scan3A_140#2 : vector<16xf32> to vector<16xf32>
    tpu.vector_store %arg6[%swap3A_150], %swap3A_153 {strides = array<i32>} : memref<128xf32, #tpu.memory_space<vmem>>, vector<16xf32>,
    %swap3A_154 = arith.constant 48 : index
    %swap3A_155 = tpu.vector_load %arg6[%swap3A_154] {strides = array<i32>} : memref<128xf32, #tpu.memory_space<vmem>>, vector<16xf32>,
    %swap3A_156 = vector.shape_cast %swap3A_155 : vector<16xf32> to vector<16xf32>
    %swap3A_157 = vector.shape_cast %scan3A_140#3 : vector<16xf32> to vector<16xf32>
    tpu.vector_store %arg6[%swap3A_154], %swap3A_157 {strides = array<i32>} : memref<128xf32, #tpu.memory_space<vmem>>, vector<16xf32>,
    %swap3A_158 = arith.constant 64 : index
    %swap3A_159 = tpu.vector_load %arg6[%swap3A_158] {strides = array<i32>} : memref<128xf32, #tpu.memory_space<vmem>>, vector<16xf32>,
    %swap3A_160 = vector.shape_cast %swap3A_159 : vector<16xf32> to vector<16xf32>
    %swap3A_161 = vector.shape_cast %scan3A_140#4 : vector<16xf32> to vector<16xf32>
    tpu.vector_store %arg6[%swap3A_158], %swap3A_161 {strides = array<i32>} : memref<128xf32, #tpu.memory_space<vmem>>, vector<16xf32>,
    %swap3A_162 = arith.constant 80 : index
    %swap3A_163 = tpu.vector_load %arg6[%swap3A_162] {strides = array<i32>} : memref<128xf32, #tpu.memory_space<vmem>>, vector<16xf32>,
    %swap3A_164 = vector.shape_cast %swap3A_163 : vector<16xf32> to vector<16xf32>
    %swap3A_165 = vector.shape_cast %scan3A_140#5 : vector<16xf32> to vector<16xf32>
    tpu.vector_store %arg6[%swap3A_162], %swap3A_165 {strides = array<i32>} : memref<128xf32, #tpu.memory_space<vmem>>, vector<16xf32>,
    %swap3A_166 = arith.constant 96 : index
    %swap3A_167 = tpu.vector_load %arg6[%swap3A_166] {strides = array<i32>} : memref<128xf32, #tpu.memory_space<vmem>>, vector<16xf32>,
    %swap3A_168 = vector.shape_cast %swap3A_167 : vector<16xf32> to vector<16xf32>
    %swap3A_169 = vector.shape_cast %scan3A_140#6 : vector<16xf32> to vector<16xf32>
    tpu.vector_store %arg6[%swap3A_166], %swap3A_169 {strides = array<i32>} : memref<128xf32, #tpu.memory_space<vmem>>, vector<16xf32>,
    %swap3A_170 = arith.constant 112 : index
    %swap3A_171 = tpu.vector_load %arg6[%swap3A_170] {strides = array<i32>} : memref<128xf32, #tpu.memory_space<vmem>>, vector<16xf32>,
    %swap3A_172 = vector.shape_cast %swap3A_171 : vector<16xf32> to vector<16xf32>
    %swap3A_173 = vector.shape_cast %scan3A_140#7 : vector<16xf32> to vector<16xf32>
    tpu.vector_store %arg6[%swap3A_170], %swap3A_173 {strides = array<i32>} : memref<128xf32, #tpu.memory_space<vmem>>, vector<16xf32>,
    %run_scoped3A_174 = arith.constant 1 : i32
    "tpu.region"() ({
      %run_scoped3A_353 = tpu.sem_alloc : memref<!tpu.dma_semaphore, #tpu.memory_space<semaphore_mem>>
      %dma_start3A_354 = tpu.memref_slice %arg3[%run_scoped3A_174, %mul3A_2] : memref<4x4096xf32, #tpu.memory_space<hbm>> -> memref<1x128xf32, #tpu.memory_space<hbm>>
      %dma_start3A_355 = tpu.memref_squeeze %dma_start3A_354 : memref<1x128xf32, #tpu.memory_space<hbm>> -> memref<128xf32, #tpu.memory_space<hbm>>
      %dma_start3A_356 = tpu.memref_slice %arg3[%run_scoped3A_174, %mul3A_2] : memref<4x4096xf32, #tpu.memory_space<hbm>> -> memref<1x128xf32, #tpu.memory_space<hbm>>
      %dma_start3A_357 = tpu.memref_squeeze %dma_start3A_356 : memref<1x128xf32, #tpu.memory_space<hbm>> -> memref<128xf32, #tpu.memory_space<hbm>>
      tpu.enqueue_dma source(%arg6 : memref<128xf32, #tpu.memory_space<vmem>>) target(%dma_start3A_357 : memref<128xf32, #tpu.memory_space<hbm>>) target_semaphore(%run_scoped3A_353 : memref<!tpu.dma_semaphore, #tpu.memory_space<semaphore_mem>>)
      %dma_wait3A_358 = tpu.memref_slice %arg3[%run_scoped3A_174, %mul3A_2] : memref<4x4096xf32, #tpu.memory_space<hbm>> -> memref<1x128xf32, #tpu.memory_space<hbm>>
      %dma_wait3A_359 = tpu.memref_squeeze %dma_wait3A_358 : memref<1x128xf32, #tpu.memory_space<hbm>> -> memref<128xf32, #tpu.memory_space<hbm>>
      %dma_wait3A_360 = tpu.memref_slice %arg3[%run_scoped3A_174, %mul3A_2] : memref<4x4096xf32, #tpu.memory_space<hbm>> -> memref<1x128xf32, #tpu.memory_space<hbm>>
      %dma_wait3A_361 = tpu.memref_squeeze %dma_wait3A_360 : memref<1x128xf32, #tpu.memory_space<hbm>> -> memref<128xf32, #tpu.memory_space<hbm>>
      tpu.wait_dma2 semaphore(%run_scoped3A_353 : memref<!tpu.dma_semaphore, #tpu.memory_space<semaphore_mem>>) src(%arg6 : memref<128xf32, #tpu.memory_space<vmem>>) dst(%dma_wait3A_361 : memref<128xf32, #tpu.memory_space<hbm>>)
      tpu.yield
    }) : () -> ()
    %dma_start3A_175 = arith.constant 2 : i32
    %dma_start3A_176 = arith.constant 7680 : i32
    %dma_start3A_177 = tpu.memref_slice %arg2[%dma_start3A_175, %dma_start3A_176, %mul3A_2] : memref<4x8192x4096xf32, #tpu.memory_space<hbm>> -> memref<1x256x128xf32, #tpu.memory_space<hbm>>
    %dma_start3A_178 = tpu.memref_squeeze %dma_start3A_177 : memref<1x256x128xf32, #tpu.memory_space<hbm>> -> memref<256x128xf32, #tpu.memory_space<hbm>>
    %dma_start3A_179 = arith.constant 7680 : i32
    %dma_start3A_180 = tpu.memref_slice %arg2[%dma_start3A_175, %dma_start3A_179, %mul3A_2] : memref<4x8192x4096xf32, #tpu.memory_space<hbm>> -> memref<1x256x128xf32, #tpu.memory_space<hbm>>
    %dma_start3A_181 = tpu.memref_squeeze %dma_start3A_180 : memref<1x256x128xf32, #tpu.memory_space<hbm>> -> memref<256x128xf32, #tpu.memory_space<hbm>>
    tpu.enqueue_dma source(%dma_start3A_181 : memref<256x128xf32, #tpu.memory_space<hbm>>) target(%arg4 : memref<256x128xf32, #tpu.memory_space<vmem>>) target_semaphore(%arg7 : memref<!tpu.dma_semaphore, #tpu.memory_space<semaphore_mem>>)
    %broadcast_in_dim3A_182 = arith.constant 0.000000e+00 : f32
    %broadcast_in_dim3A_183 = vector.broadcast %broadcast_in_dim3A_182 : f32 to vector<16xf32>
    %broadcast_in_dim3A_184 = arith.constant 0.000000e+00 : f32
    %broadcast_in_dim3A_185 = vector.broadcast %broadcast_in_dim3A_184 : f32 to vector<16xf32>
    %broadcast_in_dim3A_186 = arith.constant 0.000000e+00 : f32
    %broadcast_in_dim3A_187 = vector.broadcast %broadcast_in_dim3A_186 : f32 to vector<16xf32>
    %broadcast_in_dim3A_188 = arith.constant 0.000000e+00 : f32
    %broadcast_in_dim3A_189 = vector.broadcast %broadcast_in_dim3A_188 : f32 to vector<16xf32>
    %broadcast_in_dim3A_190 = arith.constant 0.000000e+00 : f32
    %broadcast_in_dim3A_191 = vector.broadcast %broadcast_in_dim3A_190 : f32 to vector<16xf32>
    %broadcast_in_dim3A_192 = arith.constant 0.000000e+00 : f32
    %broadcast_in_dim3A_193 = vector.broadcast %broadcast_in_dim3A_192 : f32 to vector<16xf32>
    %broadcast_in_dim3A_194 = arith.constant 0.000000e+00 : f32
    %broadcast_in_dim3A_195 = vector.broadcast %broadcast_in_dim3A_194 : f32 to vector<16xf32>
    %broadcast_in_dim3A_196 = arith.constant 0.000000e+00 : f32
    %broadcast_in_dim3A_197 = vector.broadcast %broadcast_in_dim3A_196 : f32 to vector<16xf32>
    %dma_start3A_198 = arith.constant 2 : i32
    %dma_start3A_199 = arith.constant 7936 : i32
    %dma_start3A_200 = tpu.memref_slice %arg2[%dma_start3A_198, %dma_start3A_199, %mul3A_2] : memref<4x8192x4096xf32, #tpu.memory_space<hbm>> -> memref<1x256x128xf32, #tpu.memory_space<hbm>>
    %dma_start3A_201 = tpu.memref_squeeze %dma_start3A_200 : memref<1x256x128xf32, #tpu.memory_space<hbm>> -> memref<256x128xf32, #tpu.memory_space<hbm>>
    %dma_start3A_202 = arith.constant 7936 : i32
    %dma_start3A_203 = tpu.memref_slice %arg2[%dma_start3A_198, %dma_start3A_202, %mul3A_2] : memref<4x8192x4096xf32, #tpu.memory_space<hbm>> -> memref<1x256x128xf32, #tpu.memory_space<hbm>>
    %dma_start3A_204 = tpu.memref_squeeze %dma_start3A_203 : memref<1x256x128xf32, #tpu.memory_space<hbm>> -> memref<256x128xf32, #tpu.memory_space<hbm>>
    tpu.enqueue_dma source(%dma_start3A_204 : memref<256x128xf32, #tpu.memory_space<hbm>>) target(%arg5 : memref<256x128xf32, #tpu.memory_space<vmem>>) target_semaphore(%arg8 : memref<!tpu.dma_semaphore, #tpu.memory_space<semaphore_mem>>)
    %dma_wait3A_205 = arith.constant 2 : i32
    %dma_wait3A_206 = arith.constant 7680 : i32
    %dma_wait3A_207 = tpu.memref_slice %arg2[%dma_wait3A_205, %dma_wait3A_206, %mul3A_2] : memref<4x8192x4096xf32, #tpu.memory_space<hbm>> -> memref<1x256x128xf32, #tpu.memory_space<hbm>>
    %dma_wait3A_208 = tpu.memref_squeeze %dma_wait3A_207 : memref<1x256x128xf32, #tpu.memory_space<hbm>> -> memref<256x128xf32, #tpu.memory_space<hbm>>
    %dma_wait3A_209 = arith.constant 7680 : i32
    %dma_wait3A_210 = tpu.memref_slice %arg2[%dma_wait3A_205, %dma_wait3A_209, %mul3A_2] : memref<4x8192x4096xf32, #tpu.memory_space<hbm>> -> memref<1x256x128xf32, #tpu.memory_space<hbm>>
    %dma_wait3A_211 = tpu.memref_squeeze %dma_wait3A_210 : memref<1x256x128xf32, #tpu.memory_space<hbm>> -> memref<256x128xf32, #tpu.memory_space<hbm>>
    tpu.wait_dma2 semaphore(%arg7 : memref<!tpu.dma_semaphore, #tpu.memory_space<semaphore_mem>>) src(%dma_wait3A_211 : memref<256x128xf32, #tpu.memory_space<hbm>>) dst(%arg4 : memref<256x128xf32, #tpu.memory_space<vmem>>)
    %scan3A_212 = arith.constant 0 : i32
    %scan3A_213 = arith.constant 32 : i32
    %scan3A_214 = arith.addi %scan3A_212, %scan3A_213 : i32
    %scan3A_215 = arith.constant 1 : i32
    %scan3A_216:8 = scf.for %scan3A_353 = %scan3A_212 to %scan3A_214 step %scan3A_215 iter_args(%scan3A_354 = %broadcast_in_dim3A_183, %scan3A_355 = %broadcast_in_dim3A_185, %scan3A_356 = %broadcast_in_dim3A_187, %scan3A_357 = %broadcast_in_dim3A_189, %scan3A_358 = %broadcast_in_dim3A_191, %scan3A_359 = %broadcast_in_dim3A_193, %scan3A_360 = %broadcast_in_dim3A_195, %scan3A_361 = %broadcast_in_dim3A_197) -> (vector<16xf32>, vector<16xf32>, vector<16xf32>, vector<16xf32>, vector<16xf32>, vector<16xf32>, vector<16xf32>, vector<16xf32>)  : i32 {
      %mul3A_362 = arith.constant 8 : i32
      %mul3A_363 = arith.muli %scan3A_353, %mul3A_362 : i32
      %add3A_364 = arith.constant 0 : i32
      %add3A_365 = arith.addi %mul3A_363, %add3A_364 : i32
      %get3A = arith.index_cast %add3A_365 : i32 to index
      %get3A_366 = arith.constant 0 : index
      %get3A_367 = tpu.vector_load %arg4[%get3A, %get3A_366] {strides = array<i32>} : memref<256x128xf32, #tpu.memory_space<vmem>>, vector<1x16xf32>,
      %get3A_368 = vector.shape_cast %get3A_367 : vector<1x16xf32> to vector<16xf32>
      %add3A_369 = arith.addf %scan3A_354, %get3A_368 : vector<16xf32>
      %add3A_370 = arith.constant 0 : i32
      %add3A_371 = arith.addi %mul3A_363, %add3A_370 : i32
      %get3A_372 = arith.index_cast %add3A_371 : i32 to index
      %get3A_373 = arith.constant 16 : index
      %get3A_374 = tpu.vector_load %arg4[%get3A_372, %get3A_373] {strides = array<i32>} : memref<256x128xf32, #tpu.memory_space<vmem>>, vector<1x16xf32>,
      %get3A_375 = vector.shape_cast %get3A_374 : vector<1x16xf32> to vector<16xf32>
      %add3A_376 = arith.addf %scan3A_355, %get3A_375 : vector<16xf32>
      %add3A_377 = arith.constant 0 : i32
      %add3A_378 = arith.addi %mul3A_363, %add3A_377 : i32
      %get3A_379 = arith.index_cast %add3A_378 : i32 to index
      %get3A_380 = arith.constant 32 : index
      %get3A_381 = tpu.vector_load %arg4[%get3A_379, %get3A_380] {strides = array<i32>} : memref<256x128xf32, #tpu.memory_space<vmem>>, vector<1x16xf32>,
      %get3A_382 = vector.shape_cast %get3A_381 : vector<1x16xf32> to vector<16xf32>
      %add3A_383 = arith.addf %scan3A_356, %get3A_382 : vector<16xf32>
      %add3A_384 = arith.constant 0 : i32
      %add3A_385 = arith.addi %mul3A_363, %add3A_384 : i32
      %get3A_386 = arith.index_cast %add3A_385 : i32 to index
      %get3A_387 = arith.constant 48 : index
      %get3A_388 = tpu.vector_load %arg4[%get3A_386, %get3A_387] {strides = array<i32>} : memref<256x128xf32, #tpu.memory_space<vmem>>, vector<1x16xf32>,
      %get3A_389 = vector.shape_cast %get3A_388 : vector<1x16xf32> to vector<16xf32>
      %add3A_390 = arith.addf %scan3A_357, %get3A_389 : vector<16xf32>
      %add3A_391 = arith.constant 0 : i32
      %add3A_392 = arith.addi %mul3A_363, %add3A_391 : i32
      %get3A_393 = arith.index_cast %add3A_392 : i32 to index
      %get3A_394 = arith.constant 64 : index
      %get3A_395 = tpu.vector_load %arg4[%get3A_393, %get3A_394] {strides = array<i32>} : memref<256x128xf32, #tpu.memory_space<vmem>>, vector<1x16xf32>,
      %get3A_396 = vector.shape_cast %get3A_395 : vector<1x16xf32> to vector<16xf32>
      %add3A_397 = arith.addf %scan3A_358, %get3A_396 : vector<16xf32>
      %add3A_398 = arith.constant 0 : i32
      %add3A_399 = arith.addi %mul3A_363, %add3A_398 : i32
      %get3A_400 = arith.index_cast %add3A_399 : i32 to index
      %get3A_401 = arith.constant 80 : index
      %get3A_402 = tpu.vector_load %arg4[%get3A_400, %get3A_401] {strides = array<i32>} : memref<256x128xf32, #tpu.memory_space<vmem>>, vector<1x16xf32>,
      %get3A_403 = vector.shape_cast %get3A_402 : vector<1x16xf32> to vector<16xf32>
      %add3A_404 = arith.addf %scan3A_359, %get3A_403 : vector<16xf32>
      %add3A_405 = arith.constant 0 : i32
      %add3A_406 = arith.addi %mul3A_363, %add3A_405 : i32
      %get3A_407 = arith.index_cast %add3A_406 : i32 to index
      %get3A_408 = arith.constant 96 : index
      %get3A_409 = tpu.vector_load %arg4[%get3A_407, %get3A_408] {strides = array<i32>} : memref<256x128xf32, #tpu.memory_space<vmem>>, vector<1x16xf32>,
      %get3A_410 = vector.shape_cast %get3A_409 : vector<1x16xf32> to vector<16xf32>
      %add3A_411 = arith.addf %scan3A_360, %get3A_410 : vector<16xf32>
      %add3A_412 = arith.constant 0 : i32
      %add3A_413 = arith.addi %mul3A_363, %add3A_412 : i32
      %get3A_414 = arith.index_cast %add3A_413 : i32 to index
      %get3A_415 = arith.constant 112 : index
      %get3A_416 = tpu.vector_load %arg4[%get3A_414, %get3A_415] {strides = array<i32>} : memref<256x128xf32, #tpu.memory_space<vmem>>, vector<1x16xf32>,
      %get3A_417 = vector.shape_cast %get3A_416 : vector<1x16xf32> to vector<16xf32>
      %add3A_418 = arith.addf %scan3A_361, %get3A_417 : vector<16xf32>
      %add3A_419 = arith.constant 1 : i32
      %add3A_420 = arith.addi %mul3A_363, %add3A_419 : i32
      %get3A_421 = arith.index_cast %add3A_420 : i32 to index
      %get3A_422 = arith.constant 0 : index
      %get3A_423 = tpu.vector_load %arg4[%get3A_421, %get3A_422] {strides = array<i32>} : memref<256x128xf32, #tpu.memory_space<vmem>>, vector<1x16xf32>,
      %get3A_424 = vector.shape_cast %get3A_423 : vector<1x16xf32> to vector<16xf32>
      %add3A_425 = arith.addf %add3A_369, %get3A_424 : vector<16xf32>
      %add3A_426 = arith.constant 1 : i32
      %add3A_427 = arith.addi %mul3A_363, %add3A_426 : i32
      %get3A_428 = arith.index_cast %add3A_427 : i32 to index
      %get3A_429 = arith.constant 16 : index
      %get3A_430 = tpu.vector_load %arg4[%get3A_428, %get3A_429] {strides = array<i32>} : memref<256x128xf32, #tpu.memory_space<vmem>>, vector<1x16xf32>,
      %get3A_431 = vector.shape_cast %get3A_430 : vector<1x16xf32> to vector<16xf32>
      %add3A_432 = arith.addf %add3A_376, %get3A_431 : vector<16xf32>
      %add3A_433 = arith.constant 1 : i32
      %add3A_434 = arith.addi %mul3A_363, %add3A_433 : i32
      %get3A_435 = arith.index_cast %add3A_434 : i32 to index
      %get3A_436 = arith.constant 32 : index
      %get3A_437 = tpu.vector_load %arg4[%get3A_435, %get3A_436] {strides = array<i32>} : memref<256x128xf32, #tpu.memory_space<vmem>>, vector<1x16xf32>,
      %get3A_438 = vector.shape_cast %get3A_437 : vector<1x16xf32> to vector<16xf32>
      %add3A_439 = arith.addf %add3A_383, %get3A_438 : vector<16xf32>
      %add3A_440 = arith.constant 1 : i32
      %add3A_441 = arith.addi %mul3A_363, %add3A_440 : i32
      %get3A_442 = arith.index_cast %add3A_441 : i32 to index
      %get3A_443 = arith.constant 48 : index
      %get3A_444 = tpu.vector_load %arg4[%get3A_442, %get3A_443] {strides = array<i32>} : memref<256x128xf32, #tpu.memory_space<vmem>>, vector<1x16xf32>,
      %get3A_445 = vector.shape_cast %get3A_444 : vector<1x16xf32> to vector<16xf32>
      %add3A_446 = arith.addf %add3A_390, %get3A_445 : vector<16xf32>
      %add3A_447 = arith.constant 1 : i32
      %add3A_448 = arith.addi %mul3A_363, %add3A_447 : i32
      %get3A_449 = arith.index_cast %add3A_448 : i32 to index
      %get3A_450 = arith.constant 64 : index
      %get3A_451 = tpu.vector_load %arg4[%get3A_449, %get3A_450] {strides = array<i32>} : memref<256x128xf32, #tpu.memory_space<vmem>>, vector<1x16xf32>,
      %get3A_452 = vector.shape_cast %get3A_451 : vector<1x16xf32> to vector<16xf32>
      %add3A_453 = arith.addf %add3A_397, %get3A_452 : vector<16xf32>
      %add3A_454 = arith.constant 1 : i32
      %add3A_455 = arith.addi %mul3A_363, %add3A_454 : i32
      %get3A_456 = arith.index_cast %add3A_455 : i32 to index
      %get3A_457 = arith.constant 80 : index
      %get3A_458 = tpu.vector_load %arg4[%get3A_456, %get3A_457] {strides = array<i32>} : memref<256x128xf32, #tpu.memory_space<vmem>>, vector<1x16xf32>,
      %get3A_459 = vector.shape_cast %get3A_458 : vector<1x16xf32> to vector<16xf32>
      %add3A_460 = arith.addf %add3A_404, %get3A_459 : vector<16xf32>
      %add3A_461 = arith.constant 1 : i32
      %add3A_462 = arith.addi %mul3A_363, %add3A_461 : i32
      %get3A_463 = arith.index_cast %add3A_462 : i32 to index
      %get3A_464 = arith.constant 96 : index
      %get3A_465 = tpu.vector_load %arg4[%get3A_463, %get3A_464] {strides = array<i32>} : memref<256x128xf32, #tpu.memory_space<vmem>>, vector<1x16xf32>,
      %get3A_466 = vector.shape_cast %get3A_465 : vector<1x16xf32> to vector<16xf32>
      %add3A_467 = arith.addf %add3A_411, %get3A_466 : vector<16xf32>
      %add3A_468 = arith.constant 1 : i32
      %add3A_469 = arith.addi %mul3A_363, %add3A_468 : i32
      %get3A_470 = arith.index_cast %add3A_469 : i32 to index
      %get3A_471 = arith.constant 112 : index
      %get3A_472 = tpu.vector_load %arg4[%get3A_470, %get3A_471] {strides = array<i32>} : memref<256x128xf32, #tpu.memory_space<vmem>>, vector<1x16xf32>,
      %get3A_473 = vector.shape_cast %get3A_472 : vector<1x16xf32> to vector<16xf32>
      %add3A_474 = arith.addf %add3A_418, %get3A_473 : vector<16xf32>
      %add3A_475 = arith.constant 2 : i32
      %add3A_476 = arith.addi %mul3A_363, %add3A_475 : i32
      %get3A_477 = arith.index_cast %add3A_476 : i32 to index
      %get3A_478 = arith.constant 0 : index
      %get3A_479 = tpu.vector_load %arg4[%get3A_477, %get3A_478] {strides = array<i32>} : memref<256x128xf32, #tpu.memory_space<vmem>>, vector<1x16xf32>,
      %get3A_480 = vector.shape_cast %get3A_479 : vector<1x16xf32> to vector<16xf32>
      %add3A_481 = arith.addf %add3A_425, %get3A_480 : vector<16xf32>
      %add3A_482 = arith.constant 2 : i32
      %add3A_483 = arith.addi %mul3A_363, %add3A_482 : i32
      %get3A_484 = arith.index_cast %add3A_483 : i32 to index
      %get3A_485 = arith.constant 16 : index
      %get3A_486 = tpu.vector_load %arg4[%get3A_484, %get3A_485] {strides = array<i32>} : memref<256x128xf32, #tpu.memory_space<vmem>>, vector<1x16xf32>,
      %get3A_487 = vector.shape_cast %get3A_486 : vector<1x16xf32> to vector<16xf32>
      %add3A_488 = arith.addf %add3A_432, %get3A_487 : vector<16xf32>
      %add3A_489 = arith.constant 2 : i32
      %add3A_490 = arith.addi %mul3A_363, %add3A_489 : i32
      %get3A_491 = arith.index_cast %add3A_490 : i32 to index
      %get3A_492 = arith.constant 32 : index
      %get3A_493 = tpu.vector_load %arg4[%get3A_491, %get3A_492] {strides = array<i32>} : memref<256x128xf32, #tpu.memory_space<vmem>>, vector<1x16xf32>,
      %get3A_494 = vector.shape_cast %get3A_493 : vector<1x16xf32> to vector<16xf32>
      %add3A_495 = arith.addf %add3A_439, %get3A_494 : vector<16xf32>
      %add3A_496 = arith.constant 2 : i32
      %add3A_497 = arith.addi %mul3A_363, %add3A_496 : i32
      %get3A_498 = arith.index_cast %add3A_497 : i32 to index
      %get3A_499 = arith.constant 48 : index
      %get3A_500 = tpu.vector_load %arg4[%get3A_498, %get3A_499] {strides = array<i32>} : memref<256x128xf32, #tpu.memory_space<vmem>>, vector<1x16xf32>,
      %get3A_501 = vector.shape_cast %get3A_500 : vector<1x16xf32> to vector<16xf32>
      %add3A_502 = arith.addf %add3A_446, %get3A_501 : vector<16xf32>
      %add3A_503 = arith.constant 2 : i32
      %add3A_504 = arith.addi %mul3A_363, %add3A_503 : i32
      %get3A_505 = arith.index_cast %add3A_504 : i32 to index
      %get3A_506 = arith.constant 64 : index
      %get3A_507 = tpu.vector_load %arg4[%get3A_505, %get3A_506] {strides = array<i32>} : memref<256x128xf32, #tpu.memory_space<vmem>>, vector<1x16xf32>,
      %get3A_508 = vector.shape_cast %get3A_507 : vector<1x16xf32> to vector<16xf32>
      %add3A_509 = arith.addf %add3A_453, %get3A_508 : vector<16xf32>
      %add3A_510 = arith.constant 2 : i32
      %add3A_511 = arith.addi %mul3A_363, %add3A_510 : i32
      %get3A_512 = arith.index_cast %add3A_511 : i32 to index
      %get3A_513 = arith.constant 80 : index
      %get3A_514 = tpu.vector_load %arg4[%get3A_512, %get3A_513] {strides = array<i32>} : memref<256x128xf32, #tpu.memory_space<vmem>>, vector<1x16xf32>,
      %get3A_515 = vector.shape_cast %get3A_514 : vector<1x16xf32> to vector<16xf32>
      %add3A_516 = arith.addf %add3A_460, %get3A_515 : vector<16xf32>
      %add3A_517 = arith.constant 2 : i32
      %add3A_518 = arith.addi %mul3A_363, %add3A_517 : i32
      %get3A_519 = arith.index_cast %add3A_518 : i32 to index
      %get3A_520 = arith.constant 96 : index
      %get3A_521 = tpu.vector_load %arg4[%get3A_519, %get3A_520] {strides = array<i32>} : memref<256x128xf32, #tpu.memory_space<vmem>>, vector<1x16xf32>,
      %get3A_522 = vector.shape_cast %get3A_521 : vector<1x16xf32> to vector<16xf32>
      %add3A_523 = arith.addf %add3A_467, %get3A_522 : vector<16xf32>
      %add3A_524 = arith.constant 2 : i32
      %add3A_525 = arith.addi %mul3A_363, %add3A_524 : i32
      %get3A_526 = arith.index_cast %add3A_525 : i32 to index
      %get3A_527 = arith.constant 112 : index
      %get3A_528 = tpu.vector_load %arg4[%get3A_526, %get3A_527] {strides = array<i32>} : memref<256x128xf32, #tpu.memory_space<vmem>>, vector<1x16xf32>,
      %get3A_529 = vector.shape_cast %get3A_528 : vector<1x16xf32> to vector<16xf32>
      %add3A_530 = arith.addf %add3A_474, %get3A_529 : vector<16xf32>
      %add3A_531 = arith.constant 3 : i32
      %add3A_532 = arith.addi %mul3A_363, %add3A_531 : i32
      %get3A_533 = arith.index_cast %add3A_532 : i32 to index
      %get3A_534 = arith.constant 0 : index
      %get3A_535 = tpu.vector_load %arg4[%get3A_533, %get3A_534] {strides = array<i32>} : memref<256x128xf32, #tpu.memory_space<vmem>>, vector<1x16xf32>,
      %get3A_536 = vector.shape_cast %get3A_535 : vector<1x16xf32> to vector<16xf32>
      %add3A_537 = arith.addf %add3A_481, %get3A_536 : vector<16xf32>
      %add3A_538 = arith.constant 3 : i32
      %add3A_539 = arith.addi %mul3A_363, %add3A_538 : i32
      %get3A_540 = arith.index_cast %add3A_539 : i32 to index
      %get3A_541 = arith.constant 16 : index
      %get3A_542 = tpu.vector_load %arg4[%get3A_540, %get3A_541] {strides = array<i32>} : memref<256x128xf32, #tpu.memory_space<vmem>>, vector<1x16xf32>,
      %get3A_543 = vector.shape_cast %get3A_542 : vector<1x16xf32> to vector<16xf32>
      %add3A_544 = arith.addf %add3A_488, %get3A_543 : vector<16xf32>
      %add3A_545 = arith.constant 3 : i32
      %add3A_546 = arith.addi %mul3A_363, %add3A_545 : i32
      %get3A_547 = arith.index_cast %add3A_546 : i32 to index
      %get3A_548 = arith.constant 32 : index
      %get3A_549 = tpu.vector_load %arg4[%get3A_547, %get3A_548] {strides = array<i32>} : memref<256x128xf32, #tpu.memory_space<vmem>>, vector<1x16xf32>,
      %get3A_550 = vector.shape_cast %get3A_549 : vector<1x16xf32> to vector<16xf32>
      %add3A_551 = arith.addf %add3A_495, %get3A_550 : vector<16xf32>
      %add3A_552 = arith.constant 3 : i32
      %add3A_553 = arith.addi %mul3A_363, %add3A_552 : i32
      %get3A_554 = arith.index_cast %add3A_553 : i32 to index
      %get3A_555 = arith.constant 48 : index
      %get3A_556 = tpu.vector_load %arg4[%get3A_554, %get3A_555] {strides = array<i32>} : memref<256x128xf32, #tpu.memory_space<vmem>>, vector<1x16xf32>,
      %get3A_557 = vector.shape_cast %get3A_556 : vector<1x16xf32> to vector<16xf32>
      %add3A_558 = arith.addf %add3A_502, %get3A_557 : vector<16xf32>
      %add3A_559 = arith.constant 3 : i32
      %add3A_560 = arith.addi %mul3A_363, %add3A_559 : i32
      %get3A_561 = arith.index_cast %add3A_560 : i32 to index
      %get3A_562 = arith.constant 64 : index
      %get3A_563 = tpu.vector_load %arg4[%get3A_561, %get3A_562] {strides = array<i32>} : memref<256x128xf32, #tpu.memory_space<vmem>>, vector<1x16xf32>,
      %get3A_564 = vector.shape_cast %get3A_563 : vector<1x16xf32> to vector<16xf32>
      %add3A_565 = arith.addf %add3A_509, %get3A_564 : vector<16xf32>
      %add3A_566 = arith.constant 3 : i32
      %add3A_567 = arith.addi %mul3A_363, %add3A_566 : i32
      %get3A_568 = arith.index_cast %add3A_567 : i32 to index
      %get3A_569 = arith.constant 80 : index
      %get3A_570 = tpu.vector_load %arg4[%get3A_568, %get3A_569] {strides = array<i32>} : memref<256x128xf32, #tpu.memory_space<vmem>>, vector<1x16xf32>,
      %get3A_571 = vector.shape_cast %get3A_570 : vector<1x16xf32> to vector<16xf32>
      %add3A_572 = arith.addf %add3A_516, %get3A_571 : vector<16xf32>
      %add3A_573 = arith.constant 3 : i32
      %add3A_574 = arith.addi %mul3A_363, %add3A_573 : i32
      %get3A_575 = arith.index_cast %add3A_574 : i32 to index
      %get3A_576 = arith.constant 96 : index
      %get3A_577 = tpu.vector_load %arg4[%get3A_575, %get3A_576] {strides = array<i32>} : memref<256x128xf32, #tpu.memory_space<vmem>>, vector<1x16xf32>,
      %get3A_578 = vector.shape_cast %get3A_577 : vector<1x16xf32> to vector<16xf32>
      %add3A_579 = arith.addf %add3A_523, %get3A_578 : vector<16xf32>
      %add3A_580 = arith.constant 3 : i32
      %add3A_581 = arith.addi %mul3A_363, %add3A_580 : i32
      %get3A_582 = arith.index_cast %add3A_581 : i32 to index
      %get3A_583 = arith.constant 112 : index
      %get3A_584 = tpu.vector_load %arg4[%get3A_582, %get3A_583] {strides = array<i32>} : memref<256x128xf32, #tpu.memory_space<vmem>>, vector<1x16xf32>,
      %get3A_585 = vector.shape_cast %get3A_584 : vector<1x16xf32> to vector<16xf32>
      %add3A_586 = arith.addf %add3A_530, %get3A_585 : vector<16xf32>
      %add3A_587 = arith.constant 4 : i32
      %add3A_588 = arith.addi %mul3A_363, %add3A_587 : i32
      %get3A_589 = arith.index_cast %add3A_588 : i32 to index
      %get3A_590 = arith.constant 0 : index
      %get3A_591 = tpu.vector_load %arg4[%get3A_589, %get3A_590] {strides = array<i32>} : memref<256x128xf32, #tpu.memory_space<vmem>>, vector<1x16xf32>,
      %get3A_592 = vector.shape_cast %get3A_591 : vector<1x16xf32> to vector<16xf32>
      %add3A_593 = arith.addf %add3A_537, %get3A_592 : vector<16xf32>
      %add3A_594 = arith.constant 4 : i32
      %add3A_595 = arith.addi %mul3A_363, %add3A_594 : i32
      %get3A_596 = arith.index_cast %add3A_595 : i32 to index
      %get3A_597 = arith.constant 16 : index
      %get3A_598 = tpu.vector_load %arg4[%get3A_596, %get3A_597] {strides = array<i32>} : memref<256x128xf32, #tpu.memory_space<vmem>>, vector<1x16xf32>,
      %get3A_599 = vector.shape_cast %get3A_598 : vector<1x16xf32> to vector<16xf32>
      %add3A_600 = arith.addf %add3A_544, %get3A_599 : vector<16xf32>
      %add3A_601 = arith.constant 4 : i32
      %add3A_602 = arith.addi %mul3A_363, %add3A_601 : i32
      %get3A_603 = arith.index_cast %add3A_602 : i32 to index
      %get3A_604 = arith.constant 32 : index
      %get3A_605 = tpu.vector_load %arg4[%get3A_603, %get3A_604] {strides = array<i32>} : memref<256x128xf32, #tpu.memory_space<vmem>>, vector<1x16xf32>,
      %get3A_606 = vector.shape_cast %get3A_605 : vector<1x16xf32> to vector<16xf32>
      %add3A_607 = arith.addf %add3A_551, %get3A_606 : vector<16xf32>
      %add3A_608 = arith.constant 4 : i32
      %add3A_609 = arith.addi %mul3A_363, %add3A_608 : i32
      %get3A_610 = arith.index_cast %add3A_609 : i32 to index
      %get3A_611 = arith.constant 48 : index
      %get3A_612 = tpu.vector_load %arg4[%get3A_610, %get3A_611] {strides = array<i32>} : memref<256x128xf32, #tpu.memory_space<vmem>>, vector<1x16xf32>,
      %get3A_613 = vector.shape_cast %get3A_612 : vector<1x16xf32> to vector<16xf32>
      %add3A_614 = arith.addf %add3A_558, %get3A_613 : vector<16xf32>
      %add3A_615 = arith.constant 4 : i32
      %add3A_616 = arith.addi %mul3A_363, %add3A_615 : i32
      %get3A_617 = arith.index_cast %add3A_616 : i32 to index
      %get3A_618 = arith.constant 64 : index
      %get3A_619 = tpu.vector_load %arg4[%get3A_617, %get3A_618] {strides = array<i32>} : memref<256x128xf32, #tpu.memory_space<vmem>>, vector<1x16xf32>,
      %get3A_620 = vector.shape_cast %get3A_619 : vector<1x16xf32> to vector<16xf32>
      %add3A_621 = arith.addf %add3A_565, %get3A_620 : vector<16xf32>
      %add3A_622 = arith.constant 4 : i32
      %add3A_623 = arith.addi %mul3A_363, %add3A_622 : i32
      %get3A_624 = arith.index_cast %add3A_623 : i32 to index
      %get3A_625 = arith.constant 80 : index
      %get3A_626 = tpu.vector_load %arg4[%get3A_624, %get3A_625] {strides = array<i32>} : memref<256x128xf32, #tpu.memory_space<vmem>>, vector<1x16xf32>,
      %get3A_627 = vector.shape_cast %get3A_626 : vector<1x16xf32> to vector<16xf32>
      %add3A_628 = arith.addf %add3A_572, %get3A_627 : vector<16xf32>
      %add3A_629 = arith.constant 4 : i32
      %add3A_630 = arith.addi %mul3A_363, %add3A_629 : i32
      %get3A_631 = arith.index_cast %add3A_630 : i32 to index
      %get3A_632 = arith.constant 96 : index
      %get3A_633 = tpu.vector_load %arg4[%get3A_631, %get3A_632] {strides = array<i32>} : memref<256x128xf32, #tpu.memory_space<vmem>>, vector<1x16xf32>,
      %get3A_634 = vector.shape_cast %get3A_633 : vector<1x16xf32> to vector<16xf32>
      %add3A_635 = arith.addf %add3A_579, %get3A_634 : vector<16xf32>
      %add3A_636 = arith.constant 4 : i32
      %add3A_637 = arith.addi %mul3A_363, %add3A_636 : i32
      %get3A_638 = arith.index_cast %add3A_637 : i32 to index
      %get3A_639 = arith.constant 112 : index
      %get3A_640 = tpu.vector_load %arg4[%get3A_638, %get3A_639] {strides = array<i32>} : memref<256x128xf32, #tpu.memory_space<vmem>>, vector<1x16xf32>,
      %get3A_641 = vector.shape_cast %get3A_640 : vector<1x16xf32> to vector<16xf32>
      %add3A_642 = arith.addf %add3A_586, %get3A_641 : vector<16xf32>
      %add3A_643 = arith.constant 5 : i32
      %add3A_644 = arith.addi %mul3A_363, %add3A_643 : i32
      %get3A_645 = arith.index_cast %add3A_644 : i32 to index
      %get3A_646 = arith.constant 0 : index
      %get3A_647 = tpu.vector_load %arg4[%get3A_645, %get3A_646] {strides = array<i32>} : memref<256x128xf32, #tpu.memory_space<vmem>>, vector<1x16xf32>,
      %get3A_648 = vector.shape_cast %get3A_647 : vector<1x16xf32> to vector<16xf32>
      %add3A_649 = arith.addf %add3A_593, %get3A_648 : vector<16xf32>
      %add3A_650 = arith.constant 5 : i32
      %add3A_651 = arith.addi %mul3A_363, %add3A_650 : i32
      %get3A_652 = arith.index_cast %add3A_651 : i32 to index
      %get3A_653 = arith.constant 16 : index
      %get3A_654 = tpu.vector_load %arg4[%get3A_652, %get3A_653] {strides = array<i32>} : memref<256x128xf32, #tpu.memory_space<vmem>>, vector<1x16xf32>,
      %get3A_655 = vector.shape_cast %get3A_654 : vector<1x16xf32> to vector<16xf32>
      %add3A_656 = arith.addf %add3A_600, %get3A_655 : vector<16xf32>
      %add3A_657 = arith.constant 5 : i32
      %add3A_658 = arith.addi %mul3A_363, %add3A_657 : i32
      %get3A_659 = arith.index_cast %add3A_658 : i32 to index
      %get3A_660 = arith.constant 32 : index
      %get3A_661 = tpu.vector_load %arg4[%get3A_659, %get3A_660] {strides = array<i32>} : memref<256x128xf32, #tpu.memory_space<vmem>>, vector<1x16xf32>,
      %get3A_662 = vector.shape_cast %get3A_661 : vector<1x16xf32> to vector<16xf32>
      %add3A_663 = arith.addf %add3A_607, %get3A_662 : vector<16xf32>
      %add3A_664 = arith.constant 5 : i32
      %add3A_665 = arith.addi %mul3A_363, %add3A_664 : i32
      %get3A_666 = arith.index_cast %add3A_665 : i32 to index
      %get3A_667 = arith.constant 48 : index
      %get3A_668 = tpu.vector_load %arg4[%get3A_666, %get3A_667] {strides = array<i32>} : memref<256x128xf32, #tpu.memory_space<vmem>>, vector<1x16xf32>,
      %get3A_669 = vector.shape_cast %get3A_668 : vector<1x16xf32> to vector<16xf32>
      %add3A_670 = arith.addf %add3A_614, %get3A_669 : vector<16xf32>
      %add3A_671 = arith.constant 5 : i32
      %add3A_672 = arith.addi %mul3A_363, %add3A_671 : i32
      %get3A_673 = arith.index_cast %add3A_672 : i32 to index
      %get3A_674 = arith.constant 64 : index
      %get3A_675 = tpu.vector_load %arg4[%get3A_673, %get3A_674] {strides = array<i32>} : memref<256x128xf32, #tpu.memory_space<vmem>>, vector<1x16xf32>,
      %get3A_676 = vector.shape_cast %get3A_675 : vector<1x16xf32> to vector<16xf32>
      %add3A_677 = arith.addf %add3A_621, %get3A_676 : vector<16xf32>
      %add3A_678 = arith.constant 5 : i32
      %add3A_679 = arith.addi %mul3A_363, %add3A_678 : i32
      %get3A_680 = arith.index_cast %add3A_679 : i32 to index
      %get3A_681 = arith.constant 80 : index
      %get3A_682 = tpu.vector_load %arg4[%get3A_680, %get3A_681] {strides = array<i32>} : memref<256x128xf32, #tpu.memory_space<vmem>>, vector<1x16xf32>,
      %get3A_683 = vector.shape_cast %get3A_682 : vector<1x16xf32> to vector<16xf32>
      %add3A_684 = arith.addf %add3A_628, %get3A_683 : vector<16xf32>
      %add3A_685 = arith.constant 5 : i32
      %add3A_686 = arith.addi %mul3A_363, %add3A_685 : i32
      %get3A_687 = arith.index_cast %add3A_686 : i32 to index
      %get3A_688 = arith.constant 96 : index
      %get3A_689 = tpu.vector_load %arg4[%get3A_687, %get3A_688] {strides = array<i32>} : memref<256x128xf32, #tpu.memory_space<vmem>>, vector<1x16xf32>,
      %get3A_690 = vector.shape_cast %get3A_689 : vector<1x16xf32> to vector<16xf32>
      %add3A_691 = arith.addf %add3A_635, %get3A_690 : vector<16xf32>
      %add3A_692 = arith.constant 5 : i32
      %add3A_693 = arith.addi %mul3A_363, %add3A_692 : i32
      %get3A_694 = arith.index_cast %add3A_693 : i32 to index
      %get3A_695 = arith.constant 112 : index
      %get3A_696 = tpu.vector_load %arg4[%get3A_694, %get3A_695] {strides = array<i32>} : memref<256x128xf32, #tpu.memory_space<vmem>>, vector<1x16xf32>,
      %get3A_697 = vector.shape_cast %get3A_696 : vector<1x16xf32> to vector<16xf32>
      %add3A_698 = arith.addf %add3A_642, %get3A_697 : vector<16xf32>
      %add3A_699 = arith.constant 6 : i32
      %add3A_700 = arith.addi %mul3A_363, %add3A_699 : i32
      %get3A_701 = arith.index_cast %add3A_700 : i32 to index
      %get3A_702 = arith.constant 0 : index
      %get3A_703 = tpu.vector_load %arg4[%get3A_701, %get3A_702] {strides = array<i32>} : memref<256x128xf32, #tpu.memory_space<vmem>>, vector<1x16xf32>,
      %get3A_704 = vector.shape_cast %get3A_703 : vector<1x16xf32> to vector<16xf32>
      %add3A_705 = arith.addf %add3A_649, %get3A_704 : vector<16xf32>
      %add3A_706 = arith.constant 6 : i32
      %add3A_707 = arith.addi %mul3A_363, %add3A_706 : i32
      %get3A_708 = arith.index_cast %add3A_707 : i32 to index
      %get3A_709 = arith.constant 16 : index
      %get3A_710 = tpu.vector_load %arg4[%get3A_708, %get3A_709] {strides = array<i32>} : memref<256x128xf32, #tpu.memory_space<vmem>>, vector<1x16xf32>,
      %get3A_711 = vector.shape_cast %get3A_710 : vector<1x16xf32> to vector<16xf32>
      %add3A_712 = arith.addf %add3A_656, %get3A_711 : vector<16xf32>
      %add3A_713 = arith.constant 6 : i32
      %add3A_714 = arith.addi %mul3A_363, %add3A_713 : i32
      %get3A_715 = arith.index_cast %add3A_714 : i32 to index
      %get3A_716 = arith.constant 32 : index
      %get3A_717 = tpu.vector_load %arg4[%get3A_715, %get3A_716] {strides = array<i32>} : memref<256x128xf32, #tpu.memory_space<vmem>>, vector<1x16xf32>,
      %get3A_718 = vector.shape_cast %get3A_717 : vector<1x16xf32> to vector<16xf32>
      %add3A_719 = arith.addf %add3A_663, %get3A_718 : vector<16xf32>
      %add3A_720 = arith.constant 6 : i32
      %add3A_721 = arith.addi %mul3A_363, %add3A_720 : i32
      %get3A_722 = arith.index_cast %add3A_721 : i32 to index
      %get3A_723 = arith.constant 48 : index
      %get3A_724 = tpu.vector_load %arg4[%get3A_722, %get3A_723] {strides = array<i32>} : memref<256x128xf32, #tpu.memory_space<vmem>>, vector<1x16xf32>,
      %get3A_725 = vector.shape_cast %get3A_724 : vector<1x16xf32> to vector<16xf32>
      %add3A_726 = arith.addf %add3A_670, %get3A_725 : vector<16xf32>
      %add3A_727 = arith.constant 6 : i32
      %add3A_728 = arith.addi %mul3A_363, %add3A_727 : i32
      %get3A_729 = arith.index_cast %add3A_728 : i32 to index
      %get3A_730 = arith.constant 64 : index
      %get3A_731 = tpu.vector_load %arg4[%get3A_729, %get3A_730] {strides = array<i32>} : memref<256x128xf32, #tpu.memory_space<vmem>>, vector<1x16xf32>,
      %get3A_732 = vector.shape_cast %get3A_731 : vector<1x16xf32> to vector<16xf32>
      %add3A_733 = arith.addf %add3A_677, %get3A_732 : vector<16xf32>
      %add3A_734 = arith.constant 6 : i32
      %add3A_735 = arith.addi %mul3A_363, %add3A_734 : i32
      %get3A_736 = arith.index_cast %add3A_735 : i32 to index
      %get3A_737 = arith.constant 80 : index
      %get3A_738 = tpu.vector_load %arg4[%get3A_736, %get3A_737] {strides = array<i32>} : memref<256x128xf32, #tpu.memory_space<vmem>>, vector<1x16xf32>,
      %get3A_739 = vector.shape_cast %get3A_738 : vector<1x16xf32> to vector<16xf32>
      %add3A_740 = arith.addf %add3A_684, %get3A_739 : vector<16xf32>
      %add3A_741 = arith.constant 6 : i32
      %add3A_742 = arith.addi %mul3A_363, %add3A_741 : i32
      %get3A_743 = arith.index_cast %add3A_742 : i32 to index
      %get3A_744 = arith.constant 96 : index
      %get3A_745 = tpu.vector_load %arg4[%get3A_743, %get3A_744] {strides = array<i32>} : memref<256x128xf32, #tpu.memory_space<vmem>>, vector<1x16xf32>,
      %get3A_746 = vector.shape_cast %get3A_745 : vector<1x16xf32> to vector<16xf32>
      %add3A_747 = arith.addf %add3A_691, %get3A_746 : vector<16xf32>
      %add3A_748 = arith.constant 6 : i32
      %add3A_749 = arith.addi %mul3A_363, %add3A_748 : i32
      %get3A_750 = arith.index_cast %add3A_749 : i32 to index
      %get3A_751 = arith.constant 112 : index
      %get3A_752 = tpu.vector_load %arg4[%get3A_750, %get3A_751] {strides = array<i32>} : memref<256x128xf32, #tpu.memory_space<vmem>>, vector<1x16xf32>,
      %get3A_753 = vector.shape_cast %get3A_752 : vector<1x16xf32> to vector<16xf32>
      %add3A_754 = arith.addf %add3A_698, %get3A_753 : vector<16xf32>
      %add3A_755 = arith.constant 7 : i32
      %add3A_756 = arith.addi %mul3A_363, %add3A_755 : i32
      %get3A_757 = arith.index_cast %add3A_756 : i32 to index
      %get3A_758 = arith.constant 0 : index
      %get3A_759 = tpu.vector_load %arg4[%get3A_757, %get3A_758] {strides = array<i32>} : memref<256x128xf32, #tpu.memory_space<vmem>>, vector<1x16xf32>,
      %get3A_760 = vector.shape_cast %get3A_759 : vector<1x16xf32> to vector<16xf32>
      %add3A_761 = arith.addf %add3A_705, %get3A_760 : vector<16xf32>
      %add3A_762 = arith.constant 7 : i32
      %add3A_763 = arith.addi %mul3A_363, %add3A_762 : i32
      %get3A_764 = arith.index_cast %add3A_763 : i32 to index
      %get3A_765 = arith.constant 16 : index
      %get3A_766 = tpu.vector_load %arg4[%get3A_764, %get3A_765] {strides = array<i32>} : memref<256x128xf32, #tpu.memory_space<vmem>>, vector<1x16xf32>,
      %get3A_767 = vector.shape_cast %get3A_766 : vector<1x16xf32> to vector<16xf32>
      %add3A_768 = arith.addf %add3A_712, %get3A_767 : vector<16xf32>
      %add3A_769 = arith.constant 7 : i32
      %add3A_770 = arith.addi %mul3A_363, %add3A_769 : i32
      %get3A_771 = arith.index_cast %add3A_770 : i32 to index
      %get3A_772 = arith.constant 32 : index
      %get3A_773 = tpu.vector_load %arg4[%get3A_771, %get3A_772] {strides = array<i32>} : memref<256x128xf32, #tpu.memory_space<vmem>>, vector<1x16xf32>,
      %get3A_774 = vector.shape_cast %get3A_773 : vector<1x16xf32> to vector<16xf32>
      %add3A_775 = arith.addf %add3A_719, %get3A_774 : vector<16xf32>
      %add3A_776 = arith.constant 7 : i32
      %add3A_777 = arith.addi %mul3A_363, %add3A_776 : i32
      %get3A_778 = arith.index_cast %add3A_777 : i32 to index
      %get3A_779 = arith.constant 48 : index
      %get3A_780 = tpu.vector_load %arg4[%get3A_778, %get3A_779] {strides = array<i32>} : memref<256x128xf32, #tpu.memory_space<vmem>>, vector<1x16xf32>,
      %get3A_781 = vector.shape_cast %get3A_780 : vector<1x16xf32> to vector<16xf32>
      %add3A_782 = arith.addf %add3A_726, %get3A_781 : vector<16xf32>
      %add3A_783 = arith.constant 7 : i32
      %add3A_784 = arith.addi %mul3A_363, %add3A_783 : i32
      %get3A_785 = arith.index_cast %add3A_784 : i32 to index
      %get3A_786 = arith.constant 64 : index
      %get3A_787 = tpu.vector_load %arg4[%get3A_785, %get3A_786] {strides = array<i32>} : memref<256x128xf32, #tpu.memory_space<vmem>>, vector<1x16xf32>,
      %get3A_788 = vector.shape_cast %get3A_787 : vector<1x16xf32> to vector<16xf32>
      %add3A_789 = arith.addf %add3A_733, %get3A_788 : vector<16xf32>
      %add3A_790 = arith.constant 7 : i32
      %add3A_791 = arith.addi %mul3A_363, %add3A_790 : i32
      %get3A_792 = arith.index_cast %add3A_791 : i32 to index
      %get3A_793 = arith.constant 80 : index
      %get3A_794 = tpu.vector_load %arg4[%get3A_792, %get3A_793] {strides = array<i32>} : memref<256x128xf32, #tpu.memory_space<vmem>>, vector<1x16xf32>,
      %get3A_795 = vector.shape_cast %get3A_794 : vector<1x16xf32> to vector<16xf32>
      %add3A_796 = arith.addf %add3A_740, %get3A_795 : vector<16xf32>
      %add3A_797 = arith.constant 7 : i32
      %add3A_798 = arith.addi %mul3A_363, %add3A_797 : i32
      %get3A_799 = arith.index_cast %add3A_798 : i32 to index
      %get3A_800 = arith.constant 96 : index
      %get3A_801 = tpu.vector_load %arg4[%get3A_799, %get3A_800] {strides = array<i32>} : memref<256x128xf32, #tpu.memory_space<vmem>>, vector<1x16xf32>,
      %get3A_802 = vector.shape_cast %get3A_801 : vector<1x16xf32> to vector<16xf32>
      %add3A_803 = arith.addf %add3A_747, %get3A_802 : vector<16xf32>
      %add3A_804 = arith.constant 7 : i32
      %add3A_805 = arith.addi %mul3A_363, %add3A_804 : i32
      %get3A_806 = arith.index_cast %add3A_805 : i32 to index
      %get3A_807 = arith.constant 112 : index
      %get3A_808 = tpu.vector_load %arg4[%get3A_806, %get3A_807] {strides = array<i32>} : memref<256x128xf32, #tpu.memory_space<vmem>>, vector<1x16xf32>,
      %get3A_809 = vector.shape_cast %get3A_808 : vector<1x16xf32> to vector<16xf32>
      %add3A_810 = arith.addf %add3A_754, %get3A_809 : vector<16xf32>
      scf.yield %add3A_761, %add3A_768, %add3A_775, %add3A_782, %add3A_789, %add3A_796, %add3A_803, %add3A_810 : vector<16xf32>, vector<16xf32>, vector<16xf32>, vector<16xf32>, vector<16xf32>, vector<16xf32>, vector<16xf32>, vector<16xf32>
    }
    %scan3A_217 = arith.constant 32 : i32
    %dma_wait3A_218 = arith.constant 2 : i32
    %dma_wait3A_219 = arith.constant 7936 : i32
    %dma_wait3A_220 = tpu.memref_slice %arg2[%dma_wait3A_218, %dma_wait3A_219, %mul3A_2] : memref<4x8192x4096xf32, #tpu.memory_space<hbm>> -> memref<1x256x128xf32, #tpu.memory_space<hbm>>
    %dma_wait3A_221 = tpu.memref_squeeze %dma_wait3A_220 : memref<1x256x128xf32, #tpu.memory_space<hbm>> -> memref<256x128xf32, #tpu.memory_space<hbm>>
    %dma_wait3A_222 = arith.constant 7936 : i32
    %dma_wait3A_223 = tpu.memref_slice %arg2[%dma_wait3A_218, %dma_wait3A_222, %mul3A_2] : memref<4x8192x4096xf32, #tpu.memory_space<hbm>> -> memref<1x256x128xf32, #tpu.memory_space<hbm>>
    %dma_wait3A_224 = tpu.memref_squeeze %dma_wait3A_223 : memref<1x256x128xf32, #tpu.memory_space<hbm>> -> memref<256x128xf32, #tpu.memory_space<hbm>>
    tpu.wait_dma2 semaphore(%arg8 : memref<!tpu.dma_semaphore, #tpu.memory_space<semaphore_mem>>) src(%dma_wait3A_224 : memref<256x128xf32, #tpu.memory_space<hbm>>) dst(%arg5 : memref<256x128xf32, #tpu.memory_space<vmem>>)
    %scan3A_225 = arith.constant 0 : i32
    %scan3A_226 = arith.constant 32 : i32
    %scan3A_227 = arith.addi %scan3A_225, %scan3A_226 : i32
    %scan3A_228 = arith.constant 1 : i32
    %scan3A_229:8 = scf.for %scan3A_353 = %scan3A_225 to %scan3A_227 step %scan3A_228 iter_args(%scan3A_354 = %scan3A_216#0, %scan3A_355 = %scan3A_216#1, %scan3A_356 = %scan3A_216#2, %scan3A_357 = %scan3A_216#3, %scan3A_358 = %scan3A_216#4, %scan3A_359 = %scan3A_216#5, %scan3A_360 = %scan3A_216#6, %scan3A_361 = %scan3A_216#7) -> (vector<16xf32>, vector<16xf32>, vector<16xf32>, vector<16xf32>, vector<16xf32>, vector<16xf32>, vector<16xf32>, vector<16xf32>)  : i32 {
      %mul3A_362 = arith.constant 8 : i32
      %mul3A_363 = arith.muli %scan3A_353, %mul3A_362 : i32
      %add3A_364 = arith.constant 0 : i32
      %add3A_365 = arith.addi %mul3A_363, %add3A_364 : i32
      %get3A = arith.index_cast %add3A_365 : i32 to index
      %get3A_366 = arith.constant 0 : index
      %get3A_367 = tpu.vector_load %arg5[%get3A, %get3A_366] {strides = array<i32>} : memref<256x128xf32, #tpu.memory_space<vmem>>, vector<1x16xf32>,
      %get3A_368 = vector.shape_cast %get3A_367 : vector<1x16xf32> to vector<16xf32>
      %add3A_369 = arith.addf %scan3A_354, %get3A_368 : vector<16xf32>
      %add3A_370 = arith.constant 0 : i32
      %add3A_371 = arith.addi %mul3A_363, %add3A_370 : i32
      %get3A_372 = arith.index_cast %add3A_371 : i32 to index
      %get3A_373 = arith.constant 16 : index
      %get3A_374 = tpu.vector_load %arg5[%get3A_372, %get3A_373] {strides = array<i32>} : memref<256x128xf32, #tpu.memory_space<vmem>>, vector<1x16xf32>,
      %get3A_375 = vector.shape_cast %get3A_374 : vector<1x16xf32> to vector<16xf32>
      %add3A_376 = arith.addf %scan3A_355, %get3A_375 : vector<16xf32>
      %add3A_377 = arith.constant 0 : i32
      %add3A_378 = arith.addi %mul3A_363, %add3A_377 : i32
      %get3A_379 = arith.index_cast %add3A_378 : i32 to index
      %get3A_380 = arith.constant 32 : index
      %get3A_381 = tpu.vector_load %arg5[%get3A_379, %get3A_380] {strides = array<i32>} : memref<256x128xf32, #tpu.memory_space<vmem>>, vector<1x16xf32>,
      %get3A_382 = vector.shape_cast %get3A_381 : vector<1x16xf32> to vector<16xf32>
      %add3A_383 = arith.addf %scan3A_356, %get3A_382 : vector<16xf32>
      %add3A_384 = arith.constant 0 : i32
      %add3A_385 = arith.addi %mul3A_363, %add3A_384 : i32
      %get3A_386 = arith.index_cast %add3A_385 : i32 to index
      %get3A_387 = arith.constant 48 : index
      %get3A_388 = tpu.vector_load %arg5[%get3A_386, %get3A_387] {strides = array<i32>} : memref<256x128xf32, #tpu.memory_space<vmem>>, vector<1x16xf32>,
      %get3A_389 = vector.shape_cast %get3A_388 : vector<1x16xf32> to vector<16xf32>
      %add3A_390 = arith.addf %scan3A_357, %get3A_389 : vector<16xf32>
      %add3A_391 = arith.constant 0 : i32
      %add3A_392 = arith.addi %mul3A_363, %add3A_391 : i32
      %get3A_393 = arith.index_cast %add3A_392 : i32 to index
      %get3A_394 = arith.constant 64 : index
      %get3A_395 = tpu.vector_load %arg5[%get3A_393, %get3A_394] {strides = array<i32>} : memref<256x128xf32, #tpu.memory_space<vmem>>, vector<1x16xf32>,
      %get3A_396 = vector.shape_cast %get3A_395 : vector<1x16xf32> to vector<16xf32>
      %add3A_397 = arith.addf %scan3A_358, %get3A_396 : vector<16xf32>
      %add3A_398 = arith.constant 0 : i32
      %add3A_399 = arith.addi %mul3A_363, %add3A_398 : i32
      %get3A_400 = arith.index_cast %add3A_399 : i32 to index
      %get3A_401 = arith.constant 80 : index
      %get3A_402 = tpu.vector_load %arg5[%get3A_400, %get3A_401] {strides = array<i32>} : memref<256x128xf32, #tpu.memory_space<vmem>>, vector<1x16xf32>,
      %get3A_403 = vector.shape_cast %get3A_402 : vector<1x16xf32> to vector<16xf32>
      %add3A_404 = arith.addf %scan3A_359, %get3A_403 : vector<16xf32>
      %add3A_405 = arith.constant 0 : i32
      %add3A_406 = arith.addi %mul3A_363, %add3A_405 : i32
      %get3A_407 = arith.index_cast %add3A_406 : i32 to index
      %get3A_408 = arith.constant 96 : index
      %get3A_409 = tpu.vector_load %arg5[%get3A_407, %get3A_408] {strides = array<i32>} : memref<256x128xf32, #tpu.memory_space<vmem>>, vector<1x16xf32>,
      %get3A_410 = vector.shape_cast %get3A_409 : vector<1x16xf32> to vector<16xf32>
      %add3A_411 = arith.addf %scan3A_360, %get3A_410 : vector<16xf32>
      %add3A_412 = arith.constant 0 : i32
      %add3A_413 = arith.addi %mul3A_363, %add3A_412 : i32
      %get3A_414 = arith.index_cast %add3A_413 : i32 to index
      %get3A_415 = arith.constant 112 : index
      %get3A_416 = tpu.vector_load %arg5[%get3A_414, %get3A_415] {strides = array<i32>} : memref<256x128xf32, #tpu.memory_space<vmem>>, vector<1x16xf32>,
      %get3A_417 = vector.shape_cast %get3A_416 : vector<1x16xf32> to vector<16xf32>
      %add3A_418 = arith.addf %scan3A_361, %get3A_417 : vector<16xf32>
      %add3A_419 = arith.constant 1 : i32
      %add3A_420 = arith.addi %mul3A_363, %add3A_419 : i32
      %get3A_421 = arith.index_cast %add3A_420 : i32 to index
      %get3A_422 = arith.constant 0 : index
      %get3A_423 = tpu.vector_load %arg5[%get3A_421, %get3A_422] {strides = array<i32>} : memref<256x128xf32, #tpu.memory_space<vmem>>, vector<1x16xf32>,
      %get3A_424 = vector.shape_cast %get3A_423 : vector<1x16xf32> to vector<16xf32>
      %add3A_425 = arith.addf %add3A_369, %get3A_424 : vector<16xf32>
      %add3A_426 = arith.constant 1 : i32
      %add3A_427 = arith.addi %mul3A_363, %add3A_426 : i32
      %get3A_428 = arith.index_cast %add3A_427 : i32 to index
      %get3A_429 = arith.constant 16 : index
      %get3A_430 = tpu.vector_load %arg5[%get3A_428, %get3A_429] {strides = array<i32>} : memref<256x128xf32, #tpu.memory_space<vmem>>, vector<1x16xf32>,
      %get3A_431 = vector.shape_cast %get3A_430 : vector<1x16xf32> to vector<16xf32>
      %add3A_432 = arith.addf %add3A_376, %get3A_431 : vector<16xf32>
      %add3A_433 = arith.constant 1 : i32
      %add3A_434 = arith.addi %mul3A_363, %add3A_433 : i32
      %get3A_435 = arith.index_cast %add3A_434 : i32 to index
      %get3A_436 = arith.constant 32 : index
      %get3A_437 = tpu.vector_load %arg5[%get3A_435, %get3A_436] {strides = array<i32>} : memref<256x128xf32, #tpu.memory_space<vmem>>, vector<1x16xf32>,
      %get3A_438 = vector.shape_cast %get3A_437 : vector<1x16xf32> to vector<16xf32>
      %add3A_439 = arith.addf %add3A_383, %get3A_438 : vector<16xf32>
      %add3A_440 = arith.constant 1 : i32
      %add3A_441 = arith.addi %mul3A_363, %add3A_440 : i32
      %get3A_442 = arith.index_cast %add3A_441 : i32 to index
      %get3A_443 = arith.constant 48 : index
      %get3A_444 = tpu.vector_load %arg5[%get3A_442, %get3A_443] {strides = array<i32>} : memref<256x128xf32, #tpu.memory_space<vmem>>, vector<1x16xf32>,
      %get3A_445 = vector.shape_cast %get3A_444 : vector<1x16xf32> to vector<16xf32>
      %add3A_446 = arith.addf %add3A_390, %get3A_445 : vector<16xf32>
      %add3A_447 = arith.constant 1 : i32
      %add3A_448 = arith.addi %mul3A_363, %add3A_447 : i32
      %get3A_449 = arith.index_cast %add3A_448 : i32 to index
      %get3A_450 = arith.constant 64 : index
      %get3A_451 = tpu.vector_load %arg5[%get3A_449, %get3A_450] {strides = array<i32>} : memref<256x128xf32, #tpu.memory_space<vmem>>, vector<1x16xf32>,
      %get3A_452 = vector.shape_cast %get3A_451 : vector<1x16xf32> to vector<16xf32>
      %add3A_453 = arith.addf %add3A_397, %get3A_452 : vector<16xf32>
      %add3A_454 = arith.constant 1 : i32
      %add3A_455 = arith.addi %mul3A_363, %add3A_454 : i32
      %get3A_456 = arith.index_cast %add3A_455 : i32 to index
      %get3A_457 = arith.constant 80 : index
      %get3A_458 = tpu.vector_load %arg5[%get3A_456, %get3A_457] {strides = array<i32>} : memref<256x128xf32, #tpu.memory_space<vmem>>, vector<1x16xf32>,
      %get3A_459 = vector.shape_cast %get3A_458 : vector<1x16xf32> to vector<16xf32>
      %add3A_460 = arith.addf %add3A_404, %get3A_459 : vector<16xf32>
      %add3A_461 = arith.constant 1 : i32
      %add3A_462 = arith.addi %mul3A_363, %add3A_461 : i32
      %get3A_463 = arith.index_cast %add3A_462 : i32 to index
      %get3A_464 = arith.constant 96 : index
      %get3A_465 = tpu.vector_load %arg5[%get3A_463, %get3A_464] {strides = array<i32>} : memref<256x128xf32, #tpu.memory_space<vmem>>, vector<1x16xf32>,
      %get3A_466 = vector.shape_cast %get3A_465 : vector<1x16xf32> to vector<16xf32>
      %add3A_467 = arith.addf %add3A_411, %get3A_466 : vector<16xf32>
      %add3A_468 = arith.constant 1 : i32
      %add3A_469 = arith.addi %mul3A_363, %add3A_468 : i32
      %get3A_470 = arith.index_cast %add3A_469 : i32 to index
      %get3A_471 = arith.constant 112 : index
      %get3A_472 = tpu.vector_load %arg5[%get3A_470, %get3A_471] {strides = array<i32>} : memref<256x128xf32, #tpu.memory_space<vmem>>, vector<1x16xf32>,
      %get3A_473 = vector.shape_cast %get3A_472 : vector<1x16xf32> to vector<16xf32>
      %add3A_474 = arith.addf %add3A_418, %get3A_473 : vector<16xf32>
      %add3A_475 = arith.constant 2 : i32
      %add3A_476 = arith.addi %mul3A_363, %add3A_475 : i32
      %get3A_477 = arith.index_cast %add3A_476 : i32 to index
      %get3A_478 = arith.constant 0 : index
      %get3A_479 = tpu.vector_load %arg5[%get3A_477, %get3A_478] {strides = array<i32>} : memref<256x128xf32, #tpu.memory_space<vmem>>, vector<1x16xf32>,
      %get3A_480 = vector.shape_cast %get3A_479 : vector<1x16xf32> to vector<16xf32>
      %add3A_481 = arith.addf %add3A_425, %get3A_480 : vector<16xf32>
      %add3A_482 = arith.constant 2 : i32
      %add3A_483 = arith.addi %mul3A_363, %add3A_482 : i32
      %get3A_484 = arith.index_cast %add3A_483 : i32 to index
      %get3A_485 = arith.constant 16 : index
      %get3A_486 = tpu.vector_load %arg5[%get3A_484, %get3A_485] {strides = array<i32>} : memref<256x128xf32, #tpu.memory_space<vmem>>, vector<1x16xf32>,
      %get3A_487 = vector.shape_cast %get3A_486 : vector<1x16xf32> to vector<16xf32>
      %add3A_488 = arith.addf %add3A_432, %get3A_487 : vector<16xf32>
      %add3A_489 = arith.constant 2 : i32
      %add3A_490 = arith.addi %mul3A_363, %add3A_489 : i32
      %get3A_491 = arith.index_cast %add3A_490 : i32 to index
      %get3A_492 = arith.constant 32 : index
      %get3A_493 = tpu.vector_load %arg5[%get3A_491, %get3A_492] {strides = array<i32>} : memref<256x128xf32, #tpu.memory_space<vmem>>, vector<1x16xf32>,
      %get3A_494 = vector.shape_cast %get3A_493 : vector<1x16xf32> to vector<16xf32>
      %add3A_495 = arith.addf %add3A_439, %get3A_494 : vector<16xf32>
      %add3A_496 = arith.constant 2 : i32
      %add3A_497 = arith.addi %mul3A_363, %add3A_496 : i32
      %get3A_498 = arith.index_cast %add3A_497 : i32 to index
      %get3A_499 = arith.constant 48 : index
      %get3A_500 = tpu.vector_load %arg5[%get3A_498, %get3A_499] {strides = array<i32>} : memref<256x128xf32, #tpu.memory_space<vmem>>, vector<1x16xf32>,
      %get3A_501 = vector.shape_cast %get3A_500 : vector<1x16xf32> to vector<16xf32>
      %add3A_502 = arith.addf %add3A_446, %get3A_501 : vector<16xf32>
      %add3A_503 = arith.constant 2 : i32
      %add3A_504 = arith.addi %mul3A_363, %add3A_503 : i32
      %get3A_505 = arith.index_cast %add3A_504 : i32 to index
      %get3A_506 = arith.constant 64 : index
      %get3A_507 = tpu.vector_load %arg5[%get3A_505, %get3A_506] {strides = array<i32>} : memref<256x128xf32, #tpu.memory_space<vmem>>, vector<1x16xf32>,
      %get3A_508 = vector.shape_cast %get3A_507 : vector<1x16xf32> to vector<16xf32>
      %add3A_509 = arith.addf %add3A_453, %get3A_508 : vector<16xf32>
      %add3A_510 = arith.constant 2 : i32
      %add3A_511 = arith.addi %mul3A_363, %add3A_510 : i32
      %get3A_512 = arith.index_cast %add3A_511 : i32 to index
      %get3A_513 = arith.constant 80 : index
      %get3A_514 = tpu.vector_load %arg5[%get3A_512, %get3A_513] {strides = array<i32>} : memref<256x128xf32, #tpu.memory_space<vmem>>, vector<1x16xf32>,
      %get3A_515 = vector.shape_cast %get3A_514 : vector<1x16xf32> to vector<16xf32>
      %add3A_516 = arith.addf %add3A_460, %get3A_515 : vector<16xf32>
      %add3A_517 = arith.constant 2 : i32
      %add3A_518 = arith.addi %mul3A_363, %add3A_517 : i32
      %get3A_519 = arith.index_cast %add3A_518 : i32 to index
      %get3A_520 = arith.constant 96 : index
      %get3A_521 = tpu.vector_load %arg5[%get3A_519, %get3A_520] {strides = array<i32>} : memref<256x128xf32, #tpu.memory_space<vmem>>, vector<1x16xf32>,
      %get3A_522 = vector.shape_cast %get3A_521 : vector<1x16xf32> to vector<16xf32>
      %add3A_523 = arith.addf %add3A_467, %get3A_522 : vector<16xf32>
      %add3A_524 = arith.constant 2 : i32
      %add3A_525 = arith.addi %mul3A_363, %add3A_524 : i32
      %get3A_526 = arith.index_cast %add3A_525 : i32 to index
      %get3A_527 = arith.constant 112 : index
      %get3A_528 = tpu.vector_load %arg5[%get3A_526, %get3A_527] {strides = array<i32>} : memref<256x128xf32, #tpu.memory_space<vmem>>, vector<1x16xf32>,
      %get3A_529 = vector.shape_cast %get3A_528 : vector<1x16xf32> to vector<16xf32>
      %add3A_530 = arith.addf %add3A_474, %get3A_529 : vector<16xf32>
      %add3A_531 = arith.constant 3 : i32
      %add3A_532 = arith.addi %mul3A_363, %add3A_531 : i32
      %get3A_533 = arith.index_cast %add3A_532 : i32 to index
      %get3A_534 = arith.constant 0 : index
      %get3A_535 = tpu.vector_load %arg5[%get3A_533, %get3A_534] {strides = array<i32>} : memref<256x128xf32, #tpu.memory_space<vmem>>, vector<1x16xf32>,
      %get3A_536 = vector.shape_cast %get3A_535 : vector<1x16xf32> to vector<16xf32>
      %add3A_537 = arith.addf %add3A_481, %get3A_536 : vector<16xf32>
      %add3A_538 = arith.constant 3 : i32
      %add3A_539 = arith.addi %mul3A_363, %add3A_538 : i32
      %get3A_540 = arith.index_cast %add3A_539 : i32 to index
      %get3A_541 = arith.constant 16 : index
      %get3A_542 = tpu.vector_load %arg5[%get3A_540, %get3A_541] {strides = array<i32>} : memref<256x128xf32, #tpu.memory_space<vmem>>, vector<1x16xf32>,
      %get3A_543 = vector.shape_cast %get3A_542 : vector<1x16xf32> to vector<16xf32>
      %add3A_544 = arith.addf %add3A_488, %get3A_543 : vector<16xf32>
      %add3A_545 = arith.constant 3 : i32
      %add3A_546 = arith.addi %mul3A_363, %add3A_545 : i32
      %get3A_547 = arith.index_cast %add3A_546 : i32 to index
      %get3A_548 = arith.constant 32 : index
      %get3A_549 = tpu.vector_load %arg5[%get3A_547, %get3A_548] {strides = array<i32>} : memref<256x128xf32, #tpu.memory_space<vmem>>, vector<1x16xf32>,
      %get3A_550 = vector.shape_cast %get3A_549 : vector<1x16xf32> to vector<16xf32>
      %add3A_551 = arith.addf %add3A_495, %get3A_550 : vector<16xf32>
      %add3A_552 = arith.constant 3 : i32
      %add3A_553 = arith.addi %mul3A_363, %add3A_552 : i32
      %get3A_554 = arith.index_cast %add3A_553 : i32 to index
      %get3A_555 = arith.constant 48 : index
      %get3A_556 = tpu.vector_load %arg5[%get3A_554, %get3A_555] {strides = array<i32>} : memref<256x128xf32, #tpu.memory_space<vmem>>, vector<1x16xf32>,
      %get3A_557 = vector.shape_cast %get3A_556 : vector<1x16xf32> to vector<16xf32>
      %add3A_558 = arith.addf %add3A_502, %get3A_557 : vector<16xf32>
      %add3A_559 = arith.constant 3 : i32
      %add3A_560 = arith.addi %mul3A_363, %add3A_559 : i32
      %get3A_561 = arith.index_cast %add3A_560 : i32 to index
      %get3A_562 = arith.constant 64 : index
      %get3A_563 = tpu.vector_load %arg5[%get3A_561, %get3A_562] {strides = array<i32>} : memref<256x128xf32, #tpu.memory_space<vmem>>, vector<1x16xf32>,
      %get3A_564 = vector.shape_cast %get3A_563 : vector<1x16xf32> to vector<16xf32>
      %add3A_565 = arith.addf %add3A_509, %get3A_564 : vector<16xf32>
      %add3A_566 = arith.constant 3 : i32
      %add3A_567 = arith.addi %mul3A_363, %add3A_566 : i32
      %get3A_568 = arith.index_cast %add3A_567 : i32 to index
      %get3A_569 = arith.constant 80 : index
      %get3A_570 = tpu.vector_load %arg5[%get3A_568, %get3A_569] {strides = array<i32>} : memref<256x128xf32, #tpu.memory_space<vmem>>, vector<1x16xf32>,
      %get3A_571 = vector.shape_cast %get3A_570 : vector<1x16xf32> to vector<16xf32>
      %add3A_572 = arith.addf %add3A_516, %get3A_571 : vector<16xf32>
      %add3A_573 = arith.constant 3 : i32
      %add3A_574 = arith.addi %mul3A_363, %add3A_573 : i32
      %get3A_575 = arith.index_cast %add3A_574 : i32 to index
      %get3A_576 = arith.constant 96 : index
      %get3A_577 = tpu.vector_load %arg5[%get3A_575, %get3A_576] {strides = array<i32>} : memref<256x128xf32, #tpu.memory_space<vmem>>, vector<1x16xf32>,
      %get3A_578 = vector.shape_cast %get3A_577 : vector<1x16xf32> to vector<16xf32>
      %add3A_579 = arith.addf %add3A_523, %get3A_578 : vector<16xf32>
      %add3A_580 = arith.constant 3 : i32
      %add3A_581 = arith.addi %mul3A_363, %add3A_580 : i32
      %get3A_582 = arith.index_cast %add3A_581 : i32 to index
      %get3A_583 = arith.constant 112 : index
      %get3A_584 = tpu.vector_load %arg5[%get3A_582, %get3A_583] {strides = array<i32>} : memref<256x128xf32, #tpu.memory_space<vmem>>, vector<1x16xf32>,
      %get3A_585 = vector.shape_cast %get3A_584 : vector<1x16xf32> to vector<16xf32>
      %add3A_586 = arith.addf %add3A_530, %get3A_585 : vector<16xf32>
      %add3A_587 = arith.constant 4 : i32
      %add3A_588 = arith.addi %mul3A_363, %add3A_587 : i32
      %get3A_589 = arith.index_cast %add3A_588 : i32 to index
      %get3A_590 = arith.constant 0 : index
      %get3A_591 = tpu.vector_load %arg5[%get3A_589, %get3A_590] {strides = array<i32>} : memref<256x128xf32, #tpu.memory_space<vmem>>, vector<1x16xf32>,
      %get3A_592 = vector.shape_cast %get3A_591 : vector<1x16xf32> to vector<16xf32>
      %add3A_593 = arith.addf %add3A_537, %get3A_592 : vector<16xf32>
      %add3A_594 = arith.constant 4 : i32
      %add3A_595 = arith.addi %mul3A_363, %add3A_594 : i32
      %get3A_596 = arith.index_cast %add3A_595 : i32 to index
      %get3A_597 = arith.constant 16 : index
      %get3A_598 = tpu.vector_load %arg5[%get3A_596, %get3A_597] {strides = array<i32>} : memref<256x128xf32, #tpu.memory_space<vmem>>, vector<1x16xf32>,
      %get3A_599 = vector.shape_cast %get3A_598 : vector<1x16xf32> to vector<16xf32>
      %add3A_600 = arith.addf %add3A_544, %get3A_599 : vector<16xf32>
      %add3A_601 = arith.constant 4 : i32
      %add3A_602 = arith.addi %mul3A_363, %add3A_601 : i32
      %get3A_603 = arith.index_cast %add3A_602 : i32 to index
      %get3A_604 = arith.constant 32 : index
      %get3A_605 = tpu.vector_load %arg5[%get3A_603, %get3A_604] {strides = array<i32>} : memref<256x128xf32, #tpu.memory_space<vmem>>, vector<1x16xf32>,
      %get3A_606 = vector.shape_cast %get3A_605 : vector<1x16xf32> to vector<16xf32>
      %add3A_607 = arith.addf %add3A_551, %get3A_606 : vector<16xf32>
      %add3A_608 = arith.constant 4 : i32
      %add3A_609 = arith.addi %mul3A_363, %add3A_608 : i32
      %get3A_610 = arith.index_cast %add3A_609 : i32 to index
      %get3A_611 = arith.constant 48 : index
      %get3A_612 = tpu.vector_load %arg5[%get3A_610, %get3A_611] {strides = array<i32>} : memref<256x128xf32, #tpu.memory_space<vmem>>, vector<1x16xf32>,
      %get3A_613 = vector.shape_cast %get3A_612 : vector<1x16xf32> to vector<16xf32>
      %add3A_614 = arith.addf %add3A_558, %get3A_613 : vector<16xf32>
      %add3A_615 = arith.constant 4 : i32
      %add3A_616 = arith.addi %mul3A_363, %add3A_615 : i32
      %get3A_617 = arith.index_cast %add3A_616 : i32 to index
      %get3A_618 = arith.constant 64 : index
      %get3A_619 = tpu.vector_load %arg5[%get3A_617, %get3A_618] {strides = array<i32>} : memref<256x128xf32, #tpu.memory_space<vmem>>, vector<1x16xf32>,
      %get3A_620 = vector.shape_cast %get3A_619 : vector<1x16xf32> to vector<16xf32>
      %add3A_621 = arith.addf %add3A_565, %get3A_620 : vector<16xf32>
      %add3A_622 = arith.constant 4 : i32
      %add3A_623 = arith.addi %mul3A_363, %add3A_622 : i32
      %get3A_624 = arith.index_cast %add3A_623 : i32 to index
      %get3A_625 = arith.constant 80 : index
      %get3A_626 = tpu.vector_load %arg5[%get3A_624, %get3A_625] {strides = array<i32>} : memref<256x128xf32, #tpu.memory_space<vmem>>, vector<1x16xf32>,
      %get3A_627 = vector.shape_cast %get3A_626 : vector<1x16xf32> to vector<16xf32>
      %add3A_628 = arith.addf %add3A_572, %get3A_627 : vector<16xf32>
      %add3A_629 = arith.constant 4 : i32
      %add3A_630 = arith.addi %mul3A_363, %add3A_629 : i32
      %get3A_631 = arith.index_cast %add3A_630 : i32 to index
      %get3A_632 = arith.constant 96 : index
      %get3A_633 = tpu.vector_load %arg5[%get3A_631, %get3A_632] {strides = array<i32>} : memref<256x128xf32, #tpu.memory_space<vmem>>, vector<1x16xf32>,
      %get3A_634 = vector.shape_cast %get3A_633 : vector<1x16xf32> to vector<16xf32>
      %add3A_635 = arith.addf %add3A_579, %get3A_634 : vector<16xf32>
      %add3A_636 = arith.constant 4 : i32
      %add3A_637 = arith.addi %mul3A_363, %add3A_636 : i32
      %get3A_638 = arith.index_cast %add3A_637 : i32 to index
      %get3A_639 = arith.constant 112 : index
      %get3A_640 = tpu.vector_load %arg5[%get3A_638, %get3A_639] {strides = array<i32>} : memref<256x128xf32, #tpu.memory_space<vmem>>, vector<1x16xf32>,
      %get3A_641 = vector.shape_cast %get3A_640 : vector<1x16xf32> to vector<16xf32>
      %add3A_642 = arith.addf %add3A_586, %get3A_641 : vector<16xf32>
      %add3A_643 = arith.constant 5 : i32
      %add3A_644 = arith.addi %mul3A_363, %add3A_643 : i32
      %get3A_645 = arith.index_cast %add3A_644 : i32 to index
      %get3A_646 = arith.constant 0 : index
      %get3A_647 = tpu.vector_load %arg5[%get3A_645, %get3A_646] {strides = array<i32>} : memref<256x128xf32, #tpu.memory_space<vmem>>, vector<1x16xf32>,
      %get3A_648 = vector.shape_cast %get3A_647 : vector<1x16xf32> to vector<16xf32>
      %add3A_649 = arith.addf %add3A_593, %get3A_648 : vector<16xf32>
      %add3A_650 = arith.constant 5 : i32
      %add3A_651 = arith.addi %mul3A_363, %add3A_650 : i32
      %get3A_652 = arith.index_cast %add3A_651 : i32 to index
      %get3A_653 = arith.constant 16 : index
      %get3A_654 = tpu.vector_load %arg5[%get3A_652, %get3A_653] {strides = array<i32>} : memref<256x128xf32, #tpu.memory_space<vmem>>, vector<1x16xf32>,
      %get3A_655 = vector.shape_cast %get3A_654 : vector<1x16xf32> to vector<16xf32>
      %add3A_656 = arith.addf %add3A_600, %get3A_655 : vector<16xf32>
      %add3A_657 = arith.constant 5 : i32
      %add3A_658 = arith.addi %mul3A_363, %add3A_657 : i32
      %get3A_659 = arith.index_cast %add3A_658 : i32 to index
      %get3A_660 = arith.constant 32 : index
      %get3A_661 = tpu.vector_load %arg5[%get3A_659, %get3A_660] {strides = array<i32>} : memref<256x128xf32, #tpu.memory_space<vmem>>, vector<1x16xf32>,
      %get3A_662 = vector.shape_cast %get3A_661 : vector<1x16xf32> to vector<16xf32>
      %add3A_663 = arith.addf %add3A_607, %get3A_662 : vector<16xf32>
      %add3A_664 = arith.constant 5 : i32
      %add3A_665 = arith.addi %mul3A_363, %add3A_664 : i32
      %get3A_666 = arith.index_cast %add3A_665 : i32 to index
      %get3A_667 = arith.constant 48 : index
      %get3A_668 = tpu.vector_load %arg5[%get3A_666, %get3A_667] {strides = array<i32>} : memref<256x128xf32, #tpu.memory_space<vmem>>, vector<1x16xf32>,
      %get3A_669 = vector.shape_cast %get3A_668 : vector<1x16xf32> to vector<16xf32>
      %add3A_670 = arith.addf %add3A_614, %get3A_669 : vector<16xf32>
      %add3A_671 = arith.constant 5 : i32
      %add3A_672 = arith.addi %mul3A_363, %add3A_671 : i32
      %get3A_673 = arith.index_cast %add3A_672 : i32 to index
      %get3A_674 = arith.constant 64 : index
      %get3A_675 = tpu.vector_load %arg5[%get3A_673, %get3A_674] {strides = array<i32>} : memref<256x128xf32, #tpu.memory_space<vmem>>, vector<1x16xf32>,
      %get3A_676 = vector.shape_cast %get3A_675 : vector<1x16xf32> to vector<16xf32>
      %add3A_677 = arith.addf %add3A_621, %get3A_676 : vector<16xf32>
      %add3A_678 = arith.constant 5 : i32
      %add3A_679 = arith.addi %mul3A_363, %add3A_678 : i32
      %get3A_680 = arith.index_cast %add3A_679 : i32 to index
      %get3A_681 = arith.constant 80 : index
      %get3A_682 = tpu.vector_load %arg5[%get3A_680, %get3A_681] {strides = array<i32>} : memref<256x128xf32, #tpu.memory_space<vmem>>, vector<1x16xf32>,
      %get3A_683 = vector.shape_cast %get3A_682 : vector<1x16xf32> to vector<16xf32>
      %add3A_684 = arith.addf %add3A_628, %get3A_683 : vector<16xf32>
      %add3A_685 = arith.constant 5 : i32
      %add3A_686 = arith.addi %mul3A_363, %add3A_685 : i32
      %get3A_687 = arith.index_cast %add3A_686 : i32 to index
      %get3A_688 = arith.constant 96 : index
      %get3A_689 = tpu.vector_load %arg5[%get3A_687, %get3A_688] {strides = array<i32>} : memref<256x128xf32, #tpu.memory_space<vmem>>, vector<1x16xf32>,
      %get3A_690 = vector.shape_cast %get3A_689 : vector<1x16xf32> to vector<16xf32>
      %add3A_691 = arith.addf %add3A_635, %get3A_690 : vector<16xf32>
      %add3A_692 = arith.constant 5 : i32
      %add3A_693 = arith.addi %mul3A_363, %add3A_692 : i32
      %get3A_694 = arith.index_cast %add3A_693 : i32 to index
      %get3A_695 = arith.constant 112 : index
      %get3A_696 = tpu.vector_load %arg5[%get3A_694, %get3A_695] {strides = array<i32>} : memref<256x128xf32, #tpu.memory_space<vmem>>, vector<1x16xf32>,
      %get3A_697 = vector.shape_cast %get3A_696 : vector<1x16xf32> to vector<16xf32>
      %add3A_698 = arith.addf %add3A_642, %get3A_697 : vector<16xf32>
      %add3A_699 = arith.constant 6 : i32
      %add3A_700 = arith.addi %mul3A_363, %add3A_699 : i32
      %get3A_701 = arith.index_cast %add3A_700 : i32 to index
      %get3A_702 = arith.constant 0 : index
      %get3A_703 = tpu.vector_load %arg5[%get3A_701, %get3A_702] {strides = array<i32>} : memref<256x128xf32, #tpu.memory_space<vmem>>, vector<1x16xf32>,
      %get3A_704 = vector.shape_cast %get3A_703 : vector<1x16xf32> to vector<16xf32>
      %add3A_705 = arith.addf %add3A_649, %get3A_704 : vector<16xf32>
      %add3A_706 = arith.constant 6 : i32
      %add3A_707 = arith.addi %mul3A_363, %add3A_706 : i32
      %get3A_708 = arith.index_cast %add3A_707 : i32 to index
      %get3A_709 = arith.constant 16 : index
      %get3A_710 = tpu.vector_load %arg5[%get3A_708, %get3A_709] {strides = array<i32>} : memref<256x128xf32, #tpu.memory_space<vmem>>, vector<1x16xf32>,
      %get3A_711 = vector.shape_cast %get3A_710 : vector<1x16xf32> to vector<16xf32>
      %add3A_712 = arith.addf %add3A_656, %get3A_711 : vector<16xf32>
      %add3A_713 = arith.constant 6 : i32
      %add3A_714 = arith.addi %mul3A_363, %add3A_713 : i32
      %get3A_715 = arith.index_cast %add3A_714 : i32 to index
      %get3A_716 = arith.constant 32 : index
      %get3A_717 = tpu.vector_load %arg5[%get3A_715, %get3A_716] {strides = array<i32>} : memref<256x128xf32, #tpu.memory_space<vmem>>, vector<1x16xf32>,
      %get3A_718 = vector.shape_cast %get3A_717 : vector<1x16xf32> to vector<16xf32>
      %add3A_719 = arith.addf %add3A_663, %get3A_718 : vector<16xf32>
      %add3A_720 = arith.constant 6 : i32
      %add3A_721 = arith.addi %mul3A_363, %add3A_720 : i32
      %get3A_722 = arith.index_cast %add3A_721 : i32 to index
      %get3A_723 = arith.constant 48 : index
      %get3A_724 = tpu.vector_load %arg5[%get3A_722, %get3A_723] {strides = array<i32>} : memref<256x128xf32, #tpu.memory_space<vmem>>, vector<1x16xf32>,
      %get3A_725 = vector.shape_cast %get3A_724 : vector<1x16xf32> to vector<16xf32>
      %add3A_726 = arith.addf %add3A_670, %get3A_725 : vector<16xf32>
      %add3A_727 = arith.constant 6 : i32
      %add3A_728 = arith.addi %mul3A_363, %add3A_727 : i32
      %get3A_729 = arith.index_cast %add3A_728 : i32 to index
      %get3A_730 = arith.constant 64 : index
      %get3A_731 = tpu.vector_load %arg5[%get3A_729, %get3A_730] {strides = array<i32>} : memref<256x128xf32, #tpu.memory_space<vmem>>, vector<1x16xf32>,
      %get3A_732 = vector.shape_cast %get3A_731 : vector<1x16xf32> to vector<16xf32>
      %add3A_733 = arith.addf %add3A_677, %get3A_732 : vector<16xf32>
      %add3A_734 = arith.constant 6 : i32
      %add3A_735 = arith.addi %mul3A_363, %add3A_734 : i32
      %get3A_736 = arith.index_cast %add3A_735 : i32 to index
      %get3A_737 = arith.constant 80 : index
      %get3A_738 = tpu.vector_load %arg5[%get3A_736, %get3A_737] {strides = array<i32>} : memref<256x128xf32, #tpu.memory_space<vmem>>, vector<1x16xf32>,
      %get3A_739 = vector.shape_cast %get3A_738 : vector<1x16xf32> to vector<16xf32>
      %add3A_740 = arith.addf %add3A_684, %get3A_739 : vector<16xf32>
      %add3A_741 = arith.constant 6 : i32
      %add3A_742 = arith.addi %mul3A_363, %add3A_741 : i32
      %get3A_743 = arith.index_cast %add3A_742 : i32 to index
      %get3A_744 = arith.constant 96 : index
      %get3A_745 = tpu.vector_load %arg5[%get3A_743, %get3A_744] {strides = array<i32>} : memref<256x128xf32, #tpu.memory_space<vmem>>, vector<1x16xf32>,
      %get3A_746 = vector.shape_cast %get3A_745 : vector<1x16xf32> to vector<16xf32>
      %add3A_747 = arith.addf %add3A_691, %get3A_746 : vector<16xf32>
      %add3A_748 = arith.constant 6 : i32
      %add3A_749 = arith.addi %mul3A_363, %add3A_748 : i32
      %get3A_750 = arith.index_cast %add3A_749 : i32 to index
      %get3A_751 = arith.constant 112 : index
      %get3A_752 = tpu.vector_load %arg5[%get3A_750, %get3A_751] {strides = array<i32>} : memref<256x128xf32, #tpu.memory_space<vmem>>, vector<1x16xf32>,
      %get3A_753 = vector.shape_cast %get3A_752 : vector<1x16xf32> to vector<16xf32>
      %add3A_754 = arith.addf %add3A_698, %get3A_753 : vector<16xf32>
      %add3A_755 = arith.constant 7 : i32
      %add3A_756 = arith.addi %mul3A_363, %add3A_755 : i32
      %get3A_757 = arith.index_cast %add3A_756 : i32 to index
      %get3A_758 = arith.constant 0 : index
      %get3A_759 = tpu.vector_load %arg5[%get3A_757, %get3A_758] {strides = array<i32>} : memref<256x128xf32, #tpu.memory_space<vmem>>, vector<1x16xf32>,
      %get3A_760 = vector.shape_cast %get3A_759 : vector<1x16xf32> to vector<16xf32>
      %add3A_761 = arith.addf %add3A_705, %get3A_760 : vector<16xf32>
      %add3A_762 = arith.constant 7 : i32
      %add3A_763 = arith.addi %mul3A_363, %add3A_762 : i32
      %get3A_764 = arith.index_cast %add3A_763 : i32 to index
      %get3A_765 = arith.constant 16 : index
      %get3A_766 = tpu.vector_load %arg5[%get3A_764, %get3A_765] {strides = array<i32>} : memref<256x128xf32, #tpu.memory_space<vmem>>, vector<1x16xf32>,
      %get3A_767 = vector.shape_cast %get3A_766 : vector<1x16xf32> to vector<16xf32>
      %add3A_768 = arith.addf %add3A_712, %get3A_767 : vector<16xf32>
      %add3A_769 = arith.constant 7 : i32
      %add3A_770 = arith.addi %mul3A_363, %add3A_769 : i32
      %get3A_771 = arith.index_cast %add3A_770 : i32 to index
      %get3A_772 = arith.constant 32 : index
      %get3A_773 = tpu.vector_load %arg5[%get3A_771, %get3A_772] {strides = array<i32>} : memref<256x128xf32, #tpu.memory_space<vmem>>, vector<1x16xf32>,
      %get3A_774 = vector.shape_cast %get3A_773 : vector<1x16xf32> to vector<16xf32>
      %add3A_775 = arith.addf %add3A_719, %get3A_774 : vector<16xf32>
      %add3A_776 = arith.constant 7 : i32
      %add3A_777 = arith.addi %mul3A_363, %add3A_776 : i32
      %get3A_778 = arith.index_cast %add3A_777 : i32 to index
      %get3A_779 = arith.constant 48 : index
      %get3A_780 = tpu.vector_load %arg5[%get3A_778, %get3A_779] {strides = array<i32>} : memref<256x128xf32, #tpu.memory_space<vmem>>, vector<1x16xf32>,
      %get3A_781 = vector.shape_cast %get3A_780 : vector<1x16xf32> to vector<16xf32>
      %add3A_782 = arith.addf %add3A_726, %get3A_781 : vector<16xf32>
      %add3A_783 = arith.constant 7 : i32
      %add3A_784 = arith.addi %mul3A_363, %add3A_783 : i32
      %get3A_785 = arith.index_cast %add3A_784 : i32 to index
      %get3A_786 = arith.constant 64 : index
      %get3A_787 = tpu.vector_load %arg5[%get3A_785, %get3A_786] {strides = array<i32>} : memref<256x128xf32, #tpu.memory_space<vmem>>, vector<1x16xf32>,
      %get3A_788 = vector.shape_cast %get3A_787 : vector<1x16xf32> to vector<16xf32>
      %add3A_789 = arith.addf %add3A_733, %get3A_788 : vector<16xf32>
      %add3A_790 = arith.constant 7 : i32
      %add3A_791 = arith.addi %mul3A_363, %add3A_790 : i32
      %get3A_792 = arith.index_cast %add3A_791 : i32 to index
      %get3A_793 = arith.constant 80 : index
      %get3A_794 = tpu.vector_load %arg5[%get3A_792, %get3A_793] {strides = array<i32>} : memref<256x128xf32, #tpu.memory_space<vmem>>, vector<1x16xf32>,
      %get3A_795 = vector.shape_cast %get3A_794 : vector<1x16xf32> to vector<16xf32>
      %add3A_796 = arith.addf %add3A_740, %get3A_795 : vector<16xf32>
      %add3A_797 = arith.constant 7 : i32
      %add3A_798 = arith.addi %mul3A_363, %add3A_797 : i32
      %get3A_799 = arith.index_cast %add3A_798 : i32 to index
      %get3A_800 = arith.constant 96 : index
      %get3A_801 = tpu.vector_load %arg5[%get3A_799, %get3A_800] {strides = array<i32>} : memref<256x128xf32, #tpu.memory_space<vmem>>, vector<1x16xf32>,
      %get3A_802 = vector.shape_cast %get3A_801 : vector<1x16xf32> to vector<16xf32>
      %add3A_803 = arith.addf %add3A_747, %get3A_802 : vector<16xf32>
      %add3A_804 = arith.constant 7 : i32
      %add3A_805 = arith.addi %mul3A_363, %add3A_804 : i32
      %get3A_806 = arith.index_cast %add3A_805 : i32 to index
      %get3A_807 = arith.constant 112 : index
      %get3A_808 = tpu.vector_load %arg5[%get3A_806, %get3A_807] {strides = array<i32>} : memref<256x128xf32, #tpu.memory_space<vmem>>, vector<1x16xf32>,
      %get3A_809 = vector.shape_cast %get3A_808 : vector<1x16xf32> to vector<16xf32>
      %add3A_810 = arith.addf %add3A_754, %get3A_809 : vector<16xf32>
      scf.yield %add3A_761, %add3A_768, %add3A_775, %add3A_782, %add3A_789, %add3A_796, %add3A_803, %add3A_810 : vector<16xf32>, vector<16xf32>, vector<16xf32>, vector<16xf32>, vector<16xf32>, vector<16xf32>, vector<16xf32>, vector<16xf32>
    }
    %scan3A_230 = arith.constant 32 : i32
    %swap3A_231 = arith.constant 0 : index
    %swap3A_232 = tpu.vector_load %arg6[%swap3A_231] {strides = array<i32>} : memref<128xf32, #tpu.memory_space<vmem>>, vector<16xf32>,
    %swap3A_233 = vector.shape_cast %swap3A_232 : vector<16xf32> to vector<16xf32>
    %swap3A_234 = vector.shape_cast %scan3A_229#0 : vector<16xf32> to vector<16xf32>
    tpu.vector_store %arg6[%swap3A_231], %swap3A_234 {strides = array<i32>} : memref<128xf32, #tpu.memory_space<vmem>>, vector<16xf32>,
    %swap3A_235 = arith.constant 16 : index
    %swap3A_236 = tpu.vector_load %arg6[%swap3A_235] {strides = array<i32>} : memref<128xf32, #tpu.memory_space<vmem>>, vector<16xf32>,
    %swap3A_237 = vector.shape_cast %swap3A_236 : vector<16xf32> to vector<16xf32>
    %swap3A_238 = vector.shape_cast %scan3A_229#1 : vector<16xf32> to vector<16xf32>
    tpu.vector_store %arg6[%swap3A_235], %swap3A_238 {strides = array<i32>} : memref<128xf32, #tpu.memory_space<vmem>>, vector<16xf32>,
    %swap3A_239 = arith.constant 32 : index
    %swap3A_240 = tpu.vector_load %arg6[%swap3A_239] {strides = array<i32>} : memref<128xf32, #tpu.memory_space<vmem>>, vector<16xf32>,
    %swap3A_241 = vector.shape_cast %swap3A_240 : vector<16xf32> to vector<16xf32>
    %swap3A_242 = vector.shape_cast %scan3A_229#2 : vector<16xf32> to vector<16xf32>
    tpu.vector_store %arg6[%swap3A_239], %swap3A_242 {strides = array<i32>} : memref<128xf32, #tpu.memory_space<vmem>>, vector<16xf32>,
    %swap3A_243 = arith.constant 48 : index
    %swap3A_244 = tpu.vector_load %arg6[%swap3A_243] {strides = array<i32>} : memref<128xf32, #tpu.memory_space<vmem>>, vector<16xf32>,
    %swap3A_245 = vector.shape_cast %swap3A_244 : vector<16xf32> to vector<16xf32>
    %swap3A_246 = vector.shape_cast %scan3A_229#3 : vector<16xf32> to vector<16xf32>
    tpu.vector_store %arg6[%swap3A_243], %swap3A_246 {strides = array<i32>} : memref<128xf32, #tpu.memory_space<vmem>>, vector<16xf32>,
    %swap3A_247 = arith.constant 64 : index
    %swap3A_248 = tpu.vector_load %arg6[%swap3A_247] {strides = array<i32>} : memref<128xf32, #tpu.memory_space<vmem>>, vector<16xf32>,
    %swap3A_249 = vector.shape_cast %swap3A_248 : vector<16xf32> to vector<16xf32>
    %swap3A_250 = vector.shape_cast %scan3A_229#4 : vector<16xf32> to vector<16xf32>
    tpu.vector_store %arg6[%swap3A_247], %swap3A_250 {strides = array<i32>} : memref<128xf32, #tpu.memory_space<vmem>>, vector<16xf32>,
    %swap3A_251 = arith.constant 80 : index
    %swap3A_252 = tpu.vector_load %arg6[%swap3A_251] {strides = array<i32>} : memref<128xf32, #tpu.memory_space<vmem>>, vector<16xf32>,
    %swap3A_253 = vector.shape_cast %swap3A_252 : vector<16xf32> to vector<16xf32>
    %swap3A_254 = vector.shape_cast %scan3A_229#5 : vector<16xf32> to vector<16xf32>
    tpu.vector_store %arg6[%swap3A_251], %swap3A_254 {strides = array<i32>} : memref<128xf32, #tpu.memory_space<vmem>>, vector<16xf32>,
    %swap3A_255 = arith.constant 96 : index
    %swap3A_256 = tpu.vector_load %arg6[%swap3A_255] {strides = array<i32>} : memref<128xf32, #tpu.memory_space<vmem>>, vector<16xf32>,
    %swap3A_257 = vector.shape_cast %swap3A_256 : vector<16xf32> to vector<16xf32>
    %swap3A_258 = vector.shape_cast %scan3A_229#6 : vector<16xf32> to vector<16xf32>
    tpu.vector_store %arg6[%swap3A_255], %swap3A_258 {strides = array<i32>} : memref<128xf32, #tpu.memory_space<vmem>>, vector<16xf32>,
    %swap3A_259 = arith.constant 112 : index
    %swap3A_260 = tpu.vector_load %arg6[%swap3A_259] {strides = array<i32>} : memref<128xf32, #tpu.memory_space<vmem>>, vector<16xf32>,
    %swap3A_261 = vector.shape_cast %swap3A_260 : vector<16xf32> to vector<16xf32>
    %swap3A_262 = vector.shape_cast %scan3A_229#7 : vector<16xf32> to vector<16xf32>
    tpu.vector_store %arg6[%swap3A_259], %swap3A_262 {strides = array<i32>} : memref<128xf32, #tpu.memory_space<vmem>>, vector<16xf32>,
    %run_scoped3A_263 = arith.constant 2 : i32
    "tpu.region"() ({
      %run_scoped3A_353 = tpu.sem_alloc : memref<!tpu.dma_semaphore, #tpu.memory_space<semaphore_mem>>
      %dma_start3A_354 = tpu.memref_slice %arg3[%run_scoped3A_263, %mul3A_2] : memref<4x4096xf32, #tpu.memory_space<hbm>> -> memref<1x128xf32, #tpu.memory_space<hbm>>
      %dma_start3A_355 = tpu.memref_squeeze %dma_start3A_354 : memref<1x128xf32, #tpu.memory_space<hbm>> -> memref<128xf32, #tpu.memory_space<hbm>>
      %dma_start3A_356 = tpu.memref_slice %arg3[%run_scoped3A_263, %mul3A_2] : memref<4x4096xf32, #tpu.memory_space<hbm>> -> memref<1x128xf32, #tpu.memory_space<hbm>>
      %dma_start3A_357 = tpu.memref_squeeze %dma_start3A_356 : memref<1x128xf32, #tpu.memory_space<hbm>> -> memref<128xf32, #tpu.memory_space<hbm>>
      tpu.enqueue_dma source(%arg6 : memref<128xf32, #tpu.memory_space<vmem>>) target(%dma_start3A_357 : memref<128xf32, #tpu.memory_space<hbm>>) target_semaphore(%run_scoped3A_353 : memref<!tpu.dma_semaphore, #tpu.memory_space<semaphore_mem>>)
      %dma_wait3A_358 = tpu.memref_slice %arg3[%run_scoped3A_263, %mul3A_2] : memref<4x4096xf32, #tpu.memory_space<hbm>> -> memref<1x128xf32, #tpu.memory_space<hbm>>
      %dma_wait3A_359 = tpu.memref_squeeze %dma_wait3A_358 : memref<1x128xf32, #tpu.memory_space<hbm>> -> memref<128xf32, #tpu.memory_space<hbm>>
      %dma_wait3A_360 = tpu.memref_slice %arg3[%run_scoped3A_263, %mul3A_2] : memref<4x4096xf32, #tpu.memory_space<hbm>> -> memref<1x128xf32, #tpu.memory_space<hbm>>
      %dma_wait3A_361 = tpu.memref_squeeze %dma_wait3A_360 : memref<1x128xf32, #tpu.memory_space<hbm>> -> memref<128xf32, #tpu.memory_space<hbm>>
      tpu.wait_dma2 semaphore(%run_scoped3A_353 : memref<!tpu.dma_semaphore, #tpu.memory_space<semaphore_mem>>) src(%arg6 : memref<128xf32, #tpu.memory_space<vmem>>) dst(%dma_wait3A_361 : memref<128xf32, #tpu.memory_space<hbm>>)
      tpu.yield
    }) : () -> ()
    %dma_start3A_264 = arith.constant 3 : i32
    %dma_start3A_265 = arith.constant 7680 : i32
    %dma_start3A_266 = tpu.memref_slice %arg2[%dma_start3A_264, %dma_start3A_265, %mul3A_2] : memref<4x8192x4096xf32, #tpu.memory_space<hbm>> -> memref<1x256x128xf32, #tpu.memory_space<hbm>>
    %dma_start3A_267 = tpu.memref_squeeze %dma_start3A_266 : memref<1x256x128xf32, #tpu.memory_space<hbm>> -> memref<256x128xf32, #tpu.memory_space<hbm>>
    %dma_start3A_268 = arith.constant 7680 : i32
    %dma_start3A_269 = tpu.memref_slice %arg2[%dma_start3A_264, %dma_start3A_268, %mul3A_2] : memref<4x8192x4096xf32, #tpu.memory_space<hbm>> -> memref<1x256x128xf32, #tpu.memory_space<hbm>>
    %dma_start3A_270 = tpu.memref_squeeze %dma_start3A_269 : memref<1x256x128xf32, #tpu.memory_space<hbm>> -> memref<256x128xf32, #tpu.memory_space<hbm>>
    tpu.enqueue_dma source(%dma_start3A_270 : memref<256x128xf32, #tpu.memory_space<hbm>>) target(%arg4 : memref<256x128xf32, #tpu.memory_space<vmem>>) target_semaphore(%arg7 : memref<!tpu.dma_semaphore, #tpu.memory_space<semaphore_mem>>)
    %broadcast_in_dim3A_271 = arith.constant 0.000000e+00 : f32
    %broadcast_in_dim3A_272 = vector.broadcast %broadcast_in_dim3A_271 : f32 to vector<16xf32>
    %broadcast_in_dim3A_273 = arith.constant 0.000000e+00 : f32
    %broadcast_in_dim3A_274 = vector.broadcast %broadcast_in_dim3A_273 : f32 to vector<16xf32>
    %broadcast_in_dim3A_275 = arith.constant 0.000000e+00 : f32
    %broadcast_in_dim3A_276 = vector.broadcast %broadcast_in_dim3A_275 : f32 to vector<16xf32>
    %broadcast_in_dim3A_277 = arith.constant 0.000000e+00 : f32
    %broadcast_in_dim3A_278 = vector.broadcast %broadcast_in_dim3A_277 : f32 to vector<16xf32>
    %broadcast_in_dim3A_279 = arith.constant 0.000000e+00 : f32
    %broadcast_in_dim3A_280 = vector.broadcast %broadcast_in_dim3A_279 : f32 to vector<16xf32>
    %broadcast_in_dim3A_281 = arith.constant 0.000000e+00 : f32
    %broadcast_in_dim3A_282 = vector.broadcast %broadcast_in_dim3A_281 : f32 to vector<16xf32>
    %broadcast_in_dim3A_283 = arith.constant 0.000000e+00 : f32
    %broadcast_in_dim3A_284 = vector.broadcast %broadcast_in_dim3A_283 : f32 to vector<16xf32>
    %broadcast_in_dim3A_285 = arith.constant 0.000000e+00 : f32
    %broadcast_in_dim3A_286 = vector.broadcast %broadcast_in_dim3A_285 : f32 to vector<16xf32>
    %dma_start3A_287 = arith.constant 3 : i32
    %dma_start3A_288 = arith.constant 7936 : i32
    %dma_start3A_289 = tpu.memref_slice %arg2[%dma_start3A_287, %dma_start3A_288, %mul3A_2] : memref<4x8192x4096xf32, #tpu.memory_space<hbm>> -> memref<1x256x128xf32, #tpu.memory_space<hbm>>
    %dma_start3A_290 = tpu.memref_squeeze %dma_start3A_289 : memref<1x256x128xf32, #tpu.memory_space<hbm>> -> memref<256x128xf32, #tpu.memory_space<hbm>>
    %dma_start3A_291 = arith.constant 7936 : i32
    %dma_start3A_292 = tpu.memref_slice %arg2[%dma_start3A_287, %dma_start3A_291, %mul3A_2] : memref<4x8192x4096xf32, #tpu.memory_space<hbm>> -> memref<1x256x128xf32, #tpu.memory_space<hbm>>
    %dma_start3A_293 = tpu.memref_squeeze %dma_start3A_292 : memref<1x256x128xf32, #tpu.memory_space<hbm>> -> memref<256x128xf32, #tpu.memory_space<hbm>>
    tpu.enqueue_dma source(%dma_start3A_293 : memref<256x128xf32, #tpu.memory_space<hbm>>) target(%arg5 : memref<256x128xf32, #tpu.memory_space<vmem>>) target_semaphore(%arg8 : memref<!tpu.dma_semaphore, #tpu.memory_space<semaphore_mem>>)
    %dma_wait3A_294 = arith.constant 3 : i32
    %dma_wait3A_295 = arith.constant 7680 : i32
    %dma_wait3A_296 = tpu.memref_slice %arg2[%dma_wait3A_294, %dma_wait3A_295, %mul3A_2] : memref<4x8192x4096xf32, #tpu.memory_space<hbm>> -> memref<1x256x128xf32, #tpu.memory_space<hbm>>
    %dma_wait3A_297 = tpu.memref_squeeze %dma_wait3A_296 : memref<1x256x128xf32, #tpu.memory_space<hbm>> -> memref<256x128xf32, #tpu.memory_space<hbm>>
    %dma_wait3A_298 = arith.constant 7680 : i32
    %dma_wait3A_299 = tpu.memref_slice %arg2[%dma_wait3A_294, %dma_wait3A_298, %mul3A_2] : memref<4x8192x4096xf32, #tpu.memory_space<hbm>> -> memref<1x256x128xf32, #tpu.memory_space<hbm>>
    %dma_wait3A_300 = tpu.memref_squeeze %dma_wait3A_299 : memref<1x256x128xf32, #tpu.memory_space<hbm>> -> memref<256x128xf32, #tpu.memory_space<hbm>>
    tpu.wait_dma2 semaphore(%arg7 : memref<!tpu.dma_semaphore, #tpu.memory_space<semaphore_mem>>) src(%dma_wait3A_300 : memref<256x128xf32, #tpu.memory_space<hbm>>) dst(%arg4 : memref<256x128xf32, #tpu.memory_space<vmem>>)
    %scan3A_301 = arith.constant 0 : i32
    %scan3A_302 = arith.constant 32 : i32
    %scan3A_303 = arith.addi %scan3A_301, %scan3A_302 : i32
    %scan3A_304 = arith.constant 1 : i32
    %scan3A_305:8 = scf.for %scan3A_353 = %scan3A_301 to %scan3A_303 step %scan3A_304 iter_args(%scan3A_354 = %broadcast_in_dim3A_272, %scan3A_355 = %broadcast_in_dim3A_274, %scan3A_356 = %broadcast_in_dim3A_276, %scan3A_357 = %broadcast_in_dim3A_278, %scan3A_358 = %broadcast_in_dim3A_280, %scan3A_359 = %broadcast_in_dim3A_282, %scan3A_360 = %broadcast_in_dim3A_284, %scan3A_361 = %broadcast_in_dim3A_286) -> (vector<16xf32>, vector<16xf32>, vector<16xf32>, vector<16xf32>, vector<16xf32>, vector<16xf32>, vector<16xf32>, vector<16xf32>)  : i32 {
      %mul3A_362 = arith.constant 8 : i32
      %mul3A_363 = arith.muli %scan3A_353, %mul3A_362 : i32
      %add3A_364 = arith.constant 0 : i32
      %add3A_365 = arith.addi %mul3A_363, %add3A_364 : i32
      %get3A = arith.index_cast %add3A_365 : i32 to index
      %get3A_366 = arith.constant 0 : index
      %get3A_367 = tpu.vector_load %arg4[%get3A, %get3A_366] {strides = array<i32>} : memref<256x128xf32, #tpu.memory_space<vmem>>, vector<1x16xf32>,
      %get3A_368 = vector.shape_cast %get3A_367 : vector<1x16xf32> to vector<16xf32>
      %add3A_369 = arith.addf %scan3A_354, %get3A_368 : vector<16xf32>
      %add3A_370 = arith.constant 0 : i32
      %add3A_371 = arith.addi %mul3A_363, %add3A_370 : i32
      %get3A_372 = arith.index_cast %add3A_371 : i32 to index
      %get3A_373 = arith.constant 16 : index
      %get3A_374 = tpu.vector_load %arg4[%get3A_372, %get3A_373] {strides = array<i32>} : memref<256x128xf32, #tpu.memory_space<vmem>>, vector<1x16xf32>,
      %get3A_375 = vector.shape_cast %get3A_374 : vector<1x16xf32> to vector<16xf32>
      %add3A_376 = arith.addf %scan3A_355, %get3A_375 : vector<16xf32>
      %add3A_377 = arith.constant 0 : i32
      %add3A_378 = arith.addi %mul3A_363, %add3A_377 : i32
      %get3A_379 = arith.index_cast %add3A_378 : i32 to index
      %get3A_380 = arith.constant 32 : index
      %get3A_381 = tpu.vector_load %arg4[%get3A_379, %get3A_380] {strides = array<i32>} : memref<256x128xf32, #tpu.memory_space<vmem>>, vector<1x16xf32>,
      %get3A_382 = vector.shape_cast %get3A_381 : vector<1x16xf32> to vector<16xf32>
      %add3A_383 = arith.addf %scan3A_356, %get3A_382 : vector<16xf32>
      %add3A_384 = arith.constant 0 : i32
      %add3A_385 = arith.addi %mul3A_363, %add3A_384 : i32
      %get3A_386 = arith.index_cast %add3A_385 : i32 to index
      %get3A_387 = arith.constant 48 : index
      %get3A_388 = tpu.vector_load %arg4[%get3A_386, %get3A_387] {strides = array<i32>} : memref<256x128xf32, #tpu.memory_space<vmem>>, vector<1x16xf32>,
      %get3A_389 = vector.shape_cast %get3A_388 : vector<1x16xf32> to vector<16xf32>
      %add3A_390 = arith.addf %scan3A_357, %get3A_389 : vector<16xf32>
      %add3A_391 = arith.constant 0 : i32
      %add3A_392 = arith.addi %mul3A_363, %add3A_391 : i32
      %get3A_393 = arith.index_cast %add3A_392 : i32 to index
      %get3A_394 = arith.constant 64 : index
      %get3A_395 = tpu.vector_load %arg4[%get3A_393, %get3A_394] {strides = array<i32>} : memref<256x128xf32, #tpu.memory_space<vmem>>, vector<1x16xf32>,
      %get3A_396 = vector.shape_cast %get3A_395 : vector<1x16xf32> to vector<16xf32>
      %add3A_397 = arith.addf %scan3A_358, %get3A_396 : vector<16xf32>
      %add3A_398 = arith.constant 0 : i32
      %add3A_399 = arith.addi %mul3A_363, %add3A_398 : i32
      %get3A_400 = arith.index_cast %add3A_399 : i32 to index
      %get3A_401 = arith.constant 80 : index
      %get3A_402 = tpu.vector_load %arg4[%get3A_400, %get3A_401] {strides = array<i32>} : memref<256x128xf32, #tpu.memory_space<vmem>>, vector<1x16xf32>,
      %get3A_403 = vector.shape_cast %get3A_402 : vector<1x16xf32> to vector<16xf32>
      %add3A_404 = arith.addf %scan3A_359, %get3A_403 : vector<16xf32>
      %add3A_405 = arith.constant 0 : i32
      %add3A_406 = arith.addi %mul3A_363, %add3A_405 : i32
      %get3A_407 = arith.index_cast %add3A_406 : i32 to index
      %get3A_408 = arith.constant 96 : index
      %get3A_409 = tpu.vector_load %arg4[%get3A_407, %get3A_408] {strides = array<i32>} : memref<256x128xf32, #tpu.memory_space<vmem>>, vector<1x16xf32>,
      %get3A_410 = vector.shape_cast %get3A_409 : vector<1x16xf32> to vector<16xf32>
      %add3A_411 = arith.addf %scan3A_360, %get3A_410 : vector<16xf32>
      %add3A_412 = arith.constant 0 : i32
      %add3A_413 = arith.addi %mul3A_363, %add3A_412 : i32
      %get3A_414 = arith.index_cast %add3A_413 : i32 to index
      %get3A_415 = arith.constant 112 : index
      %get3A_416 = tpu.vector_load %arg4[%get3A_414, %get3A_415] {strides = array<i32>} : memref<256x128xf32, #tpu.memory_space<vmem>>, vector<1x16xf32>,
      %get3A_417 = vector.shape_cast %get3A_416 : vector<1x16xf32> to vector<16xf32>
      %add3A_418 = arith.addf %scan3A_361, %get3A_417 : vector<16xf32>
      %add3A_419 = arith.constant 1 : i32
      %add3A_420 = arith.addi %mul3A_363, %add3A_419 : i32
      %get3A_421 = arith.index_cast %add3A_420 : i32 to index
      %get3A_422 = arith.constant 0 : index
      %get3A_423 = tpu.vector_load %arg4[%get3A_421, %get3A_422] {strides = array<i32>} : memref<256x128xf32, #tpu.memory_space<vmem>>, vector<1x16xf32>,
      %get3A_424 = vector.shape_cast %get3A_423 : vector<1x16xf32> to vector<16xf32>
      %add3A_425 = arith.addf %add3A_369, %get3A_424 : vector<16xf32>
      %add3A_426 = arith.constant 1 : i32
      %add3A_427 = arith.addi %mul3A_363, %add3A_426 : i32
      %get3A_428 = arith.index_cast %add3A_427 : i32 to index
      %get3A_429 = arith.constant 16 : index
      %get3A_430 = tpu.vector_load %arg4[%get3A_428, %get3A_429] {strides = array<i32>} : memref<256x128xf32, #tpu.memory_space<vmem>>, vector<1x16xf32>,
      %get3A_431 = vector.shape_cast %get3A_430 : vector<1x16xf32> to vector<16xf32>
      %add3A_432 = arith.addf %add3A_376, %get3A_431 : vector<16xf32>
      %add3A_433 = arith.constant 1 : i32
      %add3A_434 = arith.addi %mul3A_363, %add3A_433 : i32
      %get3A_435 = arith.index_cast %add3A_434 : i32 to index
      %get3A_436 = arith.constant 32 : index
      %get3A_437 = tpu.vector_load %arg4[%get3A_435, %get3A_436] {strides = array<i32>} : memref<256x128xf32, #tpu.memory_space<vmem>>, vector<1x16xf32>,
      %get3A_438 = vector.shape_cast %get3A_437 : vector<1x16xf32> to vector<16xf32>
      %add3A_439 = arith.addf %add3A_383, %get3A_438 : vector<16xf32>
      %add3A_440 = arith.constant 1 : i32
      %add3A_441 = arith.addi %mul3A_363, %add3A_440 : i32
      %get3A_442 = arith.index_cast %add3A_441 : i32 to index
      %get3A_443 = arith.constant 48 : index
      %get3A_444 = tpu.vector_load %arg4[%get3A_442, %get3A_443] {strides = array<i32>} : memref<256x128xf32, #tpu.memory_space<vmem>>, vector<1x16xf32>,
      %get3A_445 = vector.shape_cast %get3A_444 : vector<1x16xf32> to vector<16xf32>
      %add3A_446 = arith.addf %add3A_390, %get3A_445 : vector<16xf32>
      %add3A_447 = arith.constant 1 : i32
      %add3A_448 = arith.addi %mul3A_363, %add3A_447 : i32
      %get3A_449 = arith.index_cast %add3A_448 : i32 to index
      %get3A_450 = arith.constant 64 : index
      %get3A_451 = tpu.vector_load %arg4[%get3A_449, %get3A_450] {strides = array<i32>} : memref<256x128xf32, #tpu.memory_space<vmem>>, vector<1x16xf32>,
      %get3A_452 = vector.shape_cast %get3A_451 : vector<1x16xf32> to vector<16xf32>
      %add3A_453 = arith.addf %add3A_397, %get3A_452 : vector<16xf32>
      %add3A_454 = arith.constant 1 : i32
      %add3A_455 = arith.addi %mul3A_363, %add3A_454 : i32
      %get3A_456 = arith.index_cast %add3A_455 : i32 to index
      %get3A_457 = arith.constant 80 : index
      %get3A_458 = tpu.vector_load %arg4[%get3A_456, %get3A_457] {strides = array<i32>} : memref<256x128xf32, #tpu.memory_space<vmem>>, vector<1x16xf32>,
      %get3A_459 = vector.shape_cast %get3A_458 : vector<1x16xf32> to vector<16xf32>
      %add3A_460 = arith.addf %add3A_404, %get3A_459 : vector<16xf32>
      %add3A_461 = arith.constant 1 : i32
      %add3A_462 = arith.addi %mul3A_363, %add3A_461 : i32
      %get3A_463 = arith.index_cast %add3A_462 : i32 to index
      %get3A_464 = arith.constant 96 : index
      %get3A_465 = tpu.vector_load %arg4[%get3A_463, %get3A_464] {strides = array<i32>} : memref<256x128xf32, #tpu.memory_space<vmem>>, vector<1x16xf32>,
      %get3A_466 = vector.shape_cast %get3A_465 : vector<1x16xf32> to vector<16xf32>
      %add3A_467 = arith.addf %add3A_411, %get3A_466 : vector<16xf32>
      %add3A_468 = arith.constant 1 : i32
      %add3A_469 = arith.addi %mul3A_363, %add3A_468 : i32
      %get3A_470 = arith.index_cast %add3A_469 : i32 to index
      %get3A_471 = arith.constant 112 : index
      %get3A_472 = tpu.vector_load %arg4[%get3A_470, %get3A_471] {strides = array<i32>} : memref<256x128xf32, #tpu.memory_space<vmem>>, vector<1x16xf32>,
      %get3A_473 = vector.shape_cast %get3A_472 : vector<1x16xf32> to vector<16xf32>
      %add3A_474 = arith.addf %add3A_418, %get3A_473 : vector<16xf32>
      %add3A_475 = arith.constant 2 : i32
      %add3A_476 = arith.addi %mul3A_363, %add3A_475 : i32
      %get3A_477 = arith.index_cast %add3A_476 : i32 to index
      %get3A_478 = arith.constant 0 : index
      %get3A_479 = tpu.vector_load %arg4[%get3A_477, %get3A_478] {strides = array<i32>} : memref<256x128xf32, #tpu.memory_space<vmem>>, vector<1x16xf32>,
      %get3A_480 = vector.shape_cast %get3A_479 : vector<1x16xf32> to vector<16xf32>
      %add3A_481 = arith.addf %add3A_425, %get3A_480 : vector<16xf32>
      %add3A_482 = arith.constant 2 : i32
      %add3A_483 = arith.addi %mul3A_363, %add3A_482 : i32
      %get3A_484 = arith.index_cast %add3A_483 : i32 to index
      %get3A_485 = arith.constant 16 : index
      %get3A_486 = tpu.vector_load %arg4[%get3A_484, %get3A_485] {strides = array<i32>} : memref<256x128xf32, #tpu.memory_space<vmem>>, vector<1x16xf32>,
      %get3A_487 = vector.shape_cast %get3A_486 : vector<1x16xf32> to vector<16xf32>
      %add3A_488 = arith.addf %add3A_432, %get3A_487 : vector<16xf32>
      %add3A_489 = arith.constant 2 : i32
      %add3A_490 = arith.addi %mul3A_363, %add3A_489 : i32
      %get3A_491 = arith.index_cast %add3A_490 : i32 to index
      %get3A_492 = arith.constant 32 : index
      %get3A_493 = tpu.vector_load %arg4[%get3A_491, %get3A_492] {strides = array<i32>} : memref<256x128xf32, #tpu.memory_space<vmem>>, vector<1x16xf32>,
      %get3A_494 = vector.shape_cast %get3A_493 : vector<1x16xf32> to vector<16xf32>
      %add3A_495 = arith.addf %add3A_439, %get3A_494 : vector<16xf32>
      %add3A_496 = arith.constant 2 : i32
      %add3A_497 = arith.addi %mul3A_363, %add3A_496 : i32
      %get3A_498 = arith.index_cast %add3A_497 : i32 to index
      %get3A_499 = arith.constant 48 : index
      %get3A_500 = tpu.vector_load %arg4[%get3A_498, %get3A_499] {strides = array<i32>} : memref<256x128xf32, #tpu.memory_space<vmem>>, vector<1x16xf32>,
      %get3A_501 = vector.shape_cast %get3A_500 : vector<1x16xf32> to vector<16xf32>
      %add3A_502 = arith.addf %add3A_446, %get3A_501 : vector<16xf32>
      %add3A_503 = arith.constant 2 : i32
      %add3A_504 = arith.addi %mul3A_363, %add3A_503 : i32
      %get3A_505 = arith.index_cast %add3A_504 : i32 to index
      %get3A_506 = arith.constant 64 : index
      %get3A_507 = tpu.vector_load %arg4[%get3A_505, %get3A_506] {strides = array<i32>} : memref<256x128xf32, #tpu.memory_space<vmem>>, vector<1x16xf32>,
      %get3A_508 = vector.shape_cast %get3A_507 : vector<1x16xf32> to vector<16xf32>
      %add3A_509 = arith.addf %add3A_453, %get3A_508 : vector<16xf32>
      %add3A_510 = arith.constant 2 : i32
      %add3A_511 = arith.addi %mul3A_363, %add3A_510 : i32
      %get3A_512 = arith.index_cast %add3A_511 : i32 to index
      %get3A_513 = arith.constant 80 : index
      %get3A_514 = tpu.vector_load %arg4[%get3A_512, %get3A_513] {strides = array<i32>} : memref<256x128xf32, #tpu.memory_space<vmem>>, vector<1x16xf32>,
      %get3A_515 = vector.shape_cast %get3A_514 : vector<1x16xf32> to vector<16xf32>
      %add3A_516 = arith.addf %add3A_460, %get3A_515 : vector<16xf32>
      %add3A_517 = arith.constant 2 : i32
      %add3A_518 = arith.addi %mul3A_363, %add3A_517 : i32
      %get3A_519 = arith.index_cast %add3A_518 : i32 to index
      %get3A_520 = arith.constant 96 : index
      %get3A_521 = tpu.vector_load %arg4[%get3A_519, %get3A_520] {strides = array<i32>} : memref<256x128xf32, #tpu.memory_space<vmem>>, vector<1x16xf32>,
      %get3A_522 = vector.shape_cast %get3A_521 : vector<1x16xf32> to vector<16xf32>
      %add3A_523 = arith.addf %add3A_467, %get3A_522 : vector<16xf32>
      %add3A_524 = arith.constant 2 : i32
      %add3A_525 = arith.addi %mul3A_363, %add3A_524 : i32
      %get3A_526 = arith.index_cast %add3A_525 : i32 to index
      %get3A_527 = arith.constant 112 : index
      %get3A_528 = tpu.vector_load %arg4[%get3A_526, %get3A_527] {strides = array<i32>} : memref<256x128xf32, #tpu.memory_space<vmem>>, vector<1x16xf32>,
      %get3A_529 = vector.shape_cast %get3A_528 : vector<1x16xf32> to vector<16xf32>
      %add3A_530 = arith.addf %add3A_474, %get3A_529 : vector<16xf32>
      %add3A_531 = arith.constant 3 : i32
      %add3A_532 = arith.addi %mul3A_363, %add3A_531 : i32
      %get3A_533 = arith.index_cast %add3A_532 : i32 to index
      %get3A_534 = arith.constant 0 : index
      %get3A_535 = tpu.vector_load %arg4[%get3A_533, %get3A_534] {strides = array<i32>} : memref<256x128xf32, #tpu.memory_space<vmem>>, vector<1x16xf32>,
      %get3A_536 = vector.shape_cast %get3A_535 : vector<1x16xf32> to vector<16xf32>
      %add3A_537 = arith.addf %add3A_481, %get3A_536 : vector<16xf32>
      %add3A_538 = arith.constant 3 : i32
      %add3A_539 = arith.addi %mul3A_363, %add3A_538 : i32
      %get3A_540 = arith.index_cast %add3A_539 : i32 to index
      %get3A_541 = arith.constant 16 : index
      %get3A_542 = tpu.vector_load %arg4[%get3A_540, %get3A_541] {strides = array<i32>} : memref<256x128xf32, #tpu.memory_space<vmem>>, vector<1x16xf32>,
      %get3A_543 = vector.shape_cast %get3A_542 : vector<1x16xf32> to vector<16xf32>
      %add3A_544 = arith.addf %add3A_488, %get3A_543 : vector<16xf32>
      %add3A_545 = arith.constant 3 : i32
      %add3A_546 = arith.addi %mul3A_363, %add3A_545 : i32
      %get3A_547 = arith.index_cast %add3A_546 : i32 to index
      %get3A_548 = arith.constant 32 : index
      %get3A_549 = tpu.vector_load %arg4[%get3A_547, %get3A_548] {strides = array<i32>} : memref<256x128xf32, #tpu.memory_space<vmem>>, vector<1x16xf32>,
      %get3A_550 = vector.shape_cast %get3A_549 : vector<1x16xf32> to vector<16xf32>
      %add3A_551 = arith.addf %add3A_495, %get3A_550 : vector<16xf32>
      %add3A_552 = arith.constant 3 : i32
      %add3A_553 = arith.addi %mul3A_363, %add3A_552 : i32
      %get3A_554 = arith.index_cast %add3A_553 : i32 to index
      %get3A_555 = arith.constant 48 : index
      %get3A_556 = tpu.vector_load %arg4[%get3A_554, %get3A_555] {strides = array<i32>} : memref<256x128xf32, #tpu.memory_space<vmem>>, vector<1x16xf32>,
      %get3A_557 = vector.shape_cast %get3A_556 : vector<1x16xf32> to vector<16xf32>
      %add3A_558 = arith.addf %add3A_502, %get3A_557 : vector<16xf32>
      %add3A_559 = arith.constant 3 : i32
      %add3A_560 = arith.addi %mul3A_363, %add3A_559 : i32
      %get3A_561 = arith.index_cast %add3A_560 : i32 to index
      %get3A_562 = arith.constant 64 : index
      %get3A_563 = tpu.vector_load %arg4[%get3A_561, %get3A_562] {strides = array<i32>} : memref<256x128xf32, #tpu.memory_space<vmem>>, vector<1x16xf32>,
      %get3A_564 = vector.shape_cast %get3A_563 : vector<1x16xf32> to vector<16xf32>
      %add3A_565 = arith.addf %add3A_509, %get3A_564 : vector<16xf32>
      %add3A_566 = arith.constant 3 : i32
      %add3A_567 = arith.addi %mul3A_363, %add3A_566 : i32
      %get3A_568 = arith.index_cast %add3A_567 : i32 to index
      %get3A_569 = arith.constant 80 : index
      %get3A_570 = tpu.vector_load %arg4[%get3A_568, %get3A_569] {strides = array<i32>} : memref<256x128xf32, #tpu.memory_space<vmem>>, vector<1x16xf32>,
      %get3A_571 = vector.shape_cast %get3A_570 : vector<1x16xf32> to vector<16xf32>
      %add3A_572 = arith.addf %add3A_516, %get3A_571 : vector<16xf32>
      %add3A_573 = arith.constant 3 : i32
      %add3A_574 = arith.addi %mul3A_363, %add3A_573 : i32
      %get3A_575 = arith.index_cast %add3A_574 : i32 to index
      %get3A_576 = arith.constant 96 : index
      %get3A_577 = tpu.vector_load %arg4[%get3A_575, %get3A_576] {strides = array<i32>} : memref<256x128xf32, #tpu.memory_space<vmem>>, vector<1x16xf32>,
      %get3A_578 = vector.shape_cast %get3A_577 : vector<1x16xf32> to vector<16xf32>
      %add3A_579 = arith.addf %add3A_523, %get3A_578 : vector<16xf32>
      %add3A_580 = arith.constant 3 : i32
      %add3A_581 = arith.addi %mul3A_363, %add3A_580 : i32
      %get3A_582 = arith.index_cast %add3A_581 : i32 to index
      %get3A_583 = arith.constant 112 : index
      %get3A_584 = tpu.vector_load %arg4[%get3A_582, %get3A_583] {strides = array<i32>} : memref<256x128xf32, #tpu.memory_space<vmem>>, vector<1x16xf32>,
      %get3A_585 = vector.shape_cast %get3A_584 : vector<1x16xf32> to vector<16xf32>
      %add3A_586 = arith.addf %add3A_530, %get3A_585 : vector<16xf32>
      %add3A_587 = arith.constant 4 : i32
      %add3A_588 = arith.addi %mul3A_363, %add3A_587 : i32
      %get3A_589 = arith.index_cast %add3A_588 : i32 to index
      %get3A_590 = arith.constant 0 : index
      %get3A_591 = tpu.vector_load %arg4[%get3A_589, %get3A_590] {strides = array<i32>} : memref<256x128xf32, #tpu.memory_space<vmem>>, vector<1x16xf32>,
      %get3A_592 = vector.shape_cast %get3A_591 : vector<1x16xf32> to vector<16xf32>
      %add3A_593 = arith.addf %add3A_537, %get3A_592 : vector<16xf32>
      %add3A_594 = arith.constant 4 : i32
      %add3A_595 = arith.addi %mul3A_363, %add3A_594 : i32
      %get3A_596 = arith.index_cast %add3A_595 : i32 to index
      %get3A_597 = arith.constant 16 : index
      %get3A_598 = tpu.vector_load %arg4[%get3A_596, %get3A_597] {strides = array<i32>} : memref<256x128xf32, #tpu.memory_space<vmem>>, vector<1x16xf32>,
      %get3A_599 = vector.shape_cast %get3A_598 : vector<1x16xf32> to vector<16xf32>
      %add3A_600 = arith.addf %add3A_544, %get3A_599 : vector<16xf32>
      %add3A_601 = arith.constant 4 : i32
      %add3A_602 = arith.addi %mul3A_363, %add3A_601 : i32
      %get3A_603 = arith.index_cast %add3A_602 : i32 to index
      %get3A_604 = arith.constant 32 : index
      %get3A_605 = tpu.vector_load %arg4[%get3A_603, %get3A_604] {strides = array<i32>} : memref<256x128xf32, #tpu.memory_space<vmem>>, vector<1x16xf32>,
      %get3A_606 = vector.shape_cast %get3A_605 : vector<1x16xf32> to vector<16xf32>
      %add3A_607 = arith.addf %add3A_551, %get3A_606 : vector<16xf32>
      %add3A_608 = arith.constant 4 : i32
      %add3A_609 = arith.addi %mul3A_363, %add3A_608 : i32
      %get3A_610 = arith.index_cast %add3A_609 : i32 to index
      %get3A_611 = arith.constant 48 : index
      %get3A_612 = tpu.vector_load %arg4[%get3A_610, %get3A_611] {strides = array<i32>} : memref<256x128xf32, #tpu.memory_space<vmem>>, vector<1x16xf32>,
      %get3A_613 = vector.shape_cast %get3A_612 : vector<1x16xf32> to vector<16xf32>
      %add3A_614 = arith.addf %add3A_558, %get3A_613 : vector<16xf32>
      %add3A_615 = arith.constant 4 : i32
      %add3A_616 = arith.addi %mul3A_363, %add3A_615 : i32
      %get3A_617 = arith.index_cast %add3A_616 : i32 to index
      %get3A_618 = arith.constant 64 : index
      %get3A_619 = tpu.vector_load %arg4[%get3A_617, %get3A_618] {strides = array<i32>} : memref<256x128xf32, #tpu.memory_space<vmem>>, vector<1x16xf32>,
      %get3A_620 = vector.shape_cast %get3A_619 : vector<1x16xf32> to vector<16xf32>
      %add3A_621 = arith.addf %add3A_565, %get3A_620 : vector<16xf32>
      %add3A_622 = arith.constant 4 : i32
      %add3A_623 = arith.addi %mul3A_363, %add3A_622 : i32
      %get3A_624 = arith.index_cast %add3A_623 : i32 to index
      %get3A_625 = arith.constant 80 : index
      %get3A_626 = tpu.vector_load %arg4[%get3A_624, %get3A_625] {strides = array<i32>} : memref<256x128xf32, #tpu.memory_space<vmem>>, vector<1x16xf32>,
      %get3A_627 = vector.shape_cast %get3A_626 : vector<1x16xf32> to vector<16xf32>
      %add3A_628 = arith.addf %add3A_572, %get3A_627 : vector<16xf32>
      %add3A_629 = arith.constant 4 : i32
      %add3A_630 = arith.addi %mul3A_363, %add3A_629 : i32
      %get3A_631 = arith.index_cast %add3A_630 : i32 to index
      %get3A_632 = arith.constant 96 : index
      %get3A_633 = tpu.vector_load %arg4[%get3A_631, %get3A_632] {strides = array<i32>} : memref<256x128xf32, #tpu.memory_space<vmem>>, vector<1x16xf32>,
      %get3A_634 = vector.shape_cast %get3A_633 : vector<1x16xf32> to vector<16xf32>
      %add3A_635 = arith.addf %add3A_579, %get3A_634 : vector<16xf32>
      %add3A_636 = arith.constant 4 : i32
      %add3A_637 = arith.addi %mul3A_363, %add3A_636 : i32
      %get3A_638 = arith.index_cast %add3A_637 : i32 to index
      %get3A_639 = arith.constant 112 : index
      %get3A_640 = tpu.vector_load %arg4[%get3A_638, %get3A_639] {strides = array<i32>} : memref<256x128xf32, #tpu.memory_space<vmem>>, vector<1x16xf32>,
      %get3A_641 = vector.shape_cast %get3A_640 : vector<1x16xf32> to vector<16xf32>
      %add3A_642 = arith.addf %add3A_586, %get3A_641 : vector<16xf32>
      %add3A_643 = arith.constant 5 : i32
      %add3A_644 = arith.addi %mul3A_363, %add3A_643 : i32
      %get3A_645 = arith.index_cast %add3A_644 : i32 to index
      %get3A_646 = arith.constant 0 : index
      %get3A_647 = tpu.vector_load %arg4[%get3A_645, %get3A_646] {strides = array<i32>} : memref<256x128xf32, #tpu.memory_space<vmem>>, vector<1x16xf32>,
      %get3A_648 = vector.shape_cast %get3A_647 : vector<1x16xf32> to vector<16xf32>
      %add3A_649 = arith.addf %add3A_593, %get3A_648 : vector<16xf32>
      %add3A_650 = arith.constant 5 : i32
      %add3A_651 = arith.addi %mul3A_363, %add3A_650 : i32
      %get3A_652 = arith.index_cast %add3A_651 : i32 to index
      %get3A_653 = arith.constant 16 : index
      %get3A_654 = tpu.vector_load %arg4[%get3A_652, %get3A_653] {strides = array<i32>} : memref<256x128xf32, #tpu.memory_space<vmem>>, vector<1x16xf32>,
      %get3A_655 = vector.shape_cast %get3A_654 : vector<1x16xf32> to vector<16xf32>
      %add3A_656 = arith.addf %add3A_600, %get3A_655 : vector<16xf32>
      %add3A_657 = arith.constant 5 : i32
      %add3A_658 = arith.addi %mul3A_363, %add3A_657 : i32
      %get3A_659 = arith.index_cast %add3A_658 : i32 to index
      %get3A_660 = arith.constant 32 : index
      %get3A_661 = tpu.vector_load %arg4[%get3A_659, %get3A_660] {strides = array<i32>} : memref<256x128xf32, #tpu.memory_space<vmem>>, vector<1x16xf32>,
      %get3A_662 = vector.shape_cast %get3A_661 : vector<1x16xf32> to vector<16xf32>
      %add3A_663 = arith.addf %add3A_607, %get3A_662 : vector<16xf32>
      %add3A_664 = arith.constant 5 : i32
      %add3A_665 = arith.addi %mul3A_363, %add3A_664 : i32
      %get3A_666 = arith.index_cast %add3A_665 : i32 to index
      %get3A_667 = arith.constant 48 : index
      %get3A_668 = tpu.vector_load %arg4[%get3A_666, %get3A_667] {strides = array<i32>} : memref<256x128xf32, #tpu.memory_space<vmem>>, vector<1x16xf32>,
      %get3A_669 = vector.shape_cast %get3A_668 : vector<1x16xf32> to vector<16xf32>
      %add3A_670 = arith.addf %add3A_614, %get3A_669 : vector<16xf32>
      %add3A_671 = arith.constant 5 : i32
      %add3A_672 = arith.addi %mul3A_363, %add3A_671 : i32
      %get3A_673 = arith.index_cast %add3A_672 : i32 to index
      %get3A_674 = arith.constant 64 : index
      %get3A_675 = tpu.vector_load %arg4[%get3A_673, %get3A_674] {strides = array<i32>} : memref<256x128xf32, #tpu.memory_space<vmem>>, vector<1x16xf32>,
      %get3A_676 = vector.shape_cast %get3A_675 : vector<1x16xf32> to vector<16xf32>
      %add3A_677 = arith.addf %add3A_621, %get3A_676 : vector<16xf32>
      %add3A_678 = arith.constant 5 : i32
      %add3A_679 = arith.addi %mul3A_363, %add3A_678 : i32
      %get3A_680 = arith.index_cast %add3A_679 : i32 to index
      %get3A_681 = arith.constant 80 : index
      %get3A_682 = tpu.vector_load %arg4[%get3A_680, %get3A_681] {strides = array<i32>} : memref<256x128xf32, #tpu.memory_space<vmem>>, vector<1x16xf32>,
      %get3A_683 = vector.shape_cast %get3A_682 : vector<1x16xf32> to vector<16xf32>
      %add3A_684 = arith.addf %add3A_628, %get3A_683 : vector<16xf32>
      %add3A_685 = arith.constant 5 : i32
      %add3A_686 = arith.addi %mul3A_363, %add3A_685 : i32
      %get3A_687 = arith.index_cast %add3A_686 : i32 to index
      %get3A_688 = arith.constant 96 : index
      %get3A_689 = tpu.vector_load %arg4[%get3A_687, %get3A_688] {strides = array<i32>} : memref<256x128xf32, #tpu.memory_space<vmem>>, vector<1x16xf32>,
      %get3A_690 = vector.shape_cast %get3A_689 : vector<1x16xf32> to vector<16xf32>
      %add3A_691 = arith.addf %add3A_635, %get3A_690 : vector<16xf32>
      %add3A_692 = arith.constant 5 : i32
      %add3A_693 = arith.addi %mul3A_363, %add3A_692 : i32
      %get3A_694 = arith.index_cast %add3A_693 : i32 to index
      %get3A_695 = arith.constant 112 : index
      %get3A_696 = tpu.vector_load %arg4[%get3A_694, %get3A_695] {strides = array<i32>} : memref<256x128xf32, #tpu.memory_space<vmem>>, vector<1x16xf32>,
      %get3A_697 = vector.shape_cast %get3A_696 : vector<1x16xf32> to vector<16xf32>
      %add3A_698 = arith.addf %add3A_642, %get3A_697 : vector<16xf32>
      %add3A_699 = arith.constant 6 : i32
      %add3A_700 = arith.addi %mul3A_363, %add3A_699 : i32
      %get3A_701 = arith.index_cast %add3A_700 : i32 to index
      %get3A_702 = arith.constant 0 : index
      %get3A_703 = tpu.vector_load %arg4[%get3A_701, %get3A_702] {strides = array<i32>} : memref<256x128xf32, #tpu.memory_space<vmem>>, vector<1x16xf32>,
      %get3A_704 = vector.shape_cast %get3A_703 : vector<1x16xf32> to vector<16xf32>
      %add3A_705 = arith.addf %add3A_649, %get3A_704 : vector<16xf32>
      %add3A_706 = arith.constant 6 : i32
      %add3A_707 = arith.addi %mul3A_363, %add3A_706 : i32
      %get3A_708 = arith.index_cast %add3A_707 : i32 to index
      %get3A_709 = arith.constant 16 : index
      %get3A_710 = tpu.vector_load %arg4[%get3A_708, %get3A_709] {strides = array<i32>} : memref<256x128xf32, #tpu.memory_space<vmem>>, vector<1x16xf32>,
      %get3A_711 = vector.shape_cast %get3A_710 : vector<1x16xf32> to vector<16xf32>
      %add3A_712 = arith.addf %add3A_656, %get3A_711 : vector<16xf32>
      %add3A_713 = arith.constant 6 : i32
      %add3A_714 = arith.addi %mul3A_363, %add3A_713 : i32
      %get3A_715 = arith.index_cast %add3A_714 : i32 to index
      %get3A_716 = arith.constant 32 : index
      %get3A_717 = tpu.vector_load %arg4[%get3A_715, %get3A_716] {strides = array<i32>} : memref<256x128xf32, #tpu.memory_space<vmem>>, vector<1x16xf32>,
      %get3A_718 = vector.shape_cast %get3A_717 : vector<1x16xf32> to vector<16xf32>
      %add3A_719 = arith.addf %add3A_663, %get3A_718 : vector<16xf32>
      %add3A_720 = arith.constant 6 : i32
      %add3A_721 = arith.addi %mul3A_363, %add3A_720 : i32
      %get3A_722 = arith.index_cast %add3A_721 : i32 to index
      %get3A_723 = arith.constant 48 : index
      %get3A_724 = tpu.vector_load %arg4[%get3A_722, %get3A_723] {strides = array<i32>} : memref<256x128xf32, #tpu.memory_space<vmem>>, vector<1x16xf32>,
      %get3A_725 = vector.shape_cast %get3A_724 : vector<1x16xf32> to vector<16xf32>
      %add3A_726 = arith.addf %add3A_670, %get3A_725 : vector<16xf32>
      %add3A_727 = arith.constant 6 : i32
      %add3A_728 = arith.addi %mul3A_363, %add3A_727 : i32
      %get3A_729 = arith.index_cast %add3A_728 : i32 to index
      %get3A_730 = arith.constant 64 : index
      %get3A_731 = tpu.vector_load %arg4[%get3A_729, %get3A_730] {strides = array<i32>} : memref<256x128xf32, #tpu.memory_space<vmem>>, vector<1x16xf32>,
      %get3A_732 = vector.shape_cast %get3A_731 : vector<1x16xf32> to vector<16xf32>
      %add3A_733 = arith.addf %add3A_677, %get3A_732 : vector<16xf32>
      %add3A_734 = arith.constant 6 : i32
      %add3A_735 = arith.addi %mul3A_363, %add3A_734 : i32
      %get3A_736 = arith.index_cast %add3A_735 : i32 to index
      %get3A_737 = arith.constant 80 : index
      %get3A_738 = tpu.vector_load %arg4[%get3A_736, %get3A_737] {strides = array<i32>} : memref<256x128xf32, #tpu.memory_space<vmem>>, vector<1x16xf32>,
      %get3A_739 = vector.shape_cast %get3A_738 : vector<1x16xf32> to vector<16xf32>
      %add3A_740 = arith.addf %add3A_684, %get3A_739 : vector<16xf32>
      %add3A_741 = arith.constant 6 : i32
      %add3A_742 = arith.addi %mul3A_363, %add3A_741 : i32
      %get3A_743 = arith.index_cast %add3A_742 : i32 to index
      %get3A_744 = arith.constant 96 : index
      %get3A_745 = tpu.vector_load %arg4[%get3A_743, %get3A_744] {strides = array<i32>} : memref<256x128xf32, #tpu.memory_space<vmem>>, vector<1x16xf32>,
      %get3A_746 = vector.shape_cast %get3A_745 : vector<1x16xf32> to vector<16xf32>
      %add3A_747 = arith.addf %add3A_691, %get3A_746 : vector<16xf32>
      %add3A_748 = arith.constant 6 : i32
      %add3A_749 = arith.addi %mul3A_363, %add3A_748 : i32
      %get3A_750 = arith.index_cast %add3A_749 : i32 to index
      %get3A_751 = arith.constant 112 : index
      %get3A_752 = tpu.vector_load %arg4[%get3A_750, %get3A_751] {strides = array<i32>} : memref<256x128xf32, #tpu.memory_space<vmem>>, vector<1x16xf32>,
      %get3A_753 = vector.shape_cast %get3A_752 : vector<1x16xf32> to vector<16xf32>
      %add3A_754 = arith.addf %add3A_698, %get3A_753 : vector<16xf32>
      %add3A_755 = arith.constant 7 : i32
      %add3A_756 = arith.addi %mul3A_363, %add3A_755 : i32
      %get3A_757 = arith.index_cast %add3A_756 : i32 to index
      %get3A_758 = arith.constant 0 : index
      %get3A_759 = tpu.vector_load %arg4[%get3A_757, %get3A_758] {strides = array<i32>} : memref<256x128xf32, #tpu.memory_space<vmem>>, vector<1x16xf32>,
      %get3A_760 = vector.shape_cast %get3A_759 : vector<1x16xf32> to vector<16xf32>
      %add3A_761 = arith.addf %add3A_705, %get3A_760 : vector<16xf32>
      %add3A_762 = arith.constant 7 : i32
      %add3A_763 = arith.addi %mul3A_363, %add3A_762 : i32
      %get3A_764 = arith.index_cast %add3A_763 : i32 to index
      %get3A_765 = arith.constant 16 : index
      %get3A_766 = tpu.vector_load %arg4[%get3A_764, %get3A_765] {strides = array<i32>} : memref<256x128xf32, #tpu.memory_space<vmem>>, vector<1x16xf32>,
      %get3A_767 = vector.shape_cast %get3A_766 : vector<1x16xf32> to vector<16xf32>
      %add3A_768 = arith.addf %add3A_712, %get3A_767 : vector<16xf32>
      %add3A_769 = arith.constant 7 : i32
      %add3A_770 = arith.addi %mul3A_363, %add3A_769 : i32
      %get3A_771 = arith.index_cast %add3A_770 : i32 to index
      %get3A_772 = arith.constant 32 : index
      %get3A_773 = tpu.vector_load %arg4[%get3A_771, %get3A_772] {strides = array<i32>} : memref<256x128xf32, #tpu.memory_space<vmem>>, vector<1x16xf32>,
      %get3A_774 = vector.shape_cast %get3A_773 : vector<1x16xf32> to vector<16xf32>
      %add3A_775 = arith.addf %add3A_719, %get3A_774 : vector<16xf32>
      %add3A_776 = arith.constant 7 : i32
      %add3A_777 = arith.addi %mul3A_363, %add3A_776 : i32
      %get3A_778 = arith.index_cast %add3A_777 : i32 to index
      %get3A_779 = arith.constant 48 : index
      %get3A_780 = tpu.vector_load %arg4[%get3A_778, %get3A_779] {strides = array<i32>} : memref<256x128xf32, #tpu.memory_space<vmem>>, vector<1x16xf32>,
      %get3A_781 = vector.shape_cast %get3A_780 : vector<1x16xf32> to vector<16xf32>
      %add3A_782 = arith.addf %add3A_726, %get3A_781 : vector<16xf32>
      %add3A_783 = arith.constant 7 : i32
      %add3A_784 = arith.addi %mul3A_363, %add3A_783 : i32
      %get3A_785 = arith.index_cast %add3A_784 : i32 to index
      %get3A_786 = arith.constant 64 : index
      %get3A_787 = tpu.vector_load %arg4[%get3A_785, %get3A_786] {strides = array<i32>} : memref<256x128xf32, #tpu.memory_space<vmem>>, vector<1x16xf32>,
      %get3A_788 = vector.shape_cast %get3A_787 : vector<1x16xf32> to vector<16xf32>
      %add3A_789 = arith.addf %add3A_733, %get3A_788 : vector<16xf32>
      %add3A_790 = arith.constant 7 : i32
      %add3A_791 = arith.addi %mul3A_363, %add3A_790 : i32
      %get3A_792 = arith.index_cast %add3A_791 : i32 to index
      %get3A_793 = arith.constant 80 : index
      %get3A_794 = tpu.vector_load %arg4[%get3A_792, %get3A_793] {strides = array<i32>} : memref<256x128xf32, #tpu.memory_space<vmem>>, vector<1x16xf32>,
      %get3A_795 = vector.shape_cast %get3A_794 : vector<1x16xf32> to vector<16xf32>
      %add3A_796 = arith.addf %add3A_740, %get3A_795 : vector<16xf32>
      %add3A_797 = arith.constant 7 : i32
      %add3A_798 = arith.addi %mul3A_363, %add3A_797 : i32
      %get3A_799 = arith.index_cast %add3A_798 : i32 to index
      %get3A_800 = arith.constant 96 : index
      %get3A_801 = tpu.vector_load %arg4[%get3A_799, %get3A_800] {strides = array<i32>} : memref<256x128xf32, #tpu.memory_space<vmem>>, vector<1x16xf32>,
      %get3A_802 = vector.shape_cast %get3A_801 : vector<1x16xf32> to vector<16xf32>
      %add3A_803 = arith.addf %add3A_747, %get3A_802 : vector<16xf32>
      %add3A_804 = arith.constant 7 : i32
      %add3A_805 = arith.addi %mul3A_363, %add3A_804 : i32
      %get3A_806 = arith.index_cast %add3A_805 : i32 to index
      %get3A_807 = arith.constant 112 : index
      %get3A_808 = tpu.vector_load %arg4[%get3A_806, %get3A_807] {strides = array<i32>} : memref<256x128xf32, #tpu.memory_space<vmem>>, vector<1x16xf32>,
      %get3A_809 = vector.shape_cast %get3A_808 : vector<1x16xf32> to vector<16xf32>
      %add3A_810 = arith.addf %add3A_754, %get3A_809 : vector<16xf32>
      scf.yield %add3A_761, %add3A_768, %add3A_775, %add3A_782, %add3A_789, %add3A_796, %add3A_803, %add3A_810 : vector<16xf32>, vector<16xf32>, vector<16xf32>, vector<16xf32>, vector<16xf32>, vector<16xf32>, vector<16xf32>, vector<16xf32>
    }
    %scan3A_306 = arith.constant 32 : i32
    %dma_wait3A_307 = arith.constant 3 : i32
    %dma_wait3A_308 = arith.constant 7936 : i32
    %dma_wait3A_309 = tpu.memref_slice %arg2[%dma_wait3A_307, %dma_wait3A_308, %mul3A_2] : memref<4x8192x4096xf32, #tpu.memory_space<hbm>> -> memref<1x256x128xf32, #tpu.memory_space<hbm>>
    %dma_wait3A_310 = tpu.memref_squeeze %dma_wait3A_309 : memref<1x256x128xf32, #tpu.memory_space<hbm>> -> memref<256x128xf32, #tpu.memory_space<hbm>>
    %dma_wait3A_311 = arith.constant 7936 : i32
    %dma_wait3A_312 = tpu.memref_slice %arg2[%dma_wait3A_307, %dma_wait3A_311, %mul3A_2] : memref<4x8192x4096xf32, #tpu.memory_space<hbm>> -> memref<1x256x128xf32, #tpu.memory_space<hbm>>
    %dma_wait3A_313 = tpu.memref_squeeze %dma_wait3A_312 : memref<1x256x128xf32, #tpu.memory_space<hbm>> -> memref<256x128xf32, #tpu.memory_space<hbm>>
    tpu.wait_dma2 semaphore(%arg8 : memref<!tpu.dma_semaphore, #tpu.memory_space<semaphore_mem>>) src(%dma_wait3A_313 : memref<256x128xf32, #tpu.memory_space<hbm>>) dst(%arg5 : memref<256x128xf32, #tpu.memory_space<vmem>>)
    %scan3A_314 = arith.constant 0 : i32
    %scan3A_315 = arith.constant 32 : i32
    %scan3A_316 = arith.addi %scan3A_314, %scan3A_315 : i32
    %scan3A_317 = arith.constant 1 : i32
    %scan3A_318:8 = scf.for %scan3A_353 = %scan3A_314 to %scan3A_316 step %scan3A_317 iter_args(%scan3A_354 = %scan3A_305#0, %scan3A_355 = %scan3A_305#1, %scan3A_356 = %scan3A_305#2, %scan3A_357 = %scan3A_305#3, %scan3A_358 = %scan3A_305#4, %scan3A_359 = %scan3A_305#5, %scan3A_360 = %scan3A_305#6, %scan3A_361 = %scan3A_305#7) -> (vector<16xf32>, vector<16xf32>, vector<16xf32>, vector<16xf32>, vector<16xf32>, vector<16xf32>, vector<16xf32>, vector<16xf32>)  : i32 {
      %mul3A_362 = arith.constant 8 : i32
      %mul3A_363 = arith.muli %scan3A_353, %mul3A_362 : i32
      %add3A_364 = arith.constant 0 : i32
      %add3A_365 = arith.addi %mul3A_363, %add3A_364 : i32
      %get3A = arith.index_cast %add3A_365 : i32 to index
      %get3A_366 = arith.constant 0 : index
      %get3A_367 = tpu.vector_load %arg5[%get3A, %get3A_366] {strides = array<i32>} : memref<256x128xf32, #tpu.memory_space<vmem>>, vector<1x16xf32>,
      %get3A_368 = vector.shape_cast %get3A_367 : vector<1x16xf32> to vector<16xf32>
      %add3A_369 = arith.addf %scan3A_354, %get3A_368 : vector<16xf32>
      %add3A_370 = arith.constant 0 : i32
      %add3A_371 = arith.addi %mul3A_363, %add3A_370 : i32
      %get3A_372 = arith.index_cast %add3A_371 : i32 to index
      %get3A_373 = arith.constant 16 : index
      %get3A_374 = tpu.vector_load %arg5[%get3A_372, %get3A_373] {strides = array<i32>} : memref<256x128xf32, #tpu.memory_space<vmem>>, vector<1x16xf32>,
      %get3A_375 = vector.shape_cast %get3A_374 : vector<1x16xf32> to vector<16xf32>
      %add3A_376 = arith.addf %scan3A_355, %get3A_375 : vector<16xf32>
      %add3A_377 = arith.constant 0 : i32
      %add3A_378 = arith.addi %mul3A_363, %add3A_377 : i32
      %get3A_379 = arith.index_cast %add3A_378 : i32 to index
      %get3A_380 = arith.constant 32 : index
      %get3A_381 = tpu.vector_load %arg5[%get3A_379, %get3A_380] {strides = array<i32>} : memref<256x128xf32, #tpu.memory_space<vmem>>, vector<1x16xf32>,
      %get3A_382 = vector.shape_cast %get3A_381 : vector<1x16xf32> to vector<16xf32>
      %add3A_383 = arith.addf %scan3A_356, %get3A_382 : vector<16xf32>
      %add3A_384 = arith.constant 0 : i32
      %add3A_385 = arith.addi %mul3A_363, %add3A_384 : i32
      %get3A_386 = arith.index_cast %add3A_385 : i32 to index
      %get3A_387 = arith.constant 48 : index
      %get3A_388 = tpu.vector_load %arg5[%get3A_386, %get3A_387] {strides = array<i32>} : memref<256x128xf32, #tpu.memory_space<vmem>>, vector<1x16xf32>,
      %get3A_389 = vector.shape_cast %get3A_388 : vector<1x16xf32> to vector<16xf32>
      %add3A_390 = arith.addf %scan3A_357, %get3A_389 : vector<16xf32>
      %add3A_391 = arith.constant 0 : i32
      %add3A_392 = arith.addi %mul3A_363, %add3A_391 : i32
      %get3A_393 = arith.index_cast %add3A_392 : i32 to index
      %get3A_394 = arith.constant 64 : index
      %get3A_395 = tpu.vector_load %arg5[%get3A_393, %get3A_394] {strides = array<i32>} : memref<256x128xf32, #tpu.memory_space<vmem>>, vector<1x16xf32>,
      %get3A_396 = vector.shape_cast %get3A_395 : vector<1x16xf32> to vector<16xf32>
      %add3A_397 = arith.addf %scan3A_358, %get3A_396 : vector<16xf32>
      %add3A_398 = arith.constant 0 : i32
      %add3A_399 = arith.addi %mul3A_363, %add3A_398 : i32
      %get3A_400 = arith.index_cast %add3A_399 : i32 to index
      %get3A_401 = arith.constant 80 : index
      %get3A_402 = tpu.vector_load %arg5[%get3A_400, %get3A_401] {strides = array<i32>} : memref<256x128xf32, #tpu.memory_space<vmem>>, vector<1x16xf32>,
      %get3A_403 = vector.shape_cast %get3A_402 : vector<1x16xf32> to vector<16xf32>
      %add3A_404 = arith.addf %scan3A_359, %get3A_403 : vector<16xf32>
      %add3A_405 = arith.constant 0 : i32
      %add3A_406 = arith.addi %mul3A_363, %add3A_405 : i32
      %get3A_407 = arith.index_cast %add3A_406 : i32 to index
      %get3A_408 = arith.constant 96 : index
      %get3A_409 = tpu.vector_load %arg5[%get3A_407, %get3A_408] {strides = array<i32>} : memref<256x128xf32, #tpu.memory_space<vmem>>, vector<1x16xf32>,
      %get3A_410 = vector.shape_cast %get3A_409 : vector<1x16xf32> to vector<16xf32>
      %add3A_411 = arith.addf %scan3A_360, %get3A_410 : vector<16xf32>
      %add3A_412 = arith.constant 0 : i32
      %add3A_413 = arith.addi %mul3A_363, %add3A_412 : i32
      %get3A_414 = arith.index_cast %add3A_413 : i32 to index
      %get3A_415 = arith.constant 112 : index
      %get3A_416 = tpu.vector_load %arg5[%get3A_414, %get3A_415] {strides = array<i32>} : memref<256x128xf32, #tpu.memory_space<vmem>>, vector<1x16xf32>,
      %get3A_417 = vector.shape_cast %get3A_416 : vector<1x16xf32> to vector<16xf32>
      %add3A_418 = arith.addf %scan3A_361, %get3A_417 : vector<16xf32>
      %add3A_419 = arith.constant 1 : i32
      %add3A_420 = arith.addi %mul3A_363, %add3A_419 : i32
      %get3A_421 = arith.index_cast %add3A_420 : i32 to index
      %get3A_422 = arith.constant 0 : index
      %get3A_423 = tpu.vector_load %arg5[%get3A_421, %get3A_422] {strides = array<i32>} : memref<256x128xf32, #tpu.memory_space<vmem>>, vector<1x16xf32>,
      %get3A_424 = vector.shape_cast %get3A_423 : vector<1x16xf32> to vector<16xf32>
      %add3A_425 = arith.addf %add3A_369, %get3A_424 : vector<16xf32>
      %add3A_426 = arith.constant 1 : i32
      %add3A_427 = arith.addi %mul3A_363, %add3A_426 : i32
      %get3A_428 = arith.index_cast %add3A_427 : i32 to index
      %get3A_429 = arith.constant 16 : index
      %get3A_430 = tpu.vector_load %arg5[%get3A_428, %get3A_429] {strides = array<i32>} : memref<256x128xf32, #tpu.memory_space<vmem>>, vector<1x16xf32>,
      %get3A_431 = vector.shape_cast %get3A_430 : vector<1x16xf32> to vector<16xf32>
      %add3A_432 = arith.addf %add3A_376, %get3A_431 : vector<16xf32>
      %add3A_433 = arith.constant 1 : i32
      %add3A_434 = arith.addi %mul3A_363, %add3A_433 : i32
      %get3A_435 = arith.index_cast %add3A_434 : i32 to index
      %get3A_436 = arith.constant 32 : index
      %get3A_437 = tpu.vector_load %arg5[%get3A_435, %get3A_436] {strides = array<i32>} : memref<256x128xf32, #tpu.memory_space<vmem>>, vector<1x16xf32>,
      %get3A_438 = vector.shape_cast %get3A_437 : vector<1x16xf32> to vector<16xf32>
      %add3A_439 = arith.addf %add3A_383, %get3A_438 : vector<16xf32>
      %add3A_440 = arith.constant 1 : i32
      %add3A_441 = arith.addi %mul3A_363, %add3A_440 : i32
      %get3A_442 = arith.index_cast %add3A_441 : i32 to index
      %get3A_443 = arith.constant 48 : index
      %get3A_444 = tpu.vector_load %arg5[%get3A_442, %get3A_443] {strides = array<i32>} : memref<256x128xf32, #tpu.memory_space<vmem>>, vector<1x16xf32>,
      %get3A_445 = vector.shape_cast %get3A_444 : vector<1x16xf32> to vector<16xf32>
      %add3A_446 = arith.addf %add3A_390, %get3A_445 : vector<16xf32>
      %add3A_447 = arith.constant 1 : i32
      %add3A_448 = arith.addi %mul3A_363, %add3A_447 : i32
      %get3A_449 = arith.index_cast %add3A_448 : i32 to index
      %get3A_450 = arith.constant 64 : index
      %get3A_451 = tpu.vector_load %arg5[%get3A_449, %get3A_450] {strides = array<i32>} : memref<256x128xf32, #tpu.memory_space<vmem>>, vector<1x16xf32>,
      %get3A_452 = vector.shape_cast %get3A_451 : vector<1x16xf32> to vector<16xf32>
      %add3A_453 = arith.addf %add3A_397, %get3A_452 : vector<16xf32>
      %add3A_454 = arith.constant 1 : i32
      %add3A_455 = arith.addi %mul3A_363, %add3A_454 : i32
      %get3A_456 = arith.index_cast %add3A_455 : i32 to index
      %get3A_457 = arith.constant 80 : index
      %get3A_458 = tpu.vector_load %arg5[%get3A_456, %get3A_457] {strides = array<i32>} : memref<256x128xf32, #tpu.memory_space<vmem>>, vector<1x16xf32>,
      %get3A_459 = vector.shape_cast %get3A_458 : vector<1x16xf32> to vector<16xf32>
      %add3A_460 = arith.addf %add3A_404, %get3A_459 : vector<16xf32>
      %add3A_461 = arith.constant 1 : i32
      %add3A_462 = arith.addi %mul3A_363, %add3A_461 : i32
      %get3A_463 = arith.index_cast %add3A_462 : i32 to index
      %get3A_464 = arith.constant 96 : index
      %get3A_465 = tpu.vector_load %arg5[%get3A_463, %get3A_464] {strides = array<i32>} : memref<256x128xf32, #tpu.memory_space<vmem>>, vector<1x16xf32>,
      %get3A_466 = vector.shape_cast %get3A_465 : vector<1x16xf32> to vector<16xf32>
      %add3A_467 = arith.addf %add3A_411, %get3A_466 : vector<16xf32>
      %add3A_468 = arith.constant 1 : i32
      %add3A_469 = arith.addi %mul3A_363, %add3A_468 : i32
      %get3A_470 = arith.index_cast %add3A_469 : i32 to index
      %get3A_471 = arith.constant 112 : index
      %get3A_472 = tpu.vector_load %arg5[%get3A_470, %get3A_471] {strides = array<i32>} : memref<256x128xf32, #tpu.memory_space<vmem>>, vector<1x16xf32>,
      %get3A_473 = vector.shape_cast %get3A_472 : vector<1x16xf32> to vector<16xf32>
      %add3A_474 = arith.addf %add3A_418, %get3A_473 : vector<16xf32>
      %add3A_475 = arith.constant 2 : i32
      %add3A_476 = arith.addi %mul3A_363, %add3A_475 : i32
      %get3A_477 = arith.index_cast %add3A_476 : i32 to index
      %get3A_478 = arith.constant 0 : index
      %get3A_479 = tpu.vector_load %arg5[%get3A_477, %get3A_478] {strides = array<i32>} : memref<256x128xf32, #tpu.memory_space<vmem>>, vector<1x16xf32>,
      %get3A_480 = vector.shape_cast %get3A_479 : vector<1x16xf32> to vector<16xf32>
      %add3A_481 = arith.addf %add3A_425, %get3A_480 : vector<16xf32>
      %add3A_482 = arith.constant 2 : i32
      %add3A_483 = arith.addi %mul3A_363, %add3A_482 : i32
      %get3A_484 = arith.index_cast %add3A_483 : i32 to index
      %get3A_485 = arith.constant 16 : index
      %get3A_486 = tpu.vector_load %arg5[%get3A_484, %get3A_485] {strides = array<i32>} : memref<256x128xf32, #tpu.memory_space<vmem>>, vector<1x16xf32>,
      %get3A_487 = vector.shape_cast %get3A_486 : vector<1x16xf32> to vector<16xf32>
      %add3A_488 = arith.addf %add3A_432, %get3A_487 : vector<16xf32>
      %add3A_489 = arith.constant 2 : i32
      %add3A_490 = arith.addi %mul3A_363, %add3A_489 : i32
      %get3A_491 = arith.index_cast %add3A_490 : i32 to index
      %get3A_492 = arith.constant 32 : index
      %get3A_493 = tpu.vector_load %arg5[%get3A_491, %get3A_492] {strides = array<i32>} : memref<256x128xf32, #tpu.memory_space<vmem>>, vector<1x16xf32>,
      %get3A_494 = vector.shape_cast %get3A_493 : vector<1x16xf32> to vector<16xf32>
      %add3A_495 = arith.addf %add3A_439, %get3A_494 : vector<16xf32>
      %add3A_496 = arith.constant 2 : i32
      %add3A_497 = arith.addi %mul3A_363, %add3A_496 : i32
      %get3A_498 = arith.index_cast %add3A_497 : i32 to index
      %get3A_499 = arith.constant 48 : index
      %get3A_500 = tpu.vector_load %arg5[%get3A_498, %get3A_499] {strides = array<i32>} : memref<256x128xf32, #tpu.memory_space<vmem>>, vector<1x16xf32>,
      %get3A_501 = vector.shape_cast %get3A_500 : vector<1x16xf32> to vector<16xf32>
      %add3A_502 = arith.addf %add3A_446, %get3A_501 : vector<16xf32>
      %add3A_503 = arith.constant 2 : i32
      %add3A_504 = arith.addi %mul3A_363, %add3A_503 : i32
      %get3A_505 = arith.index_cast %add3A_504 : i32 to index
      %get3A_506 = arith.constant 64 : index
      %get3A_507 = tpu.vector_load %arg5[%get3A_505, %get3A_506] {strides = array<i32>} : memref<256x128xf32, #tpu.memory_space<vmem>>, vector<1x16xf32>,
      %get3A_508 = vector.shape_cast %get3A_507 : vector<1x16xf32> to vector<16xf32>
      %add3A_509 = arith.addf %add3A_453, %get3A_508 : vector<16xf32>
      %add3A_510 = arith.constant 2 : i32
      %add3A_511 = arith.addi %mul3A_363, %add3A_510 : i32
      %get3A_512 = arith.index_cast %add3A_511 : i32 to index
      %get3A_513 = arith.constant 80 : index
      %get3A_514 = tpu.vector_load %arg5[%get3A_512, %get3A_513] {strides = array<i32>} : memref<256x128xf32, #tpu.memory_space<vmem>>, vector<1x16xf32>,
      %get3A_515 = vector.shape_cast %get3A_514 : vector<1x16xf32> to vector<16xf32>
      %add3A_516 = arith.addf %add3A_460, %get3A_515 : vector<16xf32>
      %add3A_517 = arith.constant 2 : i32
      %add3A_518 = arith.addi %mul3A_363, %add3A_517 : i32
      %get3A_519 = arith.index_cast %add3A_518 : i32 to index
      %get3A_520 = arith.constant 96 : index
      %get3A_521 = tpu.vector_load %arg5[%get3A_519, %get3A_520] {strides = array<i32>} : memref<256x128xf32, #tpu.memory_space<vmem>>, vector<1x16xf32>,
      %get3A_522 = vector.shape_cast %get3A_521 : vector<1x16xf32> to vector<16xf32>
      %add3A_523 = arith.addf %add3A_467, %get3A_522 : vector<16xf32>
      %add3A_524 = arith.constant 2 : i32
      %add3A_525 = arith.addi %mul3A_363, %add3A_524 : i32
      %get3A_526 = arith.index_cast %add3A_525 : i32 to index
      %get3A_527 = arith.constant 112 : index
      %get3A_528 = tpu.vector_load %arg5[%get3A_526, %get3A_527] {strides = array<i32>} : memref<256x128xf32, #tpu.memory_space<vmem>>, vector<1x16xf32>,
      %get3A_529 = vector.shape_cast %get3A_528 : vector<1x16xf32> to vector<16xf32>
      %add3A_530 = arith.addf %add3A_474, %get3A_529 : vector<16xf32>
      %add3A_531 = arith.constant 3 : i32
      %add3A_532 = arith.addi %mul3A_363, %add3A_531 : i32
      %get3A_533 = arith.index_cast %add3A_532 : i32 to index
      %get3A_534 = arith.constant 0 : index
      %get3A_535 = tpu.vector_load %arg5[%get3A_533, %get3A_534] {strides = array<i32>} : memref<256x128xf32, #tpu.memory_space<vmem>>, vector<1x16xf32>,
      %get3A_536 = vector.shape_cast %get3A_535 : vector<1x16xf32> to vector<16xf32>
      %add3A_537 = arith.addf %add3A_481, %get3A_536 : vector<16xf32>
      %add3A_538 = arith.constant 3 : i32
      %add3A_539 = arith.addi %mul3A_363, %add3A_538 : i32
      %get3A_540 = arith.index_cast %add3A_539 : i32 to index
      %get3A_541 = arith.constant 16 : index
      %get3A_542 = tpu.vector_load %arg5[%get3A_540, %get3A_541] {strides = array<i32>} : memref<256x128xf32, #tpu.memory_space<vmem>>, vector<1x16xf32>,
      %get3A_543 = vector.shape_cast %get3A_542 : vector<1x16xf32> to vector<16xf32>
      %add3A_544 = arith.addf %add3A_488, %get3A_543 : vector<16xf32>
      %add3A_545 = arith.constant 3 : i32
      %add3A_546 = arith.addi %mul3A_363, %add3A_545 : i32
      %get3A_547 = arith.index_cast %add3A_546 : i32 to index
      %get3A_548 = arith.constant 32 : index
      %get3A_549 = tpu.vector_load %arg5[%get3A_547, %get3A_548] {strides = array<i32>} : memref<256x128xf32, #tpu.memory_space<vmem>>, vector<1x16xf32>,
      %get3A_550 = vector.shape_cast %get3A_549 : vector<1x16xf32> to vector<16xf32>
      %add3A_551 = arith.addf %add3A_495, %get3A_550 : vector<16xf32>
      %add3A_552 = arith.constant 3 : i32
      %add3A_553 = arith.addi %mul3A_363, %add3A_552 : i32
      %get3A_554 = arith.index_cast %add3A_553 : i32 to index
      %get3A_555 = arith.constant 48 : index
      %get3A_556 = tpu.vector_load %arg5[%get3A_554, %get3A_555] {strides = array<i32>} : memref<256x128xf32, #tpu.memory_space<vmem>>, vector<1x16xf32>,
      %get3A_557 = vector.shape_cast %get3A_556 : vector<1x16xf32> to vector<16xf32>
      %add3A_558 = arith.addf %add3A_502, %get3A_557 : vector<16xf32>
      %add3A_559 = arith.constant 3 : i32
      %add3A_560 = arith.addi %mul3A_363, %add3A_559 : i32
      %get3A_561 = arith.index_cast %add3A_560 : i32 to index
      %get3A_562 = arith.constant 64 : index
      %get3A_563 = tpu.vector_load %arg5[%get3A_561, %get3A_562] {strides = array<i32>} : memref<256x128xf32, #tpu.memory_space<vmem>>, vector<1x16xf32>,
      %get3A_564 = vector.shape_cast %get3A_563 : vector<1x16xf32> to vector<16xf32>
      %add3A_565 = arith.addf %add3A_509, %get3A_564 : vector<16xf32>
      %add3A_566 = arith.constant 3 : i32
      %add3A_567 = arith.addi %mul3A_363, %add3A_566 : i32
      %get3A_568 = arith.index_cast %add3A_567 : i32 to index
      %get3A_569 = arith.constant 80 : index
      %get3A_570 = tpu.vector_load %arg5[%get3A_568, %get3A_569] {strides = array<i32>} : memref<256x128xf32, #tpu.memory_space<vmem>>, vector<1x16xf32>,
      %get3A_571 = vector.shape_cast %get3A_570 : vector<1x16xf32> to vector<16xf32>
      %add3A_572 = arith.addf %add3A_516, %get3A_571 : vector<16xf32>
      %add3A_573 = arith.constant 3 : i32
      %add3A_574 = arith.addi %mul3A_363, %add3A_573 : i32
      %get3A_575 = arith.index_cast %add3A_574 : i32 to index
      %get3A_576 = arith.constant 96 : index
      %get3A_577 = tpu.vector_load %arg5[%get3A_575, %get3A_576] {strides = array<i32>} : memref<256x128xf32, #tpu.memory_space<vmem>>, vector<1x16xf32>,
      %get3A_578 = vector.shape_cast %get3A_577 : vector<1x16xf32> to vector<16xf32>
      %add3A_579 = arith.addf %add3A_523, %get3A_578 : vector<16xf32>
      %add3A_580 = arith.constant 3 : i32
      %add3A_581 = arith.addi %mul3A_363, %add3A_580 : i32
      %get3A_582 = arith.index_cast %add3A_581 : i32 to index
      %get3A_583 = arith.constant 112 : index
      %get3A_584 = tpu.vector_load %arg5[%get3A_582, %get3A_583] {strides = array<i32>} : memref<256x128xf32, #tpu.memory_space<vmem>>, vector<1x16xf32>,
      %get3A_585 = vector.shape_cast %get3A_584 : vector<1x16xf32> to vector<16xf32>
      %add3A_586 = arith.addf %add3A_530, %get3A_585 : vector<16xf32>
      %add3A_587 = arith.constant 4 : i32
      %add3A_588 = arith.addi %mul3A_363, %add3A_587 : i32
      %get3A_589 = arith.index_cast %add3A_588 : i32 to index
      %get3A_590 = arith.constant 0 : index
      %get3A_591 = tpu.vector_load %arg5[%get3A_589, %get3A_590] {strides = array<i32>} : memref<256x128xf32, #tpu.memory_space<vmem>>, vector<1x16xf32>,
      %get3A_592 = vector.shape_cast %get3A_591 : vector<1x16xf32> to vector<16xf32>
      %add3A_593 = arith.addf %add3A_537, %get3A_592 : vector<16xf32>
      %add3A_594 = arith.constant 4 : i32
      %add3A_595 = arith.addi %mul3A_363, %add3A_594 : i32
      %get3A_596 = arith.index_cast %add3A_595 : i32 to index
      %get3A_597 = arith.constant 16 : index
      %get3A_598 = tpu.vector_load %arg5[%get3A_596, %get3A_597] {strides = array<i32>} : memref<256x128xf32, #tpu.memory_space<vmem>>, vector<1x16xf32>,
      %get3A_599 = vector.shape_cast %get3A_598 : vector<1x16xf32> to vector<16xf32>
      %add3A_600 = arith.addf %add3A_544, %get3A_599 : vector<16xf32>
      %add3A_601 = arith.constant 4 : i32
      %add3A_602 = arith.addi %mul3A_363, %add3A_601 : i32
      %get3A_603 = arith.index_cast %add3A_602 : i32 to index
      %get3A_604 = arith.constant 32 : index
      %get3A_605 = tpu.vector_load %arg5[%get3A_603, %get3A_604] {strides = array<i32>} : memref<256x128xf32, #tpu.memory_space<vmem>>, vector<1x16xf32>,
      %get3A_606 = vector.shape_cast %get3A_605 : vector<1x16xf32> to vector<16xf32>
      %add3A_607 = arith.addf %add3A_551, %get3A_606 : vector<16xf32>
      %add3A_608 = arith.constant 4 : i32
      %add3A_609 = arith.addi %mul3A_363, %add3A_608 : i32
      %get3A_610 = arith.index_cast %add3A_609 : i32 to index
      %get3A_611 = arith.constant 48 : index
      %get3A_612 = tpu.vector_load %arg5[%get3A_610, %get3A_611] {strides = array<i32>} : memref<256x128xf32, #tpu.memory_space<vmem>>, vector<1x16xf32>,
      %get3A_613 = vector.shape_cast %get3A_612 : vector<1x16xf32> to vector<16xf32>
      %add3A_614 = arith.addf %add3A_558, %get3A_613 : vector<16xf32>
      %add3A_615 = arith.constant 4 : i32
      %add3A_616 = arith.addi %mul3A_363, %add3A_615 : i32
      %get3A_617 = arith.index_cast %add3A_616 : i32 to index
      %get3A_618 = arith.constant 64 : index
      %get3A_619 = tpu.vector_load %arg5[%get3A_617, %get3A_618] {strides = array<i32>} : memref<256x128xf32, #tpu.memory_space<vmem>>, vector<1x16xf32>,
      %get3A_620 = vector.shape_cast %get3A_619 : vector<1x16xf32> to vector<16xf32>
      %add3A_621 = arith.addf %add3A_565, %get3A_620 : vector<16xf32>
      %add3A_622 = arith.constant 4 : i32
      %add3A_623 = arith.addi %mul3A_363, %add3A_622 : i32
      %get3A_624 = arith.index_cast %add3A_623 : i32 to index
      %get3A_625 = arith.constant 80 : index
      %get3A_626 = tpu.vector_load %arg5[%get3A_624, %get3A_625] {strides = array<i32>} : memref<256x128xf32, #tpu.memory_space<vmem>>, vector<1x16xf32>,
      %get3A_627 = vector.shape_cast %get3A_626 : vector<1x16xf32> to vector<16xf32>
      %add3A_628 = arith.addf %add3A_572, %get3A_627 : vector<16xf32>
      %add3A_629 = arith.constant 4 : i32
      %add3A_630 = arith.addi %mul3A_363, %add3A_629 : i32
      %get3A_631 = arith.index_cast %add3A_630 : i32 to index
      %get3A_632 = arith.constant 96 : index
      %get3A_633 = tpu.vector_load %arg5[%get3A_631, %get3A_632] {strides = array<i32>} : memref<256x128xf32, #tpu.memory_space<vmem>>, vector<1x16xf32>,
      %get3A_634 = vector.shape_cast %get3A_633 : vector<1x16xf32> to vector<16xf32>
      %add3A_635 = arith.addf %add3A_579, %get3A_634 : vector<16xf32>
      %add3A_636 = arith.constant 4 : i32
      %add3A_637 = arith.addi %mul3A_363, %add3A_636 : i32
      %get3A_638 = arith.index_cast %add3A_637 : i32 to index
      %get3A_639 = arith.constant 112 : index
      %get3A_640 = tpu.vector_load %arg5[%get3A_638, %get3A_639] {strides = array<i32>} : memref<256x128xf32, #tpu.memory_space<vmem>>, vector<1x16xf32>,
      %get3A_641 = vector.shape_cast %get3A_640 : vector<1x16xf32> to vector<16xf32>
      %add3A_642 = arith.addf %add3A_586, %get3A_641 : vector<16xf32>
      %add3A_643 = arith.constant 5 : i32
      %add3A_644 = arith.addi %mul3A_363, %add3A_643 : i32
      %get3A_645 = arith.index_cast %add3A_644 : i32 to index
      %get3A_646 = arith.constant 0 : index
      %get3A_647 = tpu.vector_load %arg5[%get3A_645, %get3A_646] {strides = array<i32>} : memref<256x128xf32, #tpu.memory_space<vmem>>, vector<1x16xf32>,
      %get3A_648 = vector.shape_cast %get3A_647 : vector<1x16xf32> to vector<16xf32>
      %add3A_649 = arith.addf %add3A_593, %get3A_648 : vector<16xf32>
      %add3A_650 = arith.constant 5 : i32
      %add3A_651 = arith.addi %mul3A_363, %add3A_650 : i32
      %get3A_652 = arith.index_cast %add3A_651 : i32 to index
      %get3A_653 = arith.constant 16 : index
      %get3A_654 = tpu.vector_load %arg5[%get3A_652, %get3A_653] {strides = array<i32>} : memref<256x128xf32, #tpu.memory_space<vmem>>, vector<1x16xf32>,
      %get3A_655 = vector.shape_cast %get3A_654 : vector<1x16xf32> to vector<16xf32>
      %add3A_656 = arith.addf %add3A_600, %get3A_655 : vector<16xf32>
      %add3A_657 = arith.constant 5 : i32
      %add3A_658 = arith.addi %mul3A_363, %add3A_657 : i32
      %get3A_659 = arith.index_cast %add3A_658 : i32 to index
      %get3A_660 = arith.constant 32 : index
      %get3A_661 = tpu.vector_load %arg5[%get3A_659, %get3A_660] {strides = array<i32>} : memref<256x128xf32, #tpu.memory_space<vmem>>, vector<1x16xf32>,
      %get3A_662 = vector.shape_cast %get3A_661 : vector<1x16xf32> to vector<16xf32>
      %add3A_663 = arith.addf %add3A_607, %get3A_662 : vector<16xf32>
      %add3A_664 = arith.constant 5 : i32
      %add3A_665 = arith.addi %mul3A_363, %add3A_664 : i32
      %get3A_666 = arith.index_cast %add3A_665 : i32 to index
      %get3A_667 = arith.constant 48 : index
      %get3A_668 = tpu.vector_load %arg5[%get3A_666, %get3A_667] {strides = array<i32>} : memref<256x128xf32, #tpu.memory_space<vmem>>, vector<1x16xf32>,
      %get3A_669 = vector.shape_cast %get3A_668 : vector<1x16xf32> to vector<16xf32>
      %add3A_670 = arith.addf %add3A_614, %get3A_669 : vector<16xf32>
      %add3A_671 = arith.constant 5 : i32
      %add3A_672 = arith.addi %mul3A_363, %add3A_671 : i32
      %get3A_673 = arith.index_cast %add3A_672 : i32 to index
      %get3A_674 = arith.constant 64 : index
      %get3A_675 = tpu.vector_load %arg5[%get3A_673, %get3A_674] {strides = array<i32>} : memref<256x128xf32, #tpu.memory_space<vmem>>, vector<1x16xf32>,
      %get3A_676 = vector.shape_cast %get3A_675 : vector<1x16xf32> to vector<16xf32>
      %add3A_677 = arith.addf %add3A_621, %get3A_676 : vector<16xf32>
      %add3A_678 = arith.constant 5 : i32
      %add3A_679 = arith.addi %mul3A_363, %add3A_678 : i32
      %get3A_680 = arith.index_cast %add3A_679 : i32 to index
      %get3A_681 = arith.constant 80 : index
      %get3A_682 = tpu.vector_load %arg5[%get3A_680, %get3A_681] {strides = array<i32>} : memref<256x128xf32, #tpu.memory_space<vmem>>, vector<1x16xf32>,
      %get3A_683 = vector.shape_cast %get3A_682 : vector<1x16xf32> to vector<16xf32>
      %add3A_684 = arith.addf %add3A_628, %get3A_683 : vector<16xf32>
      %add3A_685 = arith.constant 5 : i32
      %add3A_686 = arith.addi %mul3A_363, %add3A_685 : i32
      %get3A_687 = arith.index_cast %add3A_686 : i32 to index
      %get3A_688 = arith.constant 96 : index
      %get3A_689 = tpu.vector_load %arg5[%get3A_687, %get3A_688] {strides = array<i32>} : memref<256x128xf32, #tpu.memory_space<vmem>>, vector<1x16xf32>,
      %get3A_690 = vector.shape_cast %get3A_689 : vector<1x16xf32> to vector<16xf32>
      %add3A_691 = arith.addf %add3A_635, %get3A_690 : vector<16xf32>
      %add3A_692 = arith.constant 5 : i32
      %add3A_693 = arith.addi %mul3A_363, %add3A_692 : i32
      %get3A_694 = arith.index_cast %add3A_693 : i32 to index
      %get3A_695 = arith.constant 112 : index
      %get3A_696 = tpu.vector_load %arg5[%get3A_694, %get3A_695] {strides = array<i32>} : memref<256x128xf32, #tpu.memory_space<vmem>>, vector<1x16xf32>,
      %get3A_697 = vector.shape_cast %get3A_696 : vector<1x16xf32> to vector<16xf32>
      %add3A_698 = arith.addf %add3A_642, %get3A_697 : vector<16xf32>
      %add3A_699 = arith.constant 6 : i32
      %add3A_700 = arith.addi %mul3A_363, %add3A_699 : i32
      %get3A_701 = arith.index_cast %add3A_700 : i32 to index
      %get3A_702 = arith.constant 0 : index
      %get3A_703 = tpu.vector_load %arg5[%get3A_701, %get3A_702] {strides = array<i32>} : memref<256x128xf32, #tpu.memory_space<vmem>>, vector<1x16xf32>,
      %get3A_704 = vector.shape_cast %get3A_703 : vector<1x16xf32> to vector<16xf32>
      %add3A_705 = arith.addf %add3A_649, %get3A_704 : vector<16xf32>
      %add3A_706 = arith.constant 6 : i32
      %add3A_707 = arith.addi %mul3A_363, %add3A_706 : i32
      %get3A_708 = arith.index_cast %add3A_707 : i32 to index
      %get3A_709 = arith.constant 16 : index
      %get3A_710 = tpu.vector_load %arg5[%get3A_708, %get3A_709] {strides = array<i32>} : memref<256x128xf32, #tpu.memory_space<vmem>>, vector<1x16xf32>,
      %get3A_711 = vector.shape_cast %get3A_710 : vector<1x16xf32> to vector<16xf32>
      %add3A_712 = arith.addf %add3A_656, %get3A_711 : vector<16xf32>
      %add3A_713 = arith.constant 6 : i32
      %add3A_714 = arith.addi %mul3A_363, %add3A_713 : i32
      %get3A_715 = arith.index_cast %add3A_714 : i32 to index
      %get3A_716 = arith.constant 32 : index
      %get3A_717 = tpu.vector_load %arg5[%get3A_715, %get3A_716] {strides = array<i32>} : memref<256x128xf32, #tpu.memory_space<vmem>>, vector<1x16xf32>,
      %get3A_718 = vector.shape_cast %get3A_717 : vector<1x16xf32> to vector<16xf32>
      %add3A_719 = arith.addf %add3A_663, %get3A_718 : vector<16xf32>
      %add3A_720 = arith.constant 6 : i32
      %add3A_721 = arith.addi %mul3A_363, %add3A_720 : i32
      %get3A_722 = arith.index_cast %add3A_721 : i32 to index
      %get3A_723 = arith.constant 48 : index
      %get3A_724 = tpu.vector_load %arg5[%get3A_722, %get3A_723] {strides = array<i32>} : memref<256x128xf32, #tpu.memory_space<vmem>>, vector<1x16xf32>,
      %get3A_725 = vector.shape_cast %get3A_724 : vector<1x16xf32> to vector<16xf32>
      %add3A_726 = arith.addf %add3A_670, %get3A_725 : vector<16xf32>
      %add3A_727 = arith.constant 6 : i32
      %add3A_728 = arith.addi %mul3A_363, %add3A_727 : i32
      %get3A_729 = arith.index_cast %add3A_728 : i32 to index
      %get3A_730 = arith.constant 64 : index
      %get3A_731 = tpu.vector_load %arg5[%get3A_729, %get3A_730] {strides = array<i32>} : memref<256x128xf32, #tpu.memory_space<vmem>>, vector<1x16xf32>,
      %get3A_732 = vector.shape_cast %get3A_731 : vector<1x16xf32> to vector<16xf32>
      %add3A_733 = arith.addf %add3A_677, %get3A_732 : vector<16xf32>
      %add3A_734 = arith.constant 6 : i32
      %add3A_735 = arith.addi %mul3A_363, %add3A_734 : i32
      %get3A_736 = arith.index_cast %add3A_735 : i32 to index
      %get3A_737 = arith.constant 80 : index
      %get3A_738 = tpu.vector_load %arg5[%get3A_736, %get3A_737] {strides = array<i32>} : memref<256x128xf32, #tpu.memory_space<vmem>>, vector<1x16xf32>,
      %get3A_739 = vector.shape_cast %get3A_738 : vector<1x16xf32> to vector<16xf32>
      %add3A_740 = arith.addf %add3A_684, %get3A_739 : vector<16xf32>
      %add3A_741 = arith.constant 6 : i32
      %add3A_742 = arith.addi %mul3A_363, %add3A_741 : i32
      %get3A_743 = arith.index_cast %add3A_742 : i32 to index
      %get3A_744 = arith.constant 96 : index
      %get3A_745 = tpu.vector_load %arg5[%get3A_743, %get3A_744] {strides = array<i32>} : memref<256x128xf32, #tpu.memory_space<vmem>>, vector<1x16xf32>,
      %get3A_746 = vector.shape_cast %get3A_745 : vector<1x16xf32> to vector<16xf32>
      %add3A_747 = arith.addf %add3A_691, %get3A_746 : vector<16xf32>
      %add3A_748 = arith.constant 6 : i32
      %add3A_749 = arith.addi %mul3A_363, %add3A_748 : i32
      %get3A_750 = arith.index_cast %add3A_749 : i32 to index
      %get3A_751 = arith.constant 112 : index
      %get3A_752 = tpu.vector_load %arg5[%get3A_750, %get3A_751] {strides = array<i32>} : memref<256x128xf32, #tpu.memory_space<vmem>>, vector<1x16xf32>,
      %get3A_753 = vector.shape_cast %get3A_752 : vector<1x16xf32> to vector<16xf32>
      %add3A_754 = arith.addf %add3A_698, %get3A_753 : vector<16xf32>
      %add3A_755 = arith.constant 7 : i32
      %add3A_756 = arith.addi %mul3A_363, %add3A_755 : i32
      %get3A_757 = arith.index_cast %add3A_756 : i32 to index
      %get3A_758 = arith.constant 0 : index
      %get3A_759 = tpu.vector_load %arg5[%get3A_757, %get3A_758] {strides = array<i32>} : memref<256x128xf32, #tpu.memory_space<vmem>>, vector<1x16xf32>,
      %get3A_760 = vector.shape_cast %get3A_759 : vector<1x16xf32> to vector<16xf32>
      %add3A_761 = arith.addf %add3A_705, %get3A_760 : vector<16xf32>
      %add3A_762 = arith.constant 7 : i32
      %add3A_763 = arith.addi %mul3A_363, %add3A_762 : i32
      %get3A_764 = arith.index_cast %add3A_763 : i32 to index
      %get3A_765 = arith.constant 16 : index
      %get3A_766 = tpu.vector_load %arg5[%get3A_764, %get3A_765] {strides = array<i32>} : memref<256x128xf32, #tpu.memory_space<vmem>>, vector<1x16xf32>,
      %get3A_767 = vector.shape_cast %get3A_766 : vector<1x16xf32> to vector<16xf32>
      %add3A_768 = arith.addf %add3A_712, %get3A_767 : vector<16xf32>
      %add3A_769 = arith.constant 7 : i32
      %add3A_770 = arith.addi %mul3A_363, %add3A_769 : i32
      %get3A_771 = arith.index_cast %add3A_770 : i32 to index
      %get3A_772 = arith.constant 32 : index
      %get3A_773 = tpu.vector_load %arg5[%get3A_771, %get3A_772] {strides = array<i32>} : memref<256x128xf32, #tpu.memory_space<vmem>>, vector<1x16xf32>,
      %get3A_774 = vector.shape_cast %get3A_773 : vector<1x16xf32> to vector<16xf32>
      %add3A_775 = arith.addf %add3A_719, %get3A_774 : vector<16xf32>
      %add3A_776 = arith.constant 7 : i32
      %add3A_777 = arith.addi %mul3A_363, %add3A_776 : i32
      %get3A_778 = arith.index_cast %add3A_777 : i32 to index
      %get3A_779 = arith.constant 48 : index
      %get3A_780 = tpu.vector_load %arg5[%get3A_778, %get3A_779] {strides = array<i32>} : memref<256x128xf32, #tpu.memory_space<vmem>>, vector<1x16xf32>,
      %get3A_781 = vector.shape_cast %get3A_780 : vector<1x16xf32> to vector<16xf32>
      %add3A_782 = arith.addf %add3A_726, %get3A_781 : vector<16xf32>
      %add3A_783 = arith.constant 7 : i32
      %add3A_784 = arith.addi %mul3A_363, %add3A_783 : i32
      %get3A_785 = arith.index_cast %add3A_784 : i32 to index
      %get3A_786 = arith.constant 64 : index
      %get3A_787 = tpu.vector_load %arg5[%get3A_785, %get3A_786] {strides = array<i32>} : memref<256x128xf32, #tpu.memory_space<vmem>>, vector<1x16xf32>,
      %get3A_788 = vector.shape_cast %get3A_787 : vector<1x16xf32> to vector<16xf32>
      %add3A_789 = arith.addf %add3A_733, %get3A_788 : vector<16xf32>
      %add3A_790 = arith.constant 7 : i32
      %add3A_791 = arith.addi %mul3A_363, %add3A_790 : i32
      %get3A_792 = arith.index_cast %add3A_791 : i32 to index
      %get3A_793 = arith.constant 80 : index
      %get3A_794 = tpu.vector_load %arg5[%get3A_792, %get3A_793] {strides = array<i32>} : memref<256x128xf32, #tpu.memory_space<vmem>>, vector<1x16xf32>,
      %get3A_795 = vector.shape_cast %get3A_794 : vector<1x16xf32> to vector<16xf32>
      %add3A_796 = arith.addf %add3A_740, %get3A_795 : vector<16xf32>
      %add3A_797 = arith.constant 7 : i32
      %add3A_798 = arith.addi %mul3A_363, %add3A_797 : i32
      %get3A_799 = arith.index_cast %add3A_798 : i32 to index
      %get3A_800 = arith.constant 96 : index
      %get3A_801 = tpu.vector_load %arg5[%get3A_799, %get3A_800] {strides = array<i32>} : memref<256x128xf32, #tpu.memory_space<vmem>>, vector<1x16xf32>,
      %get3A_802 = vector.shape_cast %get3A_801 : vector<1x16xf32> to vector<16xf32>
      %add3A_803 = arith.addf %add3A_747, %get3A_802 : vector<16xf32>
      %add3A_804 = arith.constant 7 : i32
      %add3A_805 = arith.addi %mul3A_363, %add3A_804 : i32
      %get3A_806 = arith.index_cast %add3A_805 : i32 to index
      %get3A_807 = arith.constant 112 : index
      %get3A_808 = tpu.vector_load %arg5[%get3A_806, %get3A_807] {strides = array<i32>} : memref<256x128xf32, #tpu.memory_space<vmem>>, vector<1x16xf32>,
      %get3A_809 = vector.shape_cast %get3A_808 : vector<1x16xf32> to vector<16xf32>
      %add3A_810 = arith.addf %add3A_754, %get3A_809 : vector<16xf32>
      scf.yield %add3A_761, %add3A_768, %add3A_775, %add3A_782, %add3A_789, %add3A_796, %add3A_803, %add3A_810 : vector<16xf32>, vector<16xf32>, vector<16xf32>, vector<16xf32>, vector<16xf32>, vector<16xf32>, vector<16xf32>, vector<16xf32>
    }
    %scan3A_319 = arith.constant 32 : i32
    %swap3A_320 = arith.constant 0 : index
    %swap3A_321 = tpu.vector_load %arg6[%swap3A_320] {strides = array<i32>} : memref<128xf32, #tpu.memory_space<vmem>>, vector<16xf32>,
    %swap3A_322 = vector.shape_cast %swap3A_321 : vector<16xf32> to vector<16xf32>
    %swap3A_323 = vector.shape_cast %scan3A_318#0 : vector<16xf32> to vector<16xf32>
    tpu.vector_store %arg6[%swap3A_320], %swap3A_323 {strides = array<i32>} : memref<128xf32, #tpu.memory_space<vmem>>, vector<16xf32>,
    %swap3A_324 = arith.constant 16 : index
    %swap3A_325 = tpu.vector_load %arg6[%swap3A_324] {strides = array<i32>} : memref<128xf32, #tpu.memory_space<vmem>>, vector<16xf32>,
    %swap3A_326 = vector.shape_cast %swap3A_325 : vector<16xf32> to vector<16xf32>
    %swap3A_327 = vector.shape_cast %scan3A_318#1 : vector<16xf32> to vector<16xf32>
    tpu.vector_store %arg6[%swap3A_324], %swap3A_327 {strides = array<i32>} : memref<128xf32, #tpu.memory_space<vmem>>, vector<16xf32>,
    %swap3A_328 = arith.constant 32 : index
    %swap3A_329 = tpu.vector_load %arg6[%swap3A_328] {strides = array<i32>} : memref<128xf32, #tpu.memory_space<vmem>>, vector<16xf32>,
    %swap3A_330 = vector.shape_cast %swap3A_329 : vector<16xf32> to vector<16xf32>
    %swap3A_331 = vector.shape_cast %scan3A_318#2 : vector<16xf32> to vector<16xf32>
    tpu.vector_store %arg6[%swap3A_328], %swap3A_331 {strides = array<i32>} : memref<128xf32, #tpu.memory_space<vmem>>, vector<16xf32>,
    %swap3A_332 = arith.constant 48 : index
    %swap3A_333 = tpu.vector_load %arg6[%swap3A_332] {strides = array<i32>} : memref<128xf32, #tpu.memory_space<vmem>>, vector<16xf32>,
    %swap3A_334 = vector.shape_cast %swap3A_333 : vector<16xf32> to vector<16xf32>
    %swap3A_335 = vector.shape_cast %scan3A_318#3 : vector<16xf32> to vector<16xf32>
    tpu.vector_store %arg6[%swap3A_332], %swap3A_335 {strides = array<i32>} : memref<128xf32, #tpu.memory_space<vmem>>, vector<16xf32>,
    %swap3A_336 = arith.constant 64 : index
    %swap3A_337 = tpu.vector_load %arg6[%swap3A_336] {strides = array<i32>} : memref<128xf32, #tpu.memory_space<vmem>>, vector<16xf32>,
    %swap3A_338 = vector.shape_cast %swap3A_337 : vector<16xf32> to vector<16xf32>
    %swap3A_339 = vector.shape_cast %scan3A_318#4 : vector<16xf32> to vector<16xf32>
    tpu.vector_store %arg6[%swap3A_336], %swap3A_339 {strides = array<i32>} : memref<128xf32, #tpu.memory_space<vmem>>, vector<16xf32>,
    %swap3A_340 = arith.constant 80 : index
    %swap3A_341 = tpu.vector_load %arg6[%swap3A_340] {strides = array<i32>} : memref<128xf32, #tpu.memory_space<vmem>>, vector<16xf32>,
    %swap3A_342 = vector.shape_cast %swap3A_341 : vector<16xf32> to vector<16xf32>
    %swap3A_343 = vector.shape_cast %scan3A_318#5 : vector<16xf32> to vector<16xf32>
    tpu.vector_store %arg6[%swap3A_340], %swap3A_343 {strides = array<i32>} : memref<128xf32, #tpu.memory_space<vmem>>, vector<16xf32>,
    %swap3A_344 = arith.constant 96 : index
    %swap3A_345 = tpu.vector_load %arg6[%swap3A_344] {strides = array<i32>} : memref<128xf32, #tpu.memory_space<vmem>>, vector<16xf32>,
    %swap3A_346 = vector.shape_cast %swap3A_345 : vector<16xf32> to vector<16xf32>
    %swap3A_347 = vector.shape_cast %scan3A_318#6 : vector<16xf32> to vector<16xf32>
    tpu.vector_store %arg6[%swap3A_344], %swap3A_347 {strides = array<i32>} : memref<128xf32, #tpu.memory_space<vmem>>, vector<16xf32>,
    %swap3A_348 = arith.constant 112 : index
    %swap3A_349 = tpu.vector_load %arg6[%swap3A_348] {strides = array<i32>} : memref<128xf32, #tpu.memory_space<vmem>>, vector<16xf32>,
    %swap3A_350 = vector.shape_cast %swap3A_349 : vector<16xf32> to vector<16xf32>
    %swap3A_351 = vector.shape_cast %scan3A_318#7 : vector<16xf32> to vector<16xf32>
    tpu.vector_store %arg6[%swap3A_348], %swap3A_351 {strides = array<i32>} : memref<128xf32, #tpu.memory_space<vmem>>, vector<16xf32>,
    %run_scoped3A_352 = arith.constant 3 : i32
    "tpu.region"() ({
      %run_scoped3A_353 = tpu.sem_alloc : memref<!tpu.dma_semaphore, #tpu.memory_space<semaphore_mem>>
      %dma_start3A_354 = tpu.memref_slice %arg3[%run_scoped3A_352, %mul3A_2] : memref<4x4096xf32, #tpu.memory_space<hbm>> -> memref<1x128xf32, #tpu.memory_space<hbm>>
      %dma_start3A_355 = tpu.memref_squeeze %dma_start3A_354 : memref<1x128xf32, #tpu.memory_space<hbm>> -> memref<128xf32, #tpu.memory_space<hbm>>
      %dma_start3A_356 = tpu.memref_slice %arg3[%run_scoped3A_352, %mul3A_2] : memref<4x4096xf32, #tpu.memory_space<hbm>> -> memref<1x128xf32, #tpu.memory_space<hbm>>
      %dma_start3A_357 = tpu.memref_squeeze %dma_start3A_356 : memref<1x128xf32, #tpu.memory_space<hbm>> -> memref<128xf32, #tpu.memory_space<hbm>>
      tpu.enqueue_dma source(%arg6 : memref<128xf32, #tpu.memory_space<vmem>>) target(%dma_start3A_357 : memref<128xf32, #tpu.memory_space<hbm>>) target_semaphore(%run_scoped3A_353 : memref<!tpu.dma_semaphore, #tpu.memory_space<semaphore_mem>>)
      %dma_wait3A_358 = tpu.memref_slice %arg3[%run_scoped3A_352, %mul3A_2] : memref<4x4096xf32, #tpu.memory_space<hbm>> -> memref<1x128xf32, #tpu.memory_space<hbm>>
      %dma_wait3A_359 = tpu.memref_squeeze %dma_wait3A_358 : memref<1x128xf32, #tpu.memory_space<hbm>> -> memref<128xf32, #tpu.memory_space<hbm>>
      %dma_wait3A_360 = tpu.memref_slice %arg3[%run_scoped3A_352, %mul3A_2] : memref<4x4096xf32, #tpu.memory_space<hbm>> -> memref<1x128xf32, #tpu.memory_space<hbm>>
      %dma_wait3A_361 = tpu.memref_squeeze %dma_wait3A_360 : memref<1x128xf32, #tpu.memory_space<hbm>> -> memref<128xf32, #tpu.memory_space<hbm>>
      tpu.wait_dma2 semaphore(%run_scoped3A_353 : memref<!tpu.dma_semaphore, #tpu.memory_space<semaphore_mem>>) src(%arg6 : memref<128xf32, #tpu.memory_space<vmem>>) dst(%dma_wait3A_361 : memref<128xf32, #tpu.memory_space<hbm>>)
      tpu.yield
    }) : () -> ()
    return
  }
}

module attributes {stable_mosaic.version = 14 : i64} {
  func.func @_tc_reduce_body(%arg0: i32, %arg1: i32, %arg2: memref<1x512x4096xf32, #tpu.memory_space<vmem>>, %arg3: memref<1x8x4096xf32, #tpu.memory_space<vmem>>, %arg4: memref<8x4096xf32, #tpu.memory_space<vmem>>) attributes {dimension_semantics = [#tpu.dimension_semantics<parallel>, #tpu.dimension_semantics<arbitrary>], iteration_bounds = array<i64: 4, 15>, scalar_prefetch = 0 : i64, scratch_operands = 1 : i64, tpu.core_type = #tpu.core_type<tc>, window_params = [{transform_indices = @transform_0, window_bounds = array<i64: 1, 512, 4096>}, {transform_indices = @transform_1, window_bounds = array<i64: 1, 8, 4096>}]} {
    %eq3A = arith.constant 0 : i32
    %eq3A_0 = arith.cmpi eq, %arg1, %eq3A : i32
    %convert_element_type3A = arith.extui %eq3A_0 : i1 to i32
    %cond3A = arith.constant 0 : i32
    %cond3A_1 = arith.cmpi ne, %convert_element_type3A, %cond3A : i32
    scf.if %cond3A_1 {
      %broadcast_in_dim3A = arith.constant 0.000000e+00 : f32
      %broadcast_in_dim3A_17 = vector.broadcast %broadcast_in_dim3A : f32 to vector<8x4096xf32>
      %swap3A_18 = arith.constant 0 : index
      %swap3A_19 = arith.constant 0 : index
      %swap3A_20 = vector.load %arg4[%swap3A_18, %swap3A_19] : memref<8x4096xf32, #tpu.memory_space<vmem>>, vector<8x4096xf32>
      tpu.vector_store %arg4[%swap3A_18, %swap3A_19], %broadcast_in_dim3A_17 {strides = array<i32>} : memref<8x4096xf32, #tpu.memory_space<vmem>>, vector<8x4096xf32>,
    } else {
    }
    %get3A = arith.constant 0 : index
    %get3A_2 = arith.constant 0 : index
    %get3A_3 = vector.load %arg4[%get3A, %get3A_2] : memref<8x4096xf32, #tpu.memory_space<vmem>>, vector<8x4096xf32>
    %get3A_4 = arith.constant 0 : index
    %get3A_5 = arith.constant 0 : index
    %get3A_6 = arith.constant 0 : index
    %get3A_7 = vector.load %arg2[%get3A_4, %get3A_5, %get3A_6] : memref<1x512x4096xf32, #tpu.memory_space<vmem>>, vector<1x512x4096xf32>
    %get3A_8 = vector.shape_cast %get3A_7 : vector<1x512x4096xf32> to vector<512x4096xf32>
    %reshape3A = vector.shape_cast %get3A_8 : vector<512x4096xf32> to vector<64x8x4096xf32>
    %reduce_sum3A = arith.constant dense<0.000000e+00> : vector<8x4096xf32>
    %reduce_sum3A_9 = vector.multi_reduction <add>, %reshape3A, %reduce_sum3A [0] : vector<64x8x4096xf32> to vector<8x4096xf32>
    %add3A = arith.addf %get3A_3, %reduce_sum3A_9 : vector<8x4096xf32>
    %swap3A = arith.constant 0 : index
    %swap3A_10 = arith.constant 0 : index
    %swap3A_11 = vector.load %arg4[%swap3A, %swap3A_10] : memref<8x4096xf32, #tpu.memory_space<vmem>>, vector<8x4096xf32>
    tpu.vector_store %arg4[%swap3A, %swap3A_10], %add3A {strides = array<i32>} : memref<8x4096xf32, #tpu.memory_space<vmem>>, vector<8x4096xf32>,
    %eq3A_12 = arith.constant 14 : i32
    %eq3A_13 = arith.cmpi eq, %arg1, %eq3A_12 : i32
    %convert_element_type3A_14 = arith.extui %eq3A_13 : i1 to i32
    %cond3A_15 = arith.constant 0 : i32
    %cond3A_16 = arith.cmpi ne, %convert_element_type3A_14, %cond3A_15 : i32
    scf.if %cond3A_16 {
      %get3A_17 = arith.constant 0 : index
      %get3A_18 = arith.constant 0 : index
      %get3A_19 = vector.load %arg4[%get3A_17, %get3A_18] : memref<8x4096xf32, #tpu.memory_space<vmem>>, vector<8x4096xf32>
      %swap3A_20 = arith.constant 0 : index
      %swap3A_21 = arith.constant 0 : index
      %swap3A_22 = arith.constant 0 : index
      %swap3A_23 = vector.load %arg3[%swap3A_20, %swap3A_21, %swap3A_22] : memref<1x8x4096xf32, #tpu.memory_space<vmem>>, vector<1x8x4096xf32>
      %swap3A_24 = vector.shape_cast %swap3A_23 : vector<1x8x4096xf32> to vector<8x4096xf32>
      %swap3A_25 = vector.shape_cast %get3A_19 : vector<8x4096xf32> to vector<1x8x4096xf32>
      tpu.vector_store %arg3[%swap3A_20, %swap3A_21, %swap3A_22], %swap3A_25 {strides = array<i32>} : memref<1x8x4096xf32, #tpu.memory_space<vmem>>, vector<1x8x4096xf32>,
    } else {
    }
    return
  }
  func.func @transform_0(%arg0: i32, %arg1: i32) -> (i32, i32, i32) {
    %c0_i32 = arith.constant 0 : i32
    %c0_i32_0 = arith.constant 0 : i32
    return %arg0, %arg1, %c0_i32 : i32, i32, i32
  }
  func.func @transform_1(%arg0: i32, %arg1: i32) -> (i32, i32, i32) {
    %c0_i32 = arith.constant 0 : i32
    %c0_i32_0 = arith.constant 0 : i32
    %c0_i32_1 = arith.constant 0 : i32
    return %arg0, %c0_i32, %c0_i32_0 : i32, i32, i32
  }
}

module attributes {stable_mosaic.version = 14 : i64} {
  func.func @_finalize_body(%arg0: memref<4x8x4096xf32, #tpu.memory_space<vmem>>, %arg1: memref<4x4096xf32, #tpu.memory_space<vmem>>, %arg2: memref<64x4096xf32, #tpu.memory_space<vmem>>, %arg3: memref<1x64xf32, #tpu.memory_space<vmem>>, %arg4: memref<4x64xf32, #tpu.memory_space<vmem>>, %arg5: memref<4x64xi32, #tpu.memory_space<vmem>>, %arg6: memref<4x64xf32, #tpu.memory_space<vmem>>) attributes {dimension_semantics = [], scalar_prefetch = 0 : i64, scratch_operands = 0 : i64, tpu.core_type = #tpu.core_type<tc>} {
    %get3A = arith.constant 0 : index
    %get3A_0 = arith.constant 0 : index
    %get3A_1 = arith.constant 0 : index
    %get3A_2 = vector.load %arg0[%get3A, %get3A_0, %get3A_1] : memref<4x8x4096xf32, #tpu.memory_space<vmem>>, vector<4x8x4096xf32>
    %reduce_sum3A = arith.constant dense<0.000000e+00> : vector<4x4096xf32>
    %reduce_sum3A_3 = vector.multi_reduction <add>, %get3A_2, %reduce_sum3A [1] : vector<4x8x4096xf32> to vector<4x4096xf32>
    %get3A_4 = arith.constant 0 : index
    %get3A_5 = arith.constant 0 : index
    %get3A_6 = vector.load %arg1[%get3A_4, %get3A_5] : memref<4x4096xf32, #tpu.memory_space<vmem>>, vector<4x4096xf32>
    %add3A = arith.addf %reduce_sum3A_3, %get3A_6 : vector<4x4096xf32>
    %mul3A = arith.constant 1.22070313E-4 : f32
    %mul3A_7 = vector.broadcast %mul3A : f32 to vector<4x4096xf32>
    %mul3A_8 = arith.mulf %add3A, %mul3A_7 : vector<4x4096xf32>
    %get3A_9 = arith.constant 0 : index
    %get3A_10 = arith.constant 0 : index
    %get3A_11 = vector.load %arg2[%get3A_9, %get3A_10] : memref<64x4096xf32, #tpu.memory_space<vmem>>, vector<64x4096xf32>
    %dot_general3A = arith.constant dense<0.000000e+00> : vector<4x64xf32>
    %dot_general3A_12 = tpu.matmul %mul3A_8, %get3A_11, %dot_general3A {dimension_numbers = #tpu.dot_dimension_numbers<[1], [1], [0], [0], [0, 0, 1, 0], [], []>, transpose_lhs_hint = false} : vector<4x4096xf32>, vector<64x4096xf32>, vector<4x64xf32> -> vector<4x64xf32>
    %get3A_13 = arith.constant 0 : index
    %get3A_14 = arith.constant 0 : index
    %get3A_15 = vector.load %arg3[%get3A_13, %get3A_14] : memref<1x64xf32, #tpu.memory_space<vmem>>, vector<1x64xf32>
    %cos3A = math.cos %get3A_15 : vector<1x64xf32>
    %sin3A = math.sin %get3A_15 : vector<1x64xf32>
    %add3A_16 = arith.addf %cos3A, %sin3A : vector<1x64xf32>
    %mul3A_17 = vector.broadcast %add3A_16 : vector<1x64xf32> to vector<4x64xf32>
    %mul3A_18 = arith.mulf %dot_general3A_12, %mul3A_17 : vector<4x64xf32>
    %abs3A = math.absf %mul3A_18 : vector<4x64xf32>
    %swap3A = arith.constant 0 : index
    %swap3A_19 = arith.constant 0 : index
    %swap3A_20 = vector.load %arg6[%swap3A, %swap3A_19] : memref<4x64xf32, #tpu.memory_space<vmem>>, vector<4x64xf32>
    tpu.vector_store %arg6[%swap3A, %swap3A_19], %abs3A {strides = array<i32>} : memref<4x64xf32, #tpu.memory_space<vmem>>, vector<4x64xf32>,
    %iota3A = tpu.iota {dimensions = array<i32: 1>} : vector<4x64xi32>
    %reduce_max3A = arith.constant dense<0xFF800000> : vector<4xf32>
    %reduce_max3A_21 = vector.multi_reduction <maximumf>, %abs3A, %reduce_max3A [1] : vector<4x64xf32> to vector<4xf32>
    %broadcast_in_dim3A = vector.shape_cast %reduce_max3A_21 : vector<4xf32> to vector<4x1xf32>
    %eq3A = vector.broadcast %broadcast_in_dim3A : vector<4x1xf32> to vector<4x64xf32>
    %eq3A_22 = arith.cmpf oeq, %abs3A, %eq3A : vector<4x64xf32>
    %jit3A = arith.constant 64 : i32
    %broadcast_in_dim3A_23 = vector.broadcast %jit3A : i32 to vector<4x64xi32>
    %select_n3A = arith.select %eq3A_22, %iota3A, %broadcast_in_dim3A_23 : vector<4x64xi1>, vector<4x64xi32>
    %reduce_min3A = arith.constant dense<2147483647> : vector<4xi32>
    %reduce_min3A_24 = vector.multi_reduction <minsi>, %select_n3A, %reduce_min3A [1] : vector<4x64xi32> to vector<4xi32>
    %broadcast_in_dim3A_25 = vector.shape_cast %reduce_min3A_24 : vector<4xi32> to vector<4x1xi32>
    %eq3A_26 = vector.broadcast %broadcast_in_dim3A_25 : vector<4x1xi32> to vector<4x64xi32>
    %eq3A_27 = arith.cmpi eq, %iota3A, %eq3A_26 : vector<4x64xi32>
    %jit3A_28 = arith.constant -1.000000e+00 : f32
    %broadcast_in_dim3A_29 = vector.broadcast %jit3A_28 : f32 to vector<4x64xf32>
    %select_n3A_30 = arith.select %eq3A_27, %broadcast_in_dim3A_29, %abs3A : vector<4x64xi1>, vector<4x64xf32>
    %reduce_max3A_31 = arith.constant dense<0xFF800000> : vector<4xf32>
    %reduce_max3A_32 = vector.multi_reduction <maximumf>, %select_n3A_30, %reduce_max3A_31 [1] : vector<4x64xf32> to vector<4xf32>
    %broadcast_in_dim3A_33 = vector.shape_cast %reduce_max3A_32 : vector<4xf32> to vector<4x1xf32>
    %eq3A_34 = vector.broadcast %broadcast_in_dim3A_33 : vector<4x1xf32> to vector<4x64xf32>
    %eq3A_35 = arith.cmpf oeq, %select_n3A_30, %eq3A_34 : vector<4x64xf32>
    %jit3A_36 = arith.constant 64 : i32
    %broadcast_in_dim3A_37 = vector.broadcast %jit3A_36 : i32 to vector<4x64xi32>
    %select_n3A_38 = arith.select %eq3A_35, %iota3A, %broadcast_in_dim3A_37 : vector<4x64xi1>, vector<4x64xi32>
    %reduce_min3A_39 = arith.constant dense<2147483647> : vector<4xi32>
    %reduce_min3A_40 = vector.multi_reduction <minsi>, %select_n3A_38, %reduce_min3A_39 [1] : vector<4x64xi32> to vector<4xi32>
    %broadcast_in_dim3A_41 = vector.shape_cast %reduce_min3A_40 : vector<4xi32> to vector<4x1xi32>
    %eq3A_42 = arith.constant 0 : i32
    %eq3A_43 = vector.broadcast %eq3A_42 : i32 to vector<4x64xi32>
    %eq3A_44 = arith.cmpi eq, %iota3A, %eq3A_43 : vector<4x64xi32>
    %eq3A_45 = arith.constant 1 : i32
    %eq3A_46 = vector.broadcast %eq3A_45 : i32 to vector<4x64xi32>
    %eq3A_47 = arith.cmpi eq, %iota3A, %eq3A_46 : vector<4x64xi32>
    %jit3A_48 = arith.constant 0.000000e+00 : f32
    %broadcast_in_dim3A_49 = vector.shape_cast %broadcast_in_dim3A_33 : vector<4x1xf32> to vector<4x1xf32>
    %broadcast_in_dim3A_50 = vector.broadcast %broadcast_in_dim3A_49 : vector<4x1xf32> to vector<4x64xf32>
    %broadcast_in_dim3A_51 = vector.broadcast %jit3A_48 : f32 to vector<4x64xf32>
    %select_n3A_52 = arith.select %eq3A_47, %broadcast_in_dim3A_50, %broadcast_in_dim3A_51 : vector<4x64xi1>, vector<4x64xf32>
    %broadcast_in_dim3A_53 = vector.shape_cast %broadcast_in_dim3A : vector<4x1xf32> to vector<4x1xf32>
    %broadcast_in_dim3A_54 = vector.broadcast %broadcast_in_dim3A_53 : vector<4x1xf32> to vector<4x64xf32>
    %select_n3A_55 = arith.select %eq3A_44, %broadcast_in_dim3A_54, %select_n3A_52 : vector<4x64xi1>, vector<4x64xf32>
    %swap3A_56 = arith.constant 0 : index
    %swap3A_57 = arith.constant 0 : index
    %swap3A_58 = vector.load %arg4[%swap3A_56, %swap3A_57] : memref<4x64xf32, #tpu.memory_space<vmem>>, vector<4x64xf32>
    tpu.vector_store %arg4[%swap3A_56, %swap3A_57], %select_n3A_55 {strides = array<i32>} : memref<4x64xf32, #tpu.memory_space<vmem>>, vector<4x64xf32>,
    %eq3A_59 = arith.constant 0 : i32
    %eq3A_60 = vector.broadcast %eq3A_59 : i32 to vector<4x64xi32>
    %eq3A_61 = arith.cmpi eq, %iota3A, %eq3A_60 : vector<4x64xi32>
    %eq3A_62 = arith.constant 1 : i32
    %eq3A_63 = vector.broadcast %eq3A_62 : i32 to vector<4x64xi32>
    %eq3A_64 = arith.cmpi eq, %iota3A, %eq3A_63 : vector<4x64xi32>
    %jit3A_65 = arith.constant 0 : i32
    %broadcast_in_dim3A_66 = vector.shape_cast %broadcast_in_dim3A_41 : vector<4x1xi32> to vector<4x1xi32>
    %broadcast_in_dim3A_67 = vector.broadcast %broadcast_in_dim3A_66 : vector<4x1xi32> to vector<4x64xi32>
    %broadcast_in_dim3A_68 = vector.broadcast %jit3A_65 : i32 to vector<4x64xi32>
    %select_n3A_69 = arith.select %eq3A_64, %broadcast_in_dim3A_67, %broadcast_in_dim3A_68 : vector<4x64xi1>, vector<4x64xi32>
    %broadcast_in_dim3A_70 = vector.shape_cast %broadcast_in_dim3A_25 : vector<4x1xi32> to vector<4x1xi32>
    %broadcast_in_dim3A_71 = vector.broadcast %broadcast_in_dim3A_70 : vector<4x1xi32> to vector<4x64xi32>
    %select_n3A_72 = arith.select %eq3A_61, %broadcast_in_dim3A_71, %select_n3A_69 : vector<4x64xi1>, vector<4x64xi32>
    %swap3A_73 = arith.constant 0 : index
    %swap3A_74 = arith.constant 0 : index
    %swap3A_75 = vector.load %arg5[%swap3A_73, %swap3A_74] : memref<4x64xi32, #tpu.memory_space<vmem>>, vector<4x64xi32>
    tpu.vector_store %arg5[%swap3A_73, %swap3A_74], %select_n3A_72 {strides = array<i32>} : memref<4x64xi32, #tpu.memory_space<vmem>>, vector<4x64xi32>,
    return
  }
}

</mosaic_0001>

<sc_bundles>
// kernel: kernel.5.cloned.1.call-start
scs
__scs_entry_jumppad:
0x0: {  	(pc) =	sbr.rel $0x88, $3  }
0x1: {  	(tag) =	ssettag $0x0;
	lr =	simm.s32 $0x1  }
0x2: {  	[smem:$0x3F9D] =	sst lr;
	_ =	strace $0xD0000000  }
0x3: {  	_ = 	snop  }
0x4: {  	_ = 	snop  }
0x5: {  	_ = 	snop  }
0x6: {  	_ = 	snop  }
0x7: {  	_ = 	snop  }
__scs_overlays_trampoline_lowered:
0x8: {  	[smem:$0x3FAC] =	sst s0  }
0x9: {  	[smem:$0x3FAD] =	sst s1  }
0xa: {  	[smem:$0x3FAE] =	sst s2  }
0xb: {  	[smem:$0x3FAF] =	sst s3  }
0xc: {  	[smem:$0x3FB0] =	sst s4  }
0xd: {  	[smem:$0x3FB1] =	sst s5  }
0xe: {  	[smem:$0x3FB2] =	sst s6  }
0xf: {  	[smem:$0x3FB3] =	sst s7  }
0x10: {  	[smem:$0x3FB4] =	sst s8  }
0x11: {  	[smem:$0x3FB5] =	sst s9;
	s0 =	simm.s32 @!p0 $0x0  }
0x12: {  	s1 =	sld [smem:$0x3F9B];
	s0 =	simm.s32 @p0 $0x1  }
0x13: {  	[smem:$0x3FB6] =	sst s0;
	s0 =	simm.s32 @!p1 $0x0  }
0x14: {  	s2 =	sld [smem:$0x3F9A];
	s0 =	simm.s32 @p1 $0x1  }
0x15: {  	[smem:$0x3FB7] =	sst s0;
	s0 =	simm.s32 @!p2 $0x0  }
0x16: {  	s3 =	sld [smem:$0x3FDB];
	s0 =	simm.s32 @p2 $0x1  }
0x17: {  	s4 =	simm.s32 $0x1BF5;
	[smem:$0x3FB9] =	sst s0  }
0x18: {  	s0 =	sld [smem:$0x3F9C];
	_ =	swait.ge [sflag:s4], $0x0  }
0x19: {  	s7 =	sld [smem:$0x3F9D]  }
0x1a: {  	s8 =	sadd.s32 $0xFFFFE003, lr  }
0x1b: {  	s9 =	sadd.s32 $0xFFFFFEF7, lr;
	s5 =	simm.s32 $0xFFFFFFFF;
	p2 =	slt.u32 s8, $0xFFFFF086  }
0x1c: {  	p1 =	slt.u32 s9, $0xF7A;
	s5 =	simm.s32 @!p2 $0x0  }
0x1d: {  	s5 =	simm.s32 @p1 $0x1;
	p0 =	seq.s32 s7, s2  }
0x1e: {  	s7 =	smul.u32 @!p0 $0xF7A, s2;
	p2 =	seq.s32 @!p0 s5, $0x0  }
0x1f: {  	s9 =	smul.u32 $0xF7A, s1;
	s8 =	simm.s32 @!p0 $0x1BF5;
	p2 =	por !p2, p0  }
0x20: {  	[sflag:s8] =	ssyncset.s32 @!p0 $0xFFFFF086;
	s6 =	sadd.s32 @!p0 s3, s7;
	s7 =	simm.s32 @!p0 $0x108  }
0x21: {  	s3 =	sadd.s32 s3, s9;
	s6 =	sadd.s32 @!p0 $0x88, s6;
	s7 =	simm.s32 @p2 $0x1082  }
0x22: {  	[simem:s7], [sflag:s8] =	dma.local @!p0 [hbm:s6], $0xF7A  }
0x23: {  	s9 =	sor.u32 $0xD0000000, s2;
	s6 =	simm.s32 $0x108;
	_ =	swait.ge @!p0 [sflag:s8], $0x0  }
0x24: {  	s3 =	sadd.s32 $0x88, s3;
	s6 =	simm.s32 @!p1 $0x1082;
	[sflag:s4] =	ssyncset.s32 $0xFFFFF086  }
0x25: {  	[simem:s6], [sflag:s4] =	dma.local [hbm:s3], $0xF7A  }
0x26: {  	[smem:$0x3F9D] =	sst s1;
	(tag) =	ssettag s2;
	_ =	strace s9  }
0x27: {  	s1 =	sld [smem:$0x3FAD]  }
0x28: {  	s2 =	sld [smem:$0x3FAE]  }
0x29: {  	s4 =	sld [smem:$0x3FB0]  }
0x2a: {  	p0 =	seq.s32 s5, $0x0;
	s5 =	sld [smem:$0x3FB1]  }
0x2b: {  	s6 =	sld [smem:$0x3FB2]  }
0x2c: {  	s7 =	sld [smem:$0x3FB3]  }
0x2d: {  	s3 =	simm.s32 $0x108;
	s8 =	sld [smem:$0x3FB4]  }
0x2e: {  	s3 =	simm.s32 @!p0 $0x1082;
	s9 =	sld [smem:$0x3FB5]  }
0x2f: {  	lr =	sadd.s32 s0, s3;
	s0 =	sld [smem:$0x3FAC]  }
0x30: {  	s3 =	sld [smem:$0x3FAF]  }
0x31: {  	[smem:$0x3FB8] =	sst s10  }
0x32: {  	s10 =	sld [smem:$0x3FB6];
	_ =	sdelay $0x3  }
0x33: {  	p0 =	seq.s32 s10, $0x1;
	s10 =	sld [smem:$0x3FB8];
	_ =	sdelay $0x3  }
0x34: {  	[smem:$0x3FB8] =	sst s10  }
0x35: {  	s10 =	sld [smem:$0x3FB7];
	_ =	sdelay $0x3  }
0x36: {  	p1 =	seq.s32 s10, $0x1;
	s10 =	sld [smem:$0x3FB8];
	_ =	sdelay $0x3  }
0x37: {  	[smem:$0x3FB8] =	sst s10  }
0x38: {  	s10 =	sld [smem:$0x3FB9]  }
0x39: {  	_ = 	snop;
	(pc) =	sbr.ind lr, $3  }
0x3a: {  	_ = 	snop  }
0x3b: {  	_ = 	snop  }
0x3c: {  	p2 =	seq.s32 s10, $0x1;
	s10 =	sld [smem:$0x3FB8]  }
0x3d: {  	_ =	shalt  }
0x3e: {  	_ =	shalt  }
0x3f: {  	_ =	shalt  }
0x40: {  	_ =	shalt  }
0x41: {  	_ =	shalt  }
0x42: {  	_ =	shalt  }
0x43: {  	_ =	shalt  }
0x44: {  	_ =	shalt  }
0x45: {  	_ =	shalt  }
0x46: {  	_ =	shalt  }
0x47: {  	_ =	shalt  }
0x48: {  	_ =	shalt  }
0x49: {  	_ =	shalt  }
0x4a: {  	_ =	shalt  }
0x4b: {  	_ =	shalt  }
0x4c: {  	_ =	shalt  }
0x4d: {  	_ =	shalt  }
0x4e: {  	_ =	shalt  }
0x4f: {  	_ =	shalt  }
0x50: {  	_ =	shalt  }
0x51: {  	_ =	shalt  }
0x52: {  	_ =	shalt  }
0x53: {  	_ =	shalt  }
0x54: {  	_ =	shalt  }
0x55: {  	_ =	shalt  }
0x56: {  	_ =	shalt  }
0x57: {  	_ =	shalt  }
0x58: {  	_ =	shalt  }
0x59: {  	_ =	shalt  }
0x5a: {  	_ =	shalt  }
0x5b: {  	_ =	shalt  }
0x5c: {  	_ =	shalt  }
0x5d: {  	_ =	shalt  }
0x5e: {  	_ =	shalt  }
0x5f: {  	_ =	shalt  }
0x60: {  	_ =	shalt  }
0x61: {  	_ =	shalt  }
0x62: {  	_ =	shalt  }
0x63: {  	_ =	shalt  }
0x64: {  	_ =	shalt  }
0x65: {  	_ =	shalt  }
0x66: {  	_ =	shalt  }
0x67: {  	_ =	shalt  }
0x68: {  	_ =	shalt  }
0x69: {  	_ =	shalt  }
0x6a: {  	_ =	shalt  }
0x6b: {  	_ =	shalt  }
0x6c: {  	_ =	shalt  }
0x6d: {  	_ =	shalt  }
0x6e: {  	_ =	shalt  }
0x6f: {  	_ =	shalt  }
0x70: {  	_ =	shalt  }
0x71: {  	_ =	shalt  }
0x72: {  	_ =	shalt  }
0x73: {  	_ =	shalt  }
0x74: {  	_ =	shalt  }
0x75: {  	_ =	shalt  }
0x76: {  	_ =	shalt  }
0x77: {  	_ =	shalt  }
0x78: {  	_ =	shalt  }
0x79: {  	_ =	shalt  }
0x7a: {  	_ =	shalt  }
0x7b: {  	_ =	shalt  }
0x7c: {  	_ =	shalt  }
0x7d: {  	_ =	shalt  }
0x7e: {  	_ =	shalt  }
0x7f: {  	_ =	shalt  }
0x80: {  	_ =	shalt  }
0x81: {  	_ =	shalt  }
0x82: {  	_ =	shalt  }
0x83: {  	_ =	shalt  }
0x84: {  	_ =	shalt  }
0x85: {  	_ =	shalt  }
0x86: {  	_ =	shalt  }
0x87: {  	_ =	shalt  }
.Lfunc_end0:
.L_simem_size_0:
called_computation_lowered:
.L_overlay_start_0:
0x88: {  	s2 =	sld [smem:$0x3FD9]  }
0x89: {  	s3 =	sld [smem:$0x3FFE];
	_ =	sdelay $0x1  }
0x8a: {  	s1 =	srdreg.scid  }
0x8b: {  	s0 =	sand.u32 $0x1, s1  }
0x8c: {  	s17 =	sshll.u32 s0, $0xA;
	s2 =	sadd.s32 s3, s2  }
0x8d: {  	s2 =	sadd.s32 s2, s17  }
0x8e: {  	[smem:$0x3FC4] =	sst s2  }
0x8f: {  	_ = 	snop  }
0x90: {  	s2 =	sld [smem:$0x3FC9];
	(tm) =	ssettm $0x1  }
0x91: {  	s18 =	sld [smem:$0x3FFB];
	_ =	sdelay $0x3  }
0x92: {  	_ =	strace s18  }
0x93: {  	s3 =	sld [smem:$0x3FFC];
	_ =	sdelay $0x3  }
0x94: {  	_ =	strace s3  }
0x95: {  	s3 =	sld [smem:$0x3FFD];
	_ =	sdelay $0x3  }
0x96: {  	_ =	strace s3  }
0x97: {  	_ =	strace $0x8FFFFFFF  }
0x98: {  	s19 =	sld [smem:$0x3FDB];
	_ =	sdelay $0x1  }
0x99: {  	s4 =	simm.s32 $_scs_section_size  }
0x9a: {  	s5 =	simm.s32 $_size__tile_overlayer_lowered;
	s6 =	simm.s32 $_tile_overlayer_lowered  }
0x9b: {  	s22 =	simm.s32 $0x1BFF;
	s21 =	sshll.u32 s6, $0x1;
	s3 =	sadd.s32 s4, s19  }
0x9c: {  	s7 =	simm.s32 $0x0;
	s20 =	sshll.u32 s5, $0x1;
	s5 =	sadd.s32 s21, s3  }
0x9d: {  	[timem:s7], [sflag:s22] =	dma.local [hbm:s5], s20  }
0x9e: {  	_ =	swait.ge [sflag:s22], s20  }
0x9f: {  	s4 =	ssub.s32 $0x0, s20;
	[sflag:s22] =	ssyncset.done $0x0  }
0xa0: {  	[sflag:s22] =	ssyncadd.s32 s4;
	_ =	sdelay $0x1  }
0xa1: {  	s23 =	simm.s32 $0x1B8B  }
0xa2: {  	_ =	swait.ge [sflag:s23], $0x1  }
0xa3: {  	[sflag:s23] =	ssyncset.done $0x0  }
0xa4: {  	s25 =	simm.s32 $0x1B8E;
	s24 =	sld [smem:$0x3FFE];
	[sflag:s23] =	ssyncadd.s32 $0xFFFFFFFF  }
0xa5: {  	s26 =	simm.s32 $execute0_lowered;
	[smem:$0x3FD2] =	sst s25  }
0xa6: {  	s5 =	sshll.u32 s26, $0x1;
	_ =	strace $0x80000046;
	[dreg:$0x1] =	wrdreg $0xFFFFFFFF  }
0xa7: {  	s28 =	simm.s32 $_size_execute0_lowered;
	s3 =	sadd.s32 s3, s5;
	[dreg:$0x0] =	wrdreg $0x0  }
0xa8: {  	s5 =	sshll.u32 s28, $0x1;
	[dreg:$0x2] =	wrdreg s3  }
0xa9: {  	[dreg:$0x3] =	wrdreg s5  }
0xaa: {  	[dreg:$0x4] =	wrdreg $0xC0  }
0xab: {  	_ =	task [dreg:s7], $0x5FFFF  }
0xac: {  	[dreg:$0x1] =	wrdreg $0xFFFFFFFF  }
0xad: {  	[dreg:$0x0] =	wrdreg $0x60  }
0xae: {  	[dreg:$0x2] =	wrdreg s2  }
0xaf: {  	[dreg:$0x3] =	wrdreg s24  }
0xb0: {  	[dreg:$0x4] =	wrdreg $0x9  }
0xb1: {  	_ =	task.clear_ibuf [dreg:s7], $0x5FFFF;
	_ =	strace $0x90000046  }
0xb2: {  	s29 =	simm.s32 $0x9;
	_ =	strace $0x80000048  }
0xb3: {  	_ =	swait.ge [sflag:s29], $0x1  }
0xb4: {  	[sflag:s29] =	ssyncadd.s32 $0xFFFFFFFF  }
0xb5: {  	_ =	strace $0x90000048  }
0xb6: {  	_ =	sfence  }
0xb7: {  	s30 =	sld [smem:$0x0];
	_ =	sdelay $0x2  }
0xb8: {  	s31 =	sshll.u32 s1, $0xD;
	s1 =	sshrl.u32 s1, $0x2  }
0xb9: {  	s3 =	sand.u32 $0x4000, s31;
	s1 =	sadd.s32 s1, s30  }
0xba: {  	s0 =	sor.u32 s3, s0;
	s1 =	sshll.u32 s1, $0x11  }
0xbb: {  	s0 =	sor.u32 s1, s0  }
0xbc: {  	s0 =	sadd.s32 $0x8F2B, s0  }
0xbd: {  	[sflag:s0] =	ssyncadd.remote.s32 $0x1  }
0xbe: {  	_ =	sfence.sel $0xFFFF  }
0xbf: {  	[dreg:$0x0] =	wrdreg $0xFFFFFFFF;
	(pc) =	sbr.abs _section_cstart, $3  }
0xc0: {  	[dreg:$0x1] =	wrdreg $0xFFFFFFFF  }
0xc1: {  	_ =	task.clear_ibuf [dreg:s7], $0x2FFFF;
	_ =	strace $0x9FFFFFFF  }
0xc2: {  	(tm) =	ssettm $0x7FFFFFFF  }
0xc3: {  	_ =	shalt  }
tec
execute0_lowered:
.L_overlay_start_1:
0x0: {  	(tag) =	ssettag $0x1  }
0x1: {  	s3 =	rddreg [dreg:$0x0]  }
0x2: {  	s4 =	rddreg [dreg:$0x1]  }
0x3: {  	s0 =	rddreg [dreg:$0x2];
	s2 =	simm.s32 $0x0;
	s5 =	srdreg.scid  }
0x4: {  	s1 =	stileid.u32;
	s16 =	simm.s32 $0x400;
	s17 =	simm.s32 $0x8000  }
0x5: {  	s18 =	simm.s32 $0x1;
	s19 =	simm.s32 $0x2;
	s20 =	simm.s32 $0x10000  }
0x6: {  	s21 =	simm.s32 $0x3;
	s5 =	sand.u32 $0x1, s5;
	s6 =	sshll.u32 s1, $0x1  }
0x7: {  	s22 =	simm.s32 $0x0;
	[smem:$0x7FF] =	sst s2;
	s6 =	sor.u32 s5, s6  }
0x8: {  	s5 =	ssub.s32 $0x2, s5;
	s7 =	sshll.u32 s6, $0x6;
	s6 =	sshll.u32 s6, $0x7  }
0x9: {  	_ =	strace $0x80000047;
	s31 =	sshrl.u32 s5, $0x1;
	s13 =	sadd.s32 s6, s3  }
0xa: {  	s14 =	sadd.s32 s7, s4;
	s15 =	ssub.s32 s5, s31;
	s3 =	sadd.s32 $0x3C0000, s13  }
0xb: {  	s4 =	sadd.s32 $0x3E0000, s13;
	s5 =	sadd.s32 $0xC00, s14;
	s6 =	sadd.s32 $0x7C0000, s13  }
0xc: {  	s7 =	sadd.s32 $0x7E0000, s13;
	s8 =	sadd.s32 $0xC10, s14;
	s9 =	sadd.s32 $0xBC0000, s13  }
0xd: {  	s10 =	sadd.s32 $0xBE0000, s13;
	s11 =	sadd.s32 $0xC20, s14;
	s12 =	sadd.s32 $0xFC0000, s13  }
0xe: {  	s13 =	sadd.s32 $0xFE0000, s13;
	s14 =	sadd.s32 $0xC30, s14;
	s15 =	smax.u32 s15, $0x1  }
.LBB2_1:
0xf: {  	[tilespmem:s2], [sflag:$0x1] =	stream.strided.gather [hbm4b:s3+s16], $0x8000, s17, s16, $0x38;
	[tilespmem:$0x10080] =	vst v63  }
0x10: {  	_ = 	snop  }
0x11: {  	[tilespmem:s17], [sflag:$0x2] =	stream.strided.gather [hbm4b:s4+s16], $0x8000, s17, s16, $0x38;
	[tilespmem:$0x10080] =	vst v63  }
0x12: {  	_ =	swait.ge [sflag:s18], $0x8000  }
0x13: {  	[sflag:s18] =	ssyncset.done $0x0  }
0x14: {  	s23 =	simm.s32 $0x0;
	[sflag:s18] =	ssyncadd.s32 $0xFFFF8000  }
0x15: {  	v13 =	vld [tilespmem:s23+$0x380]  }
0x16: {  	v16 =	vld [tilespmem:s23+$0x390]  }
0x17: {  	v17 =	vld [tilespmem:s23+$0x3A0]  }
0x18: {  	v19 =	vld [tilespmem:s23+$0x3B0]  }
0x19: {  	v0 =	vld [tilespmem:s23+$0x3C0]  }
0x1a: {  	v2 =	vld [tilespmem:s23+$0x3D0]  }
0x1b: {  	v11 =	vld [tilespmem:s23+$0x300]  }
0x1c: {  	v29 =	vld [tilespmem:s23+$0x310]  }
0x1d: {  	v24 =	vld [tilespmem:s23+$0x320]  }
0x1e: {  	v27 =	vld [tilespmem:s23+$0x330]  }
0x1f: {  	v4 =	vld [tilespmem:s23+$0x340]  }
0x20: {  	v5 =	vld [tilespmem:s23+$0x350]  }
0x21: {  	v1 =	vld [tilespmem:s23+$0x280]  }
0x22: {  	v3 =	vld [tilespmem:s23+$0x290]  }
0x23: {  	v6 =	vld [tilespmem:s23+$0x2A0]  }
0x24: {  	v7 =	vld [tilespmem:s23+$0x2B0]  }
0x25: {  	v8 =	vld [tilespmem:s23+$0x2C0]  }
0x26: {  	v9 =	vld [tilespmem:s23+$0x2D0]  }
0x27: {  	v10 =	vld [tilespmem:s23+$0x200]  }
0x28: {  	v12 =	vld [tilespmem:s23+$0x210]  }
0x29: {  	v14 =	vld [tilespmem:s23+$0x220]  }
0x2a: {  	v15 =	vld [tilespmem:s23+$0x230]  }
0x2b: {  	v20 =	vld [tilespmem:s23+$0x240]  }
0x2c: {  	v18 =	vld [tilespmem:s23+$0x180]  }
0x2d: {  	v23 =	vld [tilespmem:s23+$0x190]  }
0x2e: {  	v25 =	vld [tilespmem:s23+$0x100]  }
0x2f: {  	v26 =	vld [tilespmem:s23+$0x110]  }
0x30: {  	v21 =	vld [tilespmem:s23+$0x80]  }
0x31: {  	v28 =	vld [tilespmem:s23+$0x90]  }
0x32: {  	v30 =	vld [tilespmem:s23+$0x0]  }
0x33: {  	v31 =	vld [tilespmem:s23+$0x10]  }
0x34: {  	v32 =	vld [tilespmem:s23+$0x20]  }
0x35: {  	v33 =	vld [tilespmem:s23+$0x30]  }
0x36: {  	v34 =	vld [tilespmem:s23+$0xA0]  }
0x37: {  	v35 =	vld [tilespmem:s23+$0xB0]  }
0x38: {  	v36 =	vld [tilespmem:s23+$0x120]  }
0x39: {  	v22 =	vimm.f32 $0.0e+00;
	v37 =	vld [tilespmem:s23+$0x130]  }
0x3a: {  	v38 =	vld [tilespmem:s23+$0x1A0];
	v30 =	vadd.f32 v30, v22;
	v31 =	vadd.f32 v31, v22  }
0x3b: {  	v39 =	vld [tilespmem:s23+$0x40];
	v32 =	vadd.f32 v32, v22;
	v33 =	vadd.f32 v33, v22  }
0x3c: {  	v30 =	vadd.f32 v21, v30;
	v28 =	vadd.f32 v28, v31;
	v31 =	vld [tilespmem:s23+$0x1B0]  }
0x3d: {  	v40 =	vld [tilespmem:s23+$0x50];
	v32 =	vadd.f32 v34, v32;
	v35 =	vadd.f32 v35, v33  }
0x3e: {  	v41 =	vld [tilespmem:s23+$0x60];
	v25 =	vadd.f32 v25, v30;
	v26 =	vadd.f32 v26, v28  }
0x3f: {  	v21 =	vld [tilespmem:s23+$0x250];
	v28 =	vadd.f32 v36, v32;
	v30 =	vadd.f32 v37, v35  }
0x40: {  	v33 =	vld [tilespmem:s23+$0x1C0];
	v18 =	vadd.f32 v18, v25;
	v23 =	vadd.f32 v23, v26  }
0x41: {  	v34 =	vld [tilespmem:s23+$0x1D0];
	v25 =	vadd.f32 v38, v28;
	v26 =	vadd.f32 v31, v30  }
0x42: {  	v35 =	vld [tilespmem:s23+$0x140];
	v10 =	vadd.f32 v10, v18;
	v12 =	vadd.f32 v12, v23  }
0x43: {  	v36 =	vld [tilespmem:s23+$0x150];
	v32 =	vimm.f32 $0.0e+00;
	v14 =	vadd.f32 v14, v25;
	v15 =	vadd.f32 v15, v26  }
0x44: {  	v37 =	vld [tilespmem:s23+$0xC0];
	v30 =	vimm.f32 $0.0e+00;
	v42 =	vadd.f32 v1, v10;
	v43 =	vadd.f32 v3, v12  }
0x45: {  	s24 =	simm.s32 $0x1000;
	v38 =	vld [tilespmem:s23+$0xD0];
	v31 =	vimm.f32 $0.0e+00;
	v44 =	vadd.f32 v6, v14;
	v45 =	vadd.f32 v7, v15  }
.LBB2_2:
0x46: {  	p0 =	sne.s32 s24, $0x1F000;
	v10 =	vld [tilespmem:s23+$0x70];
	v1 =	vadd.f32 v11, v42;
	v3 =	vadd.f32 v29, v43  }
0x47: {  	v11 =	vld [tilespmem:s23+$0xE0];
	v6 =	vadd.f32 v24, v44;
	v7 =	vadd.f32 v27, v45  }
0x48: {  	v12 =	vld [tilespmem:s23+$0xF0];
	v1 =	vadd.f32 v13, v1;
	v3 =	vadd.f32 v16, v3  }
0x49: {  	v13 =	vld [tilespmem:s23+$0x160];
	v6 =	vadd.f32 v17, v6;
	v7 =	vadd.f32 v19, v7  }
0x4a: {  	v14 =	vadd.f32 v39, v22;
	v15 =	vadd.f32 v40, v32;
	v16 =	vld [tilespmem:s23+$0x170]  }
0x4b: {  	v17 =	vadd.f32 v41, v30;
	v10 =	vadd.f32 v10, v31;
	v18 =	vld [tilespmem:s23+$0x1E0]  }
0x4c: {  	v14 =	vadd.f32 v37, v14;
	v15 =	vadd.f32 v38, v15;
	v19 =	vld [tilespmem:s23+$0x1F0]  }
0x4d: {  	v11 =	vadd.f32 v11, v17;
	v10 =	vadd.f32 v12, v10;
	v12 =	vld [tilespmem:s23+$0x260]  }
0x4e: {  	v14 =	vadd.f32 v35, v14;
	v15 =	vadd.f32 v36, v15;
	v17 =	vld [tilespmem:s23+$0x270]  }
0x4f: {  	v11 =	vadd.f32 v13, v11;
	v10 =	vadd.f32 v16, v10;
	v16 =	vld [tilespmem:s23+$0x2E0]  }
0x50: {  	v13 =	vadd.f32 v33, v14;
	v14 =	vadd.f32 v34, v15;
	v15 =	vld [tilespmem:s23+$0x2F0]  }
0x51: {  	v11 =	vadd.f32 v18, v11;
	v10 =	vadd.f32 v19, v10;
	v18 =	vld [tilespmem:s23+$0x360]  }
0x52: {  	v13 =	vadd.f32 v20, v13;
	v14 =	vadd.f32 v21, v14;
	v19 =	vld [tilespmem:s23+$0x370]  }
0x53: {  	v11 =	vadd.f32 v12, v11;
	v10 =	vadd.f32 v17, v10;
	v12 =	vld [tilespmem:s23+$0x3E0]  }
0x54: {  	v8 =	vadd.f32 v8, v13;
	v9 =	vadd.f32 v9, v14;
	v14 =	vld [tilespmem:s23+$0x3F0];
	s23 =	sshra.s32 s24, $0x2  }
0x55: {  	v11 =	vadd.f32 v16, v11;
	v13 =	vld [tilespmem:s23+$0x380];
	v10 =	vadd.f32 v15, v10  }
0x56: {  	v4 =	vadd.f32 v4, v8;
	v5 =	vadd.f32 v5, v9;
	v16 =	vld [tilespmem:s23+$0x390]  }
0x57: {  	v8 =	vadd.f32 v18, v11;
	v17 =	vld [tilespmem:s23+$0x3A0];
	v9 =	vadd.f32 v19, v10  }
0x58: {  	v22 =	vadd.f32 v0, v4;
	v32 =	vadd.f32 v2, v5;
	v19 =	vld [tilespmem:s23+$0x3B0]  }
0x59: {  	v30 =	vadd.f32 v12, v8;
	v0 =	vld [tilespmem:s23+$0x3C0];
	v31 =	vadd.f32 v14, v9  }
0x5a: {  	v2 =	vld [tilespmem:s23+$0x3D0]  }
0x5b: {  	v11 =	vld [tilespmem:s23+$0x300]  }
0x5c: {  	v29 =	vld [tilespmem:s23+$0x310]  }
0x5d: {  	v24 =	vld [tilespmem:s23+$0x320]  }
0x5e: {  	v27 =	vld [tilespmem:s23+$0x330]  }
0x5f: {  	v4 =	vld [tilespmem:s23+$0x340]  }
0x60: {  	v5 =	vld [tilespmem:s23+$0x350]  }
0x61: {  	v10 =	vld [tilespmem:s23+$0x280]  }
0x62: {  	v12 =	vld [tilespmem:s23+$0x290]  }
0x63: {  	v14 =	vld [tilespmem:s23+$0x2A0]  }
0x64: {  	v15 =	vld [tilespmem:s23+$0x2B0]  }
0x65: {  	v8 =	vld [tilespmem:s23+$0x2C0]  }
0x66: {  	v9 =	vld [tilespmem:s23+$0x2D0]  }
0x67: {  	v18 =	vld [tilespmem:s23+$0x200]  }
0x68: {  	v23 =	vld [tilespmem:s23+$0x210]  }
0x69: {  	v25 =	vld [tilespmem:s23+$0x220]  }
0x6a: {  	v26 =	vld [tilespmem:s23+$0x230]  }
0x6b: {  	v20 =	vld [tilespmem:s23+$0x240]  }
0x6c: {  	v21 =	vld [tilespmem:s23+$0x250]  }
0x6d: {  	v28 =	vld [tilespmem:s23+$0x180]  }
0x6e: {  	v37 =	vld [tilespmem:s23+$0x190]  }
0x6f: {  	v34 =	vld [tilespmem:s23+$0x100]  }
0x70: {  	v35 =	vld [tilespmem:s23+$0x110]  }
0x71: {  	v33 =	vld [tilespmem:s23+$0x80]  }
0x72: {  	v36 =	vld [tilespmem:s23+$0x90]  }
0x73: {  	v38 =	vld [tilespmem:s23+$0x0]  }
0x74: {  	v39 =	vld [tilespmem:s23+$0x10]  }
0x75: {  	v40 =	vld [tilespmem:s23+$0x20]  }
0x76: {  	v41 =	vld [tilespmem:s23+$0x30]  }
0x77: {  	v42 =	vld [tilespmem:s23+$0xA0]  }
0x78: {  	v43 =	vld [tilespmem:s23+$0xB0]  }
0x79: {  	v44 =	vld [tilespmem:s23+$0x120]  }
0x7a: {  	v1 =	vadd.f32 v38, v1;
	v3 =	vadd.f32 v39, v3;
	v38 =	vld [tilespmem:s23+$0x130]  }
0x7b: {  	v6 =	vadd.f32 v40, v6;
	v7 =	vadd.f32 v41, v7;
	v39 =	vld [tilespmem:s23+$0x1A0]  }
0x7c: {  	v1 =	vadd.f32 v33, v1;
	v3 =	vadd.f32 v36, v3;
	v40 =	vld [tilespmem:s23+$0x1B0]  }
0x7d: {  	v6 =	vadd.f32 v42, v6;
	v7 =	vadd.f32 v43, v7;
	v33 =	vld [tilespmem:s23+$0x1C0]  }
0x7e: {  	v1 =	vadd.f32 v34, v1;
	v3 =	vadd.f32 v35, v3;
	v34 =	vld [tilespmem:s23+$0x1D0]  }
0x7f: {  	v6 =	vadd.f32 v44, v6;
	v7 =	vadd.f32 v38, v7;
	v35 =	vld [tilespmem:s23+$0x140]  }
0x80: {  	v1 =	vadd.f32 v28, v1;
	v3 =	vadd.f32 v37, v3;
	v36 =	vld [tilespmem:s23+$0x150]  }
.Ltmp0:
0x81: {  	v6 =	vadd.f32 v39, v6;
	v37 =	vld [tilespmem:s23+$0xC0];
	v7 =	vadd.f32 v40, v7;
	(pc) =	sbr.rel @p0 .LBB2_2-.Ltmp0, $4  }
0x82: {  	v1 =	vadd.f32 v18, v1;
	v3 =	vadd.f32 v23, v3;
	v38 =	vld [tilespmem:s23+$0xD0]  }
0x83: {  	v6 =	vadd.f32 v25, v6;
	v39 =	vld [tilespmem:s23+$0x40];
	v7 =	vadd.f32 v26, v7  }
0x84: {  	v42 =	vadd.f32 v10, v1;
	v43 =	vadd.f32 v12, v3;
	v40 =	vld [tilespmem:s23+$0x50]  }
0x85: {  	s24 =	sadd.s32 $0x1000, s24;
	v44 =	vadd.f32 v14, v6;
	v41 =	vld [tilespmem:s23+$0x60];
	v45 =	vadd.f32 v15, v7  }
0x86: {  	v46 =	vld [tilespmem:s23+$0x70]  }
0x87: {  	v47 =	vld [tilespmem:s23+$0xE0]  }
0x88: {  	v48 =	vld [tilespmem:s23+$0xF0]  }
0x89: {  	v49 =	vld [tilespmem:s23+$0x160]  }
0x8a: {  	v50 =	vld [tilespmem:s23+$0x170]  }
0x8b: {  	v51 =	vld [tilespmem:s23+$0x1E0]  }
0x8c: {  	v52 =	vld [tilespmem:s23+$0x1F0]  }
0x8d: {  	v53 =	vld [tilespmem:s23+$0x260]  }
0x8e: {  	v54 =	vld [tilespmem:s23+$0x270]  }
0x8f: {  	v55 =	vld [tilespmem:s23+$0x2E0]  }
0x90: {  	v56 =	vld [tilespmem:s23+$0x2F0]  }
0x91: {  	v57 =	vld [tilespmem:s23+$0x360]  }
0x92: {  	v58 =	vld [tilespmem:s23+$0x370]  }
0x93: {  	v59 =	vld [tilespmem:s23+$0x3E0]  }
0x94: {  	v60 =	vld [tilespmem:s23+$0x3F0];
	_ =	swait.ge [sflag:s19], $0x8000  }
0x95: {  	[sflag:s19] =	ssyncset.done $0x0  }
0x96: {  	s23 =	simm.s32 $0x0;
	[sflag:s19] =	ssyncadd.s32 $0xFFFF8000  }
0x97: {  	v12 =	vld [tilespmem:s23+$0x8380]  }
0x98: {  	v14 =	vld [tilespmem:s23+$0x8390]  }
0x99: {  	v15 =	vld [tilespmem:s23+$0x83A0]  }
0x9a: {  	v18 =	vld [tilespmem:s23+$0x83B0]  }
0x9b: {  	v1 =	vld [tilespmem:s23+$0x83C0]  }
0x9c: {  	v3 =	vld [tilespmem:s23+$0x83D0]  }
0x9d: {  	v25 =	vld [tilespmem:s23+$0x8300]  }
0x9e: {  	v28 =	vld [tilespmem:s23+$0x8310]  }
0x9f: {  	v23 =	vld [tilespmem:s23+$0x8320]  }
0xa0: {  	v26 =	vld [tilespmem:s23+$0x8330]  }
0xa1: {  	v7 =	vld [tilespmem:s23+$0x8340]  }
0xa2: {  	v6 =	vld [tilespmem:s23+$0x8350]  }
0xa3: {  	v61 =	vld [tilespmem:s23+$0x8280]  }
0xa4: {  	v62 =	vld [tilespmem:s23+$0x8290]  }
0xa5: {  	v42 =	vadd.f32 v11, v42;
	v29 =	vadd.f32 v29, v43;
	v63 =	vld [tilespmem:s23+$0x82A0]  }
0xa6: {  	v24 =	vadd.f32 v24, v44;
	v27 =	vadd.f32 v27, v45;
	v10 =	vld [tilespmem:s23+$0x82B0]  }
0xa7: {  	v29 =	vadd.f32 v16, v29;
	v16 =	vadd.f32 v39, v22;
	v11 =	vld [tilespmem:s23+$0x82D0]  }
0xa8: {  	v43 =	vld [tilespmem:s23+$0x8200];
	v17 =	vadd.f32 v17, v24;
	v19 =	vadd.f32 v19, v27  }
0xa9: {  	v44 =	vld [tilespmem:s23+$0x8210];
	v22 =	vadd.f32 v40, v32;
	v24 =	vadd.f32 v41, v30  }
0xaa: {  	v45 =	vld [tilespmem:s23+$0x8220];
	v30 =	vadd.f32 v37, v16;
	v27 =	vadd.f32 v46, v31  }
0xab: {  	v40 =	vld [tilespmem:s23+$0x8230];
	v22 =	vadd.f32 v38, v22;
	v24 =	vadd.f32 v47, v24  }
0xac: {  	v31 =	vld [tilespmem:s23+$0x8180];
	v30 =	vadd.f32 v35, v30;
	v27 =	vadd.f32 v48, v27  }
0xad: {  	v22 =	vadd.f32 v36, v22;
	v48 =	vld [tilespmem:s23+$0x8190];
	v24 =	vadd.f32 v49, v24  }
0xae: {  	v49 =	vld [tilespmem:s23+$0x8100];
	v30 =	vadd.f32 v33, v30;
	v27 =	vadd.f32 v50, v27  }
0xaf: {  	v22 =	vadd.f32 v34, v22;
	v50 =	vld [tilespmem:s23+$0x8110];
	v24 =	vadd.f32 v51, v24  }
0xb0: {  	v20 =	vadd.f32 v20, v30;
	v30 =	vld [tilespmem:s23+$0x8000];
	v27 =	vadd.f32 v52, v27  }
0xb1: {  	v42 =	vadd.f32 v13, v42;
	v52 =	vld [tilespmem:s23+$0x8080];
	v21 =	vadd.f32 v21, v22  }
0xb2: {  	v22 =	vld [tilespmem:s23+$0x8090];
	v24 =	vadd.f32 v53, v24;
	v27 =	vadd.f32 v54, v27  }
0xb3: {  	v8 =	vadd.f32 v8, v20;
	v20 =	vld [tilespmem:s23+$0x8010];
	v9 =	vadd.f32 v9, v21  }
0xb4: {  	v21 =	vadd.f32 v55, v24;
	v24 =	vadd.f32 v56, v27;
	v27 =	vld [tilespmem:s23+$0x8020]  }
0xb5: {  	v4 =	vadd.f32 v4, v8;
	v8 =	vadd.f32 v5, v9;
	v9 =	vld [tilespmem:s23+$0x8030]  }
0xb6: {  	v21 =	vadd.f32 v57, v21;
	v24 =	vadd.f32 v58, v24;
	v58 =	vld [tilespmem:s23+$0x80A0]  }
0xb7: {  	v5 =	vadd.f32 v0, v4;
	v2 =	vadd.f32 v2, v8;
	v8 =	vld [tilespmem:s23+$0x80B0]  }
0xb8: {  	v20 =	vadd.f32 v20, v29;
	v29 =	vld [tilespmem:s23+$0x8130];
	v4 =	vadd.f32 v59, v21  }
0xb9: {  	v21 =	vadd.f32 v30, v42;
	v0 =	vadd.f32 v60, v24;
	v24 =	vld [tilespmem:s23+$0x8120]  }
0xba: {  	v30 =	vld [tilespmem:s23+$0x81B0];
	v17 =	vadd.f32 v27, v17;
	v9 =	vadd.f32 v9, v19  }
0xbb: {  	v22 =	vadd.f32 v22, v20;
	v19 =	vld [tilespmem:s23+$0x81A0];
	v21 =	vadd.f32 v52, v21  }
0xbc: {  	v13 =	vld [tilespmem:s23+$0x8240];
	v17 =	vadd.f32 v58, v17;
	v8 =	vadd.f32 v8, v9  }
0xbd: {  	v32 =	vld [tilespmem:s23+$0x8060];
	v27 =	vadd.f32 v50, v22;
	v9 =	vadd.f32 v49, v21  }
0xbe: {  	v16 =	vld [tilespmem:s23+$0x8250];
	v17 =	vadd.f32 v24, v17;
	v8 =	vadd.f32 v29, v8  }
0xbf: {  	[tilespmem:$0x1FFF0] =	vst v10;
	v10 =	vld [tilespmem:s23+$0x82C0];
	v9 =	vadd.f32 v31, v9;
	v31 =	vadd.f32 v48, v27  }
0xc0: {  	v20 =	vld [tilespmem:s23+$0x81C0];
	v17 =	vadd.f32 v19, v17;
	v8 =	vadd.f32 v30, v8  }
0xc1: {  	v22 =	vld [tilespmem:s23+$0x8140];
	v9 =	vadd.f32 v43, v9;
	v19 =	vadd.f32 v44, v31  }
0xc2: {  	v21 =	vld [tilespmem:s23+$0x81D0];
	v60 =	vadd.f32 v40, v8  }
0xc3: {  	v8 =	vadd.f32 v61, v9;
	v9 =	vadd.f32 v62, v19;
	v19 =	vld [tilespmem:$0x1FFF0]  }
0xc4: {  	v24 =	vld [tilespmem:s23+$0x8150]  }
0xc5: {  	v27 =	vld [tilespmem:s23+$0x80C0]  }
0xc6: {  	v29 =	vld [tilespmem:s23+$0x80D0];
	v17 =	vadd.f32 v45, v17  }
0xc7: {  	v30 =	vld [tilespmem:s23+$0x8040]  }
0xc8: {  	s24 =	simm.s32 $0x1000;
	v31 =	vld [tilespmem:s23+$0x8050];
	v17 =	vadd.f32 v63, v17;
	v19 =	vadd.f32 v19, v60  }
.LBB2_4:
0xc9: {  	p0 =	sne.s32 s24, $0x1F000;
	v33 =	vld [tilespmem:s23+$0x8070];
	v8 =	vadd.f32 v25, v8;
	v9 =	vadd.f32 v28, v9  }
0xca: {  	v25 =	vld [tilespmem:s23+$0x80E0];
	v17 =	vadd.f32 v23, v17;
	v19 =	vadd.f32 v26, v19  }
0xcb: {  	v23 =	vld [tilespmem:s23+$0x80F0];
	v8 =	vadd.f32 v12, v8;
	v9 =	vadd.f32 v14, v9  }
0xcc: {  	v12 =	vld [tilespmem:s23+$0x8160];
	v17 =	vadd.f32 v15, v17;
	v19 =	vadd.f32 v18, v19  }
0xcd: {  	v5 =	vadd.f32 v30, v5;
	v2 =	vadd.f32 v31, v2;
	v14 =	vld [tilespmem:s23+$0x8170]  }
0xce: {  	v4 =	vadd.f32 v32, v4;
	v0 =	vadd.f32 v33, v0;
	v15 =	vld [tilespmem:s23+$0x81E0]  }
0xcf: {  	v5 =	vadd.f32 v27, v5;
	v2 =	vadd.f32 v29, v2;
	v18 =	vld [tilespmem:s23+$0x81F0]  }
0xd0: {  	v4 =	vadd.f32 v25, v4;
	v0 =	vadd.f32 v23, v0;
	v23 =	vld [tilespmem:s23+$0x8260]  }
0xd1: {  	v5 =	vadd.f32 v22, v5;
	v2 =	vadd.f32 v24, v2;
	v22 =	vld [tilespmem:s23+$0x8270]  }
0xd2: {  	v4 =	vadd.f32 v12, v4;
	v0 =	vadd.f32 v14, v0;
	v14 =	vld [tilespmem:s23+$0x82E0]  }
0xd3: {  	v5 =	vadd.f32 v20, v5;
	v2 =	vadd.f32 v21, v2;
	v20 =	vld [tilespmem:s23+$0x82F0]  }
0xd4: {  	v4 =	vadd.f32 v15, v4;
	v0 =	vadd.f32 v18, v0;
	v18 =	vld [tilespmem:s23+$0x8360]  }
0xd5: {  	v5 =	vadd.f32 v13, v5;
	v2 =	vadd.f32 v16, v2;
	v13 =	vld [tilespmem:s23+$0x8370]  }
0xd6: {  	v4 =	vadd.f32 v23, v4;
	v0 =	vadd.f32 v22, v0;
	v16 =	vld [tilespmem:s23+$0x83E0]  }
0xd7: {  	v5 =	vadd.f32 v10, v5;
	v2 =	vadd.f32 v11, v2;
	v10 =	vld [tilespmem:s23+$0x83F0];
	s23 =	sshra.s32 s24, $0x2  }
0xd8: {  	v4 =	vadd.f32 v14, v4;
	v12 =	vld [tilespmem:s23+$0x8380];
	v0 =	vadd.f32 v20, v0  }
0xd9: {  	v5 =	vadd.f32 v7, v5;
	v2 =	vadd.f32 v6, v2;
	v14 =	vld [tilespmem:s23+$0x8390]  }
0xda: {  	v4 =	vadd.f32 v18, v4;
	v15 =	vld [tilespmem:s23+$0x83A0];
	v0 =	vadd.f32 v13, v0  }
0xdb: {  	v5 =	vadd.f32 v1, v5;
	v2 =	vadd.f32 v3, v2;
	v18 =	vld [tilespmem:s23+$0x83B0]  }
0xdc: {  	v4 =	vadd.f32 v16, v4;
	v1 =	vld [tilespmem:s23+$0x83C0];
	v0 =	vadd.f32 v10, v0  }
0xdd: {  	v3 =	vld [tilespmem:s23+$0x83D0]  }
0xde: {  	v25 =	vld [tilespmem:s23+$0x8300]  }
0xdf: {  	v28 =	vld [tilespmem:s23+$0x8310]  }
0xe0: {  	v23 =	vld [tilespmem:s23+$0x8320]  }
0xe1: {  	v26 =	vld [tilespmem:s23+$0x8330]  }
0xe2: {  	v7 =	vld [tilespmem:s23+$0x8340]  }
0xe3: {  	v6 =	vld [tilespmem:s23+$0x8350]  }
0xe4: {  	v32 =	vld [tilespmem:s23+$0x8280]  }
0xe5: {  	v33 =	vld [tilespmem:s23+$0x8290]  }
0xe6: {  	v34 =	vld [tilespmem:s23+$0x82A0]  }
0xe7: {  	v35 =	vld [tilespmem:s23+$0x82B0]  }
0xe8: {  	v10 =	vld [tilespmem:s23+$0x82C0]  }
0xe9: {  	v11 =	vld [tilespmem:s23+$0x82D0]  }
0xea: {  	v30 =	vld [tilespmem:s23+$0x8200]  }
0xeb: {  	v31 =	vld [tilespmem:s23+$0x8210]  }
0xec: {  	v36 =	vld [tilespmem:s23+$0x8220]  }
0xed: {  	v37 =	vld [tilespmem:s23+$0x8230]  }
0xee: {  	v13 =	vld [tilespmem:s23+$0x8240]  }
0xef: {  	v16 =	vld [tilespmem:s23+$0x8250]  }
0xf0: {  	v27 =	vld [tilespmem:s23+$0x8180]  }
0xf1: {  	v29 =	vld [tilespmem:s23+$0x8190]  }
0xf2: {  	v21 =	vld [tilespmem:s23+$0x8100]  }
0xf3: {  	v22 =	vld [tilespmem:s23+$0x8110]  }
0xf4: {  	v20 =	vld [tilespmem:s23+$0x8080]  }
0xf5: {  	v24 =	vld [tilespmem:s23+$0x8090]  }
0xf6: {  	v38 =	vld [tilespmem:s23+$0x8000]  }
0xf7: {  	v39 =	vld [tilespmem:s23+$0x8010]  }
0xf8: {  	v40 =	vld [tilespmem:s23+$0x8020]  }
0xf9: {  	v41 =	vld [tilespmem:s23+$0x8030]  }
0xfa: {  	v42 =	vld [tilespmem:s23+$0x80A0]  }
0xfb: {  	v43 =	vld [tilespmem:s23+$0x80B0]  }
0xfc: {  	v44 =	vld [tilespmem:s23+$0x8120]  }
0xfd: {  	v8 =	vadd.f32 v38, v8;
	v9 =	vadd.f32 v39, v9;
	v38 =	vld [tilespmem:s23+$0x8130]  }
0xfe: {  	v17 =	vadd.f32 v40, v17;
	v19 =	vadd.f32 v41, v19;
	v39 =	vld [tilespmem:s23+$0x81A0]  }
0xff: {  	v8 =	vadd.f32 v20, v8;
	v9 =	vadd.f32 v24, v9;
	v40 =	vld [tilespmem:s23+$0x81B0]  }
0x100: {  	v17 =	vadd.f32 v42, v17;
	v19 =	vadd.f32 v43, v19;
	v20 =	vld [tilespmem:s23+$0x81C0]  }
0x101: {  	v8 =	vadd.f32 v21, v8;
	v9 =	vadd.f32 v22, v9;
	v21 =	vld [tilespmem:s23+$0x81D0]  }
0x102: {  	v17 =	vadd.f32 v44, v17;
	v19 =	vadd.f32 v38, v19;
	v22 =	vld [tilespmem:s23+$0x8140]  }
0x103: {  	v8 =	vadd.f32 v27, v8;
	v9 =	vadd.f32 v29, v9;
	v24 =	vld [tilespmem:s23+$0x8150]  }
.Ltmp1:
0x104: {  	v17 =	vadd.f32 v39, v17;
	v27 =	vld [tilespmem:s23+$0x80C0];
	v19 =	vadd.f32 v40, v19;
	(pc) =	sbr.rel @p0 .LBB2_4-.Ltmp1, $4  }
0x105: {  	v8 =	vadd.f32 v30, v8;
	v9 =	vadd.f32 v31, v9;
	v29 =	vld [tilespmem:s23+$0x80D0]  }
0x106: {  	v17 =	vadd.f32 v36, v17;
	v30 =	vld [tilespmem:s23+$0x8040];
	v19 =	vadd.f32 v37, v19  }
0x107: {  	v8 =	vadd.f32 v32, v8;
	v9 =	vadd.f32 v33, v9;
	v31 =	vld [tilespmem:s23+$0x8050]  }
0x108: {  	s24 =	sadd.s32 $0x1000, s24;
	v17 =	vadd.f32 v34, v17;
	v32 =	vld [tilespmem:s23+$0x8060];
	v19 =	vadd.f32 v35, v19  }
0x109: {  	v8 =	vadd.f32 v25, v8;
	v9 =	vadd.f32 v28, v9  }
0x10a: {  	v33 =	vld [tilespmem:s23+$0x8070];
	v17 =	vadd.f32 v23, v17;
	v19 =	vadd.f32 v26, v19  }
0x10b: {  	v25 =	vld [tilespmem:s23+$0x80E0];
	v8 =	vadd.f32 v12, v8;
	v9 =	vadd.f32 v14, v9  }
0x10c: {  	v23 =	vld [tilespmem:s23+$0x80F0];
	v5 =	vadd.f32 v30, v5;
	v14 =	vadd.f32 v15, v17  }
0x10d: {  	v12 =	vld [tilespmem:s23+$0x8160];
	v15 =	vadd.f32 v18, v19;
	v2 =	vadd.f32 v31, v2  }
0x10e: {  	v17 =	vld [tilespmem:s23+$0x8170];
	v4 =	vadd.f32 v32, v4;
	v5 =	vadd.f32 v27, v5  }
0x10f: {  	v18 =	vld [tilespmem:s23+$0x81E0];
	v0 =	vadd.f32 v33, v0;
	v2 =	vadd.f32 v29, v2  }
0x110: {  	v19 =	vld [tilespmem:s23+$0x81F0];
	v4 =	vadd.f32 v25, v4;
	v5 =	vadd.f32 v22, v5  }
0x111: {  	v25 =	vld [tilespmem:s23+$0x8260];
	v0 =	vadd.f32 v23, v0;
	v2 =	vadd.f32 v24, v2  }
0x112: {  	v22 =	vld [tilespmem:s23+$0x8270];
	v4 =	vadd.f32 v12, v4;
	v5 =	vadd.f32 v20, v5  }
0x113: {  	v12 =	vld [tilespmem:s23+$0x82E0];
	v0 =	vadd.f32 v17, v0;
	v2 =	vadd.f32 v21, v2  }
0x114: {  	v17 =	vld [tilespmem:s23+$0x82F0];
	v4 =	vadd.f32 v18, v4;
	v5 =	vadd.f32 v13, v5  }
0x115: {  	v18 =	vld [tilespmem:s23+$0x8360];
	v0 =	vadd.f32 v19, v0;
	v2 =	vadd.f32 v16, v2  }
0x116: {  	v13 =	vld [tilespmem:s23+$0x8370];
	v4 =	vadd.f32 v25, v4;
	v5 =	vadd.f32 v10, v5  }
0x117: {  	v16 =	vld [tilespmem:s23+$0x83E0];
	v0 =	vadd.f32 v22, v0;
	v2 =	vadd.f32 v11, v2  }
0x118: {  	v10 =	vld [tilespmem:s23+$0x83F0];
	[tilespmem:$0x10000] =	vst v8;
	v4 =	vadd.f32 v12, v4;
	v5 =	vadd.f32 v7, v5  }
0x119: {  	[tilespmem:$0x10010] =	vst v9;
	v0 =	vadd.f32 v17, v0;
	v2 =	vadd.f32 v6, v2  }
0x11a: {  	[tilespmem:$0x10020] =	vst v14;
	v4 =	vadd.f32 v18, v4;
	v1 =	vadd.f32 v1, v5  }
0x11b: {  	[tilespmem:$0x10030] =	vst v15;
	v0 =	vadd.f32 v13, v0;
	v2 =	vadd.f32 v3, v2  }
0x11c: {  	v3 =	vadd.f32 v16, v4;
	[tilespmem:$0x10040] =	vst v1  }
0x11d: {  	v0 =	vadd.f32 v10, v0;
	[tilespmem:$0x10050] =	vst v2  }
0x11e: {  	[tilespmem:$0x10060] =	vst v3  }
0x11f: {  	s31 =	simm.s32 $0x0;
	[tilespmem:$0x10070] =	vst v0  }
0x120: {  	[hbm4b:s5+s31] =	stream.linear.scatter [tilespmem:s20], [sflag:$0x3], $0x80, $0x38;
	[tilespmem:$0x10080] =	vst v63  }
0x121: {  	_ =	swait.ge [sflag:s21], $0x80  }
0x122: {  	[sflag:s21] =	ssyncset.done $0x0  }
0x123: {  	[sflag:s21] =	ssyncadd.s32 $0xFFFFFF80  }
0x124: {  	[tilespmem:s31], [sflag:$0x1] =	stream.strided.gather [hbm4b:s6+s16], $0x8000, s17, s16, $0x38;
	[tilespmem:$0x10080] =	vst v63  }
0x125: {  	_ = 	snop  }
0x126: {  	[tilespmem:s17], [sflag:$0x2] =	stream.strided.gather [hbm4b:s7+s16], $0x8000, s17, s16, $0x38;
	[tilespmem:$0x10080] =	vst v63  }
0x127: {  	_ =	swait.ge [sflag:s18], $0x8000  }
0x128: {  	[sflag:s18] =	ssyncset.done $0x0  }
0x129: {  	s23 =	simm.s32 $0x0;
	[sflag:s18] =	ssyncadd.s32 $0xFFFF8000  }
0x12a: {  	v13 =	vld [tilespmem:s23+$0x380]  }
0x12b: {  	v16 =	vld [tilespmem:s23+$0x390]  }
0x12c: {  	v17 =	vld [tilespmem:s23+$0x3A0]  }
0x12d: {  	v19 =	vld [tilespmem:s23+$0x3B0]  }
0x12e: {  	v0 =	vld [tilespmem:s23+$0x3C0]  }
0x12f: {  	v2 =	vld [tilespmem:s23+$0x3D0]  }
0x130: {  	v11 =	vld [tilespmem:s23+$0x300]  }
0x131: {  	v29 =	vld [tilespmem:s23+$0x310]  }
0x132: {  	v24 =	vld [tilespmem:s23+$0x320]  }
0x133: {  	v27 =	vld [tilespmem:s23+$0x330]  }
0x134: {  	v4 =	vld [tilespmem:s23+$0x340]  }
0x135: {  	v5 =	vld [tilespmem:s23+$0x350]  }
0x136: {  	v1 =	vld [tilespmem:s23+$0x280]  }
0x137: {  	v3 =	vld [tilespmem:s23+$0x290]  }
0x138: {  	v6 =	vld [tilespmem:s23+$0x2A0]  }
0x139: {  	v7 =	vld [tilespmem:s23+$0x2B0]  }
0x13a: {  	v8 =	vld [tilespmem:s23+$0x2C0]  }
0x13b: {  	v9 =	vld [tilespmem:s23+$0x2D0]  }
0x13c: {  	v10 =	vld [tilespmem:s23+$0x200]  }
0x13d: {  	v12 =	vld [tilespmem:s23+$0x210]  }
0x13e: {  	v14 =	vld [tilespmem:s23+$0x220]  }
0x13f: {  	v15 =	vld [tilespmem:s23+$0x230]  }
0x140: {  	v20 =	vld [tilespmem:s23+$0x240]  }
0x141: {  	v18 =	vld [tilespmem:s23+$0x180]  }
0x142: {  	v23 =	vld [tilespmem:s23+$0x190]  }
0x143: {  	v25 =	vld [tilespmem:s23+$0x100]  }
0x144: {  	v26 =	vld [tilespmem:s23+$0x110]  }
0x145: {  	v21 =	vld [tilespmem:s23+$0x80]  }
0x146: {  	v28 =	vld [tilespmem:s23+$0x90]  }
0x147: {  	v30 =	vld [tilespmem:s23+$0x0]  }
0x148: {  	v31 =	vld [tilespmem:s23+$0x10]  }
0x149: {  	v62 =	vld [tilespmem:s23+$0x20]  }
0x14a: {  	v63 =	vld [tilespmem:s23+$0x30]  }
0x14b: {  	v34 =	vld [tilespmem:s23+$0xA0]  }
0x14c: {  	v35 =	vld [tilespmem:s23+$0xB0]  }
0x14d: {  	v36 =	vld [tilespmem:s23+$0x120]  }
0x14e: {  	v22 =	vimm.f32 $0.0e+00;
	v37 =	vld [tilespmem:s23+$0x130]  }
0x14f: {  	v38 =	vld [tilespmem:s23+$0x1A0];
	v30 =	vadd.f32 v30, v22;
	v31 =	vadd.f32 v31, v22  }
0x150: {  	v39 =	vld [tilespmem:s23+$0x40];
	v32 =	vadd.f32 v62, v22;
	v33 =	vadd.f32 v63, v22  }
0x151: {  	v30 =	vadd.f32 v21, v30;
	v28 =	vadd.f32 v28, v31;
	v31 =	vld [tilespmem:s23+$0x1B0]  }
0x152: {  	v40 =	vld [tilespmem:s23+$0x50];
	v32 =	vadd.f32 v34, v32;
	v35 =	vadd.f32 v35, v33  }
0x153: {  	v41 =	vld [tilespmem:s23+$0x60];
	v25 =	vadd.f32 v25, v30;
	v26 =	vadd.f32 v26, v28  }
0x154: {  	v21 =	vld [tilespmem:s23+$0x250];
	v28 =	vadd.f32 v36, v32;
	v30 =	vadd.f32 v37, v35  }
0x155: {  	v33 =	vld [tilespmem:s23+$0x1C0];
	v18 =	vadd.f32 v18, v25;
	v23 =	vadd.f32 v23, v26  }
0x156: {  	v34 =	vld [tilespmem:s23+$0x1D0];
	v25 =	vadd.f32 v38, v28;
	v26 =	vadd.f32 v31, v30  }
0x157: {  	v35 =	vld [tilespmem:s23+$0x140];
	v10 =	vadd.f32 v10, v18;
	v12 =	vadd.f32 v12, v23  }
0x158: {  	v36 =	vld [tilespmem:s23+$0x150];
	v32 =	vimm.f32 $0.0e+00;
	v14 =	vadd.f32 v14, v25;
	v15 =	vadd.f32 v15, v26  }
0x159: {  	v37 =	vld [tilespmem:s23+$0xC0];
	v30 =	vimm.f32 $0.0e+00;
	v42 =	vadd.f32 v1, v10;
	v43 =	vadd.f32 v3, v12  }
0x15a: {  	s24 =	simm.s32 $0x1000;
	v38 =	vld [tilespmem:s23+$0xD0];
	v31 =	vimm.f32 $0.0e+00;
	v44 =	vadd.f32 v6, v14;
	v45 =	vadd.f32 v7, v15  }
.LBB2_6:
0x15b: {  	p0 =	sne.s32 s24, $0x1F000;
	v10 =	vld [tilespmem:s23+$0x70];
	v1 =	vadd.f32 v11, v42;
	v3 =	vadd.f32 v29, v43  }
0x15c: {  	v11 =	vld [tilespmem:s23+$0xE0];
	v6 =	vadd.f32 v24, v44;
	v7 =	vadd.f32 v27, v45  }
0x15d: {  	v12 =	vld [tilespmem:s23+$0xF0];
	v1 =	vadd.f32 v13, v1;
	v3 =	vadd.f32 v16, v3  }
0x15e: {  	v13 =	vld [tilespmem:s23+$0x160];
	v6 =	vadd.f32 v17, v6;
	v7 =	vadd.f32 v19, v7  }
0x15f: {  	v14 =	vadd.f32 v39, v22;
	v15 =	vadd.f32 v40, v32;
	v16 =	vld [tilespmem:s23+$0x170]  }
0x160: {  	v17 =	vadd.f32 v41, v30;
	v10 =	vadd.f32 v10, v31;
	v18 =	vld [tilespmem:s23+$0x1E0]  }
0x161: {  	v14 =	vadd.f32 v37, v14;
	v15 =	vadd.f32 v38, v15;
	v19 =	vld [tilespmem:s23+$0x1F0]  }
0x162: {  	v11 =	vadd.f32 v11, v17;
	v10 =	vadd.f32 v12, v10;
	v12 =	vld [tilespmem:s23+$0x260]  }
0x163: {  	v14 =	vadd.f32 v35, v14;
	v15 =	vadd.f32 v36, v15;
	v17 =	vld [tilespmem:s23+$0x270]  }
0x164: {  	v11 =	vadd.f32 v13, v11;
	v10 =	vadd.f32 v16, v10;
	v16 =	vld [tilespmem:s23+$0x2E0]  }
0x165: {  	v13 =	vadd.f32 v33, v14;
	v14 =	vadd.f32 v34, v15;
	v15 =	vld [tilespmem:s23+$0x2F0]  }
0x166: {  	v11 =	vadd.f32 v18, v11;
	v10 =	vadd.f32 v19, v10;
	v18 =	vld [tilespmem:s23+$0x360]  }
0x167: {  	v13 =	vadd.f32 v20, v13;
	v14 =	vadd.f32 v21, v14;
	v19 =	vld [tilespmem:s23+$0x370]  }
0x168: {  	v11 =	vadd.f32 v12, v11;
	v10 =	vadd.f32 v17, v10;
	v12 =	vld [tilespmem:s23+$0x3E0]  }
0x169: {  	v8 =	vadd.f32 v8, v13;
	v9 =	vadd.f32 v9, v14;
	v14 =	vld [tilespmem:s23+$0x3F0];
	s23 =	sshra.s32 s24, $0x2  }
0x16a: {  	v11 =	vadd.f32 v16, v11;
	v13 =	vld [tilespmem:s23+$0x380];
	v10 =	vadd.f32 v15, v10  }
0x16b: {  	v4 =	vadd.f32 v4, v8;
	v5 =	vadd.f32 v5, v9;
	v16 =	vld [tilespmem:s23+$0x390]  }
0x16c: {  	v8 =	vadd.f32 v18, v11;
	v17 =	vld [tilespmem:s23+$0x3A0];
	v9 =	vadd.f32 v19, v10  }
0x16d: {  	v22 =	vadd.f32 v0, v4;
	v32 =	vadd.f32 v2, v5;
	v19 =	vld [tilespmem:s23+$0x3B0]  }
0x16e: {  	v30 =	vadd.f32 v12, v8;
	v0 =	vld [tilespmem:s23+$0x3C0];
	v31 =	vadd.f32 v14, v9  }
0x16f: {  	v2 =	vld [tilespmem:s23+$0x3D0]  }
0x170: {  	v11 =	vld [tilespmem:s23+$0x300]  }
0x171: {  	v29 =	vld [tilespmem:s23+$0x310]  }
0x172: {  	v24 =	vld [tilespmem:s23+$0x320]  }
0x173: {  	v27 =	vld [tilespmem:s23+$0x330]  }
0x174: {  	v4 =	vld [tilespmem:s23+$0x340]  }
0x175: {  	v5 =	vld [tilespmem:s23+$0x350]  }
0x176: {  	v10 =	vld [tilespmem:s23+$0x280]  }
0x177: {  	v12 =	vld [tilespmem:s23+$0x290]  }
0x178: {  	v14 =	vld [tilespmem:s23+$0x2A0]  }
0x179: {  	v15 =	vld [tilespmem:s23+$0x2B0]  }
0x17a: {  	v8 =	vld [tilespmem:s23+$0x2C0]  }
0x17b: {  	v9 =	vld [tilespmem:s23+$0x2D0]  }
0x17c: {  	v18 =	vld [tilespmem:s23+$0x200]  }
0x17d: {  	v23 =	vld [tilespmem:s23+$0x210]  }
0x17e: {  	v25 =	vld [tilespmem:s23+$0x220]  }
0x17f: {  	v26 =	vld [tilespmem:s23+$0x230]  }
0x180: {  	v20 =	vld [tilespmem:s23+$0x240]  }
0x181: {  	v21 =	vld [tilespmem:s23+$0x250]  }
0x182: {  	v28 =	vld [tilespmem:s23+$0x180]  }
0x183: {  	v37 =	vld [tilespmem:s23+$0x190]  }
0x184: {  	v34 =	vld [tilespmem:s23+$0x100]  }
0x185: {  	v35 =	vld [tilespmem:s23+$0x110]  }
0x186: {  	v33 =	vld [tilespmem:s23+$0x80]  }
0x187: {  	v36 =	vld [tilespmem:s23+$0x90]  }
0x188: {  	v38 =	vld [tilespmem:s23+$0x0]  }
0x189: {  	v39 =	vld [tilespmem:s23+$0x10]  }
0x18a: {  	v40 =	vld [tilespmem:s23+$0x20]  }
0x18b: {  	v41 =	vld [tilespmem:s23+$0x30]  }
0x18c: {  	v42 =	vld [tilespmem:s23+$0xA0]  }
0x18d: {  	v43 =	vld [tilespmem:s23+$0xB0]  }
0x18e: {  	v44 =	vld [tilespmem:s23+$0x120]  }
0x18f: {  	v1 =	vadd.f32 v38, v1;
	v3 =	vadd.f32 v39, v3;
	v38 =	vld [tilespmem:s23+$0x130]  }
0x190: {  	v6 =	vadd.f32 v40, v6;
	v7 =	vadd.f32 v41, v7;
	v39 =	vld [tilespmem:s23+$0x1A0]  }
0x191: {  	v1 =	vadd.f32 v33, v1;
	v3 =	vadd.f32 v36, v3;
	v40 =	vld [tilespmem:s23+$0x1B0]  }
0x192: {  	v6 =	vadd.f32 v42, v6;
	v7 =	vadd.f32 v43, v7;
	v33 =	vld [tilespmem:s23+$0x1C0]  }
0x193: {  	v1 =	vadd.f32 v34, v1;
	v3 =	vadd.f32 v35, v3;
	v34 =	vld [tilespmem:s23+$0x1D0]  }
0x194: {  	v6 =	vadd.f32 v44, v6;
	v7 =	vadd.f32 v38, v7;
	v35 =	vld [tilespmem:s23+$0x140]  }
0x195: {  	v1 =	vadd.f32 v28, v1;
	v3 =	vadd.f32 v37, v3;
	v36 =	vld [tilespmem:s23+$0x150]  }
.Ltmp2:
0x196: {  	v6 =	vadd.f32 v39, v6;
	v37 =	vld [tilespmem:s23+$0xC0];
	v7 =	vadd.f32 v40, v7;
	(pc) =	sbr.rel @p0 .LBB2_6-.Ltmp2, $4  }
0x197: {  	v1 =	vadd.f32 v18, v1;
	v3 =	vadd.f32 v23, v3;
	v38 =	vld [tilespmem:s23+$0xD0]  }
0x198: {  	v6 =	vadd.f32 v25, v6;
	v39 =	vld [tilespmem:s23+$0x40];
	v7 =	vadd.f32 v26, v7  }
0x199: {  	v42 =	vadd.f32 v10, v1;
	v43 =	vadd.f32 v12, v3;
	v40 =	vld [tilespmem:s23+$0x50]  }
0x19a: {  	s24 =	sadd.s32 $0x1000, s24;
	v44 =	vadd.f32 v14, v6;
	v41 =	vld [tilespmem:s23+$0x60];
	v45 =	vadd.f32 v15, v7  }
0x19b: {  	v46 =	vld [tilespmem:s23+$0x70]  }
0x19c: {  	v47 =	vld [tilespmem:s23+$0xE0]  }
0x19d: {  	v48 =	vld [tilespmem:s23+$0xF0]  }
0x19e: {  	v49 =	vld [tilespmem:s23+$0x160]  }
0x19f: {  	v50 =	vld [tilespmem:s23+$0x170]  }
0x1a0: {  	v51 =	vld [tilespmem:s23+$0x1E0]  }
0x1a1: {  	v52 =	vld [tilespmem:s23+$0x1F0]  }
0x1a2: {  	v53 =	vld [tilespmem:s23+$0x260]  }
0x1a3: {  	v54 =	vld [tilespmem:s23+$0x270]  }
0x1a4: {  	v55 =	vld [tilespmem:s23+$0x2E0]  }
0x1a5: {  	v56 =	vld [tilespmem:s23+$0x2F0]  }
0x1a6: {  	v57 =	vld [tilespmem:s23+$0x360]  }
0x1a7: {  	v58 =	vld [tilespmem:s23+$0x370]  }
0x1a8: {  	v59 =	vld [tilespmem:s23+$0x3E0]  }
0x1a9: {  	v60 =	vld [tilespmem:s23+$0x3F0];
	_ =	swait.ge [sflag:s19], $0x8000  }
0x1aa: {  	[sflag:s19] =	ssyncset.done $0x0  }
0x1ab: {  	s23 =	simm.s32 $0x0;
	[sflag:s19] =	ssyncadd.s32 $0xFFFF8000  }
0x1ac: {  	v12 =	vld [tilespmem:s23+$0x8380]  }
0x1ad: {  	v14 =	vld [tilespmem:s23+$0x8390]  }
0x1ae: {  	v15 =	vld [tilespmem:s23+$0x83A0]  }
0x1af: {  	v18 =	vld [tilespmem:s23+$0x83B0]  }
0x1b0: {  	v1 =	vld [tilespmem:s23+$0x83C0]  }
0x1b1: {  	v3 =	vld [tilespmem:s23+$0x83D0]  }
0x1b2: {  	v25 =	vld [tilespmem:s23+$0x8300]  }
0x1b3: {  	v28 =	vld [tilespmem:s23+$0x8310]  }
0x1b4: {  	v23 =	vld [tilespmem:s23+$0x8320]  }
0x1b5: {  	v26 =	vld [tilespmem:s23+$0x8330]  }
0x1b6: {  	v7 =	vld [tilespmem:s23+$0x8340]  }
0x1b7: {  	v6 =	vld [tilespmem:s23+$0x8350]  }
0x1b8: {  	v61 =	vld [tilespmem:s23+$0x8280]  }
0x1b9: {  	v62 =	vld [tilespmem:s23+$0x8290]  }
0x1ba: {  	v42 =	vadd.f32 v11, v42;
	v29 =	vadd.f32 v29, v43;
	v63 =	vld [tilespmem:s23+$0x82A0]  }
0x1bb: {  	v24 =	vadd.f32 v24, v44;
	v27 =	vadd.f32 v27, v45;
	v10 =	vld [tilespmem:s23+$0x82B0]  }
0x1bc: {  	v29 =	vadd.f32 v16, v29;
	v16 =	vadd.f32 v39, v22;
	v11 =	vld [tilespmem:s23+$0x82D0]  }
0x1bd: {  	v43 =	vld [tilespmem:s23+$0x8200];
	v17 =	vadd.f32 v17, v24;
	v19 =	vadd.f32 v19, v27  }
0x1be: {  	v44 =	vld [tilespmem:s23+$0x8210];
	v22 =	vadd.f32 v40, v32;
	v24 =	vadd.f32 v41, v30  }
0x1bf: {  	v45 =	vld [tilespmem:s23+$0x8220];
	v30 =	vadd.f32 v37, v16;
	v27 =	vadd.f32 v46, v31  }
0x1c0: {  	v40 =	vld [tilespmem:s23+$0x8230];
	v22 =	vadd.f32 v38, v22;
	v24 =	vadd.f32 v47, v24  }
0x1c1: {  	v31 =	vld [tilespmem:s23+$0x8180];
	v30 =	vadd.f32 v35, v30;
	v27 =	vadd.f32 v48, v27  }
0x1c2: {  	v22 =	vadd.f32 v36, v22;
	v48 =	vld [tilespmem:s23+$0x8190];
	v24 =	vadd.f32 v49, v24  }
0x1c3: {  	v49 =	vld [tilespmem:s23+$0x8100];
	v30 =	vadd.f32 v33, v30;
	v27 =	vadd.f32 v50, v27  }
0x1c4: {  	v22 =	vadd.f32 v34, v22;
	v50 =	vld [tilespmem:s23+$0x8110];
	v24 =	vadd.f32 v51, v24  }
0x1c5: {  	v20 =	vadd.f32 v20, v30;
	v30 =	vld [tilespmem:s23+$0x8000];
	v27 =	vadd.f32 v52, v27  }
0x1c6: {  	v42 =	vadd.f32 v13, v42;
	v52 =	vld [tilespmem:s23+$0x8080];
	v21 =	vadd.f32 v21, v22  }
0x1c7: {  	v22 =	vld [tilespmem:s23+$0x8090];
	v24 =	vadd.f32 v53, v24;
	v27 =	vadd.f32 v54, v27  }
0x1c8: {  	v8 =	vadd.f32 v8, v20;
	v20 =	vld [tilespmem:s23+$0x8010];
	v9 =	vadd.f32 v9, v21  }
0x1c9: {  	v21 =	vadd.f32 v55, v24;
	v24 =	vadd.f32 v56, v27;
	v27 =	vld [tilespmem:s23+$0x8020]  }
0x1ca: {  	v4 =	vadd.f32 v4, v8;
	v8 =	vadd.f32 v5, v9;
	v9 =	vld [tilespmem:s23+$0x8030]  }
0x1cb: {  	v21 =	vadd.f32 v57, v21;
	v24 =	vadd.f32 v58, v24;
	v58 =	vld [tilespmem:s23+$0x80A0]  }
0x1cc: {  	v5 =	vadd.f32 v0, v4;
	v2 =	vadd.f32 v2, v8;
	v8 =	vld [tilespmem:s23+$0x80B0]  }
0x1cd: {  	v20 =	vadd.f32 v20, v29;
	v29 =	vld [tilespmem:s23+$0x8130];
	v4 =	vadd.f32 v59, v21  }
0x1ce: {  	v21 =	vadd.f32 v30, v42;
	v0 =	vadd.f32 v60, v24;
	v24 =	vld [tilespmem:s23+$0x8120]  }
0x1cf: {  	v30 =	vld [tilespmem:s23+$0x81B0];
	v17 =	vadd.f32 v27, v17;
	v9 =	vadd.f32 v9, v19  }
0x1d0: {  	v22 =	vadd.f32 v22, v20;
	v19 =	vld [tilespmem:s23+$0x81A0];
	v21 =	vadd.f32 v52, v21  }
0x1d1: {  	v13 =	vld [tilespmem:s23+$0x8240];
	v17 =	vadd.f32 v58, v17;
	v8 =	vadd.f32 v8, v9  }
0x1d2: {  	v32 =	vld [tilespmem:s23+$0x8060];
	v27 =	vadd.f32 v50, v22;
	v9 =	vadd.f32 v49, v21  }
0x1d3: {  	v16 =	vld [tilespmem:s23+$0x8250];
	v17 =	vadd.f32 v24, v17;
	v8 =	vadd.f32 v29, v8  }
0x1d4: {  	[tilespmem:$0x1FFE0] =	vst v10;
	v10 =	vld [tilespmem:s23+$0x82C0];
	v9 =	vadd.f32 v31, v9;
	v31 =	vadd.f32 v48, v27  }
0x1d5: {  	v20 =	vld [tilespmem:s23+$0x81C0];
	v17 =	vadd.f32 v19, v17;
	v8 =	vadd.f32 v30, v8  }
0x1d6: {  	v22 =	vld [tilespmem:s23+$0x8140];
	v9 =	vadd.f32 v43, v9;
	v19 =	vadd.f32 v44, v31  }
0x1d7: {  	v21 =	vld [tilespmem:s23+$0x81D0];
	v60 =	vadd.f32 v40, v8  }
0x1d8: {  	v8 =	vadd.f32 v61, v9;
	v9 =	vadd.f32 v62, v19;
	v19 =	vld [tilespmem:$0x1FFE0]  }
0x1d9: {  	v24 =	vld [tilespmem:s23+$0x8150]  }
0x1da: {  	v27 =	vld [tilespmem:s23+$0x80C0]  }
0x1db: {  	v29 =	vld [tilespmem:s23+$0x80D0];
	v17 =	vadd.f32 v45, v17  }
0x1dc: {  	v30 =	vld [tilespmem:s23+$0x8040]  }
0x1dd: {  	s24 =	simm.s32 $0x1000;
	v31 =	vld [tilespmem:s23+$0x8050];
	v17 =	vadd.f32 v63, v17;
	v19 =	vadd.f32 v19, v60  }
.LBB2_8:
0x1de: {  	p0 =	sne.s32 s24, $0x1F000;
	v33 =	vld [tilespmem:s23+$0x8070];
	v8 =	vadd.f32 v25, v8;
	v9 =	vadd.f32 v28, v9  }
0x1df: {  	v25 =	vld [tilespmem:s23+$0x80E0];
	v17 =	vadd.f32 v23, v17;
	v19 =	vadd.f32 v26, v19  }
0x1e0: {  	v23 =	vld [tilespmem:s23+$0x80F0];
	v8 =	vadd.f32 v12, v8;
	v9 =	vadd.f32 v14, v9  }
0x1e1: {  	v12 =	vld [tilespmem:s23+$0x8160];
	v17 =	vadd.f32 v15, v17;
	v19 =	vadd.f32 v18, v19  }
0x1e2: {  	v5 =	vadd.f32 v30, v5;
	v2 =	vadd.f32 v31, v2;
	v14 =	vld [tilespmem:s23+$0x8170]  }
0x1e3: {  	v4 =	vadd.f32 v32, v4;
	v0 =	vadd.f32 v33, v0;
	v15 =	vld [tilespmem:s23+$0x81E0]  }
0x1e4: {  	v5 =	vadd.f32 v27, v5;
	v2 =	vadd.f32 v29, v2;
	v18 =	vld [tilespmem:s23+$0x81F0]  }
0x1e5: {  	v4 =	vadd.f32 v25, v4;
	v0 =	vadd.f32 v23, v0;
	v23 =	vld [tilespmem:s23+$0x8260]  }
0x1e6: {  	v5 =	vadd.f32 v22, v5;
	v2 =	vadd.f32 v24, v2;
	v22 =	vld [tilespmem:s23+$0x8270]  }
0x1e7: {  	v4 =	vadd.f32 v12, v4;
	v0 =	vadd.f32 v14, v0;
	v14 =	vld [tilespmem:s23+$0x82E0]  }
0x1e8: {  	v5 =	vadd.f32 v20, v5;
	v2 =	vadd.f32 v21, v2;
	v20 =	vld [tilespmem:s23+$0x82F0]  }
0x1e9: {  	v4 =	vadd.f32 v15, v4;
	v0 =	vadd.f32 v18, v0;
	v18 =	vld [tilespmem:s23+$0x8360]  }
0x1ea: {  	v5 =	vadd.f32 v13, v5;
	v2 =	vadd.f32 v16, v2;
	v13 =	vld [tilespmem:s23+$0x8370]  }
0x1eb: {  	v4 =	vadd.f32 v23, v4;
	v0 =	vadd.f32 v22, v0;
	v16 =	vld [tilespmem:s23+$0x83E0]  }
0x1ec: {  	v5 =	vadd.f32 v10, v5;
	v2 =	vadd.f32 v11, v2;
	v10 =	vld [tilespmem:s23+$0x83F0];
	s23 =	sshra.s32 s24, $0x2  }
0x1ed: {  	v4 =	vadd.f32 v14, v4;
	v12 =	vld [tilespmem:s23+$0x8380];
	v0 =	vadd.f32 v20, v0  }
0x1ee: {  	v5 =	vadd.f32 v7, v5;
	v2 =	vadd.f32 v6, v2;
	v14 =	vld [tilespmem:s23+$0x8390]  }
0x1ef: {  	v4 =	vadd.f32 v18, v4;
	v15 =	vld [tilespmem:s23+$0x83A0];
	v0 =	vadd.f32 v13, v0  }
0x1f0: {  	v5 =	vadd.f32 v1, v5;
	v2 =	vadd.f32 v3, v2;
	v18 =	vld [tilespmem:s23+$0x83B0]  }
0x1f1: {  	v4 =	vadd.f32 v16, v4;
	v1 =	vld [tilespmem:s23+$0x83C0];
	v0 =	vadd.f32 v10, v0  }
0x1f2: {  	v3 =	vld [tilespmem:s23+$0x83D0]  }
0x1f3: {  	v25 =	vld [tilespmem:s23+$0x8300]  }
0x1f4: {  	v28 =	vld [tilespmem:s23+$0x8310]  }
0x1f5: {  	v23 =	vld [tilespmem:s23+$0x8320]  }
0x1f6: {  	v26 =	vld [tilespmem:s23+$0x8330]  }
0x1f7: {  	v7 =	vld [tilespmem:s23+$0x8340]  }
0x1f8: {  	v6 =	vld [tilespmem:s23+$0x8350]  }
0x1f9: {  	v32 =	vld [tilespmem:s23+$0x8280]  }
0x1fa: {  	v33 =	vld [tilespmem:s23+$0x8290]  }
0x1fb: {  	v34 =	vld [tilespmem:s23+$0x82A0]  }
0x1fc: {  	v35 =	vld [tilespmem:s23+$0x82B0]  }
0x1fd: {  	v10 =	vld [tilespmem:s23+$0x82C0]  }
0x1fe: {  	v11 =	vld [tilespmem:s23+$0x82D0]  }
0x1ff: {  	v30 =	vld [tilespmem:s23+$0x8200]  }
0x200: {  	v31 =	vld [tilespmem:s23+$0x8210]  }
0x201: {  	v36 =	vld [tilespmem:s23+$0x8220]  }
0x202: {  	v37 =	vld [tilespmem:s23+$0x8230]  }
0x203: {  	v13 =	vld [tilespmem:s23+$0x8240]  }
0x204: {  	v16 =	vld [tilespmem:s23+$0x8250]  }
0x205: {  	v27 =	vld [tilespmem:s23+$0x8180]  }
0x206: {  	v29 =	vld [tilespmem:s23+$0x8190]  }
0x207: {  	v21 =	vld [tilespmem:s23+$0x8100]  }
0x208: {  	v22 =	vld [tilespmem:s23+$0x8110]  }
0x209: {  	v20 =	vld [tilespmem:s23+$0x8080]  }
0x20a: {  	v24 =	vld [tilespmem:s23+$0x8090]  }
0x20b: {  	v38 =	vld [tilespmem:s23+$0x8000]  }
0x20c: {  	v39 =	vld [tilespmem:s23+$0x8010]  }
0x20d: {  	v40 =	vld [tilespmem:s23+$0x8020]  }
0x20e: {  	v41 =	vld [tilespmem:s23+$0x8030]  }
0x20f: {  	v42 =	vld [tilespmem:s23+$0x80A0]  }
0x210: {  	v43 =	vld [tilespmem:s23+$0x80B0]  }
0x211: {  	v44 =	vld [tilespmem:s23+$0x8120]  }
0x212: {  	v8 =	vadd.f32 v38, v8;
	v9 =	vadd.f32 v39, v9;
	v38 =	vld [tilespmem:s23+$0x8130]  }
0x213: {  	v17 =	vadd.f32 v40, v17;
	v19 =	vadd.f32 v41, v19;
	v39 =	vld [tilespmem:s23+$0x81A0]  }
0x214: {  	v8 =	vadd.f32 v20, v8;
	v9 =	vadd.f32 v24, v9;
	v40 =	vld [tilespmem:s23+$0x81B0]  }
0x215: {  	v17 =	vadd.f32 v42, v17;
	v19 =	vadd.f32 v43, v19;
	v20 =	vld [tilespmem:s23+$0x81C0]  }
0x216: {  	v8 =	vadd.f32 v21, v8;
	v9 =	vadd.f32 v22, v9;
	v21 =	vld [tilespmem:s23+$0x81D0]  }
0x217: {  	v17 =	vadd.f32 v44, v17;
	v19 =	vadd.f32 v38, v19;
	v22 =	vld [tilespmem:s23+$0x8140]  }
0x218: {  	v8 =	vadd.f32 v27, v8;
	v9 =	vadd.f32 v29, v9;
	v24 =	vld [tilespmem:s23+$0x8150]  }
.Ltmp3:
0x219: {  	v17 =	vadd.f32 v39, v17;
	v27 =	vld [tilespmem:s23+$0x80C0];
	v19 =	vadd.f32 v40, v19;
	(pc) =	sbr.rel @p0 .LBB2_8-.Ltmp3, $4  }
0x21a: {  	v8 =	vadd.f32 v30, v8;
	v9 =	vadd.f32 v31, v9;
	v29 =	vld [tilespmem:s23+$0x80D0]  }
0x21b: {  	v17 =	vadd.f32 v36, v17;
	v30 =	vld [tilespmem:s23+$0x8040];
	v19 =	vadd.f32 v37, v19  }
0x21c: {  	v8 =	vadd.f32 v32, v8;
	v9 =	vadd.f32 v33, v9;
	v31 =	vld [tilespmem:s23+$0x8050]  }
0x21d: {  	s24 =	sadd.s32 $0x1000, s24;
	v17 =	vadd.f32 v34, v17;
	v32 =	vld [tilespmem:s23+$0x8060];
	v19 =	vadd.f32 v35, v19  }
0x21e: {  	v8 =	vadd.f32 v25, v8;
	v9 =	vadd.f32 v28, v9  }
0x21f: {  	v33 =	vld [tilespmem:s23+$0x8070];
	v17 =	vadd.f32 v23, v17;
	v19 =	vadd.f32 v26, v19  }
0x220: {  	v25 =	vld [tilespmem:s23+$0x80E0];
	v8 =	vadd.f32 v12, v8;
	v9 =	vadd.f32 v14, v9  }
0x221: {  	v23 =	vld [tilespmem:s23+$0x80F0];
	v5 =	vadd.f32 v30, v5;
	v14 =	vadd.f32 v15, v17  }
0x222: {  	v12 =	vld [tilespmem:s23+$0x8160];
	v15 =	vadd.f32 v18, v19;
	v2 =	vadd.f32 v31, v2  }
0x223: {  	v17 =	vld [tilespmem:s23+$0x8170];
	v4 =	vadd.f32 v32, v4;
	v5 =	vadd.f32 v27, v5  }
0x224: {  	v18 =	vld [tilespmem:s23+$0x81E0];
	v0 =	vadd.f32 v33, v0;
	v2 =	vadd.f32 v29, v2  }
0x225: {  	v19 =	vld [tilespmem:s23+$0x81F0];
	v4 =	vadd.f32 v25, v4;
	v5 =	vadd.f32 v22, v5  }
0x226: {  	v25 =	vld [tilespmem:s23+$0x8260];
	v0 =	vadd.f32 v23, v0;
	v2 =	vadd.f32 v24, v2  }
0x227: {  	v22 =	vld [tilespmem:s23+$0x8270];
	v4 =	vadd.f32 v12, v4;
	v5 =	vadd.f32 v20, v5  }
0x228: {  	v12 =	vld [tilespmem:s23+$0x82E0];
	v0 =	vadd.f32 v17, v0;
	v2 =	vadd.f32 v21, v2  }
0x229: {  	v17 =	vld [tilespmem:s23+$0x82F0];
	v4 =	vadd.f32 v18, v4;
	v5 =	vadd.f32 v13, v5  }
0x22a: {  	v18 =	vld [tilespmem:s23+$0x8360];
	v0 =	vadd.f32 v19, v0;
	v2 =	vadd.f32 v16, v2  }
0x22b: {  	v13 =	vld [tilespmem:s23+$0x8370];
	v4 =	vadd.f32 v25, v4;
	v5 =	vadd.f32 v10, v5  }
0x22c: {  	v16 =	vld [tilespmem:s23+$0x83E0];
	v0 =	vadd.f32 v22, v0;
	v2 =	vadd.f32 v11, v2  }
0x22d: {  	v10 =	vld [tilespmem:s23+$0x83F0];
	[tilespmem:$0x10000] =	vst v8;
	v4 =	vadd.f32 v12, v4;
	v5 =	vadd.f32 v7, v5  }
0x22e: {  	[tilespmem:$0x10010] =	vst v9;
	v0 =	vadd.f32 v17, v0;
	v2 =	vadd.f32 v6, v2  }
0x22f: {  	[tilespmem:$0x10020] =	vst v14;
	v4 =	vadd.f32 v18, v4;
	v1 =	vadd.f32 v1, v5  }
0x230: {  	[tilespmem:$0x10030] =	vst v15;
	v0 =	vadd.f32 v13, v0;
	v2 =	vadd.f32 v3, v2  }
0x231: {  	v3 =	vadd.f32 v16, v4;
	[tilespmem:$0x10040] =	vst v1  }
0x232: {  	v0 =	vadd.f32 v10, v0;
	[tilespmem:$0x10050] =	vst v2  }
0x233: {  	[tilespmem:$0x10060] =	vst v3  }
0x234: {  	s31 =	simm.s32 $0x0;
	[tilespmem:$0x10070] =	vst v0  }
0x235: {  	[hbm4b:s8+s31] =	stream.linear.scatter [tilespmem:s20], [sflag:$0x3], $0x80, $0x38;
	[tilespmem:$0x10080] =	vst v63  }
0x236: {  	_ =	swait.ge [sflag:s21], $0x80  }
0x237: {  	[sflag:s21] =	ssyncset.done $0x0  }
0x238: {  	[sflag:s21] =	ssyncadd.s32 $0xFFFFFF80  }
0x239: {  	[tilespmem:s31], [sflag:$0x1] =	stream.strided.gather [hbm4b:s9+s16], $0x8000, s17, s16, $0x38;
	[tilespmem:$0x10080] =	vst v63  }
0x23a: {  	_ = 	snop  }
0x23b: {  	[tilespmem:s17], [sflag:$0x2] =	stream.strided.gather [hbm4b:s10+s16], $0x8000, s17, s16, $0x38;
	[tilespmem:$0x10080] =	vst v63  }
0x23c: {  	_ =	swait.ge [sflag:s18], $0x8000  }
0x23d: {  	[sflag:s18] =	ssyncset.done $0x0  }
0x23e: {  	s23 =	simm.s32 $0x0;
	[sflag:s18] =	ssyncadd.s32 $0xFFFF8000  }
0x23f: {  	v13 =	vld [tilespmem:s23+$0x380]  }
0x240: {  	v16 =	vld [tilespmem:s23+$0x390]  }
0x241: {  	v17 =	vld [tilespmem:s23+$0x3A0]  }
0x242: {  	v19 =	vld [tilespmem:s23+$0x3B0]  }
0x243: {  	v0 =	vld [tilespmem:s23+$0x3C0]  }
0x244: {  	v2 =	vld [tilespmem:s23+$0x3D0]  }
0x245: {  	v11 =	vld [tilespmem:s23+$0x300]  }
0x246: {  	v29 =	vld [tilespmem:s23+$0x310]  }
0x247: {  	v24 =	vld [tilespmem:s23+$0x320]  }
0x248: {  	v27 =	vld [tilespmem:s23+$0x330]  }
0x249: {  	v4 =	vld [tilespmem:s23+$0x340]  }
0x24a: {  	v5 =	vld [tilespmem:s23+$0x350]  }
0x24b: {  	v1 =	vld [tilespmem:s23+$0x280]  }
0x24c: {  	v3 =	vld [tilespmem:s23+$0x290]  }
0x24d: {  	v6 =	vld [tilespmem:s23+$0x2A0]  }
0x24e: {  	v7 =	vld [tilespmem:s23+$0x2B0]  }
0x24f: {  	v8 =	vld [tilespmem:s23+$0x2C0]  }
0x250: {  	v9 =	vld [tilespmem:s23+$0x2D0]  }
0x251: {  	v10 =	vld [tilespmem:s23+$0x200]  }
0x252: {  	v12 =	vld [tilespmem:s23+$0x210]  }
0x253: {  	v14 =	vld [tilespmem:s23+$0x220]  }
0x254: {  	v15 =	vld [tilespmem:s23+$0x230]  }
0x255: {  	v20 =	vld [tilespmem:s23+$0x240]  }
0x256: {  	v18 =	vld [tilespmem:s23+$0x180]  }
0x257: {  	v23 =	vld [tilespmem:s23+$0x190]  }
0x258: {  	v25 =	vld [tilespmem:s23+$0x100]  }
0x259: {  	v26 =	vld [tilespmem:s23+$0x110]  }
0x25a: {  	v21 =	vld [tilespmem:s23+$0x80]  }
0x25b: {  	v28 =	vld [tilespmem:s23+$0x90]  }
0x25c: {  	v30 =	vld [tilespmem:s23+$0x0]  }
0x25d: {  	v31 =	vld [tilespmem:s23+$0x10]  }
0x25e: {  	v62 =	vld [tilespmem:s23+$0x20]  }
0x25f: {  	v63 =	vld [tilespmem:s23+$0x30]  }
0x260: {  	v34 =	vld [tilespmem:s23+$0xA0]  }
0x261: {  	v35 =	vld [tilespmem:s23+$0xB0]  }
0x262: {  	v36 =	vld [tilespmem:s23+$0x120]  }
0x263: {  	v22 =	vimm.f32 $0.0e+00;
	v37 =	vld [tilespmem:s23+$0x130]  }
0x264: {  	v38 =	vld [tilespmem:s23+$0x1A0];
	v30 =	vadd.f32 v30, v22;
	v31 =	vadd.f32 v31, v22  }
0x265: {  	v39 =	vld [tilespmem:s23+$0x40];
	v32 =	vadd.f32 v62, v22;
	v33 =	vadd.f32 v63, v22  }
0x266: {  	v30 =	vadd.f32 v21, v30;
	v28 =	vadd.f32 v28, v31;
	v31 =	vld [tilespmem:s23+$0x1B0]  }
0x267: {  	v40 =	vld [tilespmem:s23+$0x50];
	v32 =	vadd.f32 v34, v32;
	v35 =	vadd.f32 v35, v33  }
0x268: {  	v41 =	vld [tilespmem:s23+$0x60];
	v25 =	vadd.f32 v25, v30;
	v26 =	vadd.f32 v26, v28  }
0x269: {  	v21 =	vld [tilespmem:s23+$0x250];
	v28 =	vadd.f32 v36, v32;
	v30 =	vadd.f32 v37, v35  }
0x26a: {  	v33 =	vld [tilespmem:s23+$0x1C0];
	v18 =	vadd.f32 v18, v25;
	v23 =	vadd.f32 v23, v26  }
0x26b: {  	v34 =	vld [tilespmem:s23+$0x1D0];
	v25 =	vadd.f32 v38, v28;
	v26 =	vadd.f32 v31, v30  }
0x26c: {  	v35 =	vld [tilespmem:s23+$0x140];
	v10 =	vadd.f32 v10, v18;
	v12 =	vadd.f32 v12, v23  }
0x26d: {  	v36 =	vld [tilespmem:s23+$0x150];
	v32 =	vimm.f32 $0.0e+00;
	v14 =	vadd.f32 v14, v25;
	v15 =	vadd.f32 v15, v26  }
0x26e: {  	v37 =	vld [tilespmem:s23+$0xC0];
	v30 =	vimm.f32 $0.0e+00;
	v42 =	vadd.f32 v1, v10;
	v43 =	vadd.f32 v3, v12  }
0x26f: {  	s24 =	simm.s32 $0x1000;
	v38 =	vld [tilespmem:s23+$0xD0];
	v31 =	vimm.f32 $0.0e+00;
	v44 =	vadd.f32 v6, v14;
	v45 =	vadd.f32 v7, v15  }
.LBB2_10:
0x270: {  	p0 =	sne.s32 s24, $0x1F000;
	v10 =	vld [tilespmem:s23+$0x70];
	v1 =	vadd.f32 v11, v42;
	v3 =	vadd.f32 v29, v43  }
0x271: {  	v11 =	vld [tilespmem:s23+$0xE0];
	v6 =	vadd.f32 v24, v44;
	v7 =	vadd.f32 v27, v45  }
0x272: {  	v12 =	vld [tilespmem:s23+$0xF0];
	v1 =	vadd.f32 v13, v1;
	v3 =	vadd.f32 v16, v3  }
0x273: {  	v13 =	vld [tilespmem:s23+$0x160];
	v6 =	vadd.f32 v17, v6;
	v7 =	vadd.f32 v19, v7  }
0x274: {  	v14 =	vadd.f32 v39, v22;
	v15 =	vadd.f32 v40, v32;
	v16 =	vld [tilespmem:s23+$0x170]  }
0x275: {  	v17 =	vadd.f32 v41, v30;
	v10 =	vadd.f32 v10, v31;
	v18 =	vld [tilespmem:s23+$0x1E0]  }
0x276: {  	v14 =	vadd.f32 v37, v14;
	v15 =	vadd.f32 v38, v15;
	v19 =	vld [tilespmem:s23+$0x1F0]  }
0x277: {  	v11 =	vadd.f32 v11, v17;
	v10 =	vadd.f32 v12, v10;
	v12 =	vld [tilespmem:s23+$0x260]  }
0x278: {  	v14 =	vadd.f32 v35, v14;
	v15 =	vadd.f32 v36, v15;
	v17 =	vld [tilespmem:s23+$0x270]  }
0x279: {  	v11 =	vadd.f32 v13, v11;
	v10 =	vadd.f32 v16, v10;
	v16 =	vld [tilespmem:s23+$0x2E0]  }
0x27a: {  	v13 =	vadd.f32 v33, v14;
	v14 =	vadd.f32 v34, v15;
	v15 =	vld [tilespmem:s23+$0x2F0]  }
0x27b: {  	v11 =	vadd.f32 v18, v11;
	v10 =	vadd.f32 v19, v10;
	v18 =	vld [tilespmem:s23+$0x360]  }
0x27c: {  	v13 =	vadd.f32 v20, v13;
	v14 =	vadd.f32 v21, v14;
	v19 =	vld [tilespmem:s23+$0x370]  }
0x27d: {  	v11 =	vadd.f32 v12, v11;
	v10 =	vadd.f32 v17, v10;
	v12 =	vld [tilespmem:s23+$0x3E0]  }
0x27e: {  	v8 =	vadd.f32 v8, v13;
	v9 =	vadd.f32 v9, v14;
	v14 =	vld [tilespmem:s23+$0x3F0];
	s23 =	sshra.s32 s24, $0x2  }
0x27f: {  	v11 =	vadd.f32 v16, v11;
	v13 =	vld [tilespmem:s23+$0x380];
	v10 =	vadd.f32 v15, v10  }
0x280: {  	v4 =	vadd.f32 v4, v8;
	v5 =	vadd.f32 v5, v9;
	v16 =	vld [tilespmem:s23+$0x390]  }
0x281: {  	v8 =	vadd.f32 v18, v11;
	v17 =	vld [tilespmem:s23+$0x3A0];
	v9 =	vadd.f32 v19, v10  }
0x282: {  	v22 =	vadd.f32 v0, v4;
	v32 =	vadd.f32 v2, v5;
	v19 =	vld [tilespmem:s23+$0x3B0]  }
0x283: {  	v30 =	vadd.f32 v12, v8;
	v0 =	vld [tilespmem:s23+$0x3C0];
	v31 =	vadd.f32 v14, v9  }
0x284: {  	v2 =	vld [tilespmem:s23+$0x3D0]  }
0x285: {  	v11 =	vld [tilespmem:s23+$0x300]  }
0x286: {  	v29 =	vld [tilespmem:s23+$0x310]  }
0x287: {  	v24 =	vld [tilespmem:s23+$0x320]  }
0x288: {  	v27 =	vld [tilespmem:s23+$0x330]  }
0x289: {  	v4 =	vld [tilespmem:s23+$0x340]  }
0x28a: {  	v5 =	vld [tilespmem:s23+$0x350]  }
0x28b: {  	v10 =	vld [tilespmem:s23+$0x280]  }
0x28c: {  	v12 =	vld [tilespmem:s23+$0x290]  }
0x28d: {  	v14 =	vld [tilespmem:s23+$0x2A0]  }
0x28e: {  	v15 =	vld [tilespmem:s23+$0x2B0]  }
0x28f: {  	v8 =	vld [tilespmem:s23+$0x2C0]  }
0x290: {  	v9 =	vld [tilespmem:s23+$0x2D0]  }
0x291: {  	v18 =	vld [tilespmem:s23+$0x200]  }
0x292: {  	v23 =	vld [tilespmem:s23+$0x210]  }
0x293: {  	v25 =	vld [tilespmem:s23+$0x220]  }
0x294: {  	v26 =	vld [tilespmem:s23+$0x230]  }
0x295: {  	v20 =	vld [tilespmem:s23+$0x240]  }
0x296: {  	v21 =	vld [tilespmem:s23+$0x250]  }
0x297: {  	v28 =	vld [tilespmem:s23+$0x180]  }
0x298: {  	v37 =	vld [tilespmem:s23+$0x190]  }
0x299: {  	v34 =	vld [tilespmem:s23+$0x100]  }
0x29a: {  	v35 =	vld [tilespmem:s23+$0x110]  }
0x29b: {  	v33 =	vld [tilespmem:s23+$0x80]  }
0x29c: {  	v36 =	vld [tilespmem:s23+$0x90]  }
0x29d: {  	v38 =	vld [tilespmem:s23+$0x0]  }
0x29e: {  	v39 =	vld [tilespmem:s23+$0x10]  }
0x29f: {  	v40 =	vld [tilespmem:s23+$0x20]  }
0x2a0: {  	v41 =	vld [tilespmem:s23+$0x30]  }
0x2a1: {  	v42 =	vld [tilespmem:s23+$0xA0]  }
0x2a2: {  	v43 =	vld [tilespmem:s23+$0xB0]  }
0x2a3: {  	v44 =	vld [tilespmem:s23+$0x120]  }
0x2a4: {  	v1 =	vadd.f32 v38, v1;
	v3 =	vadd.f32 v39, v3;
	v38 =	vld [tilespmem:s23+$0x130]  }
0x2a5: {  	v6 =	vadd.f32 v40, v6;
	v7 =	vadd.f32 v41, v7;
	v39 =	vld [tilespmem:s23+$0x1A0]  }
0x2a6: {  	v1 =	vadd.f32 v33, v1;
	v3 =	vadd.f32 v36, v3;
	v40 =	vld [tilespmem:s23+$0x1B0]  }
0x2a7: {  	v6 =	vadd.f32 v42, v6;
	v7 =	vadd.f32 v43, v7;
	v33 =	vld [tilespmem:s23+$0x1C0]  }
0x2a8: {  	v1 =	vadd.f32 v34, v1;
	v3 =	vadd.f32 v35, v3;
	v34 =	vld [tilespmem:s23+$0x1D0]  }
0x2a9: {  	v6 =	vadd.f32 v44, v6;
	v7 =	vadd.f32 v38, v7;
	v35 =	vld [tilespmem:s23+$0x140]  }
0x2aa: {  	v1 =	vadd.f32 v28, v1;
	v3 =	vadd.f32 v37, v3;
	v36 =	vld [tilespmem:s23+$0x150]  }
.Ltmp4:
0x2ab: {  	v6 =	vadd.f32 v39, v6;
	v37 =	vld [tilespmem:s23+$0xC0];
	v7 =	vadd.f32 v40, v7;
	(pc) =	sbr.rel @p0 .LBB2_10-.Ltmp4, $4  }
0x2ac: {  	v1 =	vadd.f32 v18, v1;
	v3 =	vadd.f32 v23, v3;
	v38 =	vld [tilespmem:s23+$0xD0]  }
0x2ad: {  	v6 =	vadd.f32 v25, v6;
	v39 =	vld [tilespmem:s23+$0x40];
	v7 =	vadd.f32 v26, v7  }
0x2ae: {  	v42 =	vadd.f32 v10, v1;
	v43 =	vadd.f32 v12, v3;
	v40 =	vld [tilespmem:s23+$0x50]  }
0x2af: {  	s24 =	sadd.s32 $0x1000, s24;
	v44 =	vadd.f32 v14, v6;
	v41 =	vld [tilespmem:s23+$0x60];
	v45 =	vadd.f32 v15, v7  }
0x2b0: {  	v46 =	vld [tilespmem:s23+$0x70]  }
0x2b1: {  	v47 =	vld [tilespmem:s23+$0xE0]  }
0x2b2: {  	v48 =	vld [tilespmem:s23+$0xF0]  }
0x2b3: {  	v49 =	vld [tilespmem:s23+$0x160]  }
0x2b4: {  	v50 =	vld [tilespmem:s23+$0x170]  }
0x2b5: {  	v51 =	vld [tilespmem:s23+$0x1E0]  }
0x2b6: {  	v52 =	vld [tilespmem:s23+$0x1F0]  }
0x2b7: {  	v53 =	vld [tilespmem:s23+$0x260]  }
0x2b8: {  	v54 =	vld [tilespmem:s23+$0x270]  }
0x2b9: {  	v55 =	vld [tilespmem:s23+$0x2E0]  }
0x2ba: {  	v56 =	vld [tilespmem:s23+$0x2F0]  }
0x2bb: {  	v57 =	vld [tilespmem:s23+$0x360]  }
0x2bc: {  	v58 =	vld [tilespmem:s23+$0x370]  }
0x2bd: {  	v59 =	vld [tilespmem:s23+$0x3E0]  }
0x2be: {  	v60 =	vld [tilespmem:s23+$0x3F0];
	_ =	swait.ge [sflag:s19], $0x8000  }
0x2bf: {  	[sflag:s19] =	ssyncset.done $0x0  }
0x2c0: {  	s23 =	simm.s32 $0x0;
	[sflag:s19] =	ssyncadd.s32 $0xFFFF8000  }
0x2c1: {  	v12 =	vld [tilespmem:s23+$0x8380]  }
0x2c2: {  	v14 =	vld [tilespmem:s23+$0x8390]  }
0x2c3: {  	v15 =	vld [tilespmem:s23+$0x83A0]  }
0x2c4: {  	v18 =	vld [tilespmem:s23+$0x83B0]  }
0x2c5: {  	v1 =	vld [tilespmem:s23+$0x83C0]  }
0x2c6: {  	v3 =	vld [tilespmem:s23+$0x83D0]  }
0x2c7: {  	v25 =	vld [tilespmem:s23+$0x8300]  }
0x2c8: {  	v28 =	vld [tilespmem:s23+$0x8310]  }
0x2c9: {  	v23 =	vld [tilespmem:s23+$0x8320]  }
0x2ca: {  	v26 =	vld [tilespmem:s23+$0x8330]  }
0x2cb: {  	v7 =	vld [tilespmem:s23+$0x8340]  }
0x2cc: {  	v6 =	vld [tilespmem:s23+$0x8350]  }
0x2cd: {  	v61 =	vld [tilespmem:s23+$0x8280]  }
0x2ce: {  	v62 =	vld [tilespmem:s23+$0x8290]  }
0x2cf: {  	v42 =	vadd.f32 v11, v42;
	v29 =	vadd.f32 v29, v43;
	v63 =	vld [tilespmem:s23+$0x82A0]  }
0x2d0: {  	v24 =	vadd.f32 v24, v44;
	v27 =	vadd.f32 v27, v45;
	v10 =	vld [tilespmem:s23+$0x82B0]  }
0x2d1: {  	v29 =	vadd.f32 v16, v29;
	v16 =	vadd.f32 v39, v22;
	v11 =	vld [tilespmem:s23+$0x82D0]  }
0x2d2: {  	v43 =	vld [tilespmem:s23+$0x8200];
	v17 =	vadd.f32 v17, v24;
	v19 =	vadd.f32 v19, v27  }
0x2d3: {  	v44 =	vld [tilespmem:s23+$0x8210];
	v22 =	vadd.f32 v40, v32;
	v24 =	vadd.f32 v41, v30  }
0x2d4: {  	v45 =	vld [tilespmem:s23+$0x8220];
	v30 =	vadd.f32 v37, v16;
	v27 =	vadd.f32 v46, v31  }
0x2d5: {  	v40 =	vld [tilespmem:s23+$0x8230];
	v22 =	vadd.f32 v38, v22;
	v24 =	vadd.f32 v47, v24  }
0x2d6: {  	v31 =	vld [tilespmem:s23+$0x8180];
	v30 =	vadd.f32 v35, v30;
	v27 =	vadd.f32 v48, v27  }
0x2d7: {  	v22 =	vadd.f32 v36, v22;
	v48 =	vld [tilespmem:s23+$0x8190];
	v24 =	vadd.f32 v49, v24  }
0x2d8: {  	v49 =	vld [tilespmem:s23+$0x8100];
	v30 =	vadd.f32 v33, v30;
	v27 =	vadd.f32 v50, v27  }
0x2d9: {  	v22 =	vadd.f32 v34, v22;
	v50 =	vld [tilespmem:s23+$0x8110];
	v24 =	vadd.f32 v51, v24  }
0x2da: {  	v20 =	vadd.f32 v20, v30;
	v30 =	vld [tilespmem:s23+$0x8000];
	v27 =	vadd.f32 v52, v27  }
0x2db: {  	v42 =	vadd.f32 v13, v42;
	v52 =	vld [tilespmem:s23+$0x8080];
	v21 =	vadd.f32 v21, v22  }
0x2dc: {  	v22 =	vld [tilespmem:s23+$0x8090];
	v24 =	vadd.f32 v53, v24;
	v27 =	vadd.f32 v54, v27  }
0x2dd: {  	v8 =	vadd.f32 v8, v20;
	v20 =	vld [tilespmem:s23+$0x8010];
	v9 =	vadd.f32 v9, v21  }
0x2de: {  	v21 =	vadd.f32 v55, v24;
	v24 =	vadd.f32 v56, v27;
	v27 =	vld [tilespmem:s23+$0x8020]  }
0x2df: {  	v4 =	vadd.f32 v4, v8;
	v8 =	vadd.f32 v5, v9;
	v9 =	vld [tilespmem:s23+$0x8030]  }
0x2e0: {  	v21 =	vadd.f32 v57, v21;
	v24 =	vadd.f32 v58, v24;
	v58 =	vld [tilespmem:s23+$0x80A0]  }
0x2e1: {  	v5 =	vadd.f32 v0, v4;
	v2 =	vadd.f32 v2, v8;
	v8 =	vld [tilespmem:s23+$0x80B0]  }
0x2e2: {  	v20 =	vadd.f32 v20, v29;
	v29 =	vld [tilespmem:s23+$0x8130];
	v4 =	vadd.f32 v59, v21  }
0x2e3: {  	v21 =	vadd.f32 v30, v42;
	v0 =	vadd.f32 v60, v24;
	v24 =	vld [tilespmem:s23+$0x8120]  }
0x2e4: {  	v30 =	vld [tilespmem:s23+$0x81B0];
	v17 =	vadd.f32 v27, v17;
	v9 =	vadd.f32 v9, v19  }
0x2e5: {  	v22 =	vadd.f32 v22, v20;
	v19 =	vld [tilespmem:s23+$0x81A0];
	v21 =	vadd.f32 v52, v21  }
0x2e6: {  	v13 =	vld [tilespmem:s23+$0x8240];
	v17 =	vadd.f32 v58, v17;
	v8 =	vadd.f32 v8, v9  }
0x2e7: {  	v32 =	vld [tilespmem:s23+$0x8060];
	v27 =	vadd.f32 v50, v22;
	v9 =	vadd.f32 v49, v21  }
0x2e8: {  	v16 =	vld [tilespmem:s23+$0x8250];
	v17 =	vadd.f32 v24, v17;
	v8 =	vadd.f32 v29, v8  }
0x2e9: {  	[tilespmem:$0x1FFD0] =	vst v10;
	v10 =	vld [tilespmem:s23+$0x82C0];
	v9 =	vadd.f32 v31, v9;
	v31 =	vadd.f32 v48, v27  }
0x2ea: {  	v20 =	vld [tilespmem:s23+$0x81C0];
	v17 =	vadd.f32 v19, v17;
	v8 =	vadd.f32 v30, v8  }
0x2eb: {  	v22 =	vld [tilespmem:s23+$0x8140];
	v9 =	vadd.f32 v43, v9;
	v19 =	vadd.f32 v44, v31  }
0x2ec: {  	v21 =	vld [tilespmem:s23+$0x81D0];
	v60 =	vadd.f32 v40, v8  }
0x2ed: {  	v8 =	vadd.f32 v61, v9;
	v9 =	vadd.f32 v62, v19;
	v19 =	vld [tilespmem:$0x1FFD0]  }
0x2ee: {  	v24 =	vld [tilespmem:s23+$0x8150]  }
0x2ef: {  	v27 =	vld [tilespmem:s23+$0x80C0]  }
0x2f0: {  	v29 =	vld [tilespmem:s23+$0x80D0];
	v17 =	vadd.f32 v45, v17  }
0x2f1: {  	v30 =	vld [tilespmem:s23+$0x8040]  }
0x2f2: {  	s24 =	simm.s32 $0x1000;
	v31 =	vld [tilespmem:s23+$0x8050];
	v17 =	vadd.f32 v63, v17;
	v19 =	vadd.f32 v19, v60  }
.LBB2_12:
0x2f3: {  	p0 =	sne.s32 s24, $0x1F000;
	v33 =	vld [tilespmem:s23+$0x8070];
	v8 =	vadd.f32 v25, v8;
	v9 =	vadd.f32 v28, v9  }
0x2f4: {  	v25 =	vld [tilespmem:s23+$0x80E0];
	v17 =	vadd.f32 v23, v17;
	v19 =	vadd.f32 v26, v19  }
0x2f5: {  	v23 =	vld [tilespmem:s23+$0x80F0];
	v8 =	vadd.f32 v12, v8;
	v9 =	vadd.f32 v14, v9  }
0x2f6: {  	v12 =	vld [tilespmem:s23+$0x8160];
	v17 =	vadd.f32 v15, v17;
	v19 =	vadd.f32 v18, v19  }
0x2f7: {  	v5 =	vadd.f32 v30, v5;
	v2 =	vadd.f32 v31, v2;
	v14 =	vld [tilespmem:s23+$0x8170]  }
0x2f8: {  	v4 =	vadd.f32 v32, v4;
	v0 =	vadd.f32 v33, v0;
	v15 =	vld [tilespmem:s23+$0x81E0]  }
0x2f9: {  	v5 =	vadd.f32 v27, v5;
	v2 =	vadd.f32 v29, v2;
	v18 =	vld [tilespmem:s23+$0x81F0]  }
0x2fa: {  	v4 =	vadd.f32 v25, v4;
	v0 =	vadd.f32 v23, v0;
	v23 =	vld [tilespmem:s23+$0x8260]  }
0x2fb: {  	v5 =	vadd.f32 v22, v5;
	v2 =	vadd.f32 v24, v2;
	v22 =	vld [tilespmem:s23+$0x8270]  }
0x2fc: {  	v4 =	vadd.f32 v12, v4;
	v0 =	vadd.f32 v14, v0;
	v14 =	vld [tilespmem:s23+$0x82E0]  }
0x2fd: {  	v5 =	vadd.f32 v20, v5;
	v2 =	vadd.f32 v21, v2;
	v20 =	vld [tilespmem:s23+$0x82F0]  }
0x2fe: {  	v4 =	vadd.f32 v15, v4;
	v0 =	vadd.f32 v18, v0;
	v18 =	vld [tilespmem:s23+$0x8360]  }
0x2ff: {  	v5 =	vadd.f32 v13, v5;
	v2 =	vadd.f32 v16, v2;
	v13 =	vld [tilespmem:s23+$0x8370]  }
0x300: {  	v4 =	vadd.f32 v23, v4;
	v0 =	vadd.f32 v22, v0;
	v16 =	vld [tilespmem:s23+$0x83E0]  }
0x301: {  	v5 =	vadd.f32 v10, v5;
	v2 =	vadd.f32 v11, v2;
	v10 =	vld [tilespmem:s23+$0x83F0];
	s23 =	sshra.s32 s24, $0x2  }
0x302: {  	v4 =	vadd.f32 v14, v4;
	v12 =	vld [tilespmem:s23+$0x8380];
	v0 =	vadd.f32 v20, v0  }
0x303: {  	v5 =	vadd.f32 v7, v5;
	v2 =	vadd.f32 v6, v2;
	v14 =	vld [tilespmem:s23+$0x8390]  }
0x304: {  	v4 =	vadd.f32 v18, v4;
	v15 =	vld [tilespmem:s23+$0x83A0];
	v0 =	vadd.f32 v13, v0  }
0x305: {  	v5 =	vadd.f32 v1, v5;
	v2 =	vadd.f32 v3, v2;
	v18 =	vld [tilespmem:s23+$0x83B0]  }
0x306: {  	v4 =	vadd.f32 v16, v4;
	v1 =	vld [tilespmem:s23+$0x83C0];
	v0 =	vadd.f32 v10, v0  }
0x307: {  	v3 =	vld [tilespmem:s23+$0x83D0]  }
0x308: {  	v25 =	vld [tilespmem:s23+$0x8300]  }
0x309: {  	v28 =	vld [tilespmem:s23+$0x8310]  }
0x30a: {  	v23 =	vld [tilespmem:s23+$0x8320]  }
0x30b: {  	v26 =	vld [tilespmem:s23+$0x8330]  }
0x30c: {  	v7 =	vld [tilespmem:s23+$0x8340]  }
0x30d: {  	v6 =	vld [tilespmem:s23+$0x8350]  }
0x30e: {  	v32 =	vld [tilespmem:s23+$0x8280]  }
0x30f: {  	v33 =	vld [tilespmem:s23+$0x8290]  }
0x310: {  	v34 =	vld [tilespmem:s23+$0x82A0]  }
0x311: {  	v35 =	vld [tilespmem:s23+$0x82B0]  }
0x312: {  	v10 =	vld [tilespmem:s23+$0x82C0]  }
0x313: {  	v11 =	vld [tilespmem:s23+$0x82D0]  }
0x314: {  	v30 =	vld [tilespmem:s23+$0x8200]  }
0x315: {  	v31 =	vld [tilespmem:s23+$0x8210]  }
0x316: {  	v36 =	vld [tilespmem:s23+$0x8220]  }
0x317: {  	v37 =	vld [tilespmem:s23+$0x8230]  }
0x318: {  	v13 =	vld [tilespmem:s23+$0x8240]  }
0x319: {  	v16 =	vld [tilespmem:s23+$0x8250]  }
0x31a: {  	v27 =	vld [tilespmem:s23+$0x8180]  }
0x31b: {  	v29 =	vld [tilespmem:s23+$0x8190]  }
0x31c: {  	v21 =	vld [tilespmem:s23+$0x8100]  }
0x31d: {  	v22 =	vld [tilespmem:s23+$0x8110]  }
0x31e: {  	v20 =	vld [tilespmem:s23+$0x8080]  }
0x31f: {  	v24 =	vld [tilespmem:s23+$0x8090]  }
0x320: {  	v38 =	vld [tilespmem:s23+$0x8000]  }
0x321: {  	v39 =	vld [tilespmem:s23+$0x8010]  }
0x322: {  	v40 =	vld [tilespmem:s23+$0x8020]  }
0x323: {  	v41 =	vld [tilespmem:s23+$0x8030]  }
0x324: {  	v42 =	vld [tilespmem:s23+$0x80A0]  }
0x325: {  	v43 =	vld [tilespmem:s23+$0x80B0]  }
0x326: {  	v44 =	vld [tilespmem:s23+$0x8120]  }
0x327: {  	v8 =	vadd.f32 v38, v8;
	v9 =	vadd.f32 v39, v9;
	v38 =	vld [tilespmem:s23+$0x8130]  }
0x328: {  	v17 =	vadd.f32 v40, v17;
	v19 =	vadd.f32 v41, v19;
	v39 =	vld [tilespmem:s23+$0x81A0]  }
0x329: {  	v8 =	vadd.f32 v20, v8;
	v9 =	vadd.f32 v24, v9;
	v40 =	vld [tilespmem:s23+$0x81B0]  }
0x32a: {  	v17 =	vadd.f32 v42, v17;
	v19 =	vadd.f32 v43, v19;
	v20 =	vld [tilespmem:s23+$0x81C0]  }
0x32b: {  	v8 =	vadd.f32 v21, v8;
	v9 =	vadd.f32 v22, v9;
	v21 =	vld [tilespmem:s23+$0x81D0]  }
0x32c: {  	v17 =	vadd.f32 v44, v17;
	v19 =	vadd.f32 v38, v19;
	v22 =	vld [tilespmem:s23+$0x8140]  }
0x32d: {  	v8 =	vadd.f32 v27, v8;
	v9 =	vadd.f32 v29, v9;
	v24 =	vld [tilespmem:s23+$0x8150]  }
.Ltmp5:
0x32e: {  	v17 =	vadd.f32 v39, v17;
	v27 =	vld [tilespmem:s23+$0x80C0];
	v19 =	vadd.f32 v40, v19;
	(pc) =	sbr.rel @p0 .LBB2_12-.Ltmp5, $4  }
0x32f: {  	v8 =	vadd.f32 v30, v8;
	v9 =	vadd.f32 v31, v9;
	v29 =	vld [tilespmem:s23+$0x80D0]  }
0x330: {  	v17 =	vadd.f32 v36, v17;
	v30 =	vld [tilespmem:s23+$0x8040];
	v19 =	vadd.f32 v37, v19  }
0x331: {  	v8 =	vadd.f32 v32, v8;
	v9 =	vadd.f32 v33, v9;
	v31 =	vld [tilespmem:s23+$0x8050]  }
0x332: {  	s24 =	sadd.s32 $0x1000, s24;
	v17 =	vadd.f32 v34, v17;
	v32 =	vld [tilespmem:s23+$0x8060];
	v19 =	vadd.f32 v35, v19  }
0x333: {  	v8 =	vadd.f32 v25, v8;
	v9 =	vadd.f32 v28, v9  }
0x334: {  	v33 =	vld [tilespmem:s23+$0x8070];
	v17 =	vadd.f32 v23, v17;
	v19 =	vadd.f32 v26, v19  }
0x335: {  	v25 =	vld [tilespmem:s23+$0x80E0];
	v8 =	vadd.f32 v12, v8;
	v9 =	vadd.f32 v14, v9  }
0x336: {  	v23 =	vld [tilespmem:s23+$0x80F0];
	v5 =	vadd.f32 v30, v5;
	v14 =	vadd.f32 v15, v17  }
0x337: {  	v12 =	vld [tilespmem:s23+$0x8160];
	v15 =	vadd.f32 v18, v19;
	v2 =	vadd.f32 v31, v2  }
0x338: {  	v17 =	vld [tilespmem:s23+$0x8170];
	v4 =	vadd.f32 v32, v4;
	v5 =	vadd.f32 v27, v5  }
0x339: {  	v18 =	vld [tilespmem:s23+$0x81E0];
	v0 =	vadd.f32 v33, v0;
	v2 =	vadd.f32 v29, v2  }
0x33a: {  	v19 =	vld [tilespmem:s23+$0x81F0];
	v4 =	vadd.f32 v25, v4;
	v5 =	vadd.f32 v22, v5  }
0x33b: {  	v25 =	vld [tilespmem:s23+$0x8260];
	v0 =	vadd.f32 v23, v0;
	v2 =	vadd.f32 v24, v2  }
0x33c: {  	v22 =	vld [tilespmem:s23+$0x8270];
	v4 =	vadd.f32 v12, v4;
	v5 =	vadd.f32 v20, v5  }
0x33d: {  	v12 =	vld [tilespmem:s23+$0x82E0];
	v0 =	vadd.f32 v17, v0;
	v2 =	vadd.f32 v21, v2  }
0x33e: {  	v17 =	vld [tilespmem:s23+$0x82F0];
	v4 =	vadd.f32 v18, v4;
	v5 =	vadd.f32 v13, v5  }
0x33f: {  	v18 =	vld [tilespmem:s23+$0x8360];
	v0 =	vadd.f32 v19, v0;
	v2 =	vadd.f32 v16, v2  }
0x340: {  	v13 =	vld [tilespmem:s23+$0x8370];
	v4 =	vadd.f32 v25, v4;
	v5 =	vadd.f32 v10, v5  }
0x341: {  	v16 =	vld [tilespmem:s23+$0x83E0];
	v0 =	vadd.f32 v22, v0;
	v2 =	vadd.f32 v11, v2  }
0x342: {  	v10 =	vld [tilespmem:s23+$0x83F0];
	[tilespmem:$0x10000] =	vst v8;
	v4 =	vadd.f32 v12, v4;
	v5 =	vadd.f32 v7, v5  }
0x343: {  	[tilespmem:$0x10010] =	vst v9;
	v0 =	vadd.f32 v17, v0;
	v2 =	vadd.f32 v6, v2  }
0x344: {  	[tilespmem:$0x10020] =	vst v14;
	v4 =	vadd.f32 v18, v4;
	v1 =	vadd.f32 v1, v5  }
0x345: {  	[tilespmem:$0x10030] =	vst v15;
	v0 =	vadd.f32 v13, v0;
	v2 =	vadd.f32 v3, v2  }
0x346: {  	v3 =	vadd.f32 v16, v4;
	[tilespmem:$0x10040] =	vst v1  }
0x347: {  	v0 =	vadd.f32 v10, v0;
	[tilespmem:$0x10050] =	vst v2  }
0x348: {  	[tilespmem:$0x10060] =	vst v3  }
0x349: {  	s31 =	simm.s32 $0x0;
	[tilespmem:$0x10070] =	vst v0  }
0x34a: {  	[hbm4b:s11+s31] =	stream.linear.scatter [tilespmem:s20], [sflag:$0x3], $0x80, $0x38;
	[tilespmem:$0x10080] =	vst v63  }
0x34b: {  	_ =	swait.ge [sflag:s21], $0x80  }
0x34c: {  	[sflag:s21] =	ssyncset.done $0x0  }
0x34d: {  	[sflag:s21] =	ssyncadd.s32 $0xFFFFFF80  }
0x34e: {  	[tilespmem:s31], [sflag:$0x1] =	stream.strided.gather [hbm4b:s12+s16], $0x8000, s17, s16, $0x38;
	[tilespmem:$0x10080] =	vst v63  }
0x34f: {  	_ = 	snop  }
0x350: {  	[tilespmem:s17], [sflag:$0x2] =	stream.strided.gather [hbm4b:s13+s16], $0x8000, s17, s16, $0x38;
	[tilespmem:$0x10080] =	vst v63  }
0x351: {  	_ =	swait.ge [sflag:s18], $0x8000  }
0x352: {  	[sflag:s18] =	ssyncset.done $0x0  }
0x353: {  	s23 =	simm.s32 $0x0;
	[sflag:s18] =	ssyncadd.s32 $0xFFFF8000  }
0x354: {  	v13 =	vld [tilespmem:s23+$0x380]  }
0x355: {  	v16 =	vld [tilespmem:s23+$0x390]  }
0x356: {  	v17 =	vld [tilespmem:s23+$0x3A0]  }
0x357: {  	v19 =	vld [tilespmem:s23+$0x3B0]  }
0x358: {  	v0 =	vld [tilespmem:s23+$0x3C0]  }
0x359: {  	v2 =	vld [tilespmem:s23+$0x3D0]  }
0x35a: {  	v11 =	vld [tilespmem:s23+$0x300]  }
0x35b: {  	v29 =	vld [tilespmem:s23+$0x310]  }
0x35c: {  	v24 =	vld [tilespmem:s23+$0x320]  }
0x35d: {  	v27 =	vld [tilespmem:s23+$0x330]  }
0x35e: {  	v4 =	vld [tilespmem:s23+$0x340]  }
0x35f: {  	v5 =	vld [tilespmem:s23+$0x350]  }
0x360: {  	v1 =	vld [tilespmem:s23+$0x280]  }
0x361: {  	v3 =	vld [tilespmem:s23+$0x290]  }
0x362: {  	v6 =	vld [tilespmem:s23+$0x2A0]  }
0x363: {  	v7 =	vld [tilespmem:s23+$0x2B0]  }
0x364: {  	v8 =	vld [tilespmem:s23+$0x2C0]  }
0x365: {  	v9 =	vld [tilespmem:s23+$0x2D0]  }
0x366: {  	v10 =	vld [tilespmem:s23+$0x200]  }
0x367: {  	v12 =	vld [tilespmem:s23+$0x210]  }
0x368: {  	v14 =	vld [tilespmem:s23+$0x220]  }
0x369: {  	v15 =	vld [tilespmem:s23+$0x230]  }
0x36a: {  	v20 =	vld [tilespmem:s23+$0x240]  }
0x36b: {  	v18 =	vld [tilespmem:s23+$0x180]  }
0x36c: {  	v23 =	vld [tilespmem:s23+$0x190]  }
0x36d: {  	v25 =	vld [tilespmem:s23+$0x100]  }
0x36e: {  	v26 =	vld [tilespmem:s23+$0x110]  }
0x36f: {  	v21 =	vld [tilespmem:s23+$0x80]  }
0x370: {  	v28 =	vld [tilespmem:s23+$0x90]  }
0x371: {  	v30 =	vld [tilespmem:s23+$0x0]  }
0x372: {  	v31 =	vld [tilespmem:s23+$0x10]  }
0x373: {  	v62 =	vld [tilespmem:s23+$0x20]  }
0x374: {  	v63 =	vld [tilespmem:s23+$0x30]  }
0x375: {  	v34 =	vld [tilespmem:s23+$0xA0]  }
0x376: {  	v35 =	vld [tilespmem:s23+$0xB0]  }
0x377: {  	v36 =	vld [tilespmem:s23+$0x120]  }
0x378: {  	v22 =	vimm.f32 $0.0e+00;
	v37 =	vld [tilespmem:s23+$0x130]  }
0x379: {  	v38 =	vld [tilespmem:s23+$0x1A0];
	v30 =	vadd.f32 v30, v22;
	v31 =	vadd.f32 v31, v22  }
0x37a: {  	v39 =	vld [tilespmem:s23+$0x40];
	v32 =	vadd.f32 v62, v22;
	v33 =	vadd.f32 v63, v22  }
0x37b: {  	v30 =	vadd.f32 v21, v30;
	v28 =	vadd.f32 v28, v31;
	v31 =	vld [tilespmem:s23+$0x1B0]  }
0x37c: {  	v40 =	vld [tilespmem:s23+$0x50];
	v32 =	vadd.f32 v34, v32;
	v35 =	vadd.f32 v35, v33  }
0x37d: {  	v41 =	vld [tilespmem:s23+$0x60];
	v25 =	vadd.f32 v25, v30;
	v26 =	vadd.f32 v26, v28  }
0x37e: {  	v21 =	vld [tilespmem:s23+$0x250];
	v28 =	vadd.f32 v36, v32;
	v30 =	vadd.f32 v37, v35  }
0x37f: {  	v33 =	vld [tilespmem:s23+$0x1C0];
	v18 =	vadd.f32 v18, v25;
	v23 =	vadd.f32 v23, v26  }
0x380: {  	v34 =	vld [tilespmem:s23+$0x1D0];
	v25 =	vadd.f32 v38, v28;
	v26 =	vadd.f32 v31, v30  }
0x381: {  	v35 =	vld [tilespmem:s23+$0x140];
	v10 =	vadd.f32 v10, v18;
	v12 =	vadd.f32 v12, v23  }
0x382: {  	v36 =	vld [tilespmem:s23+$0x150];
	v32 =	vimm.f32 $0.0e+00;
	v14 =	vadd.f32 v14, v25;
	v15 =	vadd.f32 v15, v26  }
0x383: {  	v37 =	vld [tilespmem:s23+$0xC0];
	v30 =	vimm.f32 $0.0e+00;
	v42 =	vadd.f32 v1, v10;
	v43 =	vadd.f32 v3, v12  }
0x384: {  	s24 =	simm.s32 $0x1000;
	v38 =	vld [tilespmem:s23+$0xD0];
	v31 =	vimm.f32 $0.0e+00;
	v44 =	vadd.f32 v6, v14;
	v45 =	vadd.f32 v7, v15  }
.LBB2_14:
0x385: {  	p0 =	sne.s32 s24, $0x1F000;
	v10 =	vld [tilespmem:s23+$0x70];
	v1 =	vadd.f32 v11, v42;
	v3 =	vadd.f32 v29, v43  }
0x386: {  	v11 =	vld [tilespmem:s23+$0xE0];
	v6 =	vadd.f32 v24, v44;
	v7 =	vadd.f32 v27, v45  }
0x387: {  	v12 =	vld [tilespmem:s23+$0xF0];
	v1 =	vadd.f32 v13, v1;
	v3 =	vadd.f32 v16, v3  }
0x388: {  	v13 =	vld [tilespmem:s23+$0x160];
	v6 =	vadd.f32 v17, v6;
	v7 =	vadd.f32 v19, v7  }
0x389: {  	v14 =	vadd.f32 v39, v22;
	v15 =	vadd.f32 v40, v32;
	v16 =	vld [tilespmem:s23+$0x170]  }
0x38a: {  	v17 =	vadd.f32 v41, v30;
	v10 =	vadd.f32 v10, v31;
	v18 =	vld [tilespmem:s23+$0x1E0]  }
0x38b: {  	v14 =	vadd.f32 v37, v14;
	v15 =	vadd.f32 v38, v15;
	v19 =	vld [tilespmem:s23+$0x1F0]  }
0x38c: {  	v11 =	vadd.f32 v11, v17;
	v10 =	vadd.f32 v12, v10;
	v12 =	vld [tilespmem:s23+$0x260]  }
0x38d: {  	v14 =	vadd.f32 v35, v14;
	v15 =	vadd.f32 v36, v15;
	v17 =	vld [tilespmem:s23+$0x270]  }
0x38e: {  	v11 =	vadd.f32 v13, v11;
	v10 =	vadd.f32 v16, v10;
	v16 =	vld [tilespmem:s23+$0x2E0]  }
0x38f: {  	v13 =	vadd.f32 v33, v14;
	v14 =	vadd.f32 v34, v15;
	v15 =	vld [tilespmem:s23+$0x2F0]  }
0x390: {  	v11 =	vadd.f32 v18, v11;
	v10 =	vadd.f32 v19, v10;
	v18 =	vld [tilespmem:s23+$0x360]  }
0x391: {  	v13 =	vadd.f32 v20, v13;
	v14 =	vadd.f32 v21, v14;
	v19 =	vld [tilespmem:s23+$0x370]  }
0x392: {  	v11 =	vadd.f32 v12, v11;
	v10 =	vadd.f32 v17, v10;
	v12 =	vld [tilespmem:s23+$0x3E0]  }
0x393: {  	v8 =	vadd.f32 v8, v13;
	v9 =	vadd.f32 v9, v14;
	v14 =	vld [tilespmem:s23+$0x3F0];
	s23 =	sshra.s32 s24, $0x2  }
0x394: {  	v11 =	vadd.f32 v16, v11;
	v13 =	vld [tilespmem:s23+$0x380];
	v10 =	vadd.f32 v15, v10  }
0x395: {  	v4 =	vadd.f32 v4, v8;
	v5 =	vadd.f32 v5, v9;
	v16 =	vld [tilespmem:s23+$0x390]  }
0x396: {  	v8 =	vadd.f32 v18, v11;
	v17 =	vld [tilespmem:s23+$0x3A0];
	v9 =	vadd.f32 v19, v10  }
0x397: {  	v22 =	vadd.f32 v0, v4;
	v32 =	vadd.f32 v2, v5;
	v19 =	vld [tilespmem:s23+$0x3B0]  }
0x398: {  	v30 =	vadd.f32 v12, v8;
	v0 =	vld [tilespmem:s23+$0x3C0];
	v31 =	vadd.f32 v14, v9  }
0x399: {  	v2 =	vld [tilespmem:s23+$0x3D0]  }
0x39a: {  	v11 =	vld [tilespmem:s23+$0x300]  }
0x39b: {  	v29 =	vld [tilespmem:s23+$0x310]  }
0x39c: {  	v24 =	vld [tilespmem:s23+$0x320]  }
0x39d: {  	v27 =	vld [tilespmem:s23+$0x330]  }
0x39e: {  	v4 =	vld [tilespmem:s23+$0x340]  }
0x39f: {  	v5 =	vld [tilespmem:s23+$0x350]  }
0x3a0: {  	v10 =	vld [tilespmem:s23+$0x280]  }
0x3a1: {  	v12 =	vld [tilespmem:s23+$0x290]  }
0x3a2: {  	v14 =	vld [tilespmem:s23+$0x2A0]  }
0x3a3: {  	v15 =	vld [tilespmem:s23+$0x2B0]  }
0x3a4: {  	v8 =	vld [tilespmem:s23+$0x2C0]  }
0x3a5: {  	v9 =	vld [tilespmem:s23+$0x2D0]  }
0x3a6: {  	v18 =	vld [tilespmem:s23+$0x200]  }
0x3a7: {  	v23 =	vld [tilespmem:s23+$0x210]  }
0x3a8: {  	v25 =	vld [tilespmem:s23+$0x220]  }
0x3a9: {  	v26 =	vld [tilespmem:s23+$0x230]  }
0x3aa: {  	v20 =	vld [tilespmem:s23+$0x240]  }
0x3ab: {  	v21 =	vld [tilespmem:s23+$0x250]  }
0x3ac: {  	v28 =	vld [tilespmem:s23+$0x180]  }
0x3ad: {  	v37 =	vld [tilespmem:s23+$0x190]  }
0x3ae: {  	v34 =	vld [tilespmem:s23+$0x100]  }
0x3af: {  	v35 =	vld [tilespmem:s23+$0x110]  }
0x3b0: {  	v33 =	vld [tilespmem:s23+$0x80]  }
0x3b1: {  	v36 =	vld [tilespmem:s23+$0x90]  }
0x3b2: {  	v38 =	vld [tilespmem:s23+$0x0]  }
0x3b3: {  	v39 =	vld [tilespmem:s23+$0x10]  }
0x3b4: {  	v40 =	vld [tilespmem:s23+$0x20]  }
0x3b5: {  	v41 =	vld [tilespmem:s23+$0x30]  }
0x3b6: {  	v42 =	vld [tilespmem:s23+$0xA0]  }
0x3b7: {  	v43 =	vld [tilespmem:s23+$0xB0]  }
0x3b8: {  	v44 =	vld [tilespmem:s23+$0x120]  }
0x3b9: {  	v1 =	vadd.f32 v38, v1;
	v3 =	vadd.f32 v39, v3;
	v38 =	vld [tilespmem:s23+$0x130]  }
0x3ba: {  	v6 =	vadd.f32 v40, v6;
	v7 =	vadd.f32 v41, v7;
	v39 =	vld [tilespmem:s23+$0x1A0]  }
0x3bb: {  	v1 =	vadd.f32 v33, v1;
	v3 =	vadd.f32 v36, v3;
	v40 =	vld [tilespmem:s23+$0x1B0]  }
0x3bc: {  	v6 =	vadd.f32 v42, v6;
	v7 =	vadd.f32 v43, v7;
	v33 =	vld [tilespmem:s23+$0x1C0]  }
0x3bd: {  	v1 =	vadd.f32 v34, v1;
	v3 =	vadd.f32 v35, v3;
	v34 =	vld [tilespmem:s23+$0x1D0]  }
0x3be: {  	v6 =	vadd.f32 v44, v6;
	v7 =	vadd.f32 v38, v7;
	v35 =	vld [tilespmem:s23+$0x140]  }
0x3bf: {  	v1 =	vadd.f32 v28, v1;
	v3 =	vadd.f32 v37, v3;
	v36 =	vld [tilespmem:s23+$0x150]  }
.Ltmp6:
0x3c0: {  	v6 =	vadd.f32 v39, v6;
	v37 =	vld [tilespmem:s23+$0xC0];
	v7 =	vadd.f32 v40, v7;
	(pc) =	sbr.rel @p0 .LBB2_14-.Ltmp6, $4  }
0x3c1: {  	v1 =	vadd.f32 v18, v1;
	v3 =	vadd.f32 v23, v3;
	v38 =	vld [tilespmem:s23+$0xD0]  }
0x3c2: {  	v6 =	vadd.f32 v25, v6;
	v39 =	vld [tilespmem:s23+$0x40];
	v7 =	vadd.f32 v26, v7  }
0x3c3: {  	v42 =	vadd.f32 v10, v1;
	v43 =	vadd.f32 v12, v3;
	v40 =	vld [tilespmem:s23+$0x50]  }
0x3c4: {  	s24 =	sadd.s32 $0x1000, s24;
	v44 =	vadd.f32 v14, v6;
	v41 =	vld [tilespmem:s23+$0x60];
	v45 =	vadd.f32 v15, v7  }
0x3c5: {  	v46 =	vld [tilespmem:s23+$0x70]  }
0x3c6: {  	v47 =	vld [tilespmem:s23+$0xE0]  }
0x3c7: {  	v48 =	vld [tilespmem:s23+$0xF0]  }
0x3c8: {  	v49 =	vld [tilespmem:s23+$0x160]  }
0x3c9: {  	v50 =	vld [tilespmem:s23+$0x170]  }
0x3ca: {  	v51 =	vld [tilespmem:s23+$0x1E0]  }
0x3cb: {  	v52 =	vld [tilespmem:s23+$0x1F0]  }
0x3cc: {  	v53 =	vld [tilespmem:s23+$0x260]  }
0x3cd: {  	v54 =	vld [tilespmem:s23+$0x270]  }
0x3ce: {  	v55 =	vld [tilespmem:s23+$0x2E0]  }
0x3cf: {  	v56 =	vld [tilespmem:s23+$0x2F0]  }
0x3d0: {  	v57 =	vld [tilespmem:s23+$0x360]  }
0x3d1: {  	v58 =	vld [tilespmem:s23+$0x370]  }
0x3d2: {  	v59 =	vld [tilespmem:s23+$0x3E0]  }
0x3d3: {  	v60 =	vld [tilespmem:s23+$0x3F0];
	_ =	swait.ge [sflag:s19], $0x8000  }
0x3d4: {  	[sflag:s19] =	ssyncset.done $0x0  }
0x3d5: {  	s23 =	simm.s32 $0x0;
	[sflag:s19] =	ssyncadd.s32 $0xFFFF8000  }
0x3d6: {  	v12 =	vld [tilespmem:s23+$0x8380]  }
0x3d7: {  	v14 =	vld [tilespmem:s23+$0x8390]  }
0x3d8: {  	v15 =	vld [tilespmem:s23+$0x83A0]  }
0x3d9: {  	v18 =	vld [tilespmem:s23+$0x83B0]  }
0x3da: {  	v1 =	vld [tilespmem:s23+$0x83C0]  }
0x3db: {  	v3 =	vld [tilespmem:s23+$0x83D0]  }
0x3dc: {  	v25 =	vld [tilespmem:s23+$0x8300]  }
0x3dd: {  	v28 =	vld [tilespmem:s23+$0x8310]  }
0x3de: {  	v23 =	vld [tilespmem:s23+$0x8320]  }
0x3df: {  	v26 =	vld [tilespmem:s23+$0x8330]  }
0x3e0: {  	v7 =	vld [tilespmem:s23+$0x8340]  }
0x3e1: {  	v6 =	vld [tilespmem:s23+$0x8350]  }
0x3e2: {  	v61 =	vld [tilespmem:s23+$0x8280]  }
0x3e3: {  	v62 =	vld [tilespmem:s23+$0x8290]  }
0x3e4: {  	v42 =	vadd.f32 v11, v42;
	v29 =	vadd.f32 v29, v43;
	v63 =	vld [tilespmem:s23+$0x82A0]  }
0x3e5: {  	v24 =	vadd.f32 v24, v44;
	v27 =	vadd.f32 v27, v45;
	v10 =	vld [tilespmem:s23+$0x82B0]  }
0x3e6: {  	v29 =	vadd.f32 v16, v29;
	v16 =	vadd.f32 v39, v22;
	v11 =	vld [tilespmem:s23+$0x82D0]  }
0x3e7: {  	v43 =	vld [tilespmem:s23+$0x8200];
	v17 =	vadd.f32 v17, v24;
	v19 =	vadd.f32 v19, v27  }
0x3e8: {  	v44 =	vld [tilespmem:s23+$0x8210];
	v22 =	vadd.f32 v40, v32;
	v24 =	vadd.f32 v41, v30  }
0x3e9: {  	v45 =	vld [tilespmem:s23+$0x8220];
	v30 =	vadd.f32 v37, v16;
	v27 =	vadd.f32 v46, v31  }
0x3ea: {  	v40 =	vld [tilespmem:s23+$0x8230];
	v22 =	vadd.f32 v38, v22;
	v24 =	vadd.f32 v47, v24  }
0x3eb: {  	v31 =	vld [tilespmem:s23+$0x8180];
	v30 =	vadd.f32 v35, v30;
	v27 =	vadd.f32 v48, v27  }
0x3ec: {  	v22 =	vadd.f32 v36, v22;
	v48 =	vld [tilespmem:s23+$0x8190];
	v24 =	vadd.f32 v49, v24  }
0x3ed: {  	v49 =	vld [tilespmem:s23+$0x8100];
	v30 =	vadd.f32 v33, v30;
	v27 =	vadd.f32 v50, v27  }
0x3ee: {  	v22 =	vadd.f32 v34, v22;
	v50 =	vld [tilespmem:s23+$0x8110];
	v24 =	vadd.f32 v51, v24  }
0x3ef: {  	v20 =	vadd.f32 v20, v30;
	v30 =	vld [tilespmem:s23+$0x8000];
	v27 =	vadd.f32 v52, v27  }
0x3f0: {  	v42 =	vadd.f32 v13, v42;
	v52 =	vld [tilespmem:s23+$0x8080];
	v21 =	vadd.f32 v21, v22  }
0x3f1: {  	v22 =	vld [tilespmem:s23+$0x8090];
	v24 =	vadd.f32 v53, v24;
	v27 =	vadd.f32 v54, v27  }
0x3f2: {  	v8 =	vadd.f32 v8, v20;
	v20 =	vld [tilespmem:s23+$0x8010];
	v9 =	vadd.f32 v9, v21  }
0x3f3: {  	v21 =	vadd.f32 v55, v24;
	v24 =	vadd.f32 v56, v27;
	v27 =	vld [tilespmem:s23+$0x8020]  }
0x3f4: {  	v4 =	vadd.f32 v4, v8;
	v8 =	vadd.f32 v5, v9;
	v9 =	vld [tilespmem:s23+$0x8030]  }
0x3f5: {  	v21 =	vadd.f32 v57, v21;
	v24 =	vadd.f32 v58, v24;
	v58 =	vld [tilespmem:s23+$0x80A0]  }
0x3f6: {  	v5 =	vadd.f32 v0, v4;
	v2 =	vadd.f32 v2, v8;
	v8 =	vld [tilespmem:s23+$0x80B0]  }
0x3f7: {  	v20 =	vadd.f32 v20, v29;
	v29 =	vld [tilespmem:s23+$0x8130];
	v4 =	vadd.f32 v59, v21  }
0x3f8: {  	v21 =	vadd.f32 v30, v42;
	v0 =	vadd.f32 v60, v24;
	v24 =	vld [tilespmem:s23+$0x8120]  }
0x3f9: {  	v30 =	vld [tilespmem:s23+$0x81B0];
	v17 =	vadd.f32 v27, v17;
	v9 =	vadd.f32 v9, v19  }
0x3fa: {  	v22 =	vadd.f32 v22, v20;
	v19 =	vld [tilespmem:s23+$0x81A0];
	v21 =	vadd.f32 v52, v21  }
0x3fb: {  	v13 =	vld [tilespmem:s23+$0x8240];
	v17 =	vadd.f32 v58, v17;
	v8 =	vadd.f32 v8, v9  }
0x3fc: {  	v32 =	vld [tilespmem:s23+$0x8060];
	v27 =	vadd.f32 v50, v22;
	v9 =	vadd.f32 v49, v21  }
0x3fd: {  	v16 =	vld [tilespmem:s23+$0x8250];
	v17 =	vadd.f32 v24, v17;
	v8 =	vadd.f32 v29, v8  }
0x3fe: {  	[tilespmem:$0x1FFC0] =	vst v10;
	v10 =	vld [tilespmem:s23+$0x82C0];
	v9 =	vadd.f32 v31, v9;
	v31 =	vadd.f32 v48, v27  }
0x3ff: {  	v20 =	vld [tilespmem:s23+$0x81C0];
	v17 =	vadd.f32 v19, v17;
	v8 =	vadd.f32 v30, v8  }
0x400: {  	v22 =	vld [tilespmem:s23+$0x8140];
	v9 =	vadd.f32 v43, v9;
	v19 =	vadd.f32 v44, v31  }
0x401: {  	v21 =	vld [tilespmem:s23+$0x81D0];
	v60 =	vadd.f32 v40, v8  }
0x402: {  	v8 =	vadd.f32 v61, v9;
	v9 =	vadd.f32 v62, v19;
	v19 =	vld [tilespmem:$0x1FFC0]  }
0x403: {  	v24 =	vld [tilespmem:s23+$0x8150]  }
0x404: {  	v27 =	vld [tilespmem:s23+$0x80C0]  }
0x405: {  	v29 =	vld [tilespmem:s23+$0x80D0];
	v17 =	vadd.f32 v45, v17  }
0x406: {  	v30 =	vld [tilespmem:s23+$0x8040]  }
0x407: {  	s24 =	simm.s32 $0x1000;
	v31 =	vld [tilespmem:s23+$0x8050];
	v17 =	vadd.f32 v63, v17;
	v19 =	vadd.f32 v19, v60  }
.LBB2_16:
0x408: {  	p0 =	sne.s32 s24, $0x1F000;
	v33 =	vld [tilespmem:s23+$0x8070];
	v8 =	vadd.f32 v25, v8;
	v9 =	vadd.f32 v28, v9  }
0x409: {  	v25 =	vld [tilespmem:s23+$0x80E0];
	v17 =	vadd.f32 v23, v17;
	v19 =	vadd.f32 v26, v19  }
0x40a: {  	v23 =	vld [tilespmem:s23+$0x80F0];
	v8 =	vadd.f32 v12, v8;
	v9 =	vadd.f32 v14, v9  }
0x40b: {  	v12 =	vld [tilespmem:s23+$0x8160];
	v17 =	vadd.f32 v15, v17;
	v19 =	vadd.f32 v18, v19  }
0x40c: {  	v5 =	vadd.f32 v30, v5;
	v2 =	vadd.f32 v31, v2;
	v14 =	vld [tilespmem:s23+$0x8170]  }
0x40d: {  	v4 =	vadd.f32 v32, v4;
	v0 =	vadd.f32 v33, v0;
	v15 =	vld [tilespmem:s23+$0x81E0]  }
0x40e: {  	v5 =	vadd.f32 v27, v5;
	v2 =	vadd.f32 v29, v2;
	v18 =	vld [tilespmem:s23+$0x81F0]  }
0x40f: {  	v4 =	vadd.f32 v25, v4;
	v0 =	vadd.f32 v23, v0;
	v23 =	vld [tilespmem:s23+$0x8260]  }
0x410: {  	v5 =	vadd.f32 v22, v5;
	v2 =	vadd.f32 v24, v2;
	v22 =	vld [tilespmem:s23+$0x8270]  }
0x411: {  	v4 =	vadd.f32 v12, v4;
	v0 =	vadd.f32 v14, v0;
	v14 =	vld [tilespmem:s23+$0x82E0]  }
0x412: {  	v5 =	vadd.f32 v20, v5;
	v2 =	vadd.f32 v21, v2;
	v20 =	vld [tilespmem:s23+$0x82F0]  }
0x413: {  	v4 =	vadd.f32 v15, v4;
	v0 =	vadd.f32 v18, v0;
	v18 =	vld [tilespmem:s23+$0x8360]  }
0x414: {  	v5 =	vadd.f32 v13, v5;
	v2 =	vadd.f32 v16, v2;
	v13 =	vld [tilespmem:s23+$0x8370]  }
0x415: {  	v4 =	vadd.f32 v23, v4;
	v0 =	vadd.f32 v22, v0;
	v16 =	vld [tilespmem:s23+$0x83E0]  }
0x416: {  	v5 =	vadd.f32 v10, v5;
	v2 =	vadd.f32 v11, v2;
	v10 =	vld [tilespmem:s23+$0x83F0];
	s23 =	sshra.s32 s24, $0x2  }
0x417: {  	v4 =	vadd.f32 v14, v4;
	v12 =	vld [tilespmem:s23+$0x8380];
	v0 =	vadd.f32 v20, v0  }
0x418: {  	v5 =	vadd.f32 v7, v5;
	v2 =	vadd.f32 v6, v2;
	v14 =	vld [tilespmem:s23+$0x8390]  }
0x419: {  	v4 =	vadd.f32 v18, v4;
	v15 =	vld [tilespmem:s23+$0x83A0];
	v0 =	vadd.f32 v13, v0  }
0x41a: {  	v5 =	vadd.f32 v1, v5;
	v2 =	vadd.f32 v3, v2;
	v18 =	vld [tilespmem:s23+$0x83B0]  }
0x41b: {  	v4 =	vadd.f32 v16, v4;
	v1 =	vld [tilespmem:s23+$0x83C0];
	v0 =	vadd.f32 v10, v0  }
0x41c: {  	v3 =	vld [tilespmem:s23+$0x83D0]  }
0x41d: {  	v25 =	vld [tilespmem:s23+$0x8300]  }
0x41e: {  	v28 =	vld [tilespmem:s23+$0x8310]  }
0x41f: {  	v23 =	vld [tilespmem:s23+$0x8320]  }
0x420: {  	v26 =	vld [tilespmem:s23+$0x8330]  }
0x421: {  	v7 =	vld [tilespmem:s23+$0x8340]  }
0x422: {  	v6 =	vld [tilespmem:s23+$0x8350]  }
0x423: {  	v32 =	vld [tilespmem:s23+$0x8280]  }
0x424: {  	v33 =	vld [tilespmem:s23+$0x8290]  }
0x425: {  	v34 =	vld [tilespmem:s23+$0x82A0]  }
0x426: {  	v35 =	vld [tilespmem:s23+$0x82B0]  }
0x427: {  	v10 =	vld [tilespmem:s23+$0x82C0]  }
0x428: {  	v11 =	vld [tilespmem:s23+$0x82D0]  }
0x429: {  	v30 =	vld [tilespmem:s23+$0x8200]  }
0x42a: {  	v31 =	vld [tilespmem:s23+$0x8210]  }
0x42b: {  	v36 =	vld [tilespmem:s23+$0x8220]  }
0x42c: {  	v37 =	vld [tilespmem:s23+$0x8230]  }
0x42d: {  	v13 =	vld [tilespmem:s23+$0x8240]  }
0x42e: {  	v16 =	vld [tilespmem:s23+$0x8250]  }
0x42f: {  	v27 =	vld [tilespmem:s23+$0x8180]  }
0x430: {  	v29 =	vld [tilespmem:s23+$0x8190]  }
0x431: {  	v21 =	vld [tilespmem:s23+$0x8100]  }
0x432: {  	v22 =	vld [tilespmem:s23+$0x8110]  }
0x433: {  	v20 =	vld [tilespmem:s23+$0x8080]  }
0x434: {  	v24 =	vld [tilespmem:s23+$0x8090]  }
0x435: {  	v38 =	vld [tilespmem:s23+$0x8000]  }
0x436: {  	v39 =	vld [tilespmem:s23+$0x8010]  }
0x437: {  	v40 =	vld [tilespmem:s23+$0x8020]  }
0x438: {  	v41 =	vld [tilespmem:s23+$0x8030]  }
0x439: {  	v42 =	vld [tilespmem:s23+$0x80A0]  }
0x43a: {  	v43 =	vld [tilespmem:s23+$0x80B0]  }
0x43b: {  	v44 =	vld [tilespmem:s23+$0x8120]  }
0x43c: {  	v8 =	vadd.f32 v38, v8;
	v9 =	vadd.f32 v39, v9;
	v38 =	vld [tilespmem:s23+$0x8130]  }
0x43d: {  	v17 =	vadd.f32 v40, v17;
	v19 =	vadd.f32 v41, v19;
	v39 =	vld [tilespmem:s23+$0x81A0]  }
0x43e: {  	v8 =	vadd.f32 v20, v8;
	v9 =	vadd.f32 v24, v9;
	v40 =	vld [tilespmem:s23+$0x81B0]  }
0x43f: {  	v17 =	vadd.f32 v42, v17;
	v19 =	vadd.f32 v43, v19;
	v20 =	vld [tilespmem:s23+$0x81C0]  }
0x440: {  	v8 =	vadd.f32 v21, v8;
	v9 =	vadd.f32 v22, v9;
	v21 =	vld [tilespmem:s23+$0x81D0]  }
0x441: {  	v17 =	vadd.f32 v44, v17;
	v19 =	vadd.f32 v38, v19;
	v22 =	vld [tilespmem:s23+$0x8140]  }
0x442: {  	v8 =	vadd.f32 v27, v8;
	v9 =	vadd.f32 v29, v9;
	v24 =	vld [tilespmem:s23+$0x8150]  }
.Ltmp7:
0x443: {  	v17 =	vadd.f32 v39, v17;
	v27 =	vld [tilespmem:s23+$0x80C0];
	v19 =	vadd.f32 v40, v19;
	(pc) =	sbr.rel @p0 .LBB2_16-.Ltmp7, $4  }
0x444: {  	v8 =	vadd.f32 v30, v8;
	v9 =	vadd.f32 v31, v9;
	v29 =	vld [tilespmem:s23+$0x80D0]  }
0x445: {  	v17 =	vadd.f32 v36, v17;
	v30 =	vld [tilespmem:s23+$0x8040];
	v19 =	vadd.f32 v37, v19  }
0x446: {  	v8 =	vadd.f32 v32, v8;
	v9 =	vadd.f32 v33, v9;
	v31 =	vld [tilespmem:s23+$0x8050]  }
0x447: {  	s24 =	sadd.s32 $0x1000, s24;
	v17 =	vadd.f32 v34, v17;
	v32 =	vld [tilespmem:s23+$0x8060];
	v19 =	vadd.f32 v35, v19  }
0x448: {  	v8 =	vadd.f32 v25, v8;
	v9 =	vadd.f32 v28, v9  }
0x449: {  	v33 =	vld [tilespmem:s23+$0x8070];
	v17 =	vadd.f32 v23, v17;
	v19 =	vadd.f32 v26, v19  }
0x44a: {  	v47 =	vld [tilespmem:s23+$0x80E0];
	v8 =	vadd.f32 v12, v8;
	v9 =	vadd.f32 v14, v9  }
0x44b: {  	v48 =	vld [tilespmem:s23+$0x80F0];
	v5 =	vadd.f32 v30, v5;
	v50 =	vadd.f32 v15, v17  }
0x44c: {  	v49 =	vld [tilespmem:s23+$0x8160];
	v51 =	vadd.f32 v18, v19;
	v2 =	vadd.f32 v31, v2  }
0x44d: {  	v52 =	vld [tilespmem:s23+$0x8170];
	v4 =	vadd.f32 v32, v4;
	v5 =	vadd.f32 v27, v5  }
0x44e: {  	v53 =	vld [tilespmem:s23+$0x81E0];
	v0 =	vadd.f32 v33, v0;
	v2 =	vadd.f32 v29, v2  }
0x44f: {  	v54 =	vld [tilespmem:s23+$0x81F0];
	v4 =	vadd.f32 v47, v4;
	v5 =	vadd.f32 v22, v5  }
0x450: {  	v55 =	vld [tilespmem:s23+$0x8260];
	v0 =	vadd.f32 v48, v0;
	v2 =	vadd.f32 v24, v2  }
0x451: {  	v56 =	vld [tilespmem:s23+$0x8270];
	v4 =	vadd.f32 v49, v4;
	v5 =	vadd.f32 v20, v5  }
0x452: {  	v57 =	vld [tilespmem:s23+$0x82E0];
	v0 =	vadd.f32 v52, v0;
	v2 =	vadd.f32 v21, v2  }
0x453: {  	v58 =	vld [tilespmem:s23+$0x82F0];
	v4 =	vadd.f32 v53, v4;
	v5 =	vadd.f32 v13, v5  }
0x454: {  	v59 =	vld [tilespmem:s23+$0x8360];
	v0 =	vadd.f32 v54, v0;
	v2 =	vadd.f32 v16, v2  }
0x455: {  	v60 =	vld [tilespmem:s23+$0x8370];
	v4 =	vadd.f32 v55, v4;
	v5 =	vadd.f32 v10, v5  }
0x456: {  	v61 =	vld [tilespmem:s23+$0x83E0];
	v0 =	vadd.f32 v56, v0;
	v2 =	vadd.f32 v11, v2  }
0x457: {  	v62 =	vld [tilespmem:s23+$0x83F0];
	[tilespmem:$0x10000] =	vst v8;
	v4 =	vadd.f32 v57, v4;
	v5 =	vadd.f32 v7, v5  }
0x458: {  	[tilespmem:$0x10010] =	vst v9;
	v0 =	vadd.f32 v58, v0;
	v2 =	vadd.f32 v6, v2  }
0x459: {  	[tilespmem:$0x10020] =	vst v50;
	v4 =	vadd.f32 v59, v4;
	v1 =	vadd.f32 v1, v5  }
0x45a: {  	[tilespmem:$0x10030] =	vst v51;
	v0 =	vadd.f32 v60, v0;
	v2 =	vadd.f32 v3, v2  }
0x45b: {  	v63 =	vadd.f32 v61, v4;
	[tilespmem:$0x10040] =	vst v1  }
0x45c: {  	s22 =	sadd.s32 $0x1, s22;
	v0 =	vadd.f32 v62, v0;
	[tilespmem:$0x10050] =	vst v2  }
0x45d: {  	p0 =	sne.s32 s22, s15;
	[tilespmem:$0x10060] =	vst v63  }
.Ltmp8:
0x45e: {  	[tilespmem:$0x10070] =	vst v0;
	(pc) =	sbr.rel @p0 .LBB2_1-.Ltmp8, $4  }
0x45f: {  	[hbm4b:s14+s2] =	stream.linear.scatter [tilespmem:s20], [sflag:$0x3], $0x80, $0x38;
	[tilespmem:$0x10080] =	vst v63  }
0x460: {  	_ =	swait.ge [sflag:s21], $0x80  }
0x461: {  	[sflag:s21] =	ssyncset.done $0x0  }
0x462: {  	[sflag:s21] =	ssyncadd.s32 $0xFFFFFF80  }
0x463: {  	_ =	sfence.sel $0x180000  }
0x464: {  	[bflag:$0x0] =	sbarrier.arrive $0xFFFF  }
0x465: {  	p0 =	sne.s32 s1, $0x0;
	_ =	strace $0x90000047  }
0x466: {  	s0 =	sadd.s32 @!p0 $0x100000, s0;
	[bflag:$0x2] =	sbarrier.arrive $0xFFFF  }
0x467: {  	[sflag:s0] =	ssyncadd.tile.s32 @!p0 $0x1;
	_ =	shalt  }
.Lfunc_end2:
_tile_overlayer_lowered:
.L_overlay_start_2:
0x468: {  	(tag) =	ssettag $0x2  }
0x469: {  	s0 =	rddreg [dreg:$0x0];
	s2 =	stileid.u32  }
0x46a: {  	s1 =	rddreg [dreg:$0x1];
	p0 =	sne.s32 s2, $0x0  }
0x46b: {  	s3 =	rddreg [dreg:$0x2];
	[bflag:$0x3] =	sbarrier.arrive $0xFFFF;
	s2 =	simm.s32 @!p0 $0x1C03  }
0x46c: {  	[timem:s3], [sflag:s2] =	dma.local @!p0 [hbm:s0], s1  }
0x46d: {  	s0 =	simm.s32 @!p0 $0x3  }
0x46e: {  	_ =	swait.ge @!p0 [sflag:s0], s1  }
0x46f: {  	s1 =	ssub.s32 @!p0 $0x0, s1;
	[sflag:s0] =	ssyncset.done @!p0 $0x0  }
0x470: {  	[sflag:s0] =	ssyncadd.s32 @!p0 s1  }
0x471: {  	[bflag:$0x3] =	sbarrier.arrive $0xFFFF  }
0x472: {  	_ =	shalt  }

</sc_bundles>
